<compile_context>
chip_gen: v7x
topology: tpu7x:2x2x1
jax: 0.10.2.dev20260603
libtpu: 0.0.44.dev20260713+nightly
codegen_flags: <defaults>
</compile_context>

<pallas_src>
import jax
import jax.numpy as jnp
from jax import lax
from jax.experimental import pallas as pl
from jax.experimental.pallas import tpu as pltpu
from jax.experimental.pallas import tpu_sc as plsc

M = 1024
N = 100000
K = 999
DELTA = 5.0

NW = 32
ROWS_PER_W = M // NW
NVEC = N // 16
UNROLL = 10

BITS_A = 9
BINS_A = 1 << BITS_A
BITS_B = 8
BINS_B = 1 << BITS_B
SH_A = 32 - BITS_A
SH_B = 32 - BITS_A - BITS_B


def _scalar(x):
    if getattr(x, "ndim", 0) == 1:
        return jnp.max(x, axis=0)
    return x


def _extract(vec, j):
    lane = lax.iota(jnp.int32, 16)
    return jnp.sum(jnp.where(lane == j, vec, jnp.zeros_like(vec)), axis=0)


def _key_bits(x):
    u = plsc.bitcast(x, jnp.uint32)
    m = jnp.where((u >> jnp.uint32(31)) == jnp.uint32(1),
                  jnp.uint32(0xFFFFFFFF), jnp.uint32(0x80000000))
    return u ^ m


def _body(x_hbm, t_hbm, out_hbm, row_v, histA, histB, totB, tgt_v, acc_v, sem):
    wid = lax.axis_index("s") * 2 + lax.axis_index("c")
    lane = lax.iota(jnp.int32, 16)
    lane512 = lane * 512
    lane256 = lane * 256
    ones = jnp.ones((16,), jnp.float32)
    zero16 = jnp.zeros((16,), jnp.float32)
    lane0 = lane == 0
    kf = jnp.float32(K)

    pltpu.sync_copy(t_hbm.at[pl.ds(wid * ROWS_PER_W, ROWS_PER_W)], tgt_v)

    @plsc.parallel_loop(0, (16 * BINS_A) // 16, unroll=8)
    def z_a(j):
        histA[pl.ds(j * 16, 16)] = zero16

    @plsc.parallel_loop(0, (2 * 16 * BINS_B) // 16, unroll=8)
    def z_b(j):
        histB[pl.ds(j * 16, 16)] = zero16

    def row_body(i, total_acc):
        row = wid * ROWS_PER_W + i
        pltpu.sync_copy(x_hbm.at[row], row_v)

        g16 = (i // 16) * 16
        tvec = tgt_v[pl.ds(g16, 16)].astype(jnp.float32)
        t = jnp.sum(jnp.where(lane == (i - g16), tvec, jnp.zeros_like(tvec)),
                    axis=0).astype(jnp.int32)
        v16 = plsc.load_gather(row_v, [jnp.zeros((16,), jnp.int32) + t])
        keyv = _key_bits(v16)
        binAv = plsc.bitcast(keyv >> jnp.uint32(SH_A), jnp.int32)
        binBv = plsc.bitcast((keyv >> jnp.uint32(SH_B)) & jnp.uint32(BINS_B - 1),
                             jnp.int32)

        @plsc.parallel_loop(0, NVEC, step=UNROLL)
        def scan_a(j):
            for u in range(UNROLL):
                x = row_v[pl.ds(j * 16 + u * 16, 16)]
                key = _key_bits(x)
                binA = plsc.bitcast(key >> jnp.uint32(SH_A), jnp.int32)
                plsc.addupdate_scatter(histA, [binA + lane512], ones)

        plsc.addupdate_scatter(histA, [binAv + lane512], -ones, mask=lane0)

        init_a = (jnp.float32(0.0), jnp.bool_(False), jnp.int32(0),
                  jnp.float32(0.0))

        @plsc.parallel_loop(0, BINS_A // 16, carry=init_a)
        def sel_a(gi, carry):
            cum, done, b1, c_above = carry
            g = (BINS_A // 16 - 1) - gi
            w = zero16
            for l in range(16):
                sl = pl.ds(l * 512 + g * 16, 16)
                w = w + histA[sl]
                histA[sl] = zero16
            grp = jnp.sum(w, axis=0)
            rev_w = lax.rev(w, (0,))
            s = plsc.cumsum(rev_w)
            cond = (cum + s) >= kf
            jstar = _scalar(plsc.all_reduce_ffs(cond))
            found_here = jnp.logical_and(jnp.logical_not(done),
                                         (cum + grp) >= kf)
            s_j = _extract(s, jstar)
            w_j = _extract(rev_w, jstar)
            nb1 = jnp.where(found_here, g * 16 + (15 - jstar), b1)
            nca = jnp.where(found_here, cum + s_j - w_j, c_above)
            ncum = jnp.where(done, cum, cum + grp)
            return (ncum, jnp.logical_or(done, found_here), nb1, nca)

        _, _, b1, c_above = sel_a
        k_rem = kf - c_above

        b1v = jnp.zeros((16,), jnp.int32) + b1

        zacc = tuple([zero16] * 10)

        @plsc.parallel_loop(0, NVEC, step=UNROLL, carry=zacc)
        def scan_b(j, carry):
            accs = [list(p) for p in zip(carry[0::2], carry[1::2])]
            for u in range(UNROLL):
                x = row_v[pl.ds(j * 16 + u * 16, 16)]
                key = _key_bits(x)
                binA = plsc.bitcast(key >> jnp.uint32(SH_A), jnp.int32)
                above = binA > b1v
                xx = x * x
                a = accs[u % 5]
                a[0] = a[0] + jnp.where(above, x, zero16)
                a[1] = a[1] + jnp.where(above, xx, zero16)
                eq = binA == b1v
                binB = plsc.bitcast(
                    (key >> jnp.uint32(SH_B)) & jnp.uint32(BINS_B - 1),
                    jnp.int32)
                idx = binB + lane256
                plsc.addupdate_scatter(histB, [idx], ones, mask=eq)
                plsc.addupdate_scatter(histB, [idx + 4096], x, mask=eq)
            return tuple(x for p in accs for x in p)

        S1a_v = scan_b[0] + scan_b[2] + scan_b[4] + scan_b[6] + scan_b[8]
        S2a_v = scan_b[1] + scan_b[3] + scan_b[5] + scan_b[7] + scan_b[9]

        v_in_b1 = binAv == b1v
        v_above = binAv > b1v
        S1a_v = S1a_v - jnp.where(v_above, v16 * (1.0 / 16.0), zero16)
        S2a_v = S2a_v - jnp.where(v_above, v16 * v16 * (1.0 / 16.0), zero16)
        mb = jnp.logical_and(v_in_b1, lane0)
        idxv = binBv + lane256
        plsc.addupdate_scatter(histB, [idxv], -ones, mask=mb)
        plsc.addupdate_scatter(histB, [idxv + 4096], -v16, mask=mb)

        S1a = jnp.sum(S1a_v, axis=0)
        S2a = jnp.sum(S2a_v, axis=0)

        @plsc.parallel_loop(0, BINS_B // 16)
        def red_b(g):
            for f in range(2):
                w = zero16
                for l in range(16):
                    sl = pl.ds(f * 4096 + l * 256 + g * 16, 16)
                    w = w + histB[sl]
                    histB[sl] = zero16
                totB[pl.ds(f * 256 + g * 16, 16)] = w

        init_b = (jnp.float32(0.0), jnp.bool_(False),
                  jnp.float32(0.0), jnp.float32(0.0))

        @plsc.parallel_loop(0, BINS_B // 16, carry=init_b)
        def sel_b(gi, carry):
            cum, done, s1b, s2b = carry
            g = (BINS_B // 16 - 1) - gi
            wc = totB[pl.ds(g * 16, 16)]
            ws = totB[pl.ds(256 + g * 16, 16)]
            mean = ws / jnp.maximum(wc, ones)
            wq = ws * mean
            grp = jnp.sum(wc, axis=0)
            rev_c = lax.rev(wc, (0,))
            rev_s = lax.rev(ws, (0,))
            rev_q = lax.rev(wq, (0,))
            rev_m = lax.rev(mean, (0,))
            sc = plsc.cumsum(rev_c)
            ss = plsc.cumsum(rev_s)
            sq = plsc.cumsum(rev_q)
            cond = (cum + sc) >= k_rem
            jstar = _scalar(plsc.all_reduce_ffs(cond))
            found_here = jnp.logical_and(jnp.logical_not(done),
                                         (cum + grp) >= k_rem)
            c_j = _extract(sc, jstar)
            w_j = _extract(rev_c, jstar)
            s_j = _extract(ss, jstar)
            q_j = _extract(sq, jstar)
            ws_j = _extract(rev_s, jstar)
            wq_j = _extract(rev_q, jstar)
            m_j = _extract(rev_m, jstar)
            r = k_rem - (cum + c_j - w_j)
            add1 = (s_j - ws_j) + r * m_j
            add2 = (q_j - wq_j) + r * m_j * m_j
            ns1 = jnp.where(found_here, s1b + add1,
                            jnp.where(done, s1b, s1b + jnp.sum(ws, axis=0)))
            ns2 = jnp.where(found_here, s2b + add2,
                            jnp.where(done, s2b, s2b + jnp.sum(wq, axis=0)))
            ncum = jnp.where(done, cum, cum + grp)
            return (ncum, jnp.logical_or(done, found_here), ns1, ns2)

        _, _, S1b, S2b = sel_b

        S1 = S1a + S1b
        S2 = S2a + S2b
        neg_term = (S2 + 2.0 * S1 + kf) * jnp.float32(1.0 / K)
        posv = _scalar(v16)
        pos_term = jnp.float32(DELTA) * (posv - 1.0) * (posv - 1.0)
        row_loss = pos_term + neg_term
        return total_acc + jnp.where(lane0, row_loss, 0.0)

    total = lax.fori_loop(0, ROWS_PER_W, row_body, jnp.zeros((16,), jnp.float32))
    acc_v[...] = total
    pltpu.sync_copy(acc_v, out_hbm.at[wid])


def kernel(inputs, targets):
    mesh = plsc.VectorSubcoreMesh(core_axis_name="c", subcore_axis_name="s")
    k = pl.kernel(
        _body,
        out_type=jax.ShapeDtypeStruct((NW, 16), jnp.float32),
        mesh=mesh,
        scratch_types=[
            pltpu.VMEM((N,), jnp.float32),
            pltpu.VMEM((16 * BINS_A,), jnp.float32),
            pltpu.VMEM((2 * 16 * BINS_B,), jnp.float32),
            pltpu.VMEM((2 * BINS_B,), jnp.float32),
            pltpu.VMEM((ROWS_PER_W,), jnp.int32),
            pltpu.VMEM((16,), jnp.float32),
            pltpu.SemaphoreType.DMA,
        ],
        compiler_params=pltpu.CompilerParams(needs_layout_passes=False),
    )
    parts = k(inputs, targets.astype(jnp.int32))
    return jnp.sum(parts) / jnp.float32(M)

# --- scband reference (transcript-rebuilt; emitter-appended) ---
"""Pipeline reference for scband-smcl-19104014533275 (READ-ONLY COPY).

The authoritative reference and input builder live on the scoring server;
editing this copy changes nothing except your own understanding.
"""

import jax, jax.numpy as jnp
import numpy as np

DELTA = 5.0
GAMMA = 0.01
M = 1024
N = 100000


def setup_inputs(seed: int = 0) -> dict:
    key = jax.random.key(seed)
    k1, k2 = jax.random.split(key)
    inputs = jax.random.normal(k1, (M, N), dtype=jnp.float32)
    targets = jax.random.randint(k2, (M,), 0, N, dtype=jnp.int32)
    return {"inputs": inputs, "targets": targets}


def reference(inputs, targets):
    m, n = inputs.shape
    # per-row: 1 positive logit (the target class), n-1 negatives
    num = int(GAMMA * (n - 1))  # number of hard negatives kept per row
    onehot = jax.nn.one_hot(targets, n, dtype=jnp.bool_)
    # positive logit per row; mean over the single positive == the value itself
    pos = jnp.take_along_axis(inputs, targets[:, None].astype(jnp.int32), axis=1)[:, 0]
    # mask the positive out of the negatives, then take top-`num` (== sort desc + take first num)
    neg_masked = jnp.where(onehot, -jnp.inf, inputs)
    hard_neg, _ = jax.lax.top_k(neg_masked, num)
    pos_term = DELTA * (pos - 1.0) ** 2
    neg_term = jnp.mean((hard_neg + 1.0) ** 2, axis=1)
    loss = jnp.mean(pos_term + neg_term)
    return loss

if __name__ == "__main__":
    import jax
    _d = setup_inputs()
    print(jax.jit(kernel)(*tuple(_d.values())))

</pallas_src>

<mosaic_0001>
#map = affine_map<(d0, d1) -> (0, 0)>
#map1 = affine_map<(d0, d1) -> (0)>
module attributes {stable_mosaic.version = 14 : i64} {
  func.func @_body(%arg0: i32, %arg1: i32, %arg2: memref<1024x100000xf32, #tpu.memory_space<hbm>>, %arg3: memref<1024xi32, #tpu.memory_space<hbm>>, %arg4: memref<32x16xf32, #tpu.memory_space<hbm>>, %arg5: memref<100000xf32, #tpu.memory_space<vmem>>, %arg6: memref<8192xf32, #tpu.memory_space<vmem>>, %arg7: memref<8192xf32, #tpu.memory_space<vmem>>, %arg8: memref<512xf32, #tpu.memory_space<vmem>>, %arg9: memref<32xi32, #tpu.memory_space<vmem>>, %arg10: memref<16xf32, #tpu.memory_space<vmem>>, %arg11: memref<!tpu.dma_semaphore, #tpu.memory_space<semaphore_mem>>) attributes {dimension_semantics = [#tpu.dimension_semantics<core_parallel>, #tpu.dimension_semantics<subcore_parallel>], iteration_bounds = array<i64: 2, 16>, scalar_prefetch = 0 : i64, scratch_operands = 7 : i64, tpu.core_type = #tpu.core_type<sc_vector_subcore>, window_params = [{transform_indices = #map}, {transform_indices = #map1}, {transform_indices = #map}]} {
    %mul3A = arith.constant 2 : i32
    %mul3A_0 = arith.muli %arg1, %mul3A : i32
    %add3A = arith.addi %mul3A_0, %arg0 : i32
    %iota3A = tpu.iota {dimensions = array<i32: 0>} : vector<16xi32>
    %mul3A_1 = arith.constant 512 : i32
    %mul3A_2 = vector.broadcast %mul3A_1 : i32 to vector<16xi32>
    %mul3A_3 = arith.muli %iota3A, %mul3A_2 : vector<16xi32>
    %mul3A_4 = arith.constant 256 : i32
    %mul3A_5 = vector.broadcast %mul3A_4 : i32 to vector<16xi32>
    %mul3A_6 = arith.muli %iota3A, %mul3A_5 : vector<16xi32>
    %broadcast_in_dim3A = arith.constant 1.000000e+00 : f32
    %broadcast_in_dim3A_7 = vector.broadcast %broadcast_in_dim3A : f32 to vector<16xf32>
    %broadcast_in_dim3A_8 = arith.constant 0.000000e+00 : f32
    %broadcast_in_dim3A_9 = vector.broadcast %broadcast_in_dim3A_8 : f32 to vector<16xf32>
    %eq3A = arith.constant 0 : i32
    %eq3A_10 = vector.broadcast %eq3A : i32 to vector<16xi32>
    %eq3A_11 = arith.cmpi eq, %iota3A, %eq3A_10 : vector<16xi32>
    %mul3A_12 = arith.constant 32 : i32
    %mul3A_13 = arith.muli %add3A, %mul3A_12 : i32
    "tpu.region"() ({
      %run_scoped3A = tpu.sem_alloc : memref<!tpu.dma_semaphore, #tpu.memory_space<semaphore_mem>>
      %dma_start3A = tpu.memref_slice %arg3[%mul3A_13] : memref<1024xi32, #tpu.memory_space<hbm>> -> memref<32xi32, #tpu.memory_space<hbm>>
      %dma_start3A_28 = tpu.memref_slice %arg3[%mul3A_13] : memref<1024xi32, #tpu.memory_space<hbm>> -> memref<32xi32, #tpu.memory_space<hbm>>
      tpu.enqueue_dma source(%dma_start3A_28 : memref<32xi32, #tpu.memory_space<hbm>>) target(%arg9 : memref<32xi32, #tpu.memory_space<vmem>>) target_semaphore(%run_scoped3A : memref<!tpu.dma_semaphore, #tpu.memory_space<semaphore_mem>>)
      %dma_wait3A = tpu.memref_slice %arg3[%mul3A_13] : memref<1024xi32, #tpu.memory_space<hbm>> -> memref<32xi32, #tpu.memory_space<hbm>>
      %dma_wait3A_29 = tpu.memref_slice %arg3[%mul3A_13] : memref<1024xi32, #tpu.memory_space<hbm>> -> memref<32xi32, #tpu.memory_space<hbm>>
      tpu.wait_dma2 semaphore(%run_scoped3A : memref<!tpu.dma_semaphore, #tpu.memory_space<semaphore_mem>>) src(%dma_wait3A_29 : memref<32xi32, #tpu.memory_space<hbm>>) dst(%arg9 : memref<32xi32, #tpu.memory_space<vmem>>)
      tpu.yield
    }) : () -> ()
    %parallel_loop3A = arith.constant 0 : i32
    %parallel_loop3A_14 = arith.constant 512 : i32
    %parallel_loop3A_15 = arith.constant 1 : i32
    scf.for %parallel_loop3A_28 = %parallel_loop3A to %parallel_loop3A_14 step %parallel_loop3A_15  : i32 {
      %parallel_loop3A_29 = arith.constant 16 : i32
      %parallel_loop3A_30 = arith.muli %parallel_loop3A_28, %parallel_loop3A_29 : i32
      %parallel_loop3A_31 = arith.index_cast %parallel_loop3A_30 : i32 to index
      %parallel_loop3A_32 = tpu.vector_load %arg6[%parallel_loop3A_31] {strides = array<i32>} : memref<8192xf32, #tpu.memory_space<vmem>>, vector<16xf32>,
      tpu.vector_store %arg6[%parallel_loop3A_31], %broadcast_in_dim3A_9 {strides = array<i32>} : memref<8192xf32, #tpu.memory_space<vmem>>, vector<16xf32>,
    } {sc.loop_unroll_factor = 8 : i64, sc.parallel_access}
    %parallel_loop3A_16 = arith.constant 0 : i32
    %parallel_loop3A_17 = arith.constant 512 : i32
    %parallel_loop3A_18 = arith.constant 1 : i32
    scf.for %parallel_loop3A_28 = %parallel_loop3A_16 to %parallel_loop3A_17 step %parallel_loop3A_18  : i32 {
      %parallel_loop3A_29 = arith.constant 16 : i32
      %parallel_loop3A_30 = arith.muli %parallel_loop3A_28, %parallel_loop3A_29 : i32
      %parallel_loop3A_31 = arith.index_cast %parallel_loop3A_30 : i32 to index
      %parallel_loop3A_32 = tpu.vector_load %arg7[%parallel_loop3A_31] {strides = array<i32>} : memref<8192xf32, #tpu.memory_space<vmem>>, vector<16xf32>,
      tpu.vector_store %arg7[%parallel_loop3A_31], %broadcast_in_dim3A_9 {strides = array<i32>} : memref<8192xf32, #tpu.memory_space<vmem>>, vector<16xf32>,
    } {sc.loop_unroll_factor = 8 : i64, sc.parallel_access}
    %broadcast_in_dim3A_19 = arith.constant 0.000000e+00 : f32
    %broadcast_in_dim3A_20 = vector.broadcast %broadcast_in_dim3A_19 : f32 to vector<16xf32>
    %scan3A = arith.constant 9.990000e+02 : f32
    %scan3A_21 = arith.constant 0 : i32
    %scan3A_22 = arith.constant 32 : i32
    %scan3A_23 = arith.addi %scan3A_21, %scan3A_22 : i32
    %scan3A_24 = arith.constant 1 : i32
    %scan3A_25 = scf.for %scan3A_28 = %scan3A_21 to %scan3A_23 step %scan3A_24 iter_args(%scan3A_29 = %broadcast_in_dim3A_20) -> (vector<16xf32>)  : i32 {
      %mul3A_30 = arith.constant 32 : i32
      %mul3A_31 = arith.muli %add3A, %mul3A_30 : i32
      %add3A_32 = arith.addi %mul3A_31, %scan3A_28 : i32
      "tpu.region"() ({
        %run_scoped3A = tpu.sem_alloc : memref<!tpu.dma_semaphore, #tpu.memory_space<semaphore_mem>>
        %dma_start3A = arith.constant 0 : i32
        %dma_start3A_184 = tpu.memref_slice %arg2[%add3A_32, %dma_start3A] : memref<1024x100000xf32, #tpu.memory_space<hbm>> -> memref<1x100000xf32, #tpu.memory_space<hbm>>
        %dma_start3A_185 = tpu.memref_squeeze %dma_start3A_184 : memref<1x100000xf32, #tpu.memory_space<hbm>> -> memref<100000xf32, #tpu.memory_space<hbm>>
        %dma_start3A_186 = arith.constant 0 : i32
        %dma_start3A_187 = tpu.memref_slice %arg2[%add3A_32, %dma_start3A_186] : memref<1024x100000xf32, #tpu.memory_space<hbm>> -> memref<1x100000xf32, #tpu.memory_space<hbm>>
        %dma_start3A_188 = tpu.memref_squeeze %dma_start3A_187 : memref<1x100000xf32, #tpu.memory_space<hbm>> -> memref<100000xf32, #tpu.memory_space<hbm>>
        tpu.enqueue_dma source(%dma_start3A_188 : memref<100000xf32, #tpu.memory_space<hbm>>) target(%arg5 : memref<100000xf32, #tpu.memory_space<vmem>>) target_semaphore(%run_scoped3A : memref<!tpu.dma_semaphore, #tpu.memory_space<semaphore_mem>>)
        %dma_wait3A = arith.constant 0 : i32
        %dma_wait3A_189 = tpu.memref_slice %arg2[%add3A_32, %dma_wait3A] : memref<1024x100000xf32, #tpu.memory_space<hbm>> -> memref<1x100000xf32, #tpu.memory_space<hbm>>
        %dma_wait3A_190 = tpu.memref_squeeze %dma_wait3A_189 : memref<1x100000xf32, #tpu.memory_space<hbm>> -> memref<100000xf32, #tpu.memory_space<hbm>>
        %dma_wait3A_191 = arith.constant 0 : i32
        %dma_wait3A_192 = tpu.memref_slice %arg2[%add3A_32, %dma_wait3A_191] : memref<1024x100000xf32, #tpu.memory_space<hbm>> -> memref<1x100000xf32, #tpu.memory_space<hbm>>
        %dma_wait3A_193 = tpu.memref_squeeze %dma_wait3A_192 : memref<1x100000xf32, #tpu.memory_space<hbm>> -> memref<100000xf32, #tpu.memory_space<hbm>>
        tpu.wait_dma2 semaphore(%run_scoped3A : memref<!tpu.dma_semaphore, #tpu.memory_space<semaphore_mem>>) src(%dma_wait3A_193 : memref<100000xf32, #tpu.memory_space<hbm>>) dst(%arg5 : memref<100000xf32, #tpu.memory_space<vmem>>)
        tpu.yield
      }) : () -> ()
      %jit3A = arith.constant 16 : i32
      %div3A = arith.divsi %scan3A_28, %jit3A : i32
      %sign3A = arith.constant 0 : i32
      %sign3A_33 = arith.cmpi sgt, %scan3A_28, %sign3A : i32
      %sign3A_34 = arith.extui %sign3A_33 : i1 to i32
      %sign3A_35 = arith.constant 0 : i32
      %sign3A_36 = arith.cmpi slt, %scan3A_28, %sign3A_35 : i32
      %sign3A_37 = arith.extui %sign3A_36 : i1 to i32
      %sign3A_38 = arith.subi %sign3A_34, %sign3A_37 : i32
      %sign3A_39 = arith.constant 0 : i32
      %sign3A_40 = arith.cmpi sgt, %jit3A, %sign3A_39 : i32
      %sign3A_41 = arith.extui %sign3A_40 : i1 to i32
      %sign3A_42 = arith.constant 0 : i32
      %sign3A_43 = arith.cmpi slt, %jit3A, %sign3A_42 : i32
      %sign3A_44 = arith.extui %sign3A_43 : i1 to i32
      %sign3A_45 = arith.subi %sign3A_41, %sign3A_44 : i32
      %ne3A = arith.cmpi ne, %sign3A_38, %sign3A_45 : i32
      %rem3A = arith.remsi %scan3A_28, %jit3A : i32
      %ne3A_46 = arith.constant 0 : i32
      %ne3A_47 = arith.cmpi ne, %rem3A, %ne3A_46 : i32
      %and3A = arith.andi %ne3A, %ne3A_47 : i1
      %sub3A = arith.constant 1 : i32
      %sub3A_48 = arith.subi %div3A, %sub3A : i32
      %select_n3A = arith.select %and3A, %sub3A_48, %div3A : i32
      %mul3A_49 = arith.constant 16 : i32
      %mul3A_50 = arith.muli %select_n3A, %mul3A_49 : i32
      %get3A = arith.index_cast %mul3A_50 : i32 to index
      %get3A_51 = tpu.vector_load %arg9[%get3A] {strides = array<i32>} : memref<32xi32, #tpu.memory_space<vmem>>, vector<16xi32>,
      %convert_element_type3A = arith.sitofp %get3A_51 : vector<16xi32> to vector<16xf32>
      %sub3A_52 = arith.subi %scan3A_28, %mul3A_50 : i32
      %eq3A_53 = vector.broadcast %sub3A_52 : i32 to vector<16xi32>
      %eq3A_54 = arith.cmpi eq, %iota3A, %eq3A_53 : vector<16xi32>
      %broadcast_in_dim3A_55 = arith.constant 0.000000e+00 : f32
      %broadcast_in_dim3A_56 = vector.broadcast %broadcast_in_dim3A_55 : f32 to vector<16xf32>
      %select_n3A_57 = arith.select %eq3A_54, %convert_element_type3A, %broadcast_in_dim3A_56 : vector<16xi1>, vector<16xf32>
      %reduce_sum3A = arith.constant true
      %reduce_sum3A_58 = vector.broadcast %reduce_sum3A : i1 to vector<16xi1>
      %reduce_sum3A_59 = tpu.scan <sum>, %select_n3A_57 masked %reduce_sum3A_58 : vector<16xf32>, vector<16xi1> -> vector<16xf32>
      %reduce_sum3A_60 = vector.extract %reduce_sum3A_59[15] : f32 from vector<16xf32>
      %convert_element_type3A_61 = arith.fptosi %reduce_sum3A_60 : f32 to i32
      %broadcast_in_dim3A_62 = arith.constant 0 : i32
      %broadcast_in_dim3A_63 = vector.broadcast %broadcast_in_dim3A_62 : i32 to vector<16xi32>
      %add3A_64 = vector.broadcast %convert_element_type3A_61 : i32 to vector<16xi32>
      %add3A_65 = arith.addi %broadcast_in_dim3A_63, %add3A_64 : vector<16xi32>
      %gather3A = tpu.vector_load_idx %arg5[%add3A_65] : memref<100000xf32, #tpu.memory_space<vmem>>[vector<16xi32>], vector<16xf32>,
      %bitcast3A = vector.bitcast %gather3A : vector<16xf32> to vector<16xi32>
      %shift_right_logical3A = arith.constant 31 : i32
      %shift_right_logical3A_66 = vector.broadcast %shift_right_logical3A : i32 to vector<16xi32>
      %shift_right_logical3A_67 = arith.shrui %bitcast3A, %shift_right_logical3A_66 : vector<16xi32>
      %eq3A_68 = arith.constant 1 : i32
      %eq3A_69 = vector.broadcast %eq3A_68 : i32 to vector<16xi32>
      %eq3A_70 = arith.cmpi eq, %shift_right_logical3A_67, %eq3A_69 : vector<16xi32>
      %jit3A_71 = arith.constant -1 : i32
      %jit3A_72 = arith.constant -2147483648 : i32
      %broadcast_in_dim3A_73 = vector.broadcast %jit3A_71 : i32 to vector<16xi32>
      %broadcast_in_dim3A_74 = vector.broadcast %jit3A_72 : i32 to vector<16xi32>
      %select_n3A_75 = arith.select %eq3A_70, %broadcast_in_dim3A_73, %broadcast_in_dim3A_74 : vector<16xi1>, vector<16xi32>
      %xor3A = arith.xori %bitcast3A, %select_n3A_75 : vector<16xi32>
      %shift_right_logical3A_76 = arith.constant 23 : i32
      %shift_right_logical3A_77 = vector.broadcast %shift_right_logical3A_76 : i32 to vector<16xi32>
      %shift_right_logical3A_78 = arith.shrui %xor3A, %shift_right_logical3A_77 : vector<16xi32>
      %bitcast3A_79 = vector.bitcast %shift_right_logical3A_78 : vector<16xi32> to vector<16xi32>
      %shift_right_logical3A_80 = arith.constant 15 : i32
      %shift_right_logical3A_81 = vector.broadcast %shift_right_logical3A_80 : i32 to vector<16xi32>
      %shift_right_logical3A_82 = arith.shrui %xor3A, %shift_right_logical3A_81 : vector<16xi32>
      %and3A_83 = arith.constant 255 : i32
      %and3A_84 = vector.broadcast %and3A_83 : i32 to vector<16xi32>
      %and3A_85 = arith.andi %shift_right_logical3A_82, %and3A_84 : vector<16xi32>
      %bitcast3A_86 = vector.bitcast %and3A_85 : vector<16xi32> to vector<16xi32>
      %parallel_loop3A_87 = arith.constant 0 : i32
      %parallel_loop3A_88 = arith.constant 6250 : i32
      %parallel_loop3A_89 = arith.constant 10 : i32
      scf.for %parallel_loop3A_184 = %parallel_loop3A_87 to %parallel_loop3A_88 step %parallel_loop3A_89  : i32 {
        %parallel_loop3A_185 = arith.constant 16 : i32
        %parallel_loop3A_186 = arith.muli %parallel_loop3A_184, %parallel_loop3A_185 : i32
        %parallel_loop3A_187 = arith.constant 0 : i32
        %parallel_loop3A_188 = arith.addi %parallel_loop3A_186, %parallel_loop3A_187 : i32
        %parallel_loop3A_189 = arith.index_cast %parallel_loop3A_188 : i32 to index
        %parallel_loop3A_190 = tpu.vector_load %arg5[%parallel_loop3A_189] {strides = array<i32>} : memref<100000xf32, #tpu.memory_space<vmem>>, vector<16xf32>,
        %parallel_loop3A_191 = vector.bitcast %parallel_loop3A_190 : vector<16xf32> to vector<16xi32>
        %parallel_loop3A_192 = arith.constant 31 : i32
        %parallel_loop3A_193 = vector.broadcast %parallel_loop3A_192 : i32 to vector<16xi32>
        %parallel_loop3A_194 = arith.shrui %parallel_loop3A_191, %parallel_loop3A_193 : vector<16xi32>
        %parallel_loop3A_195 = arith.constant 1 : i32
        %parallel_loop3A_196 = vector.broadcast %parallel_loop3A_195 : i32 to vector<16xi32>
        %parallel_loop3A_197 = arith.cmpi eq, %parallel_loop3A_194, %parallel_loop3A_196 : vector<16xi32>
        %parallel_loop3A_198 = arith.constant -1 : i32
        %parallel_loop3A_199 = arith.constant -2147483648 : i32
        %parallel_loop3A_200 = vector.broadcast %parallel_loop3A_198 : i32 to vector<16xi32>
        %parallel_loop3A_201 = vector.broadcast %parallel_loop3A_199 : i32 to vector<16xi32>
        %parallel_loop3A_202 = arith.select %parallel_loop3A_197, %parallel_loop3A_200, %parallel_loop3A_201 : vector<16xi1>, vector<16xi32>
        %parallel_loop3A_203 = arith.xori %parallel_loop3A_191, %parallel_loop3A_202 : vector<16xi32>
        %parallel_loop3A_204 = arith.constant 23 : i32
        %parallel_loop3A_205 = vector.broadcast %parallel_loop3A_204 : i32 to vector<16xi32>
        %parallel_loop3A_206 = arith.shrui %parallel_loop3A_203, %parallel_loop3A_205 : vector<16xi32>
        %parallel_loop3A_207 = vector.bitcast %parallel_loop3A_206 : vector<16xi32> to vector<16xi32>
        %parallel_loop3A_208 = arith.addi %parallel_loop3A_207, %mul3A_3 : vector<16xi32>
        tpu.vector_store_idx %arg6[%parallel_loop3A_208], %broadcast_in_dim3A_7 {add = true} : memref<8192xf32, #tpu.memory_space<vmem>>[vector<16xi32>], vector<16xf32>,
        %parallel_loop3A_209 = arith.constant 16 : i32
        %parallel_loop3A_210 = arith.muli %parallel_loop3A_184, %parallel_loop3A_209 : i32
        %parallel_loop3A_211 = arith.constant 16 : i32
        %parallel_loop3A_212 = arith.addi %parallel_loop3A_210, %parallel_loop3A_211 : i32
        %parallel_loop3A_213 = arith.index_cast %parallel_loop3A_212 : i32 to index
        %parallel_loop3A_214 = tpu.vector_load %arg5[%parallel_loop3A_213] {strides = array<i32>} : memref<100000xf32, #tpu.memory_space<vmem>>, vector<16xf32>,
        %parallel_loop3A_215 = vector.bitcast %parallel_loop3A_214 : vector<16xf32> to vector<16xi32>
        %parallel_loop3A_216 = arith.constant 31 : i32
        %parallel_loop3A_217 = vector.broadcast %parallel_loop3A_216 : i32 to vector<16xi32>
        %parallel_loop3A_218 = arith.shrui %parallel_loop3A_215, %parallel_loop3A_217 : vector<16xi32>
        %parallel_loop3A_219 = arith.constant 1 : i32
        %parallel_loop3A_220 = vector.broadcast %parallel_loop3A_219 : i32 to vector<16xi32>
        %parallel_loop3A_221 = arith.cmpi eq, %parallel_loop3A_218, %parallel_loop3A_220 : vector<16xi32>
        %parallel_loop3A_222 = arith.constant -1 : i32
        %parallel_loop3A_223 = arith.constant -2147483648 : i32
        %parallel_loop3A_224 = vector.broadcast %parallel_loop3A_222 : i32 to vector<16xi32>
        %parallel_loop3A_225 = vector.broadcast %parallel_loop3A_223 : i32 to vector<16xi32>
        %parallel_loop3A_226 = arith.select %parallel_loop3A_221, %parallel_loop3A_224, %parallel_loop3A_225 : vector<16xi1>, vector<16xi32>
        %parallel_loop3A_227 = arith.xori %parallel_loop3A_215, %parallel_loop3A_226 : vector<16xi32>
        %parallel_loop3A_228 = arith.constant 23 : i32
        %parallel_loop3A_229 = vector.broadcast %parallel_loop3A_228 : i32 to vector<16xi32>
        %parallel_loop3A_230 = arith.shrui %parallel_loop3A_227, %parallel_loop3A_229 : vector<16xi32>
        %parallel_loop3A_231 = vector.bitcast %parallel_loop3A_230 : vector<16xi32> to vector<16xi32>
        %parallel_loop3A_232 = arith.addi %parallel_loop3A_231, %mul3A_3 : vector<16xi32>
        tpu.vector_store_idx %arg6[%parallel_loop3A_232], %broadcast_in_dim3A_7 {add = true} : memref<8192xf32, #tpu.memory_space<vmem>>[vector<16xi32>], vector<16xf32>,
        %parallel_loop3A_233 = arith.constant 16 : i32
        %parallel_loop3A_234 = arith.muli %parallel_loop3A_184, %parallel_loop3A_233 : i32
        %parallel_loop3A_235 = arith.constant 32 : i32
        %parallel_loop3A_236 = arith.addi %parallel_loop3A_234, %parallel_loop3A_235 : i32
        %parallel_loop3A_237 = arith.index_cast %parallel_loop3A_236 : i32 to index
        %parallel_loop3A_238 = tpu.vector_load %arg5[%parallel_loop3A_237] {strides = array<i32>} : memref<100000xf32, #tpu.memory_space<vmem>>, vector<16xf32>,
        %parallel_loop3A_239 = vector.bitcast %parallel_loop3A_238 : vector<16xf32> to vector<16xi32>
        %parallel_loop3A_240 = arith.constant 31 : i32
        %parallel_loop3A_241 = vector.broadcast %parallel_loop3A_240 : i32 to vector<16xi32>
        %parallel_loop3A_242 = arith.shrui %parallel_loop3A_239, %parallel_loop3A_241 : vector<16xi32>
        %parallel_loop3A_243 = arith.constant 1 : i32
        %parallel_loop3A_244 = vector.broadcast %parallel_loop3A_243 : i32 to vector<16xi32>
        %parallel_loop3A_245 = arith.cmpi eq, %parallel_loop3A_242, %parallel_loop3A_244 : vector<16xi32>
        %parallel_loop3A_246 = arith.constant -1 : i32
        %parallel_loop3A_247 = arith.constant -2147483648 : i32
        %parallel_loop3A_248 = vector.broadcast %parallel_loop3A_246 : i32 to vector<16xi32>
        %parallel_loop3A_249 = vector.broadcast %parallel_loop3A_247 : i32 to vector<16xi32>
        %parallel_loop3A_250 = arith.select %parallel_loop3A_245, %parallel_loop3A_248, %parallel_loop3A_249 : vector<16xi1>, vector<16xi32>
        %parallel_loop3A_251 = arith.xori %parallel_loop3A_239, %parallel_loop3A_250 : vector<16xi32>
        %parallel_loop3A_252 = arith.constant 23 : i32
        %parallel_loop3A_253 = vector.broadcast %parallel_loop3A_252 : i32 to vector<16xi32>
        %parallel_loop3A_254 = arith.shrui %parallel_loop3A_251, %parallel_loop3A_253 : vector<16xi32>
        %parallel_loop3A_255 = vector.bitcast %parallel_loop3A_254 : vector<16xi32> to vector<16xi32>
        %parallel_loop3A_256 = arith.addi %parallel_loop3A_255, %mul3A_3 : vector<16xi32>
        tpu.vector_store_idx %arg6[%parallel_loop3A_256], %broadcast_in_dim3A_7 {add = true} : memref<8192xf32, #tpu.memory_space<vmem>>[vector<16xi32>], vector<16xf32>,
        %parallel_loop3A_257 = arith.constant 16 : i32
        %parallel_loop3A_258 = arith.muli %parallel_loop3A_184, %parallel_loop3A_257 : i32
        %parallel_loop3A_259 = arith.constant 48 : i32
        %parallel_loop3A_260 = arith.addi %parallel_loop3A_258, %parallel_loop3A_259 : i32
        %parallel_loop3A_261 = arith.index_cast %parallel_loop3A_260 : i32 to index
        %parallel_loop3A_262 = tpu.vector_load %arg5[%parallel_loop3A_261] {strides = array<i32>} : memref<100000xf32, #tpu.memory_space<vmem>>, vector<16xf32>,
        %parallel_loop3A_263 = vector.bitcast %parallel_loop3A_262 : vector<16xf32> to vector<16xi32>
        %parallel_loop3A_264 = arith.constant 31 : i32
        %parallel_loop3A_265 = vector.broadcast %parallel_loop3A_264 : i32 to vector<16xi32>
        %parallel_loop3A_266 = arith.shrui %parallel_loop3A_263, %parallel_loop3A_265 : vector<16xi32>
        %parallel_loop3A_267 = arith.constant 1 : i32
        %parallel_loop3A_268 = vector.broadcast %parallel_loop3A_267 : i32 to vector<16xi32>
        %parallel_loop3A_269 = arith.cmpi eq, %parallel_loop3A_266, %parallel_loop3A_268 : vector<16xi32>
        %parallel_loop3A_270 = arith.constant -1 : i32
        %parallel_loop3A_271 = arith.constant -2147483648 : i32
        %parallel_loop3A_272 = vector.broadcast %parallel_loop3A_270 : i32 to vector<16xi32>
        %parallel_loop3A_273 = vector.broadcast %parallel_loop3A_271 : i32 to vector<16xi32>
        %parallel_loop3A_274 = arith.select %parallel_loop3A_269, %parallel_loop3A_272, %parallel_loop3A_273 : vector<16xi1>, vector<16xi32>
        %parallel_loop3A_275 = arith.xori %parallel_loop3A_263, %parallel_loop3A_274 : vector<16xi32>
        %parallel_loop3A_276 = arith.constant 23 : i32
        %parallel_loop3A_277 = vector.broadcast %parallel_loop3A_276 : i32 to vector<16xi32>
        %parallel_loop3A_278 = arith.shrui %parallel_loop3A_275, %parallel_loop3A_277 : vector<16xi32>
        %parallel_loop3A_279 = vector.bitcast %parallel_loop3A_278 : vector<16xi32> to vector<16xi32>
        %parallel_loop3A_280 = arith.addi %parallel_loop3A_279, %mul3A_3 : vector<16xi32>
        tpu.vector_store_idx %arg6[%parallel_loop3A_280], %broadcast_in_dim3A_7 {add = true} : memref<8192xf32, #tpu.memory_space<vmem>>[vector<16xi32>], vector<16xf32>,
        %parallel_loop3A_281 = arith.constant 16 : i32
        %parallel_loop3A_282 = arith.muli %parallel_loop3A_184, %parallel_loop3A_281 : i32
        %parallel_loop3A_283 = arith.constant 64 : i32
        %parallel_loop3A_284 = arith.addi %parallel_loop3A_282, %parallel_loop3A_283 : i32
        %parallel_loop3A_285 = arith.index_cast %parallel_loop3A_284 : i32 to index
        %parallel_loop3A_286 = tpu.vector_load %arg5[%parallel_loop3A_285] {strides = array<i32>} : memref<100000xf32, #tpu.memory_space<vmem>>, vector<16xf32>,
        %parallel_loop3A_287 = vector.bitcast %parallel_loop3A_286 : vector<16xf32> to vector<16xi32>
        %parallel_loop3A_288 = arith.constant 31 : i32
        %parallel_loop3A_289 = vector.broadcast %parallel_loop3A_288 : i32 to vector<16xi32>
        %parallel_loop3A_290 = arith.shrui %parallel_loop3A_287, %parallel_loop3A_289 : vector<16xi32>
        %parallel_loop3A_291 = arith.constant 1 : i32
        %parallel_loop3A_292 = vector.broadcast %parallel_loop3A_291 : i32 to vector<16xi32>
        %parallel_loop3A_293 = arith.cmpi eq, %parallel_loop3A_290, %parallel_loop3A_292 : vector<16xi32>
        %parallel_loop3A_294 = arith.constant -1 : i32
        %parallel_loop3A_295 = arith.constant -2147483648 : i32
        %parallel_loop3A_296 = vector.broadcast %parallel_loop3A_294 : i32 to vector<16xi32>
        %parallel_loop3A_297 = vector.broadcast %parallel_loop3A_295 : i32 to vector<16xi32>
        %parallel_loop3A_298 = arith.select %parallel_loop3A_293, %parallel_loop3A_296, %parallel_loop3A_297 : vector<16xi1>, vector<16xi32>
        %parallel_loop3A_299 = arith.xori %parallel_loop3A_287, %parallel_loop3A_298 : vector<16xi32>
        %parallel_loop3A_300 = arith.constant 23 : i32
        %parallel_loop3A_301 = vector.broadcast %parallel_loop3A_300 : i32 to vector<16xi32>
        %parallel_loop3A_302 = arith.shrui %parallel_loop3A_299, %parallel_loop3A_301 : vector<16xi32>
        %parallel_loop3A_303 = vector.bitcast %parallel_loop3A_302 : vector<16xi32> to vector<16xi32>
        %parallel_loop3A_304 = arith.addi %parallel_loop3A_303, %mul3A_3 : vector<16xi32>
        tpu.vector_store_idx %arg6[%parallel_loop3A_304], %broadcast_in_dim3A_7 {add = true} : memref<8192xf32, #tpu.memory_space<vmem>>[vector<16xi32>], vector<16xf32>,
        %parallel_loop3A_305 = arith.constant 16 : i32
        %parallel_loop3A_306 = arith.muli %parallel_loop3A_184, %parallel_loop3A_305 : i32
        %parallel_loop3A_307 = arith.constant 80 : i32
        %parallel_loop3A_308 = arith.addi %parallel_loop3A_306, %parallel_loop3A_307 : i32
        %parallel_loop3A_309 = arith.index_cast %parallel_loop3A_308 : i32 to index
        %parallel_loop3A_310 = tpu.vector_load %arg5[%parallel_loop3A_309] {strides = array<i32>} : memref<100000xf32, #tpu.memory_space<vmem>>, vector<16xf32>,
        %parallel_loop3A_311 = vector.bitcast %parallel_loop3A_310 : vector<16xf32> to vector<16xi32>
        %parallel_loop3A_312 = arith.constant 31 : i32
        %parallel_loop3A_313 = vector.broadcast %parallel_loop3A_312 : i32 to vector<16xi32>
        %parallel_loop3A_314 = arith.shrui %parallel_loop3A_311, %parallel_loop3A_313 : vector<16xi32>
        %parallel_loop3A_315 = arith.constant 1 : i32
        %parallel_loop3A_316 = vector.broadcast %parallel_loop3A_315 : i32 to vector<16xi32>
        %parallel_loop3A_317 = arith.cmpi eq, %parallel_loop3A_314, %parallel_loop3A_316 : vector<16xi32>
        %parallel_loop3A_318 = arith.constant -1 : i32
        %parallel_loop3A_319 = arith.constant -2147483648 : i32
        %parallel_loop3A_320 = vector.broadcast %parallel_loop3A_318 : i32 to vector<16xi32>
        %parallel_loop3A_321 = vector.broadcast %parallel_loop3A_319 : i32 to vector<16xi32>
        %parallel_loop3A_322 = arith.select %parallel_loop3A_317, %parallel_loop3A_320, %parallel_loop3A_321 : vector<16xi1>, vector<16xi32>
        %parallel_loop3A_323 = arith.xori %parallel_loop3A_311, %parallel_loop3A_322 : vector<16xi32>
        %parallel_loop3A_324 = arith.constant 23 : i32
        %parallel_loop3A_325 = vector.broadcast %parallel_loop3A_324 : i32 to vector<16xi32>
        %parallel_loop3A_326 = arith.shrui %parallel_loop3A_323, %parallel_loop3A_325 : vector<16xi32>
        %parallel_loop3A_327 = vector.bitcast %parallel_loop3A_326 : vector<16xi32> to vector<16xi32>
        %parallel_loop3A_328 = arith.addi %parallel_loop3A_327, %mul3A_3 : vector<16xi32>
        tpu.vector_store_idx %arg6[%parallel_loop3A_328], %broadcast_in_dim3A_7 {add = true} : memref<8192xf32, #tpu.memory_space<vmem>>[vector<16xi32>], vector<16xf32>,
        %parallel_loop3A_329 = arith.constant 16 : i32
        %parallel_loop3A_330 = arith.muli %parallel_loop3A_184, %parallel_loop3A_329 : i32
        %parallel_loop3A_331 = arith.constant 96 : i32
        %parallel_loop3A_332 = arith.addi %parallel_loop3A_330, %parallel_loop3A_331 : i32
        %parallel_loop3A_333 = arith.index_cast %parallel_loop3A_332 : i32 to index
        %parallel_loop3A_334 = tpu.vector_load %arg5[%parallel_loop3A_333] {strides = array<i32>} : memref<100000xf32, #tpu.memory_space<vmem>>, vector<16xf32>,
        %parallel_loop3A_335 = vector.bitcast %parallel_loop3A_334 : vector<16xf32> to vector<16xi32>
        %parallel_loop3A_336 = arith.constant 31 : i32
        %parallel_loop3A_337 = vector.broadcast %parallel_loop3A_336 : i32 to vector<16xi32>
        %parallel_loop3A_338 = arith.shrui %parallel_loop3A_335, %parallel_loop3A_337 : vector<16xi32>
        %parallel_loop3A_339 = arith.constant 1 : i32
        %parallel_loop3A_340 = vector.broadcast %parallel_loop3A_339 : i32 to vector<16xi32>
        %parallel_loop3A_341 = arith.cmpi eq, %parallel_loop3A_338, %parallel_loop3A_340 : vector<16xi32>
        %parallel_loop3A_342 = arith.constant -1 : i32
        %parallel_loop3A_343 = arith.constant -2147483648 : i32
        %parallel_loop3A_344 = vector.broadcast %parallel_loop3A_342 : i32 to vector<16xi32>
        %parallel_loop3A_345 = vector.broadcast %parallel_loop3A_343 : i32 to vector<16xi32>
        %parallel_loop3A_346 = arith.select %parallel_loop3A_341, %parallel_loop3A_344, %parallel_loop3A_345 : vector<16xi1>, vector<16xi32>
        %parallel_loop3A_347 = arith.xori %parallel_loop3A_335, %parallel_loop3A_346 : vector<16xi32>
        %parallel_loop3A_348 = arith.constant 23 : i32
        %parallel_loop3A_349 = vector.broadcast %parallel_loop3A_348 : i32 to vector<16xi32>
        %parallel_loop3A_350 = arith.shrui %parallel_loop3A_347, %parallel_loop3A_349 : vector<16xi32>
        %parallel_loop3A_351 = vector.bitcast %parallel_loop3A_350 : vector<16xi32> to vector<16xi32>
        %parallel_loop3A_352 = arith.addi %parallel_loop3A_351, %mul3A_3 : vector<16xi32>
        tpu.vector_store_idx %arg6[%parallel_loop3A_352], %broadcast_in_dim3A_7 {add = true} : memref<8192xf32, #tpu.memory_space<vmem>>[vector<16xi32>], vector<16xf32>,
        %parallel_loop3A_353 = arith.constant 16 : i32
        %parallel_loop3A_354 = arith.muli %parallel_loop3A_184, %parallel_loop3A_353 : i32
        %parallel_loop3A_355 = arith.constant 112 : i32
        %parallel_loop3A_356 = arith.addi %parallel_loop3A_354, %parallel_loop3A_355 : i32
        %parallel_loop3A_357 = arith.index_cast %parallel_loop3A_356 : i32 to index
        %parallel_loop3A_358 = tpu.vector_load %arg5[%parallel_loop3A_357] {strides = array<i32>} : memref<100000xf32, #tpu.memory_space<vmem>>, vector<16xf32>,
        %parallel_loop3A_359 = vector.bitcast %parallel_loop3A_358 : vector<16xf32> to vector<16xi32>
        %parallel_loop3A_360 = arith.constant 31 : i32
        %parallel_loop3A_361 = vector.broadcast %parallel_loop3A_360 : i32 to vector<16xi32>
        %parallel_loop3A_362 = arith.shrui %parallel_loop3A_359, %parallel_loop3A_361 : vector<16xi32>
        %parallel_loop3A_363 = arith.constant 1 : i32
        %parallel_loop3A_364 = vector.broadcast %parallel_loop3A_363 : i32 to vector<16xi32>
        %parallel_loop3A_365 = arith.cmpi eq, %parallel_loop3A_362, %parallel_loop3A_364 : vector<16xi32>
        %parallel_loop3A_366 = arith.constant -1 : i32
        %parallel_loop3A_367 = arith.constant -2147483648 : i32
        %parallel_loop3A_368 = vector.broadcast %parallel_loop3A_366 : i32 to vector<16xi32>
        %parallel_loop3A_369 = vector.broadcast %parallel_loop3A_367 : i32 to vector<16xi32>
        %parallel_loop3A_370 = arith.select %parallel_loop3A_365, %parallel_loop3A_368, %parallel_loop3A_369 : vector<16xi1>, vector<16xi32>
        %parallel_loop3A_371 = arith.xori %parallel_loop3A_359, %parallel_loop3A_370 : vector<16xi32>
        %parallel_loop3A_372 = arith.constant 23 : i32
        %parallel_loop3A_373 = vector.broadcast %parallel_loop3A_372 : i32 to vector<16xi32>
        %parallel_loop3A_374 = arith.shrui %parallel_loop3A_371, %parallel_loop3A_373 : vector<16xi32>
        %parallel_loop3A_375 = vector.bitcast %parallel_loop3A_374 : vector<16xi32> to vector<16xi32>
        %parallel_loop3A_376 = arith.addi %parallel_loop3A_375, %mul3A_3 : vector<16xi32>
        tpu.vector_store_idx %arg6[%parallel_loop3A_376], %broadcast_in_dim3A_7 {add = true} : memref<8192xf32, #tpu.memory_space<vmem>>[vector<16xi32>], vector<16xf32>,
        %parallel_loop3A_377 = arith.constant 16 : i32
        %parallel_loop3A_378 = arith.muli %parallel_loop3A_184, %parallel_loop3A_377 : i32
        %parallel_loop3A_379 = arith.constant 128 : i32
        %parallel_loop3A_380 = arith.addi %parallel_loop3A_378, %parallel_loop3A_379 : i32
        %parallel_loop3A_381 = arith.index_cast %parallel_loop3A_380 : i32 to index
        %parallel_loop3A_382 = tpu.vector_load %arg5[%parallel_loop3A_381] {strides = array<i32>} : memref<100000xf32, #tpu.memory_space<vmem>>, vector<16xf32>,
        %parallel_loop3A_383 = vector.bitcast %parallel_loop3A_382 : vector<16xf32> to vector<16xi32>
        %parallel_loop3A_384 = arith.constant 31 : i32
        %parallel_loop3A_385 = vector.broadcast %parallel_loop3A_384 : i32 to vector<16xi32>
        %parallel_loop3A_386 = arith.shrui %parallel_loop3A_383, %parallel_loop3A_385 : vector<16xi32>
        %parallel_loop3A_387 = arith.constant 1 : i32
        %parallel_loop3A_388 = vector.broadcast %parallel_loop3A_387 : i32 to vector<16xi32>
        %parallel_loop3A_389 = arith.cmpi eq, %parallel_loop3A_386, %parallel_loop3A_388 : vector<16xi32>
        %parallel_loop3A_390 = arith.constant -1 : i32
        %parallel_loop3A_391 = arith.constant -2147483648 : i32
        %parallel_loop3A_392 = vector.broadcast %parallel_loop3A_390 : i32 to vector<16xi32>
        %parallel_loop3A_393 = vector.broadcast %parallel_loop3A_391 : i32 to vector<16xi32>
        %parallel_loop3A_394 = arith.select %parallel_loop3A_389, %parallel_loop3A_392, %parallel_loop3A_393 : vector<16xi1>, vector<16xi32>
        %parallel_loop3A_395 = arith.xori %parallel_loop3A_383, %parallel_loop3A_394 : vector<16xi32>
        %parallel_loop3A_396 = arith.constant 23 : i32
        %parallel_loop3A_397 = vector.broadcast %parallel_loop3A_396 : i32 to vector<16xi32>
        %parallel_loop3A_398 = arith.shrui %parallel_loop3A_395, %parallel_loop3A_397 : vector<16xi32>
        %parallel_loop3A_399 = vector.bitcast %parallel_loop3A_398 : vector<16xi32> to vector<16xi32>
        %parallel_loop3A_400 = arith.addi %parallel_loop3A_399, %mul3A_3 : vector<16xi32>
        tpu.vector_store_idx %arg6[%parallel_loop3A_400], %broadcast_in_dim3A_7 {add = true} : memref<8192xf32, #tpu.memory_space<vmem>>[vector<16xi32>], vector<16xf32>,
        %parallel_loop3A_401 = arith.constant 16 : i32
        %parallel_loop3A_402 = arith.muli %parallel_loop3A_184, %parallel_loop3A_401 : i32
        %parallel_loop3A_403 = arith.constant 144 : i32
        %parallel_loop3A_404 = arith.addi %parallel_loop3A_402, %parallel_loop3A_403 : i32
        %parallel_loop3A_405 = arith.index_cast %parallel_loop3A_404 : i32 to index
        %parallel_loop3A_406 = tpu.vector_load %arg5[%parallel_loop3A_405] {strides = array<i32>} : memref<100000xf32, #tpu.memory_space<vmem>>, vector<16xf32>,
        %parallel_loop3A_407 = vector.bitcast %parallel_loop3A_406 : vector<16xf32> to vector<16xi32>
        %parallel_loop3A_408 = arith.constant 31 : i32
        %parallel_loop3A_409 = vector.broadcast %parallel_loop3A_408 : i32 to vector<16xi32>
        %parallel_loop3A_410 = arith.shrui %parallel_loop3A_407, %parallel_loop3A_409 : vector<16xi32>
        %parallel_loop3A_411 = arith.constant 1 : i32
        %parallel_loop3A_412 = vector.broadcast %parallel_loop3A_411 : i32 to vector<16xi32>
        %parallel_loop3A_413 = arith.cmpi eq, %parallel_loop3A_410, %parallel_loop3A_412 : vector<16xi32>
        %parallel_loop3A_414 = arith.constant -1 : i32
        %parallel_loop3A_415 = arith.constant -2147483648 : i32
        %parallel_loop3A_416 = vector.broadcast %parallel_loop3A_414 : i32 to vector<16xi32>
        %parallel_loop3A_417 = vector.broadcast %parallel_loop3A_415 : i32 to vector<16xi32>
        %parallel_loop3A_418 = arith.select %parallel_loop3A_413, %parallel_loop3A_416, %parallel_loop3A_417 : vector<16xi1>, vector<16xi32>
        %parallel_loop3A_419 = arith.xori %parallel_loop3A_407, %parallel_loop3A_418 : vector<16xi32>
        %parallel_loop3A_420 = arith.constant 23 : i32
        %parallel_loop3A_421 = vector.broadcast %parallel_loop3A_420 : i32 to vector<16xi32>
        %parallel_loop3A_422 = arith.shrui %parallel_loop3A_419, %parallel_loop3A_421 : vector<16xi32>
        %parallel_loop3A_423 = vector.bitcast %parallel_loop3A_422 : vector<16xi32> to vector<16xi32>
        %parallel_loop3A_424 = arith.addi %parallel_loop3A_423, %mul3A_3 : vector<16xi32>
        tpu.vector_store_idx %arg6[%parallel_loop3A_424], %broadcast_in_dim3A_7 {add = true} : memref<8192xf32, #tpu.memory_space<vmem>>[vector<16xi32>], vector<16xf32>,
      } {sc.loop_unroll_factor = 1 : i64, sc.parallel_access}
      %add3A_90 = arith.addi %bitcast3A_79, %mul3A_3 : vector<16xi32>
      %neg3A = arith.constant 0.000000e+00 : f32
      %neg3A_91 = vector.broadcast %neg3A : f32 to vector<16xf32>
      %neg3A_92 = arith.subf %neg3A_91, %broadcast_in_dim3A_7 : vector<16xf32>
      tpu.vector_store_idx %arg6[%add3A_90], %neg3A_92 masked %eq3A_11 {add = true} : memref<8192xf32, #tpu.memory_space<vmem>>[vector<16xi32>], vector<16xf32>, vector<16xi1>
      %parallel_loop3A_93 = arith.constant 0 : i32
      %parallel_loop3A_94 = arith.constant 32 : i32
      %parallel_loop3A_95 = arith.constant 1 : i32
      %parallel_loop3A_96 = arith.constant 0.000000e+00 : f32
      %parallel_loop3A_97 = arith.constant false
      %parallel_loop3A_98 = arith.constant 0 : i32
      %parallel_loop3A_99 = arith.constant 0.000000e+00 : f32
      %parallel_loop3A_100:4 = scf.for %parallel_loop3A_184 = %parallel_loop3A_93 to %parallel_loop3A_94 step %parallel_loop3A_95 iter_args(%parallel_loop3A_185 = %parallel_loop3A_96, %parallel_loop3A_186 = %parallel_loop3A_97, %parallel_loop3A_187 = %parallel_loop3A_98, %parallel_loop3A_188 = %parallel_loop3A_99) -> (f32, i1, i32, f32)  : i32 {
        %parallel_loop3A_189 = arith.constant 31 : i32
        %parallel_loop3A_190 = arith.subi %parallel_loop3A_189, %parallel_loop3A_184 : i32
        %parallel_loop3A_191 = arith.constant 16 : i32
        %parallel_loop3A_192 = arith.muli %parallel_loop3A_190, %parallel_loop3A_191 : i32
        %parallel_loop3A_193 = arith.constant 0 : i32
        %parallel_loop3A_194 = arith.addi %parallel_loop3A_193, %parallel_loop3A_192 : i32
        %parallel_loop3A_195 = arith.index_cast %parallel_loop3A_194 : i32 to index
        %parallel_loop3A_196 = tpu.vector_load %arg6[%parallel_loop3A_195] {strides = array<i32>} : memref<8192xf32, #tpu.memory_space<vmem>>, vector<16xf32>,
        %parallel_loop3A_197 = arith.addf %broadcast_in_dim3A_9, %parallel_loop3A_196 : vector<16xf32>
        %parallel_loop3A_198 = arith.index_cast %parallel_loop3A_194 : i32 to index
        %parallel_loop3A_199 = tpu.vector_load %arg6[%parallel_loop3A_198] {strides = array<i32>} : memref<8192xf32, #tpu.memory_space<vmem>>, vector<16xf32>,
        tpu.vector_store %arg6[%parallel_loop3A_198], %broadcast_in_dim3A_9 {strides = array<i32>} : memref<8192xf32, #tpu.memory_space<vmem>>, vector<16xf32>,
        %parallel_loop3A_200 = arith.constant 16 : i32
        %parallel_loop3A_201 = arith.muli %parallel_loop3A_190, %parallel_loop3A_200 : i32
        %parallel_loop3A_202 = arith.constant 512 : i32
        %parallel_loop3A_203 = arith.addi %parallel_loop3A_202, %parallel_loop3A_201 : i32
        %parallel_loop3A_204 = arith.index_cast %parallel_loop3A_203 : i32 to index
        %parallel_loop3A_205 = tpu.vector_load %arg6[%parallel_loop3A_204] {strides = array<i32>} : memref<8192xf32, #tpu.memory_space<vmem>>, vector<16xf32>,
        %parallel_loop3A_206 = arith.addf %parallel_loop3A_197, %parallel_loop3A_205 : vector<16xf32>
        %parallel_loop3A_207 = arith.index_cast %parallel_loop3A_203 : i32 to index
        %parallel_loop3A_208 = tpu.vector_load %arg6[%parallel_loop3A_207] {strides = array<i32>} : memref<8192xf32, #tpu.memory_space<vmem>>, vector<16xf32>,
        tpu.vector_store %arg6[%parallel_loop3A_207], %broadcast_in_dim3A_9 {strides = array<i32>} : memref<8192xf32, #tpu.memory_space<vmem>>, vector<16xf32>,
        %parallel_loop3A_209 = arith.constant 16 : i32
        %parallel_loop3A_210 = arith.muli %parallel_loop3A_190, %parallel_loop3A_209 : i32
        %parallel_loop3A_211 = arith.constant 1024 : i32
        %parallel_loop3A_212 = arith.addi %parallel_loop3A_211, %parallel_loop3A_210 : i32
        %parallel_loop3A_213 = arith.index_cast %parallel_loop3A_212 : i32 to index
        %parallel_loop3A_214 = tpu.vector_load %arg6[%parallel_loop3A_213] {strides = array<i32>} : memref<8192xf32, #tpu.memory_space<vmem>>, vector<16xf32>,
        %parallel_loop3A_215 = arith.addf %parallel_loop3A_206, %parallel_loop3A_214 : vector<16xf32>
        %parallel_loop3A_216 = arith.index_cast %parallel_loop3A_212 : i32 to index
        %parallel_loop3A_217 = tpu.vector_load %arg6[%parallel_loop3A_216] {strides = array<i32>} : memref<8192xf32, #tpu.memory_space<vmem>>, vector<16xf32>,
        tpu.vector_store %arg6[%parallel_loop3A_216], %broadcast_in_dim3A_9 {strides = array<i32>} : memref<8192xf32, #tpu.memory_space<vmem>>, vector<16xf32>,
        %parallel_loop3A_218 = arith.constant 16 : i32
        %parallel_loop3A_219 = arith.muli %parallel_loop3A_190, %parallel_loop3A_218 : i32
        %parallel_loop3A_220 = arith.constant 1536 : i32
        %parallel_loop3A_221 = arith.addi %parallel_loop3A_220, %parallel_loop3A_219 : i32
        %parallel_loop3A_222 = arith.index_cast %parallel_loop3A_221 : i32 to index
        %parallel_loop3A_223 = tpu.vector_load %arg6[%parallel_loop3A_222] {strides = array<i32>} : memref<8192xf32, #tpu.memory_space<vmem>>, vector<16xf32>,
        %parallel_loop3A_224 = arith.addf %parallel_loop3A_215, %parallel_loop3A_223 : vector<16xf32>
        %parallel_loop3A_225 = arith.index_cast %parallel_loop3A_221 : i32 to index
        %parallel_loop3A_226 = tpu.vector_load %arg6[%parallel_loop3A_225] {strides = array<i32>} : memref<8192xf32, #tpu.memory_space<vmem>>, vector<16xf32>,
        tpu.vector_store %arg6[%parallel_loop3A_225], %broadcast_in_dim3A_9 {strides = array<i32>} : memref<8192xf32, #tpu.memory_space<vmem>>, vector<16xf32>,
        %parallel_loop3A_227 = arith.constant 16 : i32
        %parallel_loop3A_228 = arith.muli %parallel_loop3A_190, %parallel_loop3A_227 : i32
        %parallel_loop3A_229 = arith.constant 2048 : i32
        %parallel_loop3A_230 = arith.addi %parallel_loop3A_229, %parallel_loop3A_228 : i32
        %parallel_loop3A_231 = arith.index_cast %parallel_loop3A_230 : i32 to index
        %parallel_loop3A_232 = tpu.vector_load %arg6[%parallel_loop3A_231] {strides = array<i32>} : memref<8192xf32, #tpu.memory_space<vmem>>, vector<16xf32>,
        %parallel_loop3A_233 = arith.addf %parallel_loop3A_224, %parallel_loop3A_232 : vector<16xf32>
        %parallel_loop3A_234 = arith.index_cast %parallel_loop3A_230 : i32 to index
        %parallel_loop3A_235 = tpu.vector_load %arg6[%parallel_loop3A_234] {strides = array<i32>} : memref<8192xf32, #tpu.memory_space<vmem>>, vector<16xf32>,
        tpu.vector_store %arg6[%parallel_loop3A_234], %broadcast_in_dim3A_9 {strides = array<i32>} : memref<8192xf32, #tpu.memory_space<vmem>>, vector<16xf32>,
        %parallel_loop3A_236 = arith.constant 16 : i32
        %parallel_loop3A_237 = arith.muli %parallel_loop3A_190, %parallel_loop3A_236 : i32
        %parallel_loop3A_238 = arith.constant 2560 : i32
        %parallel_loop3A_239 = arith.addi %parallel_loop3A_238, %parallel_loop3A_237 : i32
        %parallel_loop3A_240 = arith.index_cast %parallel_loop3A_239 : i32 to index
        %parallel_loop3A_241 = tpu.vector_load %arg6[%parallel_loop3A_240] {strides = array<i32>} : memref<8192xf32, #tpu.memory_space<vmem>>, vector<16xf32>,
        %parallel_loop3A_242 = arith.addf %parallel_loop3A_233, %parallel_loop3A_241 : vector<16xf32>
        %parallel_loop3A_243 = arith.index_cast %parallel_loop3A_239 : i32 to index
        %parallel_loop3A_244 = tpu.vector_load %arg6[%parallel_loop3A_243] {strides = array<i32>} : memref<8192xf32, #tpu.memory_space<vmem>>, vector<16xf32>,
        tpu.vector_store %arg6[%parallel_loop3A_243], %broadcast_in_dim3A_9 {strides = array<i32>} : memref<8192xf32, #tpu.memory_space<vmem>>, vector<16xf32>,
        %parallel_loop3A_245 = arith.constant 16 : i32
        %parallel_loop3A_246 = arith.muli %parallel_loop3A_190, %parallel_loop3A_245 : i32
        %parallel_loop3A_247 = arith.constant 3072 : i32
        %parallel_loop3A_248 = arith.addi %parallel_loop3A_247, %parallel_loop3A_246 : i32
        %parallel_loop3A_249 = arith.index_cast %parallel_loop3A_248 : i32 to index
        %parallel_loop3A_250 = tpu.vector_load %arg6[%parallel_loop3A_249] {strides = array<i32>} : memref<8192xf32, #tpu.memory_space<vmem>>, vector<16xf32>,
        %parallel_loop3A_251 = arith.addf %parallel_loop3A_242, %parallel_loop3A_250 : vector<16xf32>
        %parallel_loop3A_252 = arith.index_cast %parallel_loop3A_248 : i32 to index
        %parallel_loop3A_253 = tpu.vector_load %arg6[%parallel_loop3A_252] {strides = array<i32>} : memref<8192xf32, #tpu.memory_space<vmem>>, vector<16xf32>,
        tpu.vector_store %arg6[%parallel_loop3A_252], %broadcast_in_dim3A_9 {strides = array<i32>} : memref<8192xf32, #tpu.memory_space<vmem>>, vector<16xf32>,
        %parallel_loop3A_254 = arith.constant 16 : i32
        %parallel_loop3A_255 = arith.muli %parallel_loop3A_190, %parallel_loop3A_254 : i32
        %parallel_loop3A_256 = arith.constant 3584 : i32
        %parallel_loop3A_257 = arith.addi %parallel_loop3A_256, %parallel_loop3A_255 : i32
        %parallel_loop3A_258 = arith.index_cast %parallel_loop3A_257 : i32 to index
        %parallel_loop3A_259 = tpu.vector_load %arg6[%parallel_loop3A_258] {strides = array<i32>} : memref<8192xf32, #tpu.memory_space<vmem>>, vector<16xf32>,
        %parallel_loop3A_260 = arith.addf %parallel_loop3A_251, %parallel_loop3A_259 : vector<16xf32>
        %parallel_loop3A_261 = arith.index_cast %parallel_loop3A_257 : i32 to index
        %parallel_loop3A_262 = tpu.vector_load %arg6[%parallel_loop3A_261] {strides = array<i32>} : memref<8192xf32, #tpu.memory_space<vmem>>, vector<16xf32>,
        tpu.vector_store %arg6[%parallel_loop3A_261], %broadcast_in_dim3A_9 {strides = array<i32>} : memref<8192xf32, #tpu.memory_space<vmem>>, vector<16xf32>,
        %parallel_loop3A_263 = arith.constant 16 : i32
        %parallel_loop3A_264 = arith.muli %parallel_loop3A_190, %parallel_loop3A_263 : i32
        %parallel_loop3A_265 = arith.constant 4096 : i32
        %parallel_loop3A_266 = arith.addi %parallel_loop3A_265, %parallel_loop3A_264 : i32
        %parallel_loop3A_267 = arith.index_cast %parallel_loop3A_266 : i32 to index
        %parallel_loop3A_268 = tpu.vector_load %arg6[%parallel_loop3A_267] {strides = array<i32>} : memref<8192xf32, #tpu.memory_space<vmem>>, vector<16xf32>,
        %parallel_loop3A_269 = arith.addf %parallel_loop3A_260, %parallel_loop3A_268 : vector<16xf32>
        %parallel_loop3A_270 = arith.index_cast %parallel_loop3A_266 : i32 to index
        %parallel_loop3A_271 = tpu.vector_load %arg6[%parallel_loop3A_270] {strides = array<i32>} : memref<8192xf32, #tpu.memory_space<vmem>>, vector<16xf32>,
        tpu.vector_store %arg6[%parallel_loop3A_270], %broadcast_in_dim3A_9 {strides = array<i32>} : memref<8192xf32, #tpu.memory_space<vmem>>, vector<16xf32>,
        %parallel_loop3A_272 = arith.constant 16 : i32
        %parallel_loop3A_273 = arith.muli %parallel_loop3A_190, %parallel_loop3A_272 : i32
        %parallel_loop3A_274 = arith.constant 4608 : i32
        %parallel_loop3A_275 = arith.addi %parallel_loop3A_274, %parallel_loop3A_273 : i32
        %parallel_loop3A_276 = arith.index_cast %parallel_loop3A_275 : i32 to index
        %parallel_loop3A_277 = tpu.vector_load %arg6[%parallel_loop3A_276] {strides = array<i32>} : memref<8192xf32, #tpu.memory_space<vmem>>, vector<16xf32>,
        %parallel_loop3A_278 = arith.addf %parallel_loop3A_269, %parallel_loop3A_277 : vector<16xf32>
        %parallel_loop3A_279 = arith.index_cast %parallel_loop3A_275 : i32 to index
        %parallel_loop3A_280 = tpu.vector_load %arg6[%parallel_loop3A_279] {strides = array<i32>} : memref<8192xf32, #tpu.memory_space<vmem>>, vector<16xf32>,
        tpu.vector_store %arg6[%parallel_loop3A_279], %broadcast_in_dim3A_9 {strides = array<i32>} : memref<8192xf32, #tpu.memory_space<vmem>>, vector<16xf32>,
        %parallel_loop3A_281 = arith.constant 16 : i32
        %parallel_loop3A_282 = arith.muli %parallel_loop3A_190, %parallel_loop3A_281 : i32
        %parallel_loop3A_283 = arith.constant 5120 : i32
        %parallel_loop3A_284 = arith.addi %parallel_loop3A_283, %parallel_loop3A_282 : i32
        %parallel_loop3A_285 = arith.index_cast %parallel_loop3A_284 : i32 to index
        %parallel_loop3A_286 = tpu.vector_load %arg6[%parallel_loop3A_285] {strides = array<i32>} : memref<8192xf32, #tpu.memory_space<vmem>>, vector<16xf32>,
        %parallel_loop3A_287 = arith.addf %parallel_loop3A_278, %parallel_loop3A_286 : vector<16xf32>
        %parallel_loop3A_288 = arith.index_cast %parallel_loop3A_284 : i32 to index
        %parallel_loop3A_289 = tpu.vector_load %arg6[%parallel_loop3A_288] {strides = array<i32>} : memref<8192xf32, #tpu.memory_space<vmem>>, vector<16xf32>,
        tpu.vector_store %arg6[%parallel_loop3A_288], %broadcast_in_dim3A_9 {strides = array<i32>} : memref<8192xf32, #tpu.memory_space<vmem>>, vector<16xf32>,
        %parallel_loop3A_290 = arith.constant 16 : i32
        %parallel_loop3A_291 = arith.muli %parallel_loop3A_190, %parallel_loop3A_290 : i32
        %parallel_loop3A_292 = arith.constant 5632 : i32
        %parallel_loop3A_293 = arith.addi %parallel_loop3A_292, %parallel_loop3A_291 : i32
        %parallel_loop3A_294 = arith.index_cast %parallel_loop3A_293 : i32 to index
        %parallel_loop3A_295 = tpu.vector_load %arg6[%parallel_loop3A_294] {strides = array<i32>} : memref<8192xf32, #tpu.memory_space<vmem>>, vector<16xf32>,
        %parallel_loop3A_296 = arith.addf %parallel_loop3A_287, %parallel_loop3A_295 : vector<16xf32>
        %parallel_loop3A_297 = arith.index_cast %parallel_loop3A_293 : i32 to index
        %parallel_loop3A_298 = tpu.vector_load %arg6[%parallel_loop3A_297] {strides = array<i32>} : memref<8192xf32, #tpu.memory_space<vmem>>, vector<16xf32>,
        tpu.vector_store %arg6[%parallel_loop3A_297], %broadcast_in_dim3A_9 {strides = array<i32>} : memref<8192xf32, #tpu.memory_space<vmem>>, vector<16xf32>,
        %parallel_loop3A_299 = arith.constant 16 : i32
        %parallel_loop3A_300 = arith.muli %parallel_loop3A_190, %parallel_loop3A_299 : i32
        %parallel_loop3A_301 = arith.constant 6144 : i32
        %parallel_loop3A_302 = arith.addi %parallel_loop3A_301, %parallel_loop3A_300 : i32
        %parallel_loop3A_303 = arith.index_cast %parallel_loop3A_302 : i32 to index
        %parallel_loop3A_304 = tpu.vector_load %arg6[%parallel_loop3A_303] {strides = array<i32>} : memref<8192xf32, #tpu.memory_space<vmem>>, vector<16xf32>,
        %parallel_loop3A_305 = arith.addf %parallel_loop3A_296, %parallel_loop3A_304 : vector<16xf32>
        %parallel_loop3A_306 = arith.index_cast %parallel_loop3A_302 : i32 to index
        %parallel_loop3A_307 = tpu.vector_load %arg6[%parallel_loop3A_306] {strides = array<i32>} : memref<8192xf32, #tpu.memory_space<vmem>>, vector<16xf32>,
        tpu.vector_store %arg6[%parallel_loop3A_306], %broadcast_in_dim3A_9 {strides = array<i32>} : memref<8192xf32, #tpu.memory_space<vmem>>, vector<16xf32>,
        %parallel_loop3A_308 = arith.constant 16 : i32
        %parallel_loop3A_309 = arith.muli %parallel_loop3A_190, %parallel_loop3A_308 : i32
        %parallel_loop3A_310 = arith.constant 6656 : i32
        %parallel_loop3A_311 = arith.addi %parallel_loop3A_310, %parallel_loop3A_309 : i32
        %parallel_loop3A_312 = arith.index_cast %parallel_loop3A_311 : i32 to index
        %parallel_loop3A_313 = tpu.vector_load %arg6[%parallel_loop3A_312] {strides = array<i32>} : memref<8192xf32, #tpu.memory_space<vmem>>, vector<16xf32>,
        %parallel_loop3A_314 = arith.addf %parallel_loop3A_305, %parallel_loop3A_313 : vector<16xf32>
        %parallel_loop3A_315 = arith.index_cast %parallel_loop3A_311 : i32 to index
        %parallel_loop3A_316 = tpu.vector_load %arg6[%parallel_loop3A_315] {strides = array<i32>} : memref<8192xf32, #tpu.memory_space<vmem>>, vector<16xf32>,
        tpu.vector_store %arg6[%parallel_loop3A_315], %broadcast_in_dim3A_9 {strides = array<i32>} : memref<8192xf32, #tpu.memory_space<vmem>>, vector<16xf32>,
        %parallel_loop3A_317 = arith.constant 16 : i32
        %parallel_loop3A_318 = arith.muli %parallel_loop3A_190, %parallel_loop3A_317 : i32
        %parallel_loop3A_319 = arith.constant 7168 : i32
        %parallel_loop3A_320 = arith.addi %parallel_loop3A_319, %parallel_loop3A_318 : i32
        %parallel_loop3A_321 = arith.index_cast %parallel_loop3A_320 : i32 to index
        %parallel_loop3A_322 = tpu.vector_load %arg6[%parallel_loop3A_321] {strides = array<i32>} : memref<8192xf32, #tpu.memory_space<vmem>>, vector<16xf32>,
        %parallel_loop3A_323 = arith.addf %parallel_loop3A_314, %parallel_loop3A_322 : vector<16xf32>
        %parallel_loop3A_324 = arith.index_cast %parallel_loop3A_320 : i32 to index
        %parallel_loop3A_325 = tpu.vector_load %arg6[%parallel_loop3A_324] {strides = array<i32>} : memref<8192xf32, #tpu.memory_space<vmem>>, vector<16xf32>,
        tpu.vector_store %arg6[%parallel_loop3A_324], %broadcast_in_dim3A_9 {strides = array<i32>} : memref<8192xf32, #tpu.memory_space<vmem>>, vector<16xf32>,
        %parallel_loop3A_326 = arith.constant 16 : i32
        %parallel_loop3A_327 = arith.muli %parallel_loop3A_190, %parallel_loop3A_326 : i32
        %parallel_loop3A_328 = arith.constant 7680 : i32
        %parallel_loop3A_329 = arith.addi %parallel_loop3A_328, %parallel_loop3A_327 : i32
        %parallel_loop3A_330 = arith.index_cast %parallel_loop3A_329 : i32 to index
        %parallel_loop3A_331 = tpu.vector_load %arg6[%parallel_loop3A_330] {strides = array<i32>} : memref<8192xf32, #tpu.memory_space<vmem>>, vector<16xf32>,
        %parallel_loop3A_332 = arith.addf %parallel_loop3A_323, %parallel_loop3A_331 : vector<16xf32>
        %parallel_loop3A_333 = arith.index_cast %parallel_loop3A_329 : i32 to index
        %parallel_loop3A_334 = tpu.vector_load %arg6[%parallel_loop3A_333] {strides = array<i32>} : memref<8192xf32, #tpu.memory_space<vmem>>, vector<16xf32>,
        tpu.vector_store %arg6[%parallel_loop3A_333], %broadcast_in_dim3A_9 {strides = array<i32>} : memref<8192xf32, #tpu.memory_space<vmem>>, vector<16xf32>,
        %parallel_loop3A_335 = arith.constant true
        %parallel_loop3A_336 = vector.broadcast %parallel_loop3A_335 : i1 to vector<16xi1>
        %parallel_loop3A_337 = tpu.scan <sum>, %parallel_loop3A_332 masked %parallel_loop3A_336 : vector<16xf32>, vector<16xi1> -> vector<16xf32>
        %parallel_loop3A_338 = vector.extract %parallel_loop3A_337[15] : f32 from vector<16xf32>
        %parallel_loop3A_339 = arith.constant 15 : i32
        %parallel_loop3A_340 = vector.broadcast %parallel_loop3A_339 : i32 to vector<16xi32>
        %parallel_loop3A_341 = tpu.iota {dimensions = array<i32: 0>} : vector<16xi32>
        %parallel_loop3A_342 = arith.subi %parallel_loop3A_340, %parallel_loop3A_341 : vector<16xi32>
        %parallel_loop3A_343 = tpu.dynamic_gather %parallel_loop3A_332[%parallel_loop3A_342] in [0] : vector<16xf32>, vector<16xi32> -> vector<16xf32>
        %parallel_loop3A_344 = arith.constant true
        %parallel_loop3A_345 = vector.broadcast %parallel_loop3A_344 : i1 to vector<16xi1>
        %parallel_loop3A_346 = tpu.scan <sum>, %parallel_loop3A_343 masked %parallel_loop3A_345 : vector<16xf32>, vector<16xi1> -> vector<16xf32>
        %parallel_loop3A_347 = vector.broadcast %parallel_loop3A_185 : f32 to vector<16xf32>
        %parallel_loop3A_348 = arith.addf %parallel_loop3A_347, %parallel_loop3A_346 : vector<16xf32>
        %parallel_loop3A_349 = vector.broadcast %scan3A : f32 to vector<16xf32>
        %parallel_loop3A_350 = arith.cmpf oge, %parallel_loop3A_348, %parallel_loop3A_349 : vector<16xf32>
        %parallel_loop3A_351 = tpu.all_reduce %parallel_loop3A_350 {dim = 0 : i64, kind = #tpu.reduction_kind<find_first_set>} : vector<16xi1> -> vector<16xi32>
        %parallel_loop3A_352 = arith.constant true
        %parallel_loop3A_353 = vector.broadcast %parallel_loop3A_352 : i1 to vector<16xi1>
        %parallel_loop3A_354 = arith.constant -2147483648 : i32
        %parallel_loop3A_355 = vector.broadcast %parallel_loop3A_354 : i32 to vector<16xi32>
        %parallel_loop3A_356 = arith.xori %parallel_loop3A_351, %parallel_loop3A_355 : vector<16xi32>
        %parallel_loop3A_357 = tpu.scan <max>, %parallel_loop3A_356 masked %parallel_loop3A_353 : vector<16xi32>, vector<16xi1> -> vector<16xi32>
        %parallel_loop3A_358 = arith.xori %parallel_loop3A_357, %parallel_loop3A_355 : vector<16xi32>
        %parallel_loop3A_359 = vector.extract %parallel_loop3A_358[15] : i32 from vector<16xi32>
        %parallel_loop3A_360 = arith.constant true
        %parallel_loop3A_361 = arith.xori %parallel_loop3A_186, %parallel_loop3A_360 : i1
        %parallel_loop3A_362 = arith.addf %parallel_loop3A_185, %parallel_loop3A_338 : f32
        %parallel_loop3A_363 = arith.cmpf oge, %parallel_loop3A_362, %scan3A : f32
        %parallel_loop3A_364 = arith.andi %parallel_loop3A_361, %parallel_loop3A_363 : i1
        %parallel_loop3A_365 = tpu.iota {dimensions = array<i32: 0>} : vector<16xi32>
        %parallel_loop3A_366 = vector.broadcast %parallel_loop3A_359 : i32 to vector<16xi32>
        %parallel_loop3A_367 = arith.cmpi eq, %parallel_loop3A_365, %parallel_loop3A_366 : vector<16xi32>
        %parallel_loop3A_368 = arith.constant 0.000000e+00 : f32
        %parallel_loop3A_369 = vector.broadcast %parallel_loop3A_368 : f32 to vector<16xf32>
        %parallel_loop3A_370 = arith.select %parallel_loop3A_367, %parallel_loop3A_346, %parallel_loop3A_369 : vector<16xi1>, vector<16xf32>
        %parallel_loop3A_371 = arith.constant true
        %parallel_loop3A_372 = vector.broadcast %parallel_loop3A_371 : i1 to vector<16xi1>
        %parallel_loop3A_373 = tpu.scan <sum>, %parallel_loop3A_370 masked %parallel_loop3A_372 : vector<16xf32>, vector<16xi1> -> vector<16xf32>
        %parallel_loop3A_374 = vector.extract %parallel_loop3A_373[15] : f32 from vector<16xf32>
        %parallel_loop3A_375 = tpu.iota {dimensions = array<i32: 0>} : vector<16xi32>
        %parallel_loop3A_376 = vector.broadcast %parallel_loop3A_359 : i32 to vector<16xi32>
        %parallel_loop3A_377 = arith.cmpi eq, %parallel_loop3A_375, %parallel_loop3A_376 : vector<16xi32>
        %parallel_loop3A_378 = arith.constant 0.000000e+00 : f32
        %parallel_loop3A_379 = vector.broadcast %parallel_loop3A_378 : f32 to vector<16xf32>
        %parallel_loop3A_380 = arith.select %parallel_loop3A_377, %parallel_loop3A_343, %parallel_loop3A_379 : vector<16xi1>, vector<16xf32>
        %parallel_loop3A_381 = arith.constant true
        %parallel_loop3A_382 = vector.broadcast %parallel_loop3A_381 : i1 to vector<16xi1>
        %parallel_loop3A_383 = tpu.scan <sum>, %parallel_loop3A_380 masked %parallel_loop3A_382 : vector<16xf32>, vector<16xi1> -> vector<16xf32>
        %parallel_loop3A_384 = vector.extract %parallel_loop3A_383[15] : f32 from vector<16xf32>
        %parallel_loop3A_385 = arith.constant 16 : i32
        %parallel_loop3A_386 = arith.muli %parallel_loop3A_190, %parallel_loop3A_385 : i32
        %parallel_loop3A_387 = arith.constant 15 : i32
        %parallel_loop3A_388 = arith.subi %parallel_loop3A_387, %parallel_loop3A_359 : i32
        %parallel_loop3A_389 = arith.addi %parallel_loop3A_386, %parallel_loop3A_388 : i32
        %parallel_loop3A_390 = arith.select %parallel_loop3A_364, %parallel_loop3A_389, %parallel_loop3A_187 : i32
        %parallel_loop3A_391 = arith.addf %parallel_loop3A_185, %parallel_loop3A_374 : f32
        %parallel_loop3A_392 = arith.subf %parallel_loop3A_391, %parallel_loop3A_384 : f32
        %parallel_loop3A_393 = arith.select %parallel_loop3A_364, %parallel_loop3A_392, %parallel_loop3A_188 : f32
        %parallel_loop3A_394 = arith.addf %parallel_loop3A_185, %parallel_loop3A_338 : f32
        %parallel_loop3A_395 = arith.select %parallel_loop3A_186, %parallel_loop3A_185, %parallel_loop3A_394 : f32
        %parallel_loop3A_396 = arith.ori %parallel_loop3A_186, %parallel_loop3A_364 : i1
        scf.yield %parallel_loop3A_395, %parallel_loop3A_396, %parallel_loop3A_390, %parallel_loop3A_393 : f32, i1, i32, f32
      } {sc.loop_unroll_factor = 1 : i64, sc.parallel_access}
      %sub3A_101 = arith.subf %scan3A, %parallel_loop3A_100#3 : f32
      %broadcast_in_dim3A_102 = arith.constant 0 : i32
      %broadcast_in_dim3A_103 = vector.broadcast %broadcast_in_dim3A_102 : i32 to vector<16xi32>
      %add3A_104 = vector.broadcast %parallel_loop3A_100#2 : i32 to vector<16xi32>
      %add3A_105 = arith.addi %broadcast_in_dim3A_103, %add3A_104 : vector<16xi32>
      %parallel_loop3A_106 = arith.constant 0 : i32
      %parallel_loop3A_107 = arith.constant 6250 : i32
      %parallel_loop3A_108 = arith.constant 10 : i32
      %parallel_loop3A_109:10 = scf.for %parallel_loop3A_184 = %parallel_loop3A_106 to %parallel_loop3A_107 step %parallel_loop3A_108 iter_args(%parallel_loop3A_185 = %broadcast_in_dim3A_9, %parallel_loop3A_186 = %broadcast_in_dim3A_9, %parallel_loop3A_187 = %broadcast_in_dim3A_9, %parallel_loop3A_188 = %broadcast_in_dim3A_9, %parallel_loop3A_189 = %broadcast_in_dim3A_9, %parallel_loop3A_190 = %broadcast_in_dim3A_9, %parallel_loop3A_191 = %broadcast_in_dim3A_9, %parallel_loop3A_192 = %broadcast_in_dim3A_9, %parallel_loop3A_193 = %broadcast_in_dim3A_9, %parallel_loop3A_194 = %broadcast_in_dim3A_9) -> (vector<16xf32>, vector<16xf32>, vector<16xf32>, vector<16xf32>, vector<16xf32>, vector<16xf32>, vector<16xf32>, vector<16xf32>, vector<16xf32>, vector<16xf32>)  : i32 {
        %parallel_loop3A_195 = arith.constant 16 : i32
        %parallel_loop3A_196 = arith.muli %parallel_loop3A_184, %parallel_loop3A_195 : i32
        %parallel_loop3A_197 = arith.constant 0 : i32
        %parallel_loop3A_198 = arith.addi %parallel_loop3A_196, %parallel_loop3A_197 : i32
        %parallel_loop3A_199 = arith.index_cast %parallel_loop3A_198 : i32 to index
        %parallel_loop3A_200 = tpu.vector_load %arg5[%parallel_loop3A_199] {strides = array<i32>} : memref<100000xf32, #tpu.memory_space<vmem>>, vector<16xf32>,
        %parallel_loop3A_201 = vector.bitcast %parallel_loop3A_200 : vector<16xf32> to vector<16xi32>
        %parallel_loop3A_202 = arith.constant 31 : i32
        %parallel_loop3A_203 = vector.broadcast %parallel_loop3A_202 : i32 to vector<16xi32>
        %parallel_loop3A_204 = arith.shrui %parallel_loop3A_201, %parallel_loop3A_203 : vector<16xi32>
        %parallel_loop3A_205 = arith.constant 1 : i32
        %parallel_loop3A_206 = vector.broadcast %parallel_loop3A_205 : i32 to vector<16xi32>
        %parallel_loop3A_207 = arith.cmpi eq, %parallel_loop3A_204, %parallel_loop3A_206 : vector<16xi32>
        %parallel_loop3A_208 = arith.constant -1 : i32
        %parallel_loop3A_209 = arith.constant -2147483648 : i32
        %parallel_loop3A_210 = vector.broadcast %parallel_loop3A_208 : i32 to vector<16xi32>
        %parallel_loop3A_211 = vector.broadcast %parallel_loop3A_209 : i32 to vector<16xi32>
        %parallel_loop3A_212 = arith.select %parallel_loop3A_207, %parallel_loop3A_210, %parallel_loop3A_211 : vector<16xi1>, vector<16xi32>
        %parallel_loop3A_213 = arith.xori %parallel_loop3A_201, %parallel_loop3A_212 : vector<16xi32>
        %parallel_loop3A_214 = arith.constant 23 : i32
        %parallel_loop3A_215 = vector.broadcast %parallel_loop3A_214 : i32 to vector<16xi32>
        %parallel_loop3A_216 = arith.shrui %parallel_loop3A_213, %parallel_loop3A_215 : vector<16xi32>
        %parallel_loop3A_217 = vector.bitcast %parallel_loop3A_216 : vector<16xi32> to vector<16xi32>
        %parallel_loop3A_218 = arith.cmpi sgt, %parallel_loop3A_217, %add3A_105 : vector<16xi32>
        %parallel_loop3A_219 = arith.mulf %parallel_loop3A_200, %parallel_loop3A_200 : vector<16xf32>
        %parallel_loop3A_220 = arith.select %parallel_loop3A_218, %parallel_loop3A_200, %broadcast_in_dim3A_9 : vector<16xi1>, vector<16xf32>
        %parallel_loop3A_221 = arith.addf %parallel_loop3A_185, %parallel_loop3A_220 : vector<16xf32>
        %parallel_loop3A_222 = arith.select %parallel_loop3A_218, %parallel_loop3A_219, %broadcast_in_dim3A_9 : vector<16xi1>, vector<16xf32>
        %parallel_loop3A_223 = arith.addf %parallel_loop3A_186, %parallel_loop3A_222 : vector<16xf32>
        %parallel_loop3A_224 = arith.cmpi eq, %parallel_loop3A_217, %add3A_105 : vector<16xi32>
        %parallel_loop3A_225 = arith.constant 15 : i32
        %parallel_loop3A_226 = vector.broadcast %parallel_loop3A_225 : i32 to vector<16xi32>
        %parallel_loop3A_227 = arith.shrui %parallel_loop3A_213, %parallel_loop3A_226 : vector<16xi32>
        %parallel_loop3A_228 = arith.constant 255 : i32
        %parallel_loop3A_229 = vector.broadcast %parallel_loop3A_228 : i32 to vector<16xi32>
        %parallel_loop3A_230 = arith.andi %parallel_loop3A_227, %parallel_loop3A_229 : vector<16xi32>
        %parallel_loop3A_231 = vector.bitcast %parallel_loop3A_230 : vector<16xi32> to vector<16xi32>
        %parallel_loop3A_232 = arith.addi %parallel_loop3A_231, %mul3A_6 : vector<16xi32>
        tpu.vector_store_idx %arg7[%parallel_loop3A_232], %broadcast_in_dim3A_7 masked %parallel_loop3A_224 {add = true} : memref<8192xf32, #tpu.memory_space<vmem>>[vector<16xi32>], vector<16xf32>, vector<16xi1>
        %parallel_loop3A_233 = arith.constant 4096 : i32
        %parallel_loop3A_234 = vector.broadcast %parallel_loop3A_233 : i32 to vector<16xi32>
        %parallel_loop3A_235 = arith.addi %parallel_loop3A_232, %parallel_loop3A_234 : vector<16xi32>
        tpu.vector_store_idx %arg7[%parallel_loop3A_235], %parallel_loop3A_200 masked %parallel_loop3A_224 {add = true} : memref<8192xf32, #tpu.memory_space<vmem>>[vector<16xi32>], vector<16xf32>, vector<16xi1>
        %parallel_loop3A_236 = arith.constant 16 : i32
        %parallel_loop3A_237 = arith.muli %parallel_loop3A_184, %parallel_loop3A_236 : i32
        %parallel_loop3A_238 = arith.constant 16 : i32
        %parallel_loop3A_239 = arith.addi %parallel_loop3A_237, %parallel_loop3A_238 : i32
        %parallel_loop3A_240 = arith.index_cast %parallel_loop3A_239 : i32 to index
        %parallel_loop3A_241 = tpu.vector_load %arg5[%parallel_loop3A_240] {strides = array<i32>} : memref<100000xf32, #tpu.memory_space<vmem>>, vector<16xf32>,
        %parallel_loop3A_242 = vector.bitcast %parallel_loop3A_241 : vector<16xf32> to vector<16xi32>
        %parallel_loop3A_243 = arith.constant 31 : i32
        %parallel_loop3A_244 = vector.broadcast %parallel_loop3A_243 : i32 to vector<16xi32>
        %parallel_loop3A_245 = arith.shrui %parallel_loop3A_242, %parallel_loop3A_244 : vector<16xi32>
        %parallel_loop3A_246 = arith.constant 1 : i32
        %parallel_loop3A_247 = vector.broadcast %parallel_loop3A_246 : i32 to vector<16xi32>
        %parallel_loop3A_248 = arith.cmpi eq, %parallel_loop3A_245, %parallel_loop3A_247 : vector<16xi32>
        %parallel_loop3A_249 = arith.constant -1 : i32
        %parallel_loop3A_250 = arith.constant -2147483648 : i32
        %parallel_loop3A_251 = vector.broadcast %parallel_loop3A_249 : i32 to vector<16xi32>
        %parallel_loop3A_252 = vector.broadcast %parallel_loop3A_250 : i32 to vector<16xi32>
        %parallel_loop3A_253 = arith.select %parallel_loop3A_248, %parallel_loop3A_251, %parallel_loop3A_252 : vector<16xi1>, vector<16xi32>
        %parallel_loop3A_254 = arith.xori %parallel_loop3A_242, %parallel_loop3A_253 : vector<16xi32>
        %parallel_loop3A_255 = arith.constant 23 : i32
        %parallel_loop3A_256 = vector.broadcast %parallel_loop3A_255 : i32 to vector<16xi32>
        %parallel_loop3A_257 = arith.shrui %parallel_loop3A_254, %parallel_loop3A_256 : vector<16xi32>
        %parallel_loop3A_258 = vector.bitcast %parallel_loop3A_257 : vector<16xi32> to vector<16xi32>
        %parallel_loop3A_259 = arith.cmpi sgt, %parallel_loop3A_258, %add3A_105 : vector<16xi32>
        %parallel_loop3A_260 = arith.mulf %parallel_loop3A_241, %parallel_loop3A_241 : vector<16xf32>
        %parallel_loop3A_261 = arith.select %parallel_loop3A_259, %parallel_loop3A_241, %broadcast_in_dim3A_9 : vector<16xi1>, vector<16xf32>
        %parallel_loop3A_262 = arith.addf %parallel_loop3A_187, %parallel_loop3A_261 : vector<16xf32>
        %parallel_loop3A_263 = arith.select %parallel_loop3A_259, %parallel_loop3A_260, %broadcast_in_dim3A_9 : vector<16xi1>, vector<16xf32>
        %parallel_loop3A_264 = arith.addf %parallel_loop3A_188, %parallel_loop3A_263 : vector<16xf32>
        %parallel_loop3A_265 = arith.cmpi eq, %parallel_loop3A_258, %add3A_105 : vector<16xi32>
        %parallel_loop3A_266 = arith.constant 15 : i32
        %parallel_loop3A_267 = vector.broadcast %parallel_loop3A_266 : i32 to vector<16xi32>
        %parallel_loop3A_268 = arith.shrui %parallel_loop3A_254, %parallel_loop3A_267 : vector<16xi32>
        %parallel_loop3A_269 = arith.constant 255 : i32
        %parallel_loop3A_270 = vector.broadcast %parallel_loop3A_269 : i32 to vector<16xi32>
        %parallel_loop3A_271 = arith.andi %parallel_loop3A_268, %parallel_loop3A_270 : vector<16xi32>
        %parallel_loop3A_272 = vector.bitcast %parallel_loop3A_271 : vector<16xi32> to vector<16xi32>
        %parallel_loop3A_273 = arith.addi %parallel_loop3A_272, %mul3A_6 : vector<16xi32>
        tpu.vector_store_idx %arg7[%parallel_loop3A_273], %broadcast_in_dim3A_7 masked %parallel_loop3A_265 {add = true} : memref<8192xf32, #tpu.memory_space<vmem>>[vector<16xi32>], vector<16xf32>, vector<16xi1>
        %parallel_loop3A_274 = arith.constant 4096 : i32
        %parallel_loop3A_275 = vector.broadcast %parallel_loop3A_274 : i32 to vector<16xi32>
        %parallel_loop3A_276 = arith.addi %parallel_loop3A_273, %parallel_loop3A_275 : vector<16xi32>
        tpu.vector_store_idx %arg7[%parallel_loop3A_276], %parallel_loop3A_241 masked %parallel_loop3A_265 {add = true} : memref<8192xf32, #tpu.memory_space<vmem>>[vector<16xi32>], vector<16xf32>, vector<16xi1>
        %parallel_loop3A_277 = arith.constant 16 : i32
        %parallel_loop3A_278 = arith.muli %parallel_loop3A_184, %parallel_loop3A_277 : i32
        %parallel_loop3A_279 = arith.constant 32 : i32
        %parallel_loop3A_280 = arith.addi %parallel_loop3A_278, %parallel_loop3A_279 : i32
        %parallel_loop3A_281 = arith.index_cast %parallel_loop3A_280 : i32 to index
        %parallel_loop3A_282 = tpu.vector_load %arg5[%parallel_loop3A_281] {strides = array<i32>} : memref<100000xf32, #tpu.memory_space<vmem>>, vector<16xf32>,
        %parallel_loop3A_283 = vector.bitcast %parallel_loop3A_282 : vector<16xf32> to vector<16xi32>
        %parallel_loop3A_284 = arith.constant 31 : i32
        %parallel_loop3A_285 = vector.broadcast %parallel_loop3A_284 : i32 to vector<16xi32>
        %parallel_loop3A_286 = arith.shrui %parallel_loop3A_283, %parallel_loop3A_285 : vector<16xi32>
        %parallel_loop3A_287 = arith.constant 1 : i32
        %parallel_loop3A_288 = vector.broadcast %parallel_loop3A_287 : i32 to vector<16xi32>
        %parallel_loop3A_289 = arith.cmpi eq, %parallel_loop3A_286, %parallel_loop3A_288 : vector<16xi32>
        %parallel_loop3A_290 = arith.constant -1 : i32
        %parallel_loop3A_291 = arith.constant -2147483648 : i32
        %parallel_loop3A_292 = vector.broadcast %parallel_loop3A_290 : i32 to vector<16xi32>
        %parallel_loop3A_293 = vector.broadcast %parallel_loop3A_291 : i32 to vector<16xi32>
        %parallel_loop3A_294 = arith.select %parallel_loop3A_289, %parallel_loop3A_292, %parallel_loop3A_293 : vector<16xi1>, vector<16xi32>
        %parallel_loop3A_295 = arith.xori %parallel_loop3A_283, %parallel_loop3A_294 : vector<16xi32>
        %parallel_loop3A_296 = arith.constant 23 : i32
        %parallel_loop3A_297 = vector.broadcast %parallel_loop3A_296 : i32 to vector<16xi32>
        %parallel_loop3A_298 = arith.shrui %parallel_loop3A_295, %parallel_loop3A_297 : vector<16xi32>
        %parallel_loop3A_299 = vector.bitcast %parallel_loop3A_298 : vector<16xi32> to vector<16xi32>
        %parallel_loop3A_300 = arith.cmpi sgt, %parallel_loop3A_299, %add3A_105 : vector<16xi32>
        %parallel_loop3A_301 = arith.mulf %parallel_loop3A_282, %parallel_loop3A_282 : vector<16xf32>
        %parallel_loop3A_302 = arith.select %parallel_loop3A_300, %parallel_loop3A_282, %broadcast_in_dim3A_9 : vector<16xi1>, vector<16xf32>
        %parallel_loop3A_303 = arith.addf %parallel_loop3A_189, %parallel_loop3A_302 : vector<16xf32>
        %parallel_loop3A_304 = arith.select %parallel_loop3A_300, %parallel_loop3A_301, %broadcast_in_dim3A_9 : vector<16xi1>, vector<16xf32>
        %parallel_loop3A_305 = arith.addf %parallel_loop3A_190, %parallel_loop3A_304 : vector<16xf32>
        %parallel_loop3A_306 = arith.cmpi eq, %parallel_loop3A_299, %add3A_105 : vector<16xi32>
        %parallel_loop3A_307 = arith.constant 15 : i32
        %parallel_loop3A_308 = vector.broadcast %parallel_loop3A_307 : i32 to vector<16xi32>
        %parallel_loop3A_309 = arith.shrui %parallel_loop3A_295, %parallel_loop3A_308 : vector<16xi32>
        %parallel_loop3A_310 = arith.constant 255 : i32
        %parallel_loop3A_311 = vector.broadcast %parallel_loop3A_310 : i32 to vector<16xi32>
        %parallel_loop3A_312 = arith.andi %parallel_loop3A_309, %parallel_loop3A_311 : vector<16xi32>
        %parallel_loop3A_313 = vector.bitcast %parallel_loop3A_312 : vector<16xi32> to vector<16xi32>
        %parallel_loop3A_314 = arith.addi %parallel_loop3A_313, %mul3A_6 : vector<16xi32>
        tpu.vector_store_idx %arg7[%parallel_loop3A_314], %broadcast_in_dim3A_7 masked %parallel_loop3A_306 {add = true} : memref<8192xf32, #tpu.memory_space<vmem>>[vector<16xi32>], vector<16xf32>, vector<16xi1>
        %parallel_loop3A_315 = arith.constant 4096 : i32
        %parallel_loop3A_316 = vector.broadcast %parallel_loop3A_315 : i32 to vector<16xi32>
        %parallel_loop3A_317 = arith.addi %parallel_loop3A_314, %parallel_loop3A_316 : vector<16xi32>
        tpu.vector_store_idx %arg7[%parallel_loop3A_317], %parallel_loop3A_282 masked %parallel_loop3A_306 {add = true} : memref<8192xf32, #tpu.memory_space<vmem>>[vector<16xi32>], vector<16xf32>, vector<16xi1>
        %parallel_loop3A_318 = arith.constant 16 : i32
        %parallel_loop3A_319 = arith.muli %parallel_loop3A_184, %parallel_loop3A_318 : i32
        %parallel_loop3A_320 = arith.constant 48 : i32
        %parallel_loop3A_321 = arith.addi %parallel_loop3A_319, %parallel_loop3A_320 : i32
        %parallel_loop3A_322 = arith.index_cast %parallel_loop3A_321 : i32 to index
        %parallel_loop3A_323 = tpu.vector_load %arg5[%parallel_loop3A_322] {strides = array<i32>} : memref<100000xf32, #tpu.memory_space<vmem>>, vector<16xf32>,
        %parallel_loop3A_324 = vector.bitcast %parallel_loop3A_323 : vector<16xf32> to vector<16xi32>
        %parallel_loop3A_325 = arith.constant 31 : i32
        %parallel_loop3A_326 = vector.broadcast %parallel_loop3A_325 : i32 to vector<16xi32>
        %parallel_loop3A_327 = arith.shrui %parallel_loop3A_324, %parallel_loop3A_326 : vector<16xi32>
        %parallel_loop3A_328 = arith.constant 1 : i32
        %parallel_loop3A_329 = vector.broadcast %parallel_loop3A_328 : i32 to vector<16xi32>
        %parallel_loop3A_330 = arith.cmpi eq, %parallel_loop3A_327, %parallel_loop3A_329 : vector<16xi32>
        %parallel_loop3A_331 = arith.constant -1 : i32
        %parallel_loop3A_332 = arith.constant -2147483648 : i32
        %parallel_loop3A_333 = vector.broadcast %parallel_loop3A_331 : i32 to vector<16xi32>
        %parallel_loop3A_334 = vector.broadcast %parallel_loop3A_332 : i32 to vector<16xi32>
        %parallel_loop3A_335 = arith.select %parallel_loop3A_330, %parallel_loop3A_333, %parallel_loop3A_334 : vector<16xi1>, vector<16xi32>
        %parallel_loop3A_336 = arith.xori %parallel_loop3A_324, %parallel_loop3A_335 : vector<16xi32>
        %parallel_loop3A_337 = arith.constant 23 : i32
        %parallel_loop3A_338 = vector.broadcast %parallel_loop3A_337 : i32 to vector<16xi32>
        %parallel_loop3A_339 = arith.shrui %parallel_loop3A_336, %parallel_loop3A_338 : vector<16xi32>
        %parallel_loop3A_340 = vector.bitcast %parallel_loop3A_339 : vector<16xi32> to vector<16xi32>
        %parallel_loop3A_341 = arith.cmpi sgt, %parallel_loop3A_340, %add3A_105 : vector<16xi32>
        %parallel_loop3A_342 = arith.mulf %parallel_loop3A_323, %parallel_loop3A_323 : vector<16xf32>
        %parallel_loop3A_343 = arith.select %parallel_loop3A_341, %parallel_loop3A_323, %broadcast_in_dim3A_9 : vector<16xi1>, vector<16xf32>
        %parallel_loop3A_344 = arith.addf %parallel_loop3A_191, %parallel_loop3A_343 : vector<16xf32>
        %parallel_loop3A_345 = arith.select %parallel_loop3A_341, %parallel_loop3A_342, %broadcast_in_dim3A_9 : vector<16xi1>, vector<16xf32>
        %parallel_loop3A_346 = arith.addf %parallel_loop3A_192, %parallel_loop3A_345 : vector<16xf32>
        %parallel_loop3A_347 = arith.cmpi eq, %parallel_loop3A_340, %add3A_105 : vector<16xi32>
        %parallel_loop3A_348 = arith.constant 15 : i32
        %parallel_loop3A_349 = vector.broadcast %parallel_loop3A_348 : i32 to vector<16xi32>
        %parallel_loop3A_350 = arith.shrui %parallel_loop3A_336, %parallel_loop3A_349 : vector<16xi32>
        %parallel_loop3A_351 = arith.constant 255 : i32
        %parallel_loop3A_352 = vector.broadcast %parallel_loop3A_351 : i32 to vector<16xi32>
        %parallel_loop3A_353 = arith.andi %parallel_loop3A_350, %parallel_loop3A_352 : vector<16xi32>
        %parallel_loop3A_354 = vector.bitcast %parallel_loop3A_353 : vector<16xi32> to vector<16xi32>
        %parallel_loop3A_355 = arith.addi %parallel_loop3A_354, %mul3A_6 : vector<16xi32>
        tpu.vector_store_idx %arg7[%parallel_loop3A_355], %broadcast_in_dim3A_7 masked %parallel_loop3A_347 {add = true} : memref<8192xf32, #tpu.memory_space<vmem>>[vector<16xi32>], vector<16xf32>, vector<16xi1>
        %parallel_loop3A_356 = arith.constant 4096 : i32
        %parallel_loop3A_357 = vector.broadcast %parallel_loop3A_356 : i32 to vector<16xi32>
        %parallel_loop3A_358 = arith.addi %parallel_loop3A_355, %parallel_loop3A_357 : vector<16xi32>
        tpu.vector_store_idx %arg7[%parallel_loop3A_358], %parallel_loop3A_323 masked %parallel_loop3A_347 {add = true} : memref<8192xf32, #tpu.memory_space<vmem>>[vector<16xi32>], vector<16xf32>, vector<16xi1>
        %parallel_loop3A_359 = arith.constant 16 : i32
        %parallel_loop3A_360 = arith.muli %parallel_loop3A_184, %parallel_loop3A_359 : i32
        %parallel_loop3A_361 = arith.constant 64 : i32
        %parallel_loop3A_362 = arith.addi %parallel_loop3A_360, %parallel_loop3A_361 : i32
        %parallel_loop3A_363 = arith.index_cast %parallel_loop3A_362 : i32 to index
        %parallel_loop3A_364 = tpu.vector_load %arg5[%parallel_loop3A_363] {strides = array<i32>} : memref<100000xf32, #tpu.memory_space<vmem>>, vector<16xf32>,
        %parallel_loop3A_365 = vector.bitcast %parallel_loop3A_364 : vector<16xf32> to vector<16xi32>
        %parallel_loop3A_366 = arith.constant 31 : i32
        %parallel_loop3A_367 = vector.broadcast %parallel_loop3A_366 : i32 to vector<16xi32>
        %parallel_loop3A_368 = arith.shrui %parallel_loop3A_365, %parallel_loop3A_367 : vector<16xi32>
        %parallel_loop3A_369 = arith.constant 1 : i32
        %parallel_loop3A_370 = vector.broadcast %parallel_loop3A_369 : i32 to vector<16xi32>
        %parallel_loop3A_371 = arith.cmpi eq, %parallel_loop3A_368, %parallel_loop3A_370 : vector<16xi32>
        %parallel_loop3A_372 = arith.constant -1 : i32
        %parallel_loop3A_373 = arith.constant -2147483648 : i32
        %parallel_loop3A_374 = vector.broadcast %parallel_loop3A_372 : i32 to vector<16xi32>
        %parallel_loop3A_375 = vector.broadcast %parallel_loop3A_373 : i32 to vector<16xi32>
        %parallel_loop3A_376 = arith.select %parallel_loop3A_371, %parallel_loop3A_374, %parallel_loop3A_375 : vector<16xi1>, vector<16xi32>
        %parallel_loop3A_377 = arith.xori %parallel_loop3A_365, %parallel_loop3A_376 : vector<16xi32>
        %parallel_loop3A_378 = arith.constant 23 : i32
        %parallel_loop3A_379 = vector.broadcast %parallel_loop3A_378 : i32 to vector<16xi32>
        %parallel_loop3A_380 = arith.shrui %parallel_loop3A_377, %parallel_loop3A_379 : vector<16xi32>
        %parallel_loop3A_381 = vector.bitcast %parallel_loop3A_380 : vector<16xi32> to vector<16xi32>
        %parallel_loop3A_382 = arith.cmpi sgt, %parallel_loop3A_381, %add3A_105 : vector<16xi32>
        %parallel_loop3A_383 = arith.mulf %parallel_loop3A_364, %parallel_loop3A_364 : vector<16xf32>
        %parallel_loop3A_384 = arith.select %parallel_loop3A_382, %parallel_loop3A_364, %broadcast_in_dim3A_9 : vector<16xi1>, vector<16xf32>
        %parallel_loop3A_385 = arith.addf %parallel_loop3A_193, %parallel_loop3A_384 : vector<16xf32>
        %parallel_loop3A_386 = arith.select %parallel_loop3A_382, %parallel_loop3A_383, %broadcast_in_dim3A_9 : vector<16xi1>, vector<16xf32>
        %parallel_loop3A_387 = arith.addf %parallel_loop3A_194, %parallel_loop3A_386 : vector<16xf32>
        %parallel_loop3A_388 = arith.cmpi eq, %parallel_loop3A_381, %add3A_105 : vector<16xi32>
        %parallel_loop3A_389 = arith.constant 15 : i32
        %parallel_loop3A_390 = vector.broadcast %parallel_loop3A_389 : i32 to vector<16xi32>
        %parallel_loop3A_391 = arith.shrui %parallel_loop3A_377, %parallel_loop3A_390 : vector<16xi32>
        %parallel_loop3A_392 = arith.constant 255 : i32
        %parallel_loop3A_393 = vector.broadcast %parallel_loop3A_392 : i32 to vector<16xi32>
        %parallel_loop3A_394 = arith.andi %parallel_loop3A_391, %parallel_loop3A_393 : vector<16xi32>
        %parallel_loop3A_395 = vector.bitcast %parallel_loop3A_394 : vector<16xi32> to vector<16xi32>
        %parallel_loop3A_396 = arith.addi %parallel_loop3A_395, %mul3A_6 : vector<16xi32>
        tpu.vector_store_idx %arg7[%parallel_loop3A_396], %broadcast_in_dim3A_7 masked %parallel_loop3A_388 {add = true} : memref<8192xf32, #tpu.memory_space<vmem>>[vector<16xi32>], vector<16xf32>, vector<16xi1>
        %parallel_loop3A_397 = arith.constant 4096 : i32
        %parallel_loop3A_398 = vector.broadcast %parallel_loop3A_397 : i32 to vector<16xi32>
        %parallel_loop3A_399 = arith.addi %parallel_loop3A_396, %parallel_loop3A_398 : vector<16xi32>
        tpu.vector_store_idx %arg7[%parallel_loop3A_399], %parallel_loop3A_364 masked %parallel_loop3A_388 {add = true} : memref<8192xf32, #tpu.memory_space<vmem>>[vector<16xi32>], vector<16xf32>, vector<16xi1>
        %parallel_loop3A_400 = arith.constant 16 : i32
        %parallel_loop3A_401 = arith.muli %parallel_loop3A_184, %parallel_loop3A_400 : i32
        %parallel_loop3A_402 = arith.constant 80 : i32
        %parallel_loop3A_403 = arith.addi %parallel_loop3A_401, %parallel_loop3A_402 : i32
        %parallel_loop3A_404 = arith.index_cast %parallel_loop3A_403 : i32 to index
        %parallel_loop3A_405 = tpu.vector_load %arg5[%parallel_loop3A_404] {strides = array<i32>} : memref<100000xf32, #tpu.memory_space<vmem>>, vector<16xf32>,
        %parallel_loop3A_406 = vector.bitcast %parallel_loop3A_405 : vector<16xf32> to vector<16xi32>
        %parallel_loop3A_407 = arith.constant 31 : i32
        %parallel_loop3A_408 = vector.broadcast %parallel_loop3A_407 : i32 to vector<16xi32>
        %parallel_loop3A_409 = arith.shrui %parallel_loop3A_406, %parallel_loop3A_408 : vector<16xi32>
        %parallel_loop3A_410 = arith.constant 1 : i32
        %parallel_loop3A_411 = vector.broadcast %parallel_loop3A_410 : i32 to vector<16xi32>
        %parallel_loop3A_412 = arith.cmpi eq, %parallel_loop3A_409, %parallel_loop3A_411 : vector<16xi32>
        %parallel_loop3A_413 = arith.constant -1 : i32
        %parallel_loop3A_414 = arith.constant -2147483648 : i32
        %parallel_loop3A_415 = vector.broadcast %parallel_loop3A_413 : i32 to vector<16xi32>
        %parallel_loop3A_416 = vector.broadcast %parallel_loop3A_414 : i32 to vector<16xi32>
        %parallel_loop3A_417 = arith.select %parallel_loop3A_412, %parallel_loop3A_415, %parallel_loop3A_416 : vector<16xi1>, vector<16xi32>
        %parallel_loop3A_418 = arith.xori %parallel_loop3A_406, %parallel_loop3A_417 : vector<16xi32>
        %parallel_loop3A_419 = arith.constant 23 : i32
        %parallel_loop3A_420 = vector.broadcast %parallel_loop3A_419 : i32 to vector<16xi32>
        %parallel_loop3A_421 = arith.shrui %parallel_loop3A_418, %parallel_loop3A_420 : vector<16xi32>
        %parallel_loop3A_422 = vector.bitcast %parallel_loop3A_421 : vector<16xi32> to vector<16xi32>
        %parallel_loop3A_423 = arith.cmpi sgt, %parallel_loop3A_422, %add3A_105 : vector<16xi32>
        %parallel_loop3A_424 = arith.mulf %parallel_loop3A_405, %parallel_loop3A_405 : vector<16xf32>
        %parallel_loop3A_425 = arith.select %parallel_loop3A_423, %parallel_loop3A_405, %broadcast_in_dim3A_9 : vector<16xi1>, vector<16xf32>
        %parallel_loop3A_426 = arith.addf %parallel_loop3A_221, %parallel_loop3A_425 : vector<16xf32>
        %parallel_loop3A_427 = arith.select %parallel_loop3A_423, %parallel_loop3A_424, %broadcast_in_dim3A_9 : vector<16xi1>, vector<16xf32>
        %parallel_loop3A_428 = arith.addf %parallel_loop3A_223, %parallel_loop3A_427 : vector<16xf32>
        %parallel_loop3A_429 = arith.cmpi eq, %parallel_loop3A_422, %add3A_105 : vector<16xi32>
        %parallel_loop3A_430 = arith.constant 15 : i32
        %parallel_loop3A_431 = vector.broadcast %parallel_loop3A_430 : i32 to vector<16xi32>
        %parallel_loop3A_432 = arith.shrui %parallel_loop3A_418, %parallel_loop3A_431 : vector<16xi32>
        %parallel_loop3A_433 = arith.constant 255 : i32
        %parallel_loop3A_434 = vector.broadcast %parallel_loop3A_433 : i32 to vector<16xi32>
        %parallel_loop3A_435 = arith.andi %parallel_loop3A_432, %parallel_loop3A_434 : vector<16xi32>
        %parallel_loop3A_436 = vector.bitcast %parallel_loop3A_435 : vector<16xi32> to vector<16xi32>
        %parallel_loop3A_437 = arith.addi %parallel_loop3A_436, %mul3A_6 : vector<16xi32>
        tpu.vector_store_idx %arg7[%parallel_loop3A_437], %broadcast_in_dim3A_7 masked %parallel_loop3A_429 {add = true} : memref<8192xf32, #tpu.memory_space<vmem>>[vector<16xi32>], vector<16xf32>, vector<16xi1>
        %parallel_loop3A_438 = arith.constant 4096 : i32
        %parallel_loop3A_439 = vector.broadcast %parallel_loop3A_438 : i32 to vector<16xi32>
        %parallel_loop3A_440 = arith.addi %parallel_loop3A_437, %parallel_loop3A_439 : vector<16xi32>
        tpu.vector_store_idx %arg7[%parallel_loop3A_440], %parallel_loop3A_405 masked %parallel_loop3A_429 {add = true} : memref<8192xf32, #tpu.memory_space<vmem>>[vector<16xi32>], vector<16xf32>, vector<16xi1>
        %parallel_loop3A_441 = arith.constant 16 : i32
        %parallel_loop3A_442 = arith.muli %parallel_loop3A_184, %parallel_loop3A_441 : i32
        %parallel_loop3A_443 = arith.constant 96 : i32
        %parallel_loop3A_444 = arith.addi %parallel_loop3A_442, %parallel_loop3A_443 : i32
        %parallel_loop3A_445 = arith.index_cast %parallel_loop3A_444 : i32 to index
        %parallel_loop3A_446 = tpu.vector_load %arg5[%parallel_loop3A_445] {strides = array<i32>} : memref<100000xf32, #tpu.memory_space<vmem>>, vector<16xf32>,
        %parallel_loop3A_447 = vector.bitcast %parallel_loop3A_446 : vector<16xf32> to vector<16xi32>
        %parallel_loop3A_448 = arith.constant 31 : i32
        %parallel_loop3A_449 = vector.broadcast %parallel_loop3A_448 : i32 to vector<16xi32>
        %parallel_loop3A_450 = arith.shrui %parallel_loop3A_447, %parallel_loop3A_449 : vector<16xi32>
        %parallel_loop3A_451 = arith.constant 1 : i32
        %parallel_loop3A_452 = vector.broadcast %parallel_loop3A_451 : i32 to vector<16xi32>
        %parallel_loop3A_453 = arith.cmpi eq, %parallel_loop3A_450, %parallel_loop3A_452 : vector<16xi32>
        %parallel_loop3A_454 = arith.constant -1 : i32
        %parallel_loop3A_455 = arith.constant -2147483648 : i32
        %parallel_loop3A_456 = vector.broadcast %parallel_loop3A_454 : i32 to vector<16xi32>
        %parallel_loop3A_457 = vector.broadcast %parallel_loop3A_455 : i32 to vector<16xi32>
        %parallel_loop3A_458 = arith.select %parallel_loop3A_453, %parallel_loop3A_456, %parallel_loop3A_457 : vector<16xi1>, vector<16xi32>
        %parallel_loop3A_459 = arith.xori %parallel_loop3A_447, %parallel_loop3A_458 : vector<16xi32>
        %parallel_loop3A_460 = arith.constant 23 : i32
        %parallel_loop3A_461 = vector.broadcast %parallel_loop3A_460 : i32 to vector<16xi32>
        %parallel_loop3A_462 = arith.shrui %parallel_loop3A_459, %parallel_loop3A_461 : vector<16xi32>
        %parallel_loop3A_463 = vector.bitcast %parallel_loop3A_462 : vector<16xi32> to vector<16xi32>
        %parallel_loop3A_464 = arith.cmpi sgt, %parallel_loop3A_463, %add3A_105 : vector<16xi32>
        %parallel_loop3A_465 = arith.mulf %parallel_loop3A_446, %parallel_loop3A_446 : vector<16xf32>
        %parallel_loop3A_466 = arith.select %parallel_loop3A_464, %parallel_loop3A_446, %broadcast_in_dim3A_9 : vector<16xi1>, vector<16xf32>
        %parallel_loop3A_467 = arith.addf %parallel_loop3A_262, %parallel_loop3A_466 : vector<16xf32>
        %parallel_loop3A_468 = arith.select %parallel_loop3A_464, %parallel_loop3A_465, %broadcast_in_dim3A_9 : vector<16xi1>, vector<16xf32>
        %parallel_loop3A_469 = arith.addf %parallel_loop3A_264, %parallel_loop3A_468 : vector<16xf32>
        %parallel_loop3A_470 = arith.cmpi eq, %parallel_loop3A_463, %add3A_105 : vector<16xi32>
        %parallel_loop3A_471 = arith.constant 15 : i32
        %parallel_loop3A_472 = vector.broadcast %parallel_loop3A_471 : i32 to vector<16xi32>
        %parallel_loop3A_473 = arith.shrui %parallel_loop3A_459, %parallel_loop3A_472 : vector<16xi32>
        %parallel_loop3A_474 = arith.constant 255 : i32
        %parallel_loop3A_475 = vector.broadcast %parallel_loop3A_474 : i32 to vector<16xi32>
        %parallel_loop3A_476 = arith.andi %parallel_loop3A_473, %parallel_loop3A_475 : vector<16xi32>
        %parallel_loop3A_477 = vector.bitcast %parallel_loop3A_476 : vector<16xi32> to vector<16xi32>
        %parallel_loop3A_478 = arith.addi %parallel_loop3A_477, %mul3A_6 : vector<16xi32>
        tpu.vector_store_idx %arg7[%parallel_loop3A_478], %broadcast_in_dim3A_7 masked %parallel_loop3A_470 {add = true} : memref<8192xf32, #tpu.memory_space<vmem>>[vector<16xi32>], vector<16xf32>, vector<16xi1>
        %parallel_loop3A_479 = arith.constant 4096 : i32
        %parallel_loop3A_480 = vector.broadcast %parallel_loop3A_479 : i32 to vector<16xi32>
        %parallel_loop3A_481 = arith.addi %parallel_loop3A_478, %parallel_loop3A_480 : vector<16xi32>
        tpu.vector_store_idx %arg7[%parallel_loop3A_481], %parallel_loop3A_446 masked %parallel_loop3A_470 {add = true} : memref<8192xf32, #tpu.memory_space<vmem>>[vector<16xi32>], vector<16xf32>, vector<16xi1>
        %parallel_loop3A_482 = arith.constant 16 : i32
        %parallel_loop3A_483 = arith.muli %parallel_loop3A_184, %parallel_loop3A_482 : i32
        %parallel_loop3A_484 = arith.constant 112 : i32
        %parallel_loop3A_485 = arith.addi %parallel_loop3A_483, %parallel_loop3A_484 : i32
        %parallel_loop3A_486 = arith.index_cast %parallel_loop3A_485 : i32 to index
        %parallel_loop3A_487 = tpu.vector_load %arg5[%parallel_loop3A_486] {strides = array<i32>} : memref<100000xf32, #tpu.memory_space<vmem>>, vector<16xf32>,
        %parallel_loop3A_488 = vector.bitcast %parallel_loop3A_487 : vector<16xf32> to vector<16xi32>
        %parallel_loop3A_489 = arith.constant 31 : i32
        %parallel_loop3A_490 = vector.broadcast %parallel_loop3A_489 : i32 to vector<16xi32>
        %parallel_loop3A_491 = arith.shrui %parallel_loop3A_488, %parallel_loop3A_490 : vector<16xi32>
        %parallel_loop3A_492 = arith.constant 1 : i32
        %parallel_loop3A_493 = vector.broadcast %parallel_loop3A_492 : i32 to vector<16xi32>
        %parallel_loop3A_494 = arith.cmpi eq, %parallel_loop3A_491, %parallel_loop3A_493 : vector<16xi32>
        %parallel_loop3A_495 = arith.constant -1 : i32
        %parallel_loop3A_496 = arith.constant -2147483648 : i32
        %parallel_loop3A_497 = vector.broadcast %parallel_loop3A_495 : i32 to vector<16xi32>
        %parallel_loop3A_498 = vector.broadcast %parallel_loop3A_496 : i32 to vector<16xi32>
        %parallel_loop3A_499 = arith.select %parallel_loop3A_494, %parallel_loop3A_497, %parallel_loop3A_498 : vector<16xi1>, vector<16xi32>
        %parallel_loop3A_500 = arith.xori %parallel_loop3A_488, %parallel_loop3A_499 : vector<16xi32>
        %parallel_loop3A_501 = arith.constant 23 : i32
        %parallel_loop3A_502 = vector.broadcast %parallel_loop3A_501 : i32 to vector<16xi32>
        %parallel_loop3A_503 = arith.shrui %parallel_loop3A_500, %parallel_loop3A_502 : vector<16xi32>
        %parallel_loop3A_504 = vector.bitcast %parallel_loop3A_503 : vector<16xi32> to vector<16xi32>
        %parallel_loop3A_505 = arith.cmpi sgt, %parallel_loop3A_504, %add3A_105 : vector<16xi32>
        %parallel_loop3A_506 = arith.mulf %parallel_loop3A_487, %parallel_loop3A_487 : vector<16xf32>
        %parallel_loop3A_507 = arith.select %parallel_loop3A_505, %parallel_loop3A_487, %broadcast_in_dim3A_9 : vector<16xi1>, vector<16xf32>
        %parallel_loop3A_508 = arith.addf %parallel_loop3A_303, %parallel_loop3A_507 : vector<16xf32>
        %parallel_loop3A_509 = arith.select %parallel_loop3A_505, %parallel_loop3A_506, %broadcast_in_dim3A_9 : vector<16xi1>, vector<16xf32>
        %parallel_loop3A_510 = arith.addf %parallel_loop3A_305, %parallel_loop3A_509 : vector<16xf32>
        %parallel_loop3A_511 = arith.cmpi eq, %parallel_loop3A_504, %add3A_105 : vector<16xi32>
        %parallel_loop3A_512 = arith.constant 15 : i32
        %parallel_loop3A_513 = vector.broadcast %parallel_loop3A_512 : i32 to vector<16xi32>
        %parallel_loop3A_514 = arith.shrui %parallel_loop3A_500, %parallel_loop3A_513 : vector<16xi32>
        %parallel_loop3A_515 = arith.constant 255 : i32
        %parallel_loop3A_516 = vector.broadcast %parallel_loop3A_515 : i32 to vector<16xi32>
        %parallel_loop3A_517 = arith.andi %parallel_loop3A_514, %parallel_loop3A_516 : vector<16xi32>
        %parallel_loop3A_518 = vector.bitcast %parallel_loop3A_517 : vector<16xi32> to vector<16xi32>
        %parallel_loop3A_519 = arith.addi %parallel_loop3A_518, %mul3A_6 : vector<16xi32>
        tpu.vector_store_idx %arg7[%parallel_loop3A_519], %broadcast_in_dim3A_7 masked %parallel_loop3A_511 {add = true} : memref<8192xf32, #tpu.memory_space<vmem>>[vector<16xi32>], vector<16xf32>, vector<16xi1>
        %parallel_loop3A_520 = arith.constant 4096 : i32
        %parallel_loop3A_521 = vector.broadcast %parallel_loop3A_520 : i32 to vector<16xi32>
        %parallel_loop3A_522 = arith.addi %parallel_loop3A_519, %parallel_loop3A_521 : vector<16xi32>
        tpu.vector_store_idx %arg7[%parallel_loop3A_522], %parallel_loop3A_487 masked %parallel_loop3A_511 {add = true} : memref<8192xf32, #tpu.memory_space<vmem>>[vector<16xi32>], vector<16xf32>, vector<16xi1>
        %parallel_loop3A_523 = arith.constant 16 : i32
        %parallel_loop3A_524 = arith.muli %parallel_loop3A_184, %parallel_loop3A_523 : i32
        %parallel_loop3A_525 = arith.constant 128 : i32
        %parallel_loop3A_526 = arith.addi %parallel_loop3A_524, %parallel_loop3A_525 : i32
        %parallel_loop3A_527 = arith.index_cast %parallel_loop3A_526 : i32 to index
        %parallel_loop3A_528 = tpu.vector_load %arg5[%parallel_loop3A_527] {strides = array<i32>} : memref<100000xf32, #tpu.memory_space<vmem>>, vector<16xf32>,
        %parallel_loop3A_529 = vector.bitcast %parallel_loop3A_528 : vector<16xf32> to vector<16xi32>
        %parallel_loop3A_530 = arith.constant 31 : i32
        %parallel_loop3A_531 = vector.broadcast %parallel_loop3A_530 : i32 to vector<16xi32>
        %parallel_loop3A_532 = arith.shrui %parallel_loop3A_529, %parallel_loop3A_531 : vector<16xi32>
        %parallel_loop3A_533 = arith.constant 1 : i32
        %parallel_loop3A_534 = vector.broadcast %parallel_loop3A_533 : i32 to vector<16xi32>
        %parallel_loop3A_535 = arith.cmpi eq, %parallel_loop3A_532, %parallel_loop3A_534 : vector<16xi32>
        %parallel_loop3A_536 = arith.constant -1 : i32
        %parallel_loop3A_537 = arith.constant -2147483648 : i32
        %parallel_loop3A_538 = vector.broadcast %parallel_loop3A_536 : i32 to vector<16xi32>
        %parallel_loop3A_539 = vector.broadcast %parallel_loop3A_537 : i32 to vector<16xi32>
        %parallel_loop3A_540 = arith.select %parallel_loop3A_535, %parallel_loop3A_538, %parallel_loop3A_539 : vector<16xi1>, vector<16xi32>
        %parallel_loop3A_541 = arith.xori %parallel_loop3A_529, %parallel_loop3A_540 : vector<16xi32>
        %parallel_loop3A_542 = arith.constant 23 : i32
        %parallel_loop3A_543 = vector.broadcast %parallel_loop3A_542 : i32 to vector<16xi32>
        %parallel_loop3A_544 = arith.shrui %parallel_loop3A_541, %parallel_loop3A_543 : vector<16xi32>
        %parallel_loop3A_545 = vector.bitcast %parallel_loop3A_544 : vector<16xi32> to vector<16xi32>
        %parallel_loop3A_546 = arith.cmpi sgt, %parallel_loop3A_545, %add3A_105 : vector<16xi32>
        %parallel_loop3A_547 = arith.mulf %parallel_loop3A_528, %parallel_loop3A_528 : vector<16xf32>
        %parallel_loop3A_548 = arith.select %parallel_loop3A_546, %parallel_loop3A_528, %broadcast_in_dim3A_9 : vector<16xi1>, vector<16xf32>
        %parallel_loop3A_549 = arith.addf %parallel_loop3A_344, %parallel_loop3A_548 : vector<16xf32>
        %parallel_loop3A_550 = arith.select %parallel_loop3A_546, %parallel_loop3A_547, %broadcast_in_dim3A_9 : vector<16xi1>, vector<16xf32>
        %parallel_loop3A_551 = arith.addf %parallel_loop3A_346, %parallel_loop3A_550 : vector<16xf32>
        %parallel_loop3A_552 = arith.cmpi eq, %parallel_loop3A_545, %add3A_105 : vector<16xi32>
        %parallel_loop3A_553 = arith.constant 15 : i32
        %parallel_loop3A_554 = vector.broadcast %parallel_loop3A_553 : i32 to vector<16xi32>
        %parallel_loop3A_555 = arith.shrui %parallel_loop3A_541, %parallel_loop3A_554 : vector<16xi32>
        %parallel_loop3A_556 = arith.constant 255 : i32
        %parallel_loop3A_557 = vector.broadcast %parallel_loop3A_556 : i32 to vector<16xi32>
        %parallel_loop3A_558 = arith.andi %parallel_loop3A_555, %parallel_loop3A_557 : vector<16xi32>
        %parallel_loop3A_559 = vector.bitcast %parallel_loop3A_558 : vector<16xi32> to vector<16xi32>
        %parallel_loop3A_560 = arith.addi %parallel_loop3A_559, %mul3A_6 : vector<16xi32>
        tpu.vector_store_idx %arg7[%parallel_loop3A_560], %broadcast_in_dim3A_7 masked %parallel_loop3A_552 {add = true} : memref<8192xf32, #tpu.memory_space<vmem>>[vector<16xi32>], vector<16xf32>, vector<16xi1>
        %parallel_loop3A_561 = arith.constant 4096 : i32
        %parallel_loop3A_562 = vector.broadcast %parallel_loop3A_561 : i32 to vector<16xi32>
        %parallel_loop3A_563 = arith.addi %parallel_loop3A_560, %parallel_loop3A_562 : vector<16xi32>
        tpu.vector_store_idx %arg7[%parallel_loop3A_563], %parallel_loop3A_528 masked %parallel_loop3A_552 {add = true} : memref<8192xf32, #tpu.memory_space<vmem>>[vector<16xi32>], vector<16xf32>, vector<16xi1>
        %parallel_loop3A_564 = arith.constant 16 : i32
        %parallel_loop3A_565 = arith.muli %parallel_loop3A_184, %parallel_loop3A_564 : i32
        %parallel_loop3A_566 = arith.constant 144 : i32
        %parallel_loop3A_567 = arith.addi %parallel_loop3A_565, %parallel_loop3A_566 : i32
        %parallel_loop3A_568 = arith.index_cast %parallel_loop3A_567 : i32 to index
        %parallel_loop3A_569 = tpu.vector_load %arg5[%parallel_loop3A_568] {strides = array<i32>} : memref<100000xf32, #tpu.memory_space<vmem>>, vector<16xf32>,
        %parallel_loop3A_570 = vector.bitcast %parallel_loop3A_569 : vector<16xf32> to vector<16xi32>
        %parallel_loop3A_571 = arith.constant 31 : i32
        %parallel_loop3A_572 = vector.broadcast %parallel_loop3A_571 : i32 to vector<16xi32>
        %parallel_loop3A_573 = arith.shrui %parallel_loop3A_570, %parallel_loop3A_572 : vector<16xi32>
        %parallel_loop3A_574 = arith.constant 1 : i32
        %parallel_loop3A_575 = vector.broadcast %parallel_loop3A_574 : i32 to vector<16xi32>
        %parallel_loop3A_576 = arith.cmpi eq, %parallel_loop3A_573, %parallel_loop3A_575 : vector<16xi32>
        %parallel_loop3A_577 = arith.constant -1 : i32
        %parallel_loop3A_578 = arith.constant -2147483648 : i32
        %parallel_loop3A_579 = vector.broadcast %parallel_loop3A_577 : i32 to vector<16xi32>
        %parallel_loop3A_580 = vector.broadcast %parallel_loop3A_578 : i32 to vector<16xi32>
        %parallel_loop3A_581 = arith.select %parallel_loop3A_576, %parallel_loop3A_579, %parallel_loop3A_580 : vector<16xi1>, vector<16xi32>
        %parallel_loop3A_582 = arith.xori %parallel_loop3A_570, %parallel_loop3A_581 : vector<16xi32>
        %parallel_loop3A_583 = arith.constant 23 : i32
        %parallel_loop3A_584 = vector.broadcast %parallel_loop3A_583 : i32 to vector<16xi32>
        %parallel_loop3A_585 = arith.shrui %parallel_loop3A_582, %parallel_loop3A_584 : vector<16xi32>
        %parallel_loop3A_586 = vector.bitcast %parallel_loop3A_585 : vector<16xi32> to vector<16xi32>
        %parallel_loop3A_587 = arith.cmpi sgt, %parallel_loop3A_586, %add3A_105 : vector<16xi32>
        %parallel_loop3A_588 = arith.mulf %parallel_loop3A_569, %parallel_loop3A_569 : vector<16xf32>
        %parallel_loop3A_589 = arith.select %parallel_loop3A_587, %parallel_loop3A_569, %broadcast_in_dim3A_9 : vector<16xi1>, vector<16xf32>
        %parallel_loop3A_590 = arith.addf %parallel_loop3A_385, %parallel_loop3A_589 : vector<16xf32>
        %parallel_loop3A_591 = arith.select %parallel_loop3A_587, %parallel_loop3A_588, %broadcast_in_dim3A_9 : vector<16xi1>, vector<16xf32>
        %parallel_loop3A_592 = arith.addf %parallel_loop3A_387, %parallel_loop3A_591 : vector<16xf32>
        %parallel_loop3A_593 = arith.cmpi eq, %parallel_loop3A_586, %add3A_105 : vector<16xi32>
        %parallel_loop3A_594 = arith.constant 15 : i32
        %parallel_loop3A_595 = vector.broadcast %parallel_loop3A_594 : i32 to vector<16xi32>
        %parallel_loop3A_596 = arith.shrui %parallel_loop3A_582, %parallel_loop3A_595 : vector<16xi32>
        %parallel_loop3A_597 = arith.constant 255 : i32
        %parallel_loop3A_598 = vector.broadcast %parallel_loop3A_597 : i32 to vector<16xi32>
        %parallel_loop3A_599 = arith.andi %parallel_loop3A_596, %parallel_loop3A_598 : vector<16xi32>
        %parallel_loop3A_600 = vector.bitcast %parallel_loop3A_599 : vector<16xi32> to vector<16xi32>
        %parallel_loop3A_601 = arith.addi %parallel_loop3A_600, %mul3A_6 : vector<16xi32>
        tpu.vector_store_idx %arg7[%parallel_loop3A_601], %broadcast_in_dim3A_7 masked %parallel_loop3A_593 {add = true} : memref<8192xf32, #tpu.memory_space<vmem>>[vector<16xi32>], vector<16xf32>, vector<16xi1>
        %parallel_loop3A_602 = arith.constant 4096 : i32
        %parallel_loop3A_603 = vector.broadcast %parallel_loop3A_602 : i32 to vector<16xi32>
        %parallel_loop3A_604 = arith.addi %parallel_loop3A_601, %parallel_loop3A_603 : vector<16xi32>
        tpu.vector_store_idx %arg7[%parallel_loop3A_604], %parallel_loop3A_569 masked %parallel_loop3A_593 {add = true} : memref<8192xf32, #tpu.memory_space<vmem>>[vector<16xi32>], vector<16xf32>, vector<16xi1>
        scf.yield %parallel_loop3A_426, %parallel_loop3A_428, %parallel_loop3A_467, %parallel_loop3A_469, %parallel_loop3A_508, %parallel_loop3A_510, %parallel_loop3A_549, %parallel_loop3A_551, %parallel_loop3A_590, %parallel_loop3A_592 : vector<16xf32>, vector<16xf32>, vector<16xf32>, vector<16xf32>, vector<16xf32>, vector<16xf32>, vector<16xf32>, vector<16xf32>, vector<16xf32>, vector<16xf32>
      } {sc.loop_unroll_factor = 1 : i64, sc.parallel_access}
      %add3A_110 = arith.addf %parallel_loop3A_109#0, %parallel_loop3A_109#2 : vector<16xf32>
      %add3A_111 = arith.addf %add3A_110, %parallel_loop3A_109#4 : vector<16xf32>
      %add3A_112 = arith.addf %add3A_111, %parallel_loop3A_109#6 : vector<16xf32>
      %add3A_113 = arith.addf %add3A_112, %parallel_loop3A_109#8 : vector<16xf32>
      %add3A_114 = arith.addf %parallel_loop3A_109#1, %parallel_loop3A_109#3 : vector<16xf32>
      %add3A_115 = arith.addf %add3A_114, %parallel_loop3A_109#5 : vector<16xf32>
      %add3A_116 = arith.addf %add3A_115, %parallel_loop3A_109#7 : vector<16xf32>
      %add3A_117 = arith.addf %add3A_116, %parallel_loop3A_109#9 : vector<16xf32>
      %eq3A_118 = arith.cmpi eq, %bitcast3A_79, %add3A_105 : vector<16xi32>
      %gt3A = arith.cmpi sgt, %bitcast3A_79, %add3A_105 : vector<16xi32>
      %mul3A_119 = arith.constant 6.250000e-02 : f32
      %mul3A_120 = vector.broadcast %mul3A_119 : f32 to vector<16xf32>
      %mul3A_121 = arith.mulf %gather3A, %mul3A_120 : vector<16xf32>
      %select_n3A_122 = arith.select %gt3A, %mul3A_121, %broadcast_in_dim3A_9 : vector<16xi1>, vector<16xf32>
      %sub3A_123 = arith.subf %add3A_113, %select_n3A_122 : vector<16xf32>
      %mul3A_124 = arith.mulf %gather3A, %gather3A : vector<16xf32>
      %mul3A_125 = arith.constant 6.250000e-02 : f32
      %mul3A_126 = vector.broadcast %mul3A_125 : f32 to vector<16xf32>
      %mul3A_127 = arith.mulf %mul3A_124, %mul3A_126 : vector<16xf32>
      %select_n3A_128 = arith.select %gt3A, %mul3A_127, %broadcast_in_dim3A_9 : vector<16xi1>, vector<16xf32>
      %sub3A_129 = arith.subf %add3A_117, %select_n3A_128 : vector<16xf32>
      %and3A_130 = arith.andi %eq3A_118, %eq3A_11 : vector<16xi1>
      %add3A_131 = arith.addi %bitcast3A_86, %mul3A_6 : vector<16xi32>
      %neg3A_132 = arith.constant 0.000000e+00 : f32
      %neg3A_133 = vector.broadcast %neg3A_132 : f32 to vector<16xf32>
      %neg3A_134 = arith.subf %neg3A_133, %broadcast_in_dim3A_7 : vector<16xf32>
      tpu.vector_store_idx %arg7[%add3A_131], %neg3A_134 masked %and3A_130 {add = true} : memref<8192xf32, #tpu.memory_space<vmem>>[vector<16xi32>], vector<16xf32>, vector<16xi1>
      %add3A_135 = arith.constant 4096 : i32
      %add3A_136 = vector.broadcast %add3A_135 : i32 to vector<16xi32>
      %add3A_137 = arith.addi %add3A_131, %add3A_136 : vector<16xi32>
      %neg3A_138 = arith.constant 0.000000e+00 : f32
      %neg3A_139 = vector.broadcast %neg3A_138 : f32 to vector<16xf32>
      %neg3A_140 = arith.subf %neg3A_139, %gather3A : vector<16xf32>
      tpu.vector_store_idx %arg7[%add3A_137], %neg3A_140 masked %and3A_130 {add = true} : memref<8192xf32, #tpu.memory_space<vmem>>[vector<16xi32>], vector<16xf32>, vector<16xi1>
      %reduce_sum3A_141 = arith.constant true
      %reduce_sum3A_142 = vector.broadcast %reduce_sum3A_141 : i1 to vector<16xi1>
      %reduce_sum3A_143 = tpu.scan <sum>, %sub3A_123 masked %reduce_sum3A_142 : vector<16xf32>, vector<16xi1> -> vector<16xf32>
      %reduce_sum3A_144 = vector.extract %reduce_sum3A_143[15] : f32 from vector<16xf32>
      %reduce_sum3A_145 = arith.constant true
      %reduce_sum3A_146 = vector.broadcast %reduce_sum3A_145 : i1 to vector<16xi1>
      %reduce_sum3A_147 = tpu.scan <sum>, %sub3A_129 masked %reduce_sum3A_146 : vector<16xf32>, vector<16xi1> -> vector<16xf32>
      %reduce_sum3A_148 = vector.extract %reduce_sum3A_147[15] : f32 from vector<16xf32>
      %parallel_loop3A_149 = arith.constant 0 : i32
      %parallel_loop3A_150 = arith.constant 16 : i32
      %parallel_loop3A_151 = arith.constant 1 : i32
      scf.for %parallel_loop3A_184 = %parallel_loop3A_149 to %parallel_loop3A_150 step %parallel_loop3A_151  : i32 {
        %parallel_loop3A_185 = arith.constant 16 : i32
        %parallel_loop3A_186 = arith.muli %parallel_loop3A_184, %parallel_loop3A_185 : i32
        %parallel_loop3A_187 = arith.constant 0 : i32
        %parallel_loop3A_188 = arith.addi %parallel_loop3A_187, %parallel_loop3A_186 : i32
        %parallel_loop3A_189 = arith.index_cast %parallel_loop3A_188 : i32 to index
        %parallel_loop3A_190 = tpu.vector_load %arg7[%parallel_loop3A_189] {strides = array<i32>} : memref<8192xf32, #tpu.memory_space<vmem>>, vector<16xf32>,
        %parallel_loop3A_191 = arith.addf %broadcast_in_dim3A_9, %parallel_loop3A_190 : vector<16xf32>
        %parallel_loop3A_192 = arith.index_cast %parallel_loop3A_188 : i32 to index
        %parallel_loop3A_193 = tpu.vector_load %arg7[%parallel_loop3A_192] {strides = array<i32>} : memref<8192xf32, #tpu.memory_space<vmem>>, vector<16xf32>,
        tpu.vector_store %arg7[%parallel_loop3A_192], %broadcast_in_dim3A_9 {strides = array<i32>} : memref<8192xf32, #tpu.memory_space<vmem>>, vector<16xf32>,
        %parallel_loop3A_194 = arith.constant 16 : i32
        %parallel_loop3A_195 = arith.muli %parallel_loop3A_184, %parallel_loop3A_194 : i32
        %parallel_loop3A_196 = arith.constant 256 : i32
        %parallel_loop3A_197 = arith.addi %parallel_loop3A_196, %parallel_loop3A_195 : i32
        %parallel_loop3A_198 = arith.index_cast %parallel_loop3A_197 : i32 to index
        %parallel_loop3A_199 = tpu.vector_load %arg7[%parallel_loop3A_198] {strides = array<i32>} : memref<8192xf32, #tpu.memory_space<vmem>>, vector<16xf32>,
        %parallel_loop3A_200 = arith.addf %parallel_loop3A_191, %parallel_loop3A_199 : vector<16xf32>
        %parallel_loop3A_201 = arith.index_cast %parallel_loop3A_197 : i32 to index
        %parallel_loop3A_202 = tpu.vector_load %arg7[%parallel_loop3A_201] {strides = array<i32>} : memref<8192xf32, #tpu.memory_space<vmem>>, vector<16xf32>,
        tpu.vector_store %arg7[%parallel_loop3A_201], %broadcast_in_dim3A_9 {strides = array<i32>} : memref<8192xf32, #tpu.memory_space<vmem>>, vector<16xf32>,
        %parallel_loop3A_203 = arith.constant 16 : i32
        %parallel_loop3A_204 = arith.muli %parallel_loop3A_184, %parallel_loop3A_203 : i32
        %parallel_loop3A_205 = arith.constant 512 : i32
        %parallel_loop3A_206 = arith.addi %parallel_loop3A_205, %parallel_loop3A_204 : i32
        %parallel_loop3A_207 = arith.index_cast %parallel_loop3A_206 : i32 to index
        %parallel_loop3A_208 = tpu.vector_load %arg7[%parallel_loop3A_207] {strides = array<i32>} : memref<8192xf32, #tpu.memory_space<vmem>>, vector<16xf32>,
        %parallel_loop3A_209 = arith.addf %parallel_loop3A_200, %parallel_loop3A_208 : vector<16xf32>
        %parallel_loop3A_210 = arith.index_cast %parallel_loop3A_206 : i32 to index
        %parallel_loop3A_211 = tpu.vector_load %arg7[%parallel_loop3A_210] {strides = array<i32>} : memref<8192xf32, #tpu.memory_space<vmem>>, vector<16xf32>,
        tpu.vector_store %arg7[%parallel_loop3A_210], %broadcast_in_dim3A_9 {strides = array<i32>} : memref<8192xf32, #tpu.memory_space<vmem>>, vector<16xf32>,
        %parallel_loop3A_212 = arith.constant 16 : i32
        %parallel_loop3A_213 = arith.muli %parallel_loop3A_184, %parallel_loop3A_212 : i32
        %parallel_loop3A_214 = arith.constant 768 : i32
        %parallel_loop3A_215 = arith.addi %parallel_loop3A_214, %parallel_loop3A_213 : i32
        %parallel_loop3A_216 = arith.index_cast %parallel_loop3A_215 : i32 to index
        %parallel_loop3A_217 = tpu.vector_load %arg7[%parallel_loop3A_216] {strides = array<i32>} : memref<8192xf32, #tpu.memory_space<vmem>>, vector<16xf32>,
        %parallel_loop3A_218 = arith.addf %parallel_loop3A_209, %parallel_loop3A_217 : vector<16xf32>
        %parallel_loop3A_219 = arith.index_cast %parallel_loop3A_215 : i32 to index
        %parallel_loop3A_220 = tpu.vector_load %arg7[%parallel_loop3A_219] {strides = array<i32>} : memref<8192xf32, #tpu.memory_space<vmem>>, vector<16xf32>,
        tpu.vector_store %arg7[%parallel_loop3A_219], %broadcast_in_dim3A_9 {strides = array<i32>} : memref<8192xf32, #tpu.memory_space<vmem>>, vector<16xf32>,
        %parallel_loop3A_221 = arith.constant 16 : i32
        %parallel_loop3A_222 = arith.muli %parallel_loop3A_184, %parallel_loop3A_221 : i32
        %parallel_loop3A_223 = arith.constant 1024 : i32
        %parallel_loop3A_224 = arith.addi %parallel_loop3A_223, %parallel_loop3A_222 : i32
        %parallel_loop3A_225 = arith.index_cast %parallel_loop3A_224 : i32 to index
        %parallel_loop3A_226 = tpu.vector_load %arg7[%parallel_loop3A_225] {strides = array<i32>} : memref<8192xf32, #tpu.memory_space<vmem>>, vector<16xf32>,
        %parallel_loop3A_227 = arith.addf %parallel_loop3A_218, %parallel_loop3A_226 : vector<16xf32>
        %parallel_loop3A_228 = arith.index_cast %parallel_loop3A_224 : i32 to index
        %parallel_loop3A_229 = tpu.vector_load %arg7[%parallel_loop3A_228] {strides = array<i32>} : memref<8192xf32, #tpu.memory_space<vmem>>, vector<16xf32>,
        tpu.vector_store %arg7[%parallel_loop3A_228], %broadcast_in_dim3A_9 {strides = array<i32>} : memref<8192xf32, #tpu.memory_space<vmem>>, vector<16xf32>,
        %parallel_loop3A_230 = arith.constant 16 : i32
        %parallel_loop3A_231 = arith.muli %parallel_loop3A_184, %parallel_loop3A_230 : i32
        %parallel_loop3A_232 = arith.constant 1280 : i32
        %parallel_loop3A_233 = arith.addi %parallel_loop3A_232, %parallel_loop3A_231 : i32
        %parallel_loop3A_234 = arith.index_cast %parallel_loop3A_233 : i32 to index
        %parallel_loop3A_235 = tpu.vector_load %arg7[%parallel_loop3A_234] {strides = array<i32>} : memref<8192xf32, #tpu.memory_space<vmem>>, vector<16xf32>,
        %parallel_loop3A_236 = arith.addf %parallel_loop3A_227, %parallel_loop3A_235 : vector<16xf32>
        %parallel_loop3A_237 = arith.index_cast %parallel_loop3A_233 : i32 to index
        %parallel_loop3A_238 = tpu.vector_load %arg7[%parallel_loop3A_237] {strides = array<i32>} : memref<8192xf32, #tpu.memory_space<vmem>>, vector<16xf32>,
        tpu.vector_store %arg7[%parallel_loop3A_237], %broadcast_in_dim3A_9 {strides = array<i32>} : memref<8192xf32, #tpu.memory_space<vmem>>, vector<16xf32>,
        %parallel_loop3A_239 = arith.constant 16 : i32
        %parallel_loop3A_240 = arith.muli %parallel_loop3A_184, %parallel_loop3A_239 : i32
        %parallel_loop3A_241 = arith.constant 1536 : i32
        %parallel_loop3A_242 = arith.addi %parallel_loop3A_241, %parallel_loop3A_240 : i32
        %parallel_loop3A_243 = arith.index_cast %parallel_loop3A_242 : i32 to index
        %parallel_loop3A_244 = tpu.vector_load %arg7[%parallel_loop3A_243] {strides = array<i32>} : memref<8192xf32, #tpu.memory_space<vmem>>, vector<16xf32>,
        %parallel_loop3A_245 = arith.addf %parallel_loop3A_236, %parallel_loop3A_244 : vector<16xf32>
        %parallel_loop3A_246 = arith.index_cast %parallel_loop3A_242 : i32 to index
        %parallel_loop3A_247 = tpu.vector_load %arg7[%parallel_loop3A_246] {strides = array<i32>} : memref<8192xf32, #tpu.memory_space<vmem>>, vector<16xf32>,
        tpu.vector_store %arg7[%parallel_loop3A_246], %broadcast_in_dim3A_9 {strides = array<i32>} : memref<8192xf32, #tpu.memory_space<vmem>>, vector<16xf32>,
        %parallel_loop3A_248 = arith.constant 16 : i32
        %parallel_loop3A_249 = arith.muli %parallel_loop3A_184, %parallel_loop3A_248 : i32
        %parallel_loop3A_250 = arith.constant 1792 : i32
        %parallel_loop3A_251 = arith.addi %parallel_loop3A_250, %parallel_loop3A_249 : i32
        %parallel_loop3A_252 = arith.index_cast %parallel_loop3A_251 : i32 to index
        %parallel_loop3A_253 = tpu.vector_load %arg7[%parallel_loop3A_252] {strides = array<i32>} : memref<8192xf32, #tpu.memory_space<vmem>>, vector<16xf32>,
        %parallel_loop3A_254 = arith.addf %parallel_loop3A_245, %parallel_loop3A_253 : vector<16xf32>
        %parallel_loop3A_255 = arith.index_cast %parallel_loop3A_251 : i32 to index
        %parallel_loop3A_256 = tpu.vector_load %arg7[%parallel_loop3A_255] {strides = array<i32>} : memref<8192xf32, #tpu.memory_space<vmem>>, vector<16xf32>,
        tpu.vector_store %arg7[%parallel_loop3A_255], %broadcast_in_dim3A_9 {strides = array<i32>} : memref<8192xf32, #tpu.memory_space<vmem>>, vector<16xf32>,
        %parallel_loop3A_257 = arith.constant 16 : i32
        %parallel_loop3A_258 = arith.muli %parallel_loop3A_184, %parallel_loop3A_257 : i32
        %parallel_loop3A_259 = arith.constant 2048 : i32
        %parallel_loop3A_260 = arith.addi %parallel_loop3A_259, %parallel_loop3A_258 : i32
        %parallel_loop3A_261 = arith.index_cast %parallel_loop3A_260 : i32 to index
        %parallel_loop3A_262 = tpu.vector_load %arg7[%parallel_loop3A_261] {strides = array<i32>} : memref<8192xf32, #tpu.memory_space<vmem>>, vector<16xf32>,
        %parallel_loop3A_263 = arith.addf %parallel_loop3A_254, %parallel_loop3A_262 : vector<16xf32>
        %parallel_loop3A_264 = arith.index_cast %parallel_loop3A_260 : i32 to index
        %parallel_loop3A_265 = tpu.vector_load %arg7[%parallel_loop3A_264] {strides = array<i32>} : memref<8192xf32, #tpu.memory_space<vmem>>, vector<16xf32>,
        tpu.vector_store %arg7[%parallel_loop3A_264], %broadcast_in_dim3A_9 {strides = array<i32>} : memref<8192xf32, #tpu.memory_space<vmem>>, vector<16xf32>,
        %parallel_loop3A_266 = arith.constant 16 : i32
        %parallel_loop3A_267 = arith.muli %parallel_loop3A_184, %parallel_loop3A_266 : i32
        %parallel_loop3A_268 = arith.constant 2304 : i32
        %parallel_loop3A_269 = arith.addi %parallel_loop3A_268, %parallel_loop3A_267 : i32
        %parallel_loop3A_270 = arith.index_cast %parallel_loop3A_269 : i32 to index
        %parallel_loop3A_271 = tpu.vector_load %arg7[%parallel_loop3A_270] {strides = array<i32>} : memref<8192xf32, #tpu.memory_space<vmem>>, vector<16xf32>,
        %parallel_loop3A_272 = arith.addf %parallel_loop3A_263, %parallel_loop3A_271 : vector<16xf32>
        %parallel_loop3A_273 = arith.index_cast %parallel_loop3A_269 : i32 to index
        %parallel_loop3A_274 = tpu.vector_load %arg7[%parallel_loop3A_273] {strides = array<i32>} : memref<8192xf32, #tpu.memory_space<vmem>>, vector<16xf32>,
        tpu.vector_store %arg7[%parallel_loop3A_273], %broadcast_in_dim3A_9 {strides = array<i32>} : memref<8192xf32, #tpu.memory_space<vmem>>, vector<16xf32>,
        %parallel_loop3A_275 = arith.constant 16 : i32
        %parallel_loop3A_276 = arith.muli %parallel_loop3A_184, %parallel_loop3A_275 : i32
        %parallel_loop3A_277 = arith.constant 2560 : i32
        %parallel_loop3A_278 = arith.addi %parallel_loop3A_277, %parallel_loop3A_276 : i32
        %parallel_loop3A_279 = arith.index_cast %parallel_loop3A_278 : i32 to index
        %parallel_loop3A_280 = tpu.vector_load %arg7[%parallel_loop3A_279] {strides = array<i32>} : memref<8192xf32, #tpu.memory_space<vmem>>, vector<16xf32>,
        %parallel_loop3A_281 = arith.addf %parallel_loop3A_272, %parallel_loop3A_280 : vector<16xf32>
        %parallel_loop3A_282 = arith.index_cast %parallel_loop3A_278 : i32 to index
        %parallel_loop3A_283 = tpu.vector_load %arg7[%parallel_loop3A_282] {strides = array<i32>} : memref<8192xf32, #tpu.memory_space<vmem>>, vector<16xf32>,
        tpu.vector_store %arg7[%parallel_loop3A_282], %broadcast_in_dim3A_9 {strides = array<i32>} : memref<8192xf32, #tpu.memory_space<vmem>>, vector<16xf32>,
        %parallel_loop3A_284 = arith.constant 16 : i32
        %parallel_loop3A_285 = arith.muli %parallel_loop3A_184, %parallel_loop3A_284 : i32
        %parallel_loop3A_286 = arith.constant 2816 : i32
        %parallel_loop3A_287 = arith.addi %parallel_loop3A_286, %parallel_loop3A_285 : i32
        %parallel_loop3A_288 = arith.index_cast %parallel_loop3A_287 : i32 to index
        %parallel_loop3A_289 = tpu.vector_load %arg7[%parallel_loop3A_288] {strides = array<i32>} : memref<8192xf32, #tpu.memory_space<vmem>>, vector<16xf32>,
        %parallel_loop3A_290 = arith.addf %parallel_loop3A_281, %parallel_loop3A_289 : vector<16xf32>
        %parallel_loop3A_291 = arith.index_cast %parallel_loop3A_287 : i32 to index
        %parallel_loop3A_292 = tpu.vector_load %arg7[%parallel_loop3A_291] {strides = array<i32>} : memref<8192xf32, #tpu.memory_space<vmem>>, vector<16xf32>,
        tpu.vector_store %arg7[%parallel_loop3A_291], %broadcast_in_dim3A_9 {strides = array<i32>} : memref<8192xf32, #tpu.memory_space<vmem>>, vector<16xf32>,
        %parallel_loop3A_293 = arith.constant 16 : i32
        %parallel_loop3A_294 = arith.muli %parallel_loop3A_184, %parallel_loop3A_293 : i32
        %parallel_loop3A_295 = arith.constant 3072 : i32
        %parallel_loop3A_296 = arith.addi %parallel_loop3A_295, %parallel_loop3A_294 : i32
        %parallel_loop3A_297 = arith.index_cast %parallel_loop3A_296 : i32 to index
        %parallel_loop3A_298 = tpu.vector_load %arg7[%parallel_loop3A_297] {strides = array<i32>} : memref<8192xf32, #tpu.memory_space<vmem>>, vector<16xf32>,
        %parallel_loop3A_299 = arith.addf %parallel_loop3A_290, %parallel_loop3A_298 : vector<16xf32>
        %parallel_loop3A_300 = arith.index_cast %parallel_loop3A_296 : i32 to index
        %parallel_loop3A_301 = tpu.vector_load %arg7[%parallel_loop3A_300] {strides = array<i32>} : memref<8192xf32, #tpu.memory_space<vmem>>, vector<16xf32>,
        tpu.vector_store %arg7[%parallel_loop3A_300], %broadcast_in_dim3A_9 {strides = array<i32>} : memref<8192xf32, #tpu.memory_space<vmem>>, vector<16xf32>,
        %parallel_loop3A_302 = arith.constant 16 : i32
        %parallel_loop3A_303 = arith.muli %parallel_loop3A_184, %parallel_loop3A_302 : i32
        %parallel_loop3A_304 = arith.constant 3328 : i32
        %parallel_loop3A_305 = arith.addi %parallel_loop3A_304, %parallel_loop3A_303 : i32
        %parallel_loop3A_306 = arith.index_cast %parallel_loop3A_305 : i32 to index
        %parallel_loop3A_307 = tpu.vector_load %arg7[%parallel_loop3A_306] {strides = array<i32>} : memref<8192xf32, #tpu.memory_space<vmem>>, vector<16xf32>,
        %parallel_loop3A_308 = arith.addf %parallel_loop3A_299, %parallel_loop3A_307 : vector<16xf32>
        %parallel_loop3A_309 = arith.index_cast %parallel_loop3A_305 : i32 to index
        %parallel_loop3A_310 = tpu.vector_load %arg7[%parallel_loop3A_309] {strides = array<i32>} : memref<8192xf32, #tpu.memory_space<vmem>>, vector<16xf32>,
        tpu.vector_store %arg7[%parallel_loop3A_309], %broadcast_in_dim3A_9 {strides = array<i32>} : memref<8192xf32, #tpu.memory_space<vmem>>, vector<16xf32>,
        %parallel_loop3A_311 = arith.constant 16 : i32
        %parallel_loop3A_312 = arith.muli %parallel_loop3A_184, %parallel_loop3A_311 : i32
        %parallel_loop3A_313 = arith.constant 3584 : i32
        %parallel_loop3A_314 = arith.addi %parallel_loop3A_313, %parallel_loop3A_312 : i32
        %parallel_loop3A_315 = arith.index_cast %parallel_loop3A_314 : i32 to index
        %parallel_loop3A_316 = tpu.vector_load %arg7[%parallel_loop3A_315] {strides = array<i32>} : memref<8192xf32, #tpu.memory_space<vmem>>, vector<16xf32>,
        %parallel_loop3A_317 = arith.addf %parallel_loop3A_308, %parallel_loop3A_316 : vector<16xf32>
        %parallel_loop3A_318 = arith.index_cast %parallel_loop3A_314 : i32 to index
        %parallel_loop3A_319 = tpu.vector_load %arg7[%parallel_loop3A_318] {strides = array<i32>} : memref<8192xf32, #tpu.memory_space<vmem>>, vector<16xf32>,
        tpu.vector_store %arg7[%parallel_loop3A_318], %broadcast_in_dim3A_9 {strides = array<i32>} : memref<8192xf32, #tpu.memory_space<vmem>>, vector<16xf32>,
        %parallel_loop3A_320 = arith.constant 16 : i32
        %parallel_loop3A_321 = arith.muli %parallel_loop3A_184, %parallel_loop3A_320 : i32
        %parallel_loop3A_322 = arith.constant 3840 : i32
        %parallel_loop3A_323 = arith.addi %parallel_loop3A_322, %parallel_loop3A_321 : i32
        %parallel_loop3A_324 = arith.index_cast %parallel_loop3A_323 : i32 to index
        %parallel_loop3A_325 = tpu.vector_load %arg7[%parallel_loop3A_324] {strides = array<i32>} : memref<8192xf32, #tpu.memory_space<vmem>>, vector<16xf32>,
        %parallel_loop3A_326 = arith.addf %parallel_loop3A_317, %parallel_loop3A_325 : vector<16xf32>
        %parallel_loop3A_327 = arith.index_cast %parallel_loop3A_323 : i32 to index
        %parallel_loop3A_328 = tpu.vector_load %arg7[%parallel_loop3A_327] {strides = array<i32>} : memref<8192xf32, #tpu.memory_space<vmem>>, vector<16xf32>,
        tpu.vector_store %arg7[%parallel_loop3A_327], %broadcast_in_dim3A_9 {strides = array<i32>} : memref<8192xf32, #tpu.memory_space<vmem>>, vector<16xf32>,
        %parallel_loop3A_329 = arith.constant 16 : i32
        %parallel_loop3A_330 = arith.muli %parallel_loop3A_184, %parallel_loop3A_329 : i32
        %parallel_loop3A_331 = arith.constant 0 : i32
        %parallel_loop3A_332 = arith.addi %parallel_loop3A_331, %parallel_loop3A_330 : i32
        %parallel_loop3A_333 = arith.index_cast %parallel_loop3A_332 : i32 to index
        %parallel_loop3A_334 = tpu.vector_load %arg8[%parallel_loop3A_333] {strides = array<i32>} : memref<512xf32, #tpu.memory_space<vmem>>, vector<16xf32>,
        tpu.vector_store %arg8[%parallel_loop3A_333], %parallel_loop3A_326 {strides = array<i32>} : memref<512xf32, #tpu.memory_space<vmem>>, vector<16xf32>,
        %parallel_loop3A_335 = arith.constant 16 : i32
        %parallel_loop3A_336 = arith.muli %parallel_loop3A_184, %parallel_loop3A_335 : i32
        %parallel_loop3A_337 = arith.constant 4096 : i32
        %parallel_loop3A_338 = arith.addi %parallel_loop3A_337, %parallel_loop3A_336 : i32
        %parallel_loop3A_339 = arith.index_cast %parallel_loop3A_338 : i32 to index
        %parallel_loop3A_340 = tpu.vector_load %arg7[%parallel_loop3A_339] {strides = array<i32>} : memref<8192xf32, #tpu.memory_space<vmem>>, vector<16xf32>,
        %parallel_loop3A_341 = arith.addf %broadcast_in_dim3A_9, %parallel_loop3A_340 : vector<16xf32>
        %parallel_loop3A_342 = arith.index_cast %parallel_loop3A_338 : i32 to index
        %parallel_loop3A_343 = tpu.vector_load %arg7[%parallel_loop3A_342] {strides = array<i32>} : memref<8192xf32, #tpu.memory_space<vmem>>, vector<16xf32>,
        tpu.vector_store %arg7[%parallel_loop3A_342], %broadcast_in_dim3A_9 {strides = array<i32>} : memref<8192xf32, #tpu.memory_space<vmem>>, vector<16xf32>,
        %parallel_loop3A_344 = arith.constant 16 : i32
        %parallel_loop3A_345 = arith.muli %parallel_loop3A_184, %parallel_loop3A_344 : i32
        %parallel_loop3A_346 = arith.constant 4352 : i32
        %parallel_loop3A_347 = arith.addi %parallel_loop3A_346, %parallel_loop3A_345 : i32
        %parallel_loop3A_348 = arith.index_cast %parallel_loop3A_347 : i32 to index
        %parallel_loop3A_349 = tpu.vector_load %arg7[%parallel_loop3A_348] {strides = array<i32>} : memref<8192xf32, #tpu.memory_space<vmem>>, vector<16xf32>,
        %parallel_loop3A_350 = arith.addf %parallel_loop3A_341, %parallel_loop3A_349 : vector<16xf32>
        %parallel_loop3A_351 = arith.index_cast %parallel_loop3A_347 : i32 to index
        %parallel_loop3A_352 = tpu.vector_load %arg7[%parallel_loop3A_351] {strides = array<i32>} : memref<8192xf32, #tpu.memory_space<vmem>>, vector<16xf32>,
        tpu.vector_store %arg7[%parallel_loop3A_351], %broadcast_in_dim3A_9 {strides = array<i32>} : memref<8192xf32, #tpu.memory_space<vmem>>, vector<16xf32>,
        %parallel_loop3A_353 = arith.constant 16 : i32
        %parallel_loop3A_354 = arith.muli %parallel_loop3A_184, %parallel_loop3A_353 : i32
        %parallel_loop3A_355 = arith.constant 4608 : i32
        %parallel_loop3A_356 = arith.addi %parallel_loop3A_355, %parallel_loop3A_354 : i32
        %parallel_loop3A_357 = arith.index_cast %parallel_loop3A_356 : i32 to index
        %parallel_loop3A_358 = tpu.vector_load %arg7[%parallel_loop3A_357] {strides = array<i32>} : memref<8192xf32, #tpu.memory_space<vmem>>, vector<16xf32>,
        %parallel_loop3A_359 = arith.addf %parallel_loop3A_350, %parallel_loop3A_358 : vector<16xf32>
        %parallel_loop3A_360 = arith.index_cast %parallel_loop3A_356 : i32 to index
        %parallel_loop3A_361 = tpu.vector_load %arg7[%parallel_loop3A_360] {strides = array<i32>} : memref<8192xf32, #tpu.memory_space<vmem>>, vector<16xf32>,
        tpu.vector_store %arg7[%parallel_loop3A_360], %broadcast_in_dim3A_9 {strides = array<i32>} : memref<8192xf32, #tpu.memory_space<vmem>>, vector<16xf32>,
        %parallel_loop3A_362 = arith.constant 16 : i32
        %parallel_loop3A_363 = arith.muli %parallel_loop3A_184, %parallel_loop3A_362 : i32
        %parallel_loop3A_364 = arith.constant 4864 : i32
        %parallel_loop3A_365 = arith.addi %parallel_loop3A_364, %parallel_loop3A_363 : i32
        %parallel_loop3A_366 = arith.index_cast %parallel_loop3A_365 : i32 to index
        %parallel_loop3A_367 = tpu.vector_load %arg7[%parallel_loop3A_366] {strides = array<i32>} : memref<8192xf32, #tpu.memory_space<vmem>>, vector<16xf32>,
        %parallel_loop3A_368 = arith.addf %parallel_loop3A_359, %parallel_loop3A_367 : vector<16xf32>
        %parallel_loop3A_369 = arith.index_cast %parallel_loop3A_365 : i32 to index
        %parallel_loop3A_370 = tpu.vector_load %arg7[%parallel_loop3A_369] {strides = array<i32>} : memref<8192xf32, #tpu.memory_space<vmem>>, vector<16xf32>,
        tpu.vector_store %arg7[%parallel_loop3A_369], %broadcast_in_dim3A_9 {strides = array<i32>} : memref<8192xf32, #tpu.memory_space<vmem>>, vector<16xf32>,
        %parallel_loop3A_371 = arith.constant 16 : i32
        %parallel_loop3A_372 = arith.muli %parallel_loop3A_184, %parallel_loop3A_371 : i32
        %parallel_loop3A_373 = arith.constant 5120 : i32
        %parallel_loop3A_374 = arith.addi %parallel_loop3A_373, %parallel_loop3A_372 : i32
        %parallel_loop3A_375 = arith.index_cast %parallel_loop3A_374 : i32 to index
        %parallel_loop3A_376 = tpu.vector_load %arg7[%parallel_loop3A_375] {strides = array<i32>} : memref<8192xf32, #tpu.memory_space<vmem>>, vector<16xf32>,
        %parallel_loop3A_377 = arith.addf %parallel_loop3A_368, %parallel_loop3A_376 : vector<16xf32>
        %parallel_loop3A_378 = arith.index_cast %parallel_loop3A_374 : i32 to index
        %parallel_loop3A_379 = tpu.vector_load %arg7[%parallel_loop3A_378] {strides = array<i32>} : memref<8192xf32, #tpu.memory_space<vmem>>, vector<16xf32>,
        tpu.vector_store %arg7[%parallel_loop3A_378], %broadcast_in_dim3A_9 {strides = array<i32>} : memref<8192xf32, #tpu.memory_space<vmem>>, vector<16xf32>,
        %parallel_loop3A_380 = arith.constant 16 : i32
        %parallel_loop3A_381 = arith.muli %parallel_loop3A_184, %parallel_loop3A_380 : i32
        %parallel_loop3A_382 = arith.constant 5376 : i32
        %parallel_loop3A_383 = arith.addi %parallel_loop3A_382, %parallel_loop3A_381 : i32
        %parallel_loop3A_384 = arith.index_cast %parallel_loop3A_383 : i32 to index
        %parallel_loop3A_385 = tpu.vector_load %arg7[%parallel_loop3A_384] {strides = array<i32>} : memref<8192xf32, #tpu.memory_space<vmem>>, vector<16xf32>,
        %parallel_loop3A_386 = arith.addf %parallel_loop3A_377, %parallel_loop3A_385 : vector<16xf32>
        %parallel_loop3A_387 = arith.index_cast %parallel_loop3A_383 : i32 to index
        %parallel_loop3A_388 = tpu.vector_load %arg7[%parallel_loop3A_387] {strides = array<i32>} : memref<8192xf32, #tpu.memory_space<vmem>>, vector<16xf32>,
        tpu.vector_store %arg7[%parallel_loop3A_387], %broadcast_in_dim3A_9 {strides = array<i32>} : memref<8192xf32, #tpu.memory_space<vmem>>, vector<16xf32>,
        %parallel_loop3A_389 = arith.constant 16 : i32
        %parallel_loop3A_390 = arith.muli %parallel_loop3A_184, %parallel_loop3A_389 : i32
        %parallel_loop3A_391 = arith.constant 5632 : i32
        %parallel_loop3A_392 = arith.addi %parallel_loop3A_391, %parallel_loop3A_390 : i32
        %parallel_loop3A_393 = arith.index_cast %parallel_loop3A_392 : i32 to index
        %parallel_loop3A_394 = tpu.vector_load %arg7[%parallel_loop3A_393] {strides = array<i32>} : memref<8192xf32, #tpu.memory_space<vmem>>, vector<16xf32>,
        %parallel_loop3A_395 = arith.addf %parallel_loop3A_386, %parallel_loop3A_394 : vector<16xf32>
        %parallel_loop3A_396 = arith.index_cast %parallel_loop3A_392 : i32 to index
        %parallel_loop3A_397 = tpu.vector_load %arg7[%parallel_loop3A_396] {strides = array<i32>} : memref<8192xf32, #tpu.memory_space<vmem>>, vector<16xf32>,
        tpu.vector_store %arg7[%parallel_loop3A_396], %broadcast_in_dim3A_9 {strides = array<i32>} : memref<8192xf32, #tpu.memory_space<vmem>>, vector<16xf32>,
        %parallel_loop3A_398 = arith.constant 16 : i32
        %parallel_loop3A_399 = arith.muli %parallel_loop3A_184, %parallel_loop3A_398 : i32
        %parallel_loop3A_400 = arith.constant 5888 : i32
        %parallel_loop3A_401 = arith.addi %parallel_loop3A_400, %parallel_loop3A_399 : i32
        %parallel_loop3A_402 = arith.index_cast %parallel_loop3A_401 : i32 to index
        %parallel_loop3A_403 = tpu.vector_load %arg7[%parallel_loop3A_402] {strides = array<i32>} : memref<8192xf32, #tpu.memory_space<vmem>>, vector<16xf32>,
        %parallel_loop3A_404 = arith.addf %parallel_loop3A_395, %parallel_loop3A_403 : vector<16xf32>
        %parallel_loop3A_405 = arith.index_cast %parallel_loop3A_401 : i32 to index
        %parallel_loop3A_406 = tpu.vector_load %arg7[%parallel_loop3A_405] {strides = array<i32>} : memref<8192xf32, #tpu.memory_space<vmem>>, vector<16xf32>,
        tpu.vector_store %arg7[%parallel_loop3A_405], %broadcast_in_dim3A_9 {strides = array<i32>} : memref<8192xf32, #tpu.memory_space<vmem>>, vector<16xf32>,
        %parallel_loop3A_407 = arith.constant 16 : i32
        %parallel_loop3A_408 = arith.muli %parallel_loop3A_184, %parallel_loop3A_407 : i32
        %parallel_loop3A_409 = arith.constant 6144 : i32
        %parallel_loop3A_410 = arith.addi %parallel_loop3A_409, %parallel_loop3A_408 : i32
        %parallel_loop3A_411 = arith.index_cast %parallel_loop3A_410 : i32 to index
        %parallel_loop3A_412 = tpu.vector_load %arg7[%parallel_loop3A_411] {strides = array<i32>} : memref<8192xf32, #tpu.memory_space<vmem>>, vector<16xf32>,
        %parallel_loop3A_413 = arith.addf %parallel_loop3A_404, %parallel_loop3A_412 : vector<16xf32>
        %parallel_loop3A_414 = arith.index_cast %parallel_loop3A_410 : i32 to index
        %parallel_loop3A_415 = tpu.vector_load %arg7[%parallel_loop3A_414] {strides = array<i32>} : memref<8192xf32, #tpu.memory_space<vmem>>, vector<16xf32>,
        tpu.vector_store %arg7[%parallel_loop3A_414], %broadcast_in_dim3A_9 {strides = array<i32>} : memref<8192xf32, #tpu.memory_space<vmem>>, vector<16xf32>,
        %parallel_loop3A_416 = arith.constant 16 : i32
        %parallel_loop3A_417 = arith.muli %parallel_loop3A_184, %parallel_loop3A_416 : i32
        %parallel_loop3A_418 = arith.constant 6400 : i32
        %parallel_loop3A_419 = arith.addi %parallel_loop3A_418, %parallel_loop3A_417 : i32
        %parallel_loop3A_420 = arith.index_cast %parallel_loop3A_419 : i32 to index
        %parallel_loop3A_421 = tpu.vector_load %arg7[%parallel_loop3A_420] {strides = array<i32>} : memref<8192xf32, #tpu.memory_space<vmem>>, vector<16xf32>,
        %parallel_loop3A_422 = arith.addf %parallel_loop3A_413, %parallel_loop3A_421 : vector<16xf32>
        %parallel_loop3A_423 = arith.index_cast %parallel_loop3A_419 : i32 to index
        %parallel_loop3A_424 = tpu.vector_load %arg7[%parallel_loop3A_423] {strides = array<i32>} : memref<8192xf32, #tpu.memory_space<vmem>>, vector<16xf32>,
        tpu.vector_store %arg7[%parallel_loop3A_423], %broadcast_in_dim3A_9 {strides = array<i32>} : memref<8192xf32, #tpu.memory_space<vmem>>, vector<16xf32>,
        %parallel_loop3A_425 = arith.constant 16 : i32
        %parallel_loop3A_426 = arith.muli %parallel_loop3A_184, %parallel_loop3A_425 : i32
        %parallel_loop3A_427 = arith.constant 6656 : i32
        %parallel_loop3A_428 = arith.addi %parallel_loop3A_427, %parallel_loop3A_426 : i32
        %parallel_loop3A_429 = arith.index_cast %parallel_loop3A_428 : i32 to index
        %parallel_loop3A_430 = tpu.vector_load %arg7[%parallel_loop3A_429] {strides = array<i32>} : memref<8192xf32, #tpu.memory_space<vmem>>, vector<16xf32>,
        %parallel_loop3A_431 = arith.addf %parallel_loop3A_422, %parallel_loop3A_430 : vector<16xf32>
        %parallel_loop3A_432 = arith.index_cast %parallel_loop3A_428 : i32 to index
        %parallel_loop3A_433 = tpu.vector_load %arg7[%parallel_loop3A_432] {strides = array<i32>} : memref<8192xf32, #tpu.memory_space<vmem>>, vector<16xf32>,
        tpu.vector_store %arg7[%parallel_loop3A_432], %broadcast_in_dim3A_9 {strides = array<i32>} : memref<8192xf32, #tpu.memory_space<vmem>>, vector<16xf32>,
        %parallel_loop3A_434 = arith.constant 16 : i32
        %parallel_loop3A_435 = arith.muli %parallel_loop3A_184, %parallel_loop3A_434 : i32
        %parallel_loop3A_436 = arith.constant 6912 : i32
        %parallel_loop3A_437 = arith.addi %parallel_loop3A_436, %parallel_loop3A_435 : i32
        %parallel_loop3A_438 = arith.index_cast %parallel_loop3A_437 : i32 to index
        %parallel_loop3A_439 = tpu.vector_load %arg7[%parallel_loop3A_438] {strides = array<i32>} : memref<8192xf32, #tpu.memory_space<vmem>>, vector<16xf32>,
        %parallel_loop3A_440 = arith.addf %parallel_loop3A_431, %parallel_loop3A_439 : vector<16xf32>
        %parallel_loop3A_441 = arith.index_cast %parallel_loop3A_437 : i32 to index
        %parallel_loop3A_442 = tpu.vector_load %arg7[%parallel_loop3A_441] {strides = array<i32>} : memref<8192xf32, #tpu.memory_space<vmem>>, vector<16xf32>,
        tpu.vector_store %arg7[%parallel_loop3A_441], %broadcast_in_dim3A_9 {strides = array<i32>} : memref<8192xf32, #tpu.memory_space<vmem>>, vector<16xf32>,
        %parallel_loop3A_443 = arith.constant 16 : i32
        %parallel_loop3A_444 = arith.muli %parallel_loop3A_184, %parallel_loop3A_443 : i32
        %parallel_loop3A_445 = arith.constant 7168 : i32
        %parallel_loop3A_446 = arith.addi %parallel_loop3A_445, %parallel_loop3A_444 : i32
        %parallel_loop3A_447 = arith.index_cast %parallel_loop3A_446 : i32 to index
        %parallel_loop3A_448 = tpu.vector_load %arg7[%parallel_loop3A_447] {strides = array<i32>} : memref<8192xf32, #tpu.memory_space<vmem>>, vector<16xf32>,
        %parallel_loop3A_449 = arith.addf %parallel_loop3A_440, %parallel_loop3A_448 : vector<16xf32>
        %parallel_loop3A_450 = arith.index_cast %parallel_loop3A_446 : i32 to index
        %parallel_loop3A_451 = tpu.vector_load %arg7[%parallel_loop3A_450] {strides = array<i32>} : memref<8192xf32, #tpu.memory_space<vmem>>, vector<16xf32>,
        tpu.vector_store %arg7[%parallel_loop3A_450], %broadcast_in_dim3A_9 {strides = array<i32>} : memref<8192xf32, #tpu.memory_space<vmem>>, vector<16xf32>,
        %parallel_loop3A_452 = arith.constant 16 : i32
        %parallel_loop3A_453 = arith.muli %parallel_loop3A_184, %parallel_loop3A_452 : i32
        %parallel_loop3A_454 = arith.constant 7424 : i32
        %parallel_loop3A_455 = arith.addi %parallel_loop3A_454, %parallel_loop3A_453 : i32
        %parallel_loop3A_456 = arith.index_cast %parallel_loop3A_455 : i32 to index
        %parallel_loop3A_457 = tpu.vector_load %arg7[%parallel_loop3A_456] {strides = array<i32>} : memref<8192xf32, #tpu.memory_space<vmem>>, vector<16xf32>,
        %parallel_loop3A_458 = arith.addf %parallel_loop3A_449, %parallel_loop3A_457 : vector<16xf32>
        %parallel_loop3A_459 = arith.index_cast %parallel_loop3A_455 : i32 to index
        %parallel_loop3A_460 = tpu.vector_load %arg7[%parallel_loop3A_459] {strides = array<i32>} : memref<8192xf32, #tpu.memory_space<vmem>>, vector<16xf32>,
        tpu.vector_store %arg7[%parallel_loop3A_459], %broadcast_in_dim3A_9 {strides = array<i32>} : memref<8192xf32, #tpu.memory_space<vmem>>, vector<16xf32>,
        %parallel_loop3A_461 = arith.constant 16 : i32
        %parallel_loop3A_462 = arith.muli %parallel_loop3A_184, %parallel_loop3A_461 : i32
        %parallel_loop3A_463 = arith.constant 7680 : i32
        %parallel_loop3A_464 = arith.addi %parallel_loop3A_463, %parallel_loop3A_462 : i32
        %parallel_loop3A_465 = arith.index_cast %parallel_loop3A_464 : i32 to index
        %parallel_loop3A_466 = tpu.vector_load %arg7[%parallel_loop3A_465] {strides = array<i32>} : memref<8192xf32, #tpu.memory_space<vmem>>, vector<16xf32>,
        %parallel_loop3A_467 = arith.addf %parallel_loop3A_458, %parallel_loop3A_466 : vector<16xf32>
        %parallel_loop3A_468 = arith.index_cast %parallel_loop3A_464 : i32 to index
        %parallel_loop3A_469 = tpu.vector_load %arg7[%parallel_loop3A_468] {strides = array<i32>} : memref<8192xf32, #tpu.memory_space<vmem>>, vector<16xf32>,
        tpu.vector_store %arg7[%parallel_loop3A_468], %broadcast_in_dim3A_9 {strides = array<i32>} : memref<8192xf32, #tpu.memory_space<vmem>>, vector<16xf32>,
        %parallel_loop3A_470 = arith.constant 16 : i32
        %parallel_loop3A_471 = arith.muli %parallel_loop3A_184, %parallel_loop3A_470 : i32
        %parallel_loop3A_472 = arith.constant 7936 : i32
        %parallel_loop3A_473 = arith.addi %parallel_loop3A_472, %parallel_loop3A_471 : i32
        %parallel_loop3A_474 = arith.index_cast %parallel_loop3A_473 : i32 to index
        %parallel_loop3A_475 = tpu.vector_load %arg7[%parallel_loop3A_474] {strides = array<i32>} : memref<8192xf32, #tpu.memory_space<vmem>>, vector<16xf32>,
        %parallel_loop3A_476 = arith.addf %parallel_loop3A_467, %parallel_loop3A_475 : vector<16xf32>
        %parallel_loop3A_477 = arith.index_cast %parallel_loop3A_473 : i32 to index
        %parallel_loop3A_478 = tpu.vector_load %arg7[%parallel_loop3A_477] {strides = array<i32>} : memref<8192xf32, #tpu.memory_space<vmem>>, vector<16xf32>,
        tpu.vector_store %arg7[%parallel_loop3A_477], %broadcast_in_dim3A_9 {strides = array<i32>} : memref<8192xf32, #tpu.memory_space<vmem>>, vector<16xf32>,
        %parallel_loop3A_479 = arith.constant 16 : i32
        %parallel_loop3A_480 = arith.muli %parallel_loop3A_184, %parallel_loop3A_479 : i32
        %parallel_loop3A_481 = arith.constant 256 : i32
        %parallel_loop3A_482 = arith.addi %parallel_loop3A_481, %parallel_loop3A_480 : i32
        %parallel_loop3A_483 = arith.index_cast %parallel_loop3A_482 : i32 to index
        %parallel_loop3A_484 = tpu.vector_load %arg8[%parallel_loop3A_483] {strides = array<i32>} : memref<512xf32, #tpu.memory_space<vmem>>, vector<16xf32>,
        tpu.vector_store %arg8[%parallel_loop3A_483], %parallel_loop3A_476 {strides = array<i32>} : memref<512xf32, #tpu.memory_space<vmem>>, vector<16xf32>,
      } {sc.loop_unroll_factor = 1 : i64, sc.parallel_access}
      %parallel_loop3A_152 = arith.constant 0 : i32
      %parallel_loop3A_153 = arith.constant 16 : i32
      %parallel_loop3A_154 = arith.constant 1 : i32
      %parallel_loop3A_155 = arith.constant 0.000000e+00 : f32
      %parallel_loop3A_156 = arith.constant false
      %parallel_loop3A_157 = arith.constant 0.000000e+00 : f32
      %parallel_loop3A_158 = arith.constant 0.000000e+00 : f32
      %parallel_loop3A_159:4 = scf.for %parallel_loop3A_184 = %parallel_loop3A_152 to %parallel_loop3A_153 step %parallel_loop3A_154 iter_args(%parallel_loop3A_185 = %parallel_loop3A_155, %parallel_loop3A_186 = %parallel_loop3A_156, %parallel_loop3A_187 = %parallel_loop3A_157, %parallel_loop3A_188 = %parallel_loop3A_158) -> (f32, i1, f32, f32)  : i32 {
        %parallel_loop3A_189 = arith.constant 15 : i32
        %parallel_loop3A_190 = arith.subi %parallel_loop3A_189, %parallel_loop3A_184 : i32
        %parallel_loop3A_191 = arith.constant 16 : i32
        %parallel_loop3A_192 = arith.muli %parallel_loop3A_190, %parallel_loop3A_191 : i32
        %parallel_loop3A_193 = arith.index_cast %parallel_loop3A_192 : i32 to index
        %parallel_loop3A_194 = tpu.vector_load %arg8[%parallel_loop3A_193] {strides = array<i32>} : memref<512xf32, #tpu.memory_space<vmem>>, vector<16xf32>,
        %parallel_loop3A_195 = arith.constant 16 : i32
        %parallel_loop3A_196 = arith.muli %parallel_loop3A_190, %parallel_loop3A_195 : i32
        %parallel_loop3A_197 = arith.constant 256 : i32
        %parallel_loop3A_198 = arith.addi %parallel_loop3A_197, %parallel_loop3A_196 : i32
        %parallel_loop3A_199 = arith.index_cast %parallel_loop3A_198 : i32 to index
        %parallel_loop3A_200 = tpu.vector_load %arg8[%parallel_loop3A_199] {strides = array<i32>} : memref<512xf32, #tpu.memory_space<vmem>>, vector<16xf32>,
        %parallel_loop3A_201 = arith.maximumf %parallel_loop3A_194, %broadcast_in_dim3A_7 : vector<16xf32>
        %parallel_loop3A_202 = arith.divf %parallel_loop3A_200, %parallel_loop3A_201 : vector<16xf32>
        %parallel_loop3A_203 = arith.mulf %parallel_loop3A_200, %parallel_loop3A_202 : vector<16xf32>
        %parallel_loop3A_204 = arith.constant true
        %parallel_loop3A_205 = vector.broadcast %parallel_loop3A_204 : i1 to vector<16xi1>
        %parallel_loop3A_206 = tpu.scan <sum>, %parallel_loop3A_194 masked %parallel_loop3A_205 : vector<16xf32>, vector<16xi1> -> vector<16xf32>
        %parallel_loop3A_207 = vector.extract %parallel_loop3A_206[15] : f32 from vector<16xf32>
        %parallel_loop3A_208 = arith.constant 15 : i32
        %parallel_loop3A_209 = vector.broadcast %parallel_loop3A_208 : i32 to vector<16xi32>
        %parallel_loop3A_210 = tpu.iota {dimensions = array<i32: 0>} : vector<16xi32>
        %parallel_loop3A_211 = arith.subi %parallel_loop3A_209, %parallel_loop3A_210 : vector<16xi32>
        %parallel_loop3A_212 = tpu.dynamic_gather %parallel_loop3A_194[%parallel_loop3A_211] in [0] : vector<16xf32>, vector<16xi32> -> vector<16xf32>
        %parallel_loop3A_213 = arith.constant 15 : i32
        %parallel_loop3A_214 = vector.broadcast %parallel_loop3A_213 : i32 to vector<16xi32>
        %parallel_loop3A_215 = tpu.iota {dimensions = array<i32: 0>} : vector<16xi32>
        %parallel_loop3A_216 = arith.subi %parallel_loop3A_214, %parallel_loop3A_215 : vector<16xi32>
        %parallel_loop3A_217 = tpu.dynamic_gather %parallel_loop3A_200[%parallel_loop3A_216] in [0] : vector<16xf32>, vector<16xi32> -> vector<16xf32>
        %parallel_loop3A_218 = arith.constant 15 : i32
        %parallel_loop3A_219 = vector.broadcast %parallel_loop3A_218 : i32 to vector<16xi32>
        %parallel_loop3A_220 = tpu.iota {dimensions = array<i32: 0>} : vector<16xi32>
        %parallel_loop3A_221 = arith.subi %parallel_loop3A_219, %parallel_loop3A_220 : vector<16xi32>
        %parallel_loop3A_222 = tpu.dynamic_gather %parallel_loop3A_203[%parallel_loop3A_221] in [0] : vector<16xf32>, vector<16xi32> -> vector<16xf32>
        %parallel_loop3A_223 = arith.constant 15 : i32
        %parallel_loop3A_224 = vector.broadcast %parallel_loop3A_223 : i32 to vector<16xi32>
        %parallel_loop3A_225 = tpu.iota {dimensions = array<i32: 0>} : vector<16xi32>
        %parallel_loop3A_226 = arith.subi %parallel_loop3A_224, %parallel_loop3A_225 : vector<16xi32>
        %parallel_loop3A_227 = tpu.dynamic_gather %parallel_loop3A_202[%parallel_loop3A_226] in [0] : vector<16xf32>, vector<16xi32> -> vector<16xf32>
        %parallel_loop3A_228 = arith.constant true
        %parallel_loop3A_229 = vector.broadcast %parallel_loop3A_228 : i1 to vector<16xi1>
        %parallel_loop3A_230 = tpu.scan <sum>, %parallel_loop3A_212 masked %parallel_loop3A_229 : vector<16xf32>, vector<16xi1> -> vector<16xf32>
        %parallel_loop3A_231 = arith.constant true
        %parallel_loop3A_232 = vector.broadcast %parallel_loop3A_231 : i1 to vector<16xi1>
        %parallel_loop3A_233 = tpu.scan <sum>, %parallel_loop3A_217 masked %parallel_loop3A_232 : vector<16xf32>, vector<16xi1> -> vector<16xf32>
        %parallel_loop3A_234 = arith.constant true
        %parallel_loop3A_235 = vector.broadcast %parallel_loop3A_234 : i1 to vector<16xi1>
        %parallel_loop3A_236 = tpu.scan <sum>, %parallel_loop3A_222 masked %parallel_loop3A_235 : vector<16xf32>, vector<16xi1> -> vector<16xf32>
        %parallel_loop3A_237 = vector.broadcast %parallel_loop3A_185 : f32 to vector<16xf32>
        %parallel_loop3A_238 = arith.addf %parallel_loop3A_237, %parallel_loop3A_230 : vector<16xf32>
        %parallel_loop3A_239 = vector.broadcast %sub3A_101 : f32 to vector<16xf32>
        %parallel_loop3A_240 = arith.cmpf oge, %parallel_loop3A_238, %parallel_loop3A_239 : vector<16xf32>
        %parallel_loop3A_241 = tpu.all_reduce %parallel_loop3A_240 {dim = 0 : i64, kind = #tpu.reduction_kind<find_first_set>} : vector<16xi1> -> vector<16xi32>
        %parallel_loop3A_242 = arith.constant true
        %parallel_loop3A_243 = vector.broadcast %parallel_loop3A_242 : i1 to vector<16xi1>
        %parallel_loop3A_244 = arith.constant -2147483648 : i32
        %parallel_loop3A_245 = vector.broadcast %parallel_loop3A_244 : i32 to vector<16xi32>
        %parallel_loop3A_246 = arith.xori %parallel_loop3A_241, %parallel_loop3A_245 : vector<16xi32>
        %parallel_loop3A_247 = tpu.scan <max>, %parallel_loop3A_246 masked %parallel_loop3A_243 : vector<16xi32>, vector<16xi1> -> vector<16xi32>
        %parallel_loop3A_248 = arith.xori %parallel_loop3A_247, %parallel_loop3A_245 : vector<16xi32>
        %parallel_loop3A_249 = vector.extract %parallel_loop3A_248[15] : i32 from vector<16xi32>
        %parallel_loop3A_250 = arith.constant true
        %parallel_loop3A_251 = arith.xori %parallel_loop3A_186, %parallel_loop3A_250 : i1
        %parallel_loop3A_252 = arith.addf %parallel_loop3A_185, %parallel_loop3A_207 : f32
        %parallel_loop3A_253 = arith.cmpf oge, %parallel_loop3A_252, %sub3A_101 : f32
        %parallel_loop3A_254 = arith.andi %parallel_loop3A_251, %parallel_loop3A_253 : i1
        %parallel_loop3A_255 = tpu.iota {dimensions = array<i32: 0>} : vector<16xi32>
        %parallel_loop3A_256 = vector.broadcast %parallel_loop3A_249 : i32 to vector<16xi32>
        %parallel_loop3A_257 = arith.cmpi eq, %parallel_loop3A_255, %parallel_loop3A_256 : vector<16xi32>
        %parallel_loop3A_258 = arith.constant 0.000000e+00 : f32
        %parallel_loop3A_259 = vector.broadcast %parallel_loop3A_258 : f32 to vector<16xf32>
        %parallel_loop3A_260 = arith.select %parallel_loop3A_257, %parallel_loop3A_230, %parallel_loop3A_259 : vector<16xi1>, vector<16xf32>
        %parallel_loop3A_261 = arith.constant true
        %parallel_loop3A_262 = vector.broadcast %parallel_loop3A_261 : i1 to vector<16xi1>
        %parallel_loop3A_263 = tpu.scan <sum>, %parallel_loop3A_260 masked %parallel_loop3A_262 : vector<16xf32>, vector<16xi1> -> vector<16xf32>
        %parallel_loop3A_264 = vector.extract %parallel_loop3A_263[15] : f32 from vector<16xf32>
        %parallel_loop3A_265 = tpu.iota {dimensions = array<i32: 0>} : vector<16xi32>
        %parallel_loop3A_266 = vector.broadcast %parallel_loop3A_249 : i32 to vector<16xi32>
        %parallel_loop3A_267 = arith.cmpi eq, %parallel_loop3A_265, %parallel_loop3A_266 : vector<16xi32>
        %parallel_loop3A_268 = arith.constant 0.000000e+00 : f32
        %parallel_loop3A_269 = vector.broadcast %parallel_loop3A_268 : f32 to vector<16xf32>
        %parallel_loop3A_270 = arith.select %parallel_loop3A_267, %parallel_loop3A_212, %parallel_loop3A_269 : vector<16xi1>, vector<16xf32>
        %parallel_loop3A_271 = arith.constant true
        %parallel_loop3A_272 = vector.broadcast %parallel_loop3A_271 : i1 to vector<16xi1>
        %parallel_loop3A_273 = tpu.scan <sum>, %parallel_loop3A_270 masked %parallel_loop3A_272 : vector<16xf32>, vector<16xi1> -> vector<16xf32>
        %parallel_loop3A_274 = vector.extract %parallel_loop3A_273[15] : f32 from vector<16xf32>
        %parallel_loop3A_275 = tpu.iota {dimensions = array<i32: 0>} : vector<16xi32>
        %parallel_loop3A_276 = vector.broadcast %parallel_loop3A_249 : i32 to vector<16xi32>
        %parallel_loop3A_277 = arith.cmpi eq, %parallel_loop3A_275, %parallel_loop3A_276 : vector<16xi32>
        %parallel_loop3A_278 = arith.constant 0.000000e+00 : f32
        %parallel_loop3A_279 = vector.broadcast %parallel_loop3A_278 : f32 to vector<16xf32>
        %parallel_loop3A_280 = arith.select %parallel_loop3A_277, %parallel_loop3A_233, %parallel_loop3A_279 : vector<16xi1>, vector<16xf32>
        %parallel_loop3A_281 = arith.constant true
        %parallel_loop3A_282 = vector.broadcast %parallel_loop3A_281 : i1 to vector<16xi1>
        %parallel_loop3A_283 = tpu.scan <sum>, %parallel_loop3A_280 masked %parallel_loop3A_282 : vector<16xf32>, vector<16xi1> -> vector<16xf32>
        %parallel_loop3A_284 = vector.extract %parallel_loop3A_283[15] : f32 from vector<16xf32>
        %parallel_loop3A_285 = tpu.iota {dimensions = array<i32: 0>} : vector<16xi32>
        %parallel_loop3A_286 = vector.broadcast %parallel_loop3A_249 : i32 to vector<16xi32>
        %parallel_loop3A_287 = arith.cmpi eq, %parallel_loop3A_285, %parallel_loop3A_286 : vector<16xi32>
        %parallel_loop3A_288 = arith.constant 0.000000e+00 : f32
        %parallel_loop3A_289 = vector.broadcast %parallel_loop3A_288 : f32 to vector<16xf32>
        %parallel_loop3A_290 = arith.select %parallel_loop3A_287, %parallel_loop3A_236, %parallel_loop3A_289 : vector<16xi1>, vector<16xf32>
        %parallel_loop3A_291 = arith.constant true
        %parallel_loop3A_292 = vector.broadcast %parallel_loop3A_291 : i1 to vector<16xi1>
        %parallel_loop3A_293 = tpu.scan <sum>, %parallel_loop3A_290 masked %parallel_loop3A_292 : vector<16xf32>, vector<16xi1> -> vector<16xf32>
        %parallel_loop3A_294 = vector.extract %parallel_loop3A_293[15] : f32 from vector<16xf32>
        %parallel_loop3A_295 = tpu.iota {dimensions = array<i32: 0>} : vector<16xi32>
        %parallel_loop3A_296 = vector.broadcast %parallel_loop3A_249 : i32 to vector<16xi32>
        %parallel_loop3A_297 = arith.cmpi eq, %parallel_loop3A_295, %parallel_loop3A_296 : vector<16xi32>
        %parallel_loop3A_298 = arith.constant 0.000000e+00 : f32
        %parallel_loop3A_299 = vector.broadcast %parallel_loop3A_298 : f32 to vector<16xf32>
        %parallel_loop3A_300 = arith.select %parallel_loop3A_297, %parallel_loop3A_217, %parallel_loop3A_299 : vector<16xi1>, vector<16xf32>
        %parallel_loop3A_301 = arith.constant true
        %parallel_loop3A_302 = vector.broadcast %parallel_loop3A_301 : i1 to vector<16xi1>
        %parallel_loop3A_303 = tpu.scan <sum>, %parallel_loop3A_300 masked %parallel_loop3A_302 : vector<16xf32>, vector<16xi1> -> vector<16xf32>
        %parallel_loop3A_304 = vector.extract %parallel_loop3A_303[15] : f32 from vector<16xf32>
        %parallel_loop3A_305 = tpu.iota {dimensions = array<i32: 0>} : vector<16xi32>
        %parallel_loop3A_306 = vector.broadcast %parallel_loop3A_249 : i32 to vector<16xi32>
        %parallel_loop3A_307 = arith.cmpi eq, %parallel_loop3A_305, %parallel_loop3A_306 : vector<16xi32>
        %parallel_loop3A_308 = arith.constant 0.000000e+00 : f32
        %parallel_loop3A_309 = vector.broadcast %parallel_loop3A_308 : f32 to vector<16xf32>
        %parallel_loop3A_310 = arith.select %parallel_loop3A_307, %parallel_loop3A_222, %parallel_loop3A_309 : vector<16xi1>, vector<16xf32>
        %parallel_loop3A_311 = arith.constant true
        %parallel_loop3A_312 = vector.broadcast %parallel_loop3A_311 : i1 to vector<16xi1>
        %parallel_loop3A_313 = tpu.scan <sum>, %parallel_loop3A_310 masked %parallel_loop3A_312 : vector<16xf32>, vector<16xi1> -> vector<16xf32>
        %parallel_loop3A_314 = vector.extract %parallel_loop3A_313[15] : f32 from vector<16xf32>
        %parallel_loop3A_315 = tpu.iota {dimensions = array<i32: 0>} : vector<16xi32>
        %parallel_loop3A_316 = vector.broadcast %parallel_loop3A_249 : i32 to vector<16xi32>
        %parallel_loop3A_317 = arith.cmpi eq, %parallel_loop3A_315, %parallel_loop3A_316 : vector<16xi32>
        %parallel_loop3A_318 = arith.constant 0.000000e+00 : f32
        %parallel_loop3A_319 = vector.broadcast %parallel_loop3A_318 : f32 to vector<16xf32>
        %parallel_loop3A_320 = arith.select %parallel_loop3A_317, %parallel_loop3A_227, %parallel_loop3A_319 : vector<16xi1>, vector<16xf32>
        %parallel_loop3A_321 = arith.constant true
        %parallel_loop3A_322 = vector.broadcast %parallel_loop3A_321 : i1 to vector<16xi1>
        %parallel_loop3A_323 = tpu.scan <sum>, %parallel_loop3A_320 masked %parallel_loop3A_322 : vector<16xf32>, vector<16xi1> -> vector<16xf32>
        %parallel_loop3A_324 = vector.extract %parallel_loop3A_323[15] : f32 from vector<16xf32>
        %parallel_loop3A_325 = arith.addf %parallel_loop3A_185, %parallel_loop3A_264 : f32
        %parallel_loop3A_326 = arith.subf %parallel_loop3A_325, %parallel_loop3A_274 : f32
        %parallel_loop3A_327 = arith.subf %sub3A_101, %parallel_loop3A_326 : f32
        %parallel_loop3A_328 = arith.subf %parallel_loop3A_284, %parallel_loop3A_304 : f32
        %parallel_loop3A_329 = arith.mulf %parallel_loop3A_327, %parallel_loop3A_324 : f32
        %parallel_loop3A_330 = arith.addf %parallel_loop3A_328, %parallel_loop3A_329 : f32
        %parallel_loop3A_331 = arith.subf %parallel_loop3A_294, %parallel_loop3A_314 : f32
        %parallel_loop3A_332 = arith.mulf %parallel_loop3A_327, %parallel_loop3A_324 : f32
        %parallel_loop3A_333 = arith.mulf %parallel_loop3A_332, %parallel_loop3A_324 : f32
        %parallel_loop3A_334 = arith.addf %parallel_loop3A_331, %parallel_loop3A_333 : f32
        %parallel_loop3A_335 = arith.addf %parallel_loop3A_187, %parallel_loop3A_330 : f32
        %parallel_loop3A_336 = arith.constant true
        %parallel_loop3A_337 = vector.broadcast %parallel_loop3A_336 : i1 to vector<16xi1>
        %parallel_loop3A_338 = tpu.scan <sum>, %parallel_loop3A_200 masked %parallel_loop3A_337 : vector<16xf32>, vector<16xi1> -> vector<16xf32>
        %parallel_loop3A_339 = vector.extract %parallel_loop3A_338[15] : f32 from vector<16xf32>
        %parallel_loop3A_340 = arith.addf %parallel_loop3A_187, %parallel_loop3A_339 : f32
        %parallel_loop3A_341 = arith.select %parallel_loop3A_186, %parallel_loop3A_187, %parallel_loop3A_340 : f32
        %parallel_loop3A_342 = arith.select %parallel_loop3A_254, %parallel_loop3A_335, %parallel_loop3A_341 : f32
        %parallel_loop3A_343 = arith.addf %parallel_loop3A_188, %parallel_loop3A_334 : f32
        %parallel_loop3A_344 = arith.constant true
        %parallel_loop3A_345 = vector.broadcast %parallel_loop3A_344 : i1 to vector<16xi1>
        %parallel_loop3A_346 = tpu.scan <sum>, %parallel_loop3A_203 masked %parallel_loop3A_345 : vector<16xf32>, vector<16xi1> -> vector<16xf32>
        %parallel_loop3A_347 = vector.extract %parallel_loop3A_346[15] : f32 from vector<16xf32>
        %parallel_loop3A_348 = arith.addf %parallel_loop3A_188, %parallel_loop3A_347 : f32
        %parallel_loop3A_349 = arith.select %parallel_loop3A_186, %parallel_loop3A_188, %parallel_loop3A_348 : f32
        %parallel_loop3A_350 = arith.select %parallel_loop3A_254, %parallel_loop3A_343, %parallel_loop3A_349 : f32
        %parallel_loop3A_351 = arith.addf %parallel_loop3A_185, %parallel_loop3A_207 : f32
        %parallel_loop3A_352 = arith.select %parallel_loop3A_186, %parallel_loop3A_185, %parallel_loop3A_351 : f32
        %parallel_loop3A_353 = arith.ori %parallel_loop3A_186, %parallel_loop3A_254 : i1
        scf.yield %parallel_loop3A_352, %parallel_loop3A_353, %parallel_loop3A_342, %parallel_loop3A_350 : f32, i1, f32, f32
      } {sc.loop_unroll_factor = 1 : i64, sc.parallel_access}
      %add3A_160 = arith.addf %reduce_sum3A_144, %parallel_loop3A_159#2 : f32
      %add3A_161 = arith.addf %reduce_sum3A_148, %parallel_loop3A_159#3 : f32
      %mul3A_162 = arith.constant 2.000000e+00 : f32
      %mul3A_163 = arith.mulf %mul3A_162, %add3A_160 : f32
      %add3A_164 = arith.addf %add3A_161, %mul3A_163 : f32
      %add3A_165 = arith.addf %add3A_164, %scan3A : f32
      %mul3A_166 = arith.constant 0.00100100099 : f32
      %mul3A_167 = arith.mulf %add3A_165, %mul3A_166 : f32
      %reduce_max3A = arith.constant true
      %reduce_max3A_168 = vector.broadcast %reduce_max3A : i1 to vector<16xi1>
      %reduce_max3A_169 = tpu.scan <max>, %gather3A masked %reduce_max3A_168 : vector<16xf32>, vector<16xi1> -> vector<16xf32>
      %reduce_max3A_170 = vector.extract %reduce_max3A_169[15] : f32 from vector<16xf32>
      %sub3A_171 = arith.constant 1.000000e+00 : f32
      %sub3A_172 = arith.subf %reduce_max3A_170, %sub3A_171 : f32
      %mul3A_173 = arith.constant 5.000000e+00 : f32
      %mul3A_174 = arith.mulf %mul3A_173, %sub3A_172 : f32
      %sub3A_175 = arith.constant 1.000000e+00 : f32
      %sub3A_176 = arith.subf %reduce_max3A_170, %sub3A_175 : f32
      %mul3A_177 = arith.mulf %mul3A_174, %sub3A_176 : f32
      %add3A_178 = arith.addf %mul3A_177, %mul3A_167 : f32
      %jit3A_179 = arith.constant 0.000000e+00 : f32
      %broadcast_in_dim3A_180 = vector.broadcast %add3A_178 : f32 to vector<16xf32>
      %broadcast_in_dim3A_181 = vector.broadcast %jit3A_179 : f32 to vector<16xf32>
      %select_n3A_182 = arith.select %eq3A_11, %broadcast_in_dim3A_180, %broadcast_in_dim3A_181 : vector<16xi1>, vector<16xf32>
      %add3A_183 = arith.addf %scan3A_29, %select_n3A_182 : vector<16xf32>
      scf.yield %add3A_183 : vector<16xf32>
    }
    %scan3A_26 = arith.constant 32 : i32
    %swap3A = arith.constant 0 : index
    %swap3A_27 = tpu.vector_load %arg10[%swap3A] {strides = array<i32>} : memref<16xf32, #tpu.memory_space<vmem>>, vector<16xf32>,
    tpu.vector_store %arg10[%swap3A], %scan3A_25 {strides = array<i32>} : memref<16xf32, #tpu.memory_space<vmem>>, vector<16xf32>,
    "tpu.region"() ({
      %run_scoped3A = tpu.sem_alloc : memref<!tpu.dma_semaphore, #tpu.memory_space<semaphore_mem>>
      %dma_start3A = arith.constant 0 : i32
      %dma_start3A_28 = tpu.memref_slice %arg4[%add3A, %dma_start3A] : memref<32x16xf32, #tpu.memory_space<hbm>> -> memref<1x16xf32, #tpu.memory_space<hbm>>
      %dma_start3A_29 = tpu.memref_squeeze %dma_start3A_28 : memref<1x16xf32, #tpu.memory_space<hbm>> -> memref<16xf32, #tpu.memory_space<hbm>>
      %dma_start3A_30 = arith.constant 0 : i32
      %dma_start3A_31 = tpu.memref_slice %arg4[%add3A, %dma_start3A_30] : memref<32x16xf32, #tpu.memory_space<hbm>> -> memref<1x16xf32, #tpu.memory_space<hbm>>
      %dma_start3A_32 = tpu.memref_squeeze %dma_start3A_31 : memref<1x16xf32, #tpu.memory_space<hbm>> -> memref<16xf32, #tpu.memory_space<hbm>>
      tpu.enqueue_dma source(%arg10 : memref<16xf32, #tpu.memory_space<vmem>>) target(%dma_start3A_32 : memref<16xf32, #tpu.memory_space<hbm>>) target_semaphore(%run_scoped3A : memref<!tpu.dma_semaphore, #tpu.memory_space<semaphore_mem>>)
      %dma_wait3A = arith.constant 0 : i32
      %dma_wait3A_33 = tpu.memref_slice %arg4[%add3A, %dma_wait3A] : memref<32x16xf32, #tpu.memory_space<hbm>> -> memref<1x16xf32, #tpu.memory_space<hbm>>
      %dma_wait3A_34 = tpu.memref_squeeze %dma_wait3A_33 : memref<1x16xf32, #tpu.memory_space<hbm>> -> memref<16xf32, #tpu.memory_space<hbm>>
      %dma_wait3A_35 = arith.constant 0 : i32
      %dma_wait3A_36 = tpu.memref_slice %arg4[%add3A, %dma_wait3A_35] : memref<32x16xf32, #tpu.memory_space<hbm>> -> memref<1x16xf32, #tpu.memory_space<hbm>>
      %dma_wait3A_37 = tpu.memref_squeeze %dma_wait3A_36 : memref<1x16xf32, #tpu.memory_space<hbm>> -> memref<16xf32, #tpu.memory_space<hbm>>
      tpu.wait_dma2 semaphore(%run_scoped3A : memref<!tpu.dma_semaphore, #tpu.memory_space<semaphore_mem>>) src(%arg10 : memref<16xf32, #tpu.memory_space<vmem>>) dst(%dma_wait3A_37 : memref<16xf32, #tpu.memory_space<hbm>>)
      tpu.yield
    }) : () -> ()
    return
  }
}

</mosaic_0001>

<sc_bundles>
// kernel: kernel.3.cloned.1.call-start
scs
__scs_entry_jumppad:
0x0: {  	(pc) =	sbr.rel $0x88, $3  }
0x1: {  	(tag) =	ssettag $0x0;
	lr =	simm.s32 $0x1  }
0x2: {  	[smem:$0x3F9F] =	sst lr;
	_ =	strace $0xD0000000  }
0x3: {  	_ = 	snop  }
0x4: {  	_ = 	snop  }
0x5: {  	_ = 	snop  }
0x6: {  	_ = 	snop  }
0x7: {  	_ = 	snop  }
__scs_overlays_trampoline_lowered:
0x8: {  	[smem:$0x3FAE] =	sst s0  }
0x9: {  	[smem:$0x3FAF] =	sst s1  }
0xa: {  	[smem:$0x3FB0] =	sst s2  }
0xb: {  	[smem:$0x3FB1] =	sst s3  }
0xc: {  	[smem:$0x3FB2] =	sst s4  }
0xd: {  	[smem:$0x3FB3] =	sst s5  }
0xe: {  	[smem:$0x3FB4] =	sst s6  }
0xf: {  	[smem:$0x3FB5] =	sst s7  }
0x10: {  	[smem:$0x3FB6] =	sst s8  }
0x11: {  	[smem:$0x3FB7] =	sst s9;
	s0 =	simm.s32 @!p0 $0x0  }
0x12: {  	s1 =	sld [smem:$0x3F9D];
	s0 =	simm.s32 @p0 $0x1  }
0x13: {  	[smem:$0x3FB8] =	sst s0;
	s0 =	simm.s32 @!p1 $0x0  }
0x14: {  	s2 =	sld [smem:$0x3F9C];
	s0 =	simm.s32 @p1 $0x1  }
0x15: {  	[smem:$0x3FB9] =	sst s0;
	s0 =	simm.s32 @!p2 $0x0  }
0x16: {  	s3 =	sld [smem:$0x3FDB];
	s0 =	simm.s32 @p2 $0x1  }
0x17: {  	s4 =	simm.s32 $0x1BF5;
	[smem:$0x3FBB] =	sst s0  }
0x18: {  	s0 =	sld [smem:$0x3F9E];
	_ =	swait.ge [sflag:s4], $0x0  }
0x19: {  	s7 =	sld [smem:$0x3F9F]  }
0x1a: {  	s8 =	sadd.s32 $0xFFFFE003, lr  }
0x1b: {  	s9 =	sadd.s32 $0xFFFFFEF7, lr;
	s5 =	simm.s32 $0xFFFFFFFF;
	p2 =	slt.u32 s8, $0xFFFFF086  }
0x1c: {  	p1 =	slt.u32 s9, $0xF7A;
	s5 =	simm.s32 @!p2 $0x0  }
0x1d: {  	s5 =	simm.s32 @p1 $0x1;
	p0 =	seq.s32 s7, s2  }
0x1e: {  	s7 =	smul.u32 @!p0 $0xF7A, s2;
	p2 =	seq.s32 @!p0 s5, $0x0  }
0x1f: {  	s9 =	smul.u32 $0xF7A, s1;
	s8 =	simm.s32 @!p0 $0x1BF5;
	p2 =	por !p2, p0  }
0x20: {  	[sflag:s8] =	ssyncset.s32 @!p0 $0xFFFFF086;
	s6 =	sadd.s32 @!p0 s3, s7;
	s7 =	simm.s32 @!p0 $0x108  }
0x21: {  	s3 =	sadd.s32 s3, s9;
	s6 =	sadd.s32 @!p0 $0x88, s6;
	s7 =	simm.s32 @p2 $0x1082  }
0x22: {  	[simem:s7], [sflag:s8] =	dma.local @!p0 [hbm:s6], $0xF7A  }
0x23: {  	s9 =	sor.u32 $0xD0000000, s2;
	s6 =	simm.s32 $0x108;
	_ =	swait.ge @!p0 [sflag:s8], $0x0  }
0x24: {  	s3 =	sadd.s32 $0x88, s3;
	s6 =	simm.s32 @!p1 $0x1082;
	[sflag:s4] =	ssyncset.s32 $0xFFFFF086  }
0x25: {  	[simem:s6], [sflag:s4] =	dma.local [hbm:s3], $0xF7A  }
0x26: {  	[smem:$0x3F9F] =	sst s1;
	(tag) =	ssettag s2;
	_ =	strace s9  }
0x27: {  	s1 =	sld [smem:$0x3FAF]  }
0x28: {  	s2 =	sld [smem:$0x3FB0]  }
0x29: {  	s4 =	sld [smem:$0x3FB2]  }
0x2a: {  	p0 =	seq.s32 s5, $0x0;
	s5 =	sld [smem:$0x3FB3]  }
0x2b: {  	s6 =	sld [smem:$0x3FB4]  }
0x2c: {  	s7 =	sld [smem:$0x3FB5]  }
0x2d: {  	s3 =	simm.s32 $0x108;
	s8 =	sld [smem:$0x3FB6]  }
0x2e: {  	s3 =	simm.s32 @!p0 $0x1082;
	s9 =	sld [smem:$0x3FB7]  }
0x2f: {  	lr =	sadd.s32 s0, s3;
	s0 =	sld [smem:$0x3FAE]  }
0x30: {  	s3 =	sld [smem:$0x3FB1]  }
0x31: {  	[smem:$0x3FBA] =	sst s10  }
0x32: {  	s10 =	sld [smem:$0x3FB8];
	_ =	sdelay $0x3  }
0x33: {  	p0 =	seq.s32 s10, $0x1;
	s10 =	sld [smem:$0x3FBA];
	_ =	sdelay $0x3  }
0x34: {  	[smem:$0x3FBA] =	sst s10  }
0x35: {  	s10 =	sld [smem:$0x3FB9];
	_ =	sdelay $0x3  }
0x36: {  	p1 =	seq.s32 s10, $0x1;
	s10 =	sld [smem:$0x3FBA];
	_ =	sdelay $0x3  }
0x37: {  	[smem:$0x3FBA] =	sst s10  }
0x38: {  	s10 =	sld [smem:$0x3FBB]  }
0x39: {  	_ = 	snop;
	(pc) =	sbr.ind lr, $3  }
0x3a: {  	_ = 	snop  }
0x3b: {  	_ = 	snop  }
0x3c: {  	p2 =	seq.s32 s10, $0x1;
	s10 =	sld [smem:$0x3FBA]  }
0x3d: {  	_ =	shalt  }
0x3e: {  	_ =	shalt  }
0x3f: {  	_ =	shalt  }
0x40: {  	_ =	shalt  }
0x41: {  	_ =	shalt  }
0x42: {  	_ =	shalt  }
0x43: {  	_ =	shalt  }
0x44: {  	_ =	shalt  }
0x45: {  	_ =	shalt  }
0x46: {  	_ =	shalt  }
0x47: {  	_ =	shalt  }
0x48: {  	_ =	shalt  }
0x49: {  	_ =	shalt  }
0x4a: {  	_ =	shalt  }
0x4b: {  	_ =	shalt  }
0x4c: {  	_ =	shalt  }
0x4d: {  	_ =	shalt  }
0x4e: {  	_ =	shalt  }
0x4f: {  	_ =	shalt  }
0x50: {  	_ =	shalt  }
0x51: {  	_ =	shalt  }
0x52: {  	_ =	shalt  }
0x53: {  	_ =	shalt  }
0x54: {  	_ =	shalt  }
0x55: {  	_ =	shalt  }
0x56: {  	_ =	shalt  }
0x57: {  	_ =	shalt  }
0x58: {  	_ =	shalt  }
0x59: {  	_ =	shalt  }
0x5a: {  	_ =	shalt  }
0x5b: {  	_ =	shalt  }
0x5c: {  	_ =	shalt  }
0x5d: {  	_ =	shalt  }
0x5e: {  	_ =	shalt  }
0x5f: {  	_ =	shalt  }
0x60: {  	_ =	shalt  }
0x61: {  	_ =	shalt  }
0x62: {  	_ =	shalt  }
0x63: {  	_ =	shalt  }
0x64: {  	_ =	shalt  }
0x65: {  	_ =	shalt  }
0x66: {  	_ =	shalt  }
0x67: {  	_ =	shalt  }
0x68: {  	_ =	shalt  }
0x69: {  	_ =	shalt  }
0x6a: {  	_ =	shalt  }
0x6b: {  	_ =	shalt  }
0x6c: {  	_ =	shalt  }
0x6d: {  	_ =	shalt  }
0x6e: {  	_ =	shalt  }
0x6f: {  	_ =	shalt  }
0x70: {  	_ =	shalt  }
0x71: {  	_ =	shalt  }
0x72: {  	_ =	shalt  }
0x73: {  	_ =	shalt  }
0x74: {  	_ =	shalt  }
0x75: {  	_ =	shalt  }
0x76: {  	_ =	shalt  }
0x77: {  	_ =	shalt  }
0x78: {  	_ =	shalt  }
0x79: {  	_ =	shalt  }
0x7a: {  	_ =	shalt  }
0x7b: {  	_ =	shalt  }
0x7c: {  	_ =	shalt  }
0x7d: {  	_ =	shalt  }
0x7e: {  	_ =	shalt  }
0x7f: {  	_ =	shalt  }
0x80: {  	_ =	shalt  }
0x81: {  	_ =	shalt  }
0x82: {  	_ =	shalt  }
0x83: {  	_ =	shalt  }
0x84: {  	_ =	shalt  }
0x85: {  	_ =	shalt  }
0x86: {  	_ =	shalt  }
0x87: {  	_ =	shalt  }
.Lfunc_end0:
.L_simem_size_0:
called_computation_lowered:
.L_overlay_start_0:
0x88: {  	s2 =	sld [smem:$0x3FD9]  }
0x89: {  	s3 =	sld [smem:$0x3FFE];
	_ =	sdelay $0x1  }
0x8a: {  	s1 =	srdreg.scid  }
0x8b: {  	s0 =	sand.u32 $0x1, s1  }
0x8c: {  	s17 =	sshll.u32 s0, $0xA;
	s2 =	sadd.s32 s3, s2  }
0x8d: {  	s2 =	sadd.s32 s2, s17  }
0x8e: {  	[smem:$0x3FC6] =	sst s2  }
0x8f: {  	_ = 	snop  }
0x90: {  	s2 =	sld [smem:$0x3FC8];
	(tm) =	ssettm $0x1  }
0x91: {  	s18 =	sld [smem:$0x3FFB];
	_ =	sdelay $0x3  }
0x92: {  	_ =	strace s18  }
0x93: {  	s3 =	sld [smem:$0x3FFC];
	_ =	sdelay $0x3  }
0x94: {  	_ =	strace s3  }
0x95: {  	s3 =	sld [smem:$0x3FFD];
	_ =	sdelay $0x3  }
0x96: {  	_ =	strace s3  }
0x97: {  	_ =	strace $0x8FFFFFFF  }
0x98: {  	s19 =	sld [smem:$0x3FDB];
	_ =	sdelay $0x1  }
0x99: {  	s4 =	simm.s32 $_scs_section_size  }
0x9a: {  	s5 =	simm.s32 $_size__tile_overlayer_lowered;
	s6 =	simm.s32 $_tile_overlayer_lowered  }
0x9b: {  	s22 =	simm.s32 $0x1BFF;
	s21 =	sshll.u32 s6, $0x1;
	s3 =	sadd.s32 s4, s19  }
0x9c: {  	s7 =	simm.s32 $0x0;
	s20 =	sshll.u32 s5, $0x1;
	s5 =	sadd.s32 s21, s3  }
0x9d: {  	[timem:s7], [sflag:s22] =	dma.local [hbm:s5], s20  }
0x9e: {  	_ =	swait.ge [sflag:s22], s20  }
0x9f: {  	s4 =	ssub.s32 $0x0, s20;
	[sflag:s22] =	ssyncset.done $0x0  }
0xa0: {  	[sflag:s22] =	ssyncadd.s32 s4;
	_ =	sdelay $0x1  }
0xa1: {  	s23 =	simm.s32 $0x1B8B  }
0xa2: {  	_ =	swait.ge [sflag:s23], $0x1  }
0xa3: {  	[sflag:s23] =	ssyncset.done $0x0  }
0xa4: {  	s25 =	simm.s32 $0x1B8E;
	s24 =	sld [smem:$0x3FFE];
	[sflag:s23] =	ssyncadd.s32 $0xFFFFFFFF  }
0xa5: {  	s26 =	simm.s32 $execute0_lowered;
	[smem:$0x3FD2] =	sst s25  }
0xa6: {  	s5 =	sshll.u32 s26, $0x1;
	_ =	strace $0x80000046;
	[dreg:$0x1] =	wrdreg $0xFFFFFFFF  }
0xa7: {  	s28 =	simm.s32 $_size_execute0_lowered;
	s3 =	sadd.s32 s3, s5;
	[dreg:$0x0] =	wrdreg $0x0  }
0xa8: {  	s5 =	sshll.u32 s28, $0x1;
	[dreg:$0x2] =	wrdreg s3  }
0xa9: {  	[dreg:$0x3] =	wrdreg s5  }
0xaa: {  	[dreg:$0x4] =	wrdreg $0xC0  }
0xab: {  	_ =	task [dreg:s7], $0x5FFFF  }
0xac: {  	[dreg:$0x1] =	wrdreg $0xFFFFFFFF  }
0xad: {  	[dreg:$0x0] =	wrdreg $0x60  }
0xae: {  	[dreg:$0x2] =	wrdreg s24  }
0xaf: {  	[dreg:$0x3] =	wrdreg s2  }
0xb0: {  	[dreg:$0x4] =	wrdreg $0x9  }
0xb1: {  	_ =	task.clear_ibuf [dreg:s7], $0x5FFFF;
	_ =	strace $0x90000046  }
0xb2: {  	s29 =	simm.s32 $0x9;
	_ =	strace $0x80000048  }
0xb3: {  	_ =	swait.ge [sflag:s29], $0x1  }
0xb4: {  	[sflag:s29] =	ssyncadd.s32 $0xFFFFFFFF  }
0xb5: {  	_ =	strace $0x90000048  }
0xb6: {  	_ =	sfence  }
0xb7: {  	s30 =	sld [smem:$0x0];
	_ =	sdelay $0x2  }
0xb8: {  	s31 =	sshll.u32 s1, $0xD;
	s1 =	sshrl.u32 s1, $0x2  }
0xb9: {  	s3 =	sand.u32 $0x4000, s31;
	s1 =	sadd.s32 s1, s30  }
0xba: {  	s0 =	sor.u32 s3, s0;
	s1 =	sshll.u32 s1, $0x11  }
0xbb: {  	s0 =	sor.u32 s1, s0  }
0xbc: {  	s0 =	sadd.s32 $0x8F2B, s0  }
0xbd: {  	[sflag:s0] =	ssyncadd.remote.s32 $0x1  }
0xbe: {  	_ =	sfence.sel $0xFFFF  }
0xbf: {  	[dreg:$0x0] =	wrdreg $0xFFFFFFFF;
	(pc) =	sbr.abs _section_cstart, $3  }
0xc0: {  	[dreg:$0x1] =	wrdreg $0xFFFFFFFF  }
0xc1: {  	_ =	task.clear_ibuf [dreg:s7], $0x2FFFF;
	_ =	strace $0x9FFFFFFF  }
0xc2: {  	(tm) =	ssettm $0x7FFFFFFF  }
0xc3: {  	_ =	shalt  }
tec
execute0_lowered:
.L_overlay_start_1:
0x0: {  	(tag) =	ssettag $0x1  }
0x1: {  	s5 =	rddreg [dreg:$0x0]  }
0x2: {  	s0 =	rddreg [dreg:$0x1]  }
0x3: {  	s1 =	srdreg.scid;
	s2 =	stileid.u32  }
0x4: {  	s6 =	simm.s32 $0x0;
	s1 =	sand.u32 $0x1, s1;
	s2 =	sshll.u32 s2, $0x1  }
0x5: {  	s12 =	simm.s32 $0x18700;
	[smem:$0x7FF] =	sst s6;
	s2 =	sor.u32 s1, s2  }
0x6: {  	s1 =	ssub.s32 $0x2, s1;
	_ =	strace $0x80000047;
	s3 =	sshll.u32 s2, $0x4  }
0x7: {  	s4 =	sshrl.u32 s1, $0x1;
	s29 =	sshll.u32 s2, $0x2;
	s2 =	sshll.u32 s2, $0x5  }
0x8: {  	v0 =	vlaneseq.u32;
	s3 =	sadd.s32 s3, s5;
	[dreg:$0x3] =	wrdreg s2;
	s0 =	sadd.s32 s0, s29  }
0x9: {  	v1 =	vimm.f32 $0.0e+00;
	v6 =	vmul.u32 $0xFFFFFFFF, v0;
	v2 =	vmul.u32 $0x100, v0;
	s1 =	ssub.s32 s1, s4;
	[dreg:$0x4] =	wrdreg s0;
	s30 =	sadd.s32 $0xC38000, s3  }
0xa: {  	v4 =	vimm.f32 $1.000000000e+00;
	v5 =	vimm.f32 $-1.000000000e+00;
	s13 =	simm.s32 $0x1A700;
	vm0 =	vcmask $0x300;
	s31 =	smax.u32 s1, $0x1;
	[dreg:$0x5] =	wrdreg s30  }
0xb: {  	v3 =	vmul.u32 $0x200, v0;
	v6 =	vadd.s32 $0xF, v6;
	v7 =	vor.u32 $0x1000, v2;
	s3 =	simm.s32 $0x1;
	s1 =	simm.s32 $0x0;
	[dreg:$0x6] =	wrdreg s31  }
.LBB2_1:
0xc: {  	[dreg:$0x7] =	wrdreg s1  }
0xd: {  	s0 =	rddreg [dreg:$0x4];
	s31 =	simm.s32 $0x1C900  }
0xe: {  	[tilespmem:s31], [sflag:$0x1] =	stream.linear.gather [hbm4b:s0+s6], $0x20, $0x38;
	[tilespmem:$0x1CA00] =	vst v63  }
0xf: {  	_ =	swait.ge [sflag:s3], $0x20  }
0x10: {  	[sflag:s3] =	ssyncset.done $0x0  }
0x11: {  	s1 =	simm.s32 $0x18740;
	[sflag:s3] =	ssyncadd.s32 $0xFFFFFFE0  }
0x12: {  	[tilespmem:s1+$0xFFFFFFC0] =	vst v1  }
0x13: {  	[tilespmem:s1+$0x30] =	vst v1  }
0x14: {  	[tilespmem:s1+$0x20] =	vst v1  }
0x15: {  	[tilespmem:s1+$0x10] =	vst v1  }
0x16: {  	[tilespmem:s1+$0x0] =	vst v1  }
0x17: {  	[tilespmem:s1+$0xFFFFFFF0] =	vst v1  }
0x18: {  	s2 =	simm.s32 $0x0;
	[tilespmem:s1+$0xFFFFFFE0] =	vst v1  }
.LBB2_2:
0x19: {  	s2 =	sadd.s32 $0x8, s2;
	[tilespmem:s1+$0xFFFFFFD0] =	vst v1;
	s1 =	sadd.s32 $0x80, s1;
	s0 =	simm.s32 $0x1A740  }
0x1a: {  	[tilespmem:s1+$0xFFFFFFC0] =	vst v1;
	p0 =	slt.u32 s2, $0x1F8  }
0x1b: {  	[tilespmem:s1+$0x30] =	vst v1  }
.Ltmp0:
0x1c: {  	[tilespmem:s1+$0x20] =	vst v1;
	(pc) =	sbr.rel @p0 .LBB2_2-.Ltmp0, $4  }
0x1d: {  	[tilespmem:s1+$0x10] =	vst v1  }
0x1e: {  	[tilespmem:s1+$0x0] =	vst v1  }
0x1f: {  	[tilespmem:s1+$0xFFFFFFF0] =	vst v1  }
0x20: {  	[tilespmem:s1+$0xFFFFFFE0] =	vst v1  }
0x21: {  	[tilespmem:s1+$0xFFFFFFD0] =	vst v1;
	v8 =	vimm.f32 $0.0e+00  }
0x22: {  	[tilespmem:s0+$0x30] =	vst v8  }
0x23: {  	[tilespmem:s0+$0xFFFFFFC0] =	vst v8  }
0x24: {  	[tilespmem:s0+$0xFFFFFFD0] =	vst v8  }
0x25: {  	[tilespmem:s0+$0xFFFFFFE0] =	vst v8  }
0x26: {  	[tilespmem:s0+$0xFFFFFFF0] =	vst v8  }
0x27: {  	[tilespmem:s0+$0x0] =	vst v8  }
0x28: {  	s1 =	simm.s32 $0x0;
	[tilespmem:s0+$0x10] =	vst v8  }
.LBB2_4:
0x29: {  	s1 =	sadd.s32 $0x8, s1;
	[tilespmem:s0+$0x20] =	vst v8;
	s0 =	sadd.s32 $0x80, s0  }
0x2a: {  	s4 =	simm.s32 $0x0;
	[tilespmem:s0+$0x30] =	vst v8;
	p0 =	slt.u32 s1, $0x1F8  }
0x2b: {  	[tilespmem:s0+$0xFFFFFFC0] =	vst v8  }
.Ltmp1:
0x2c: {  	[tilespmem:s0+$0xFFFFFFD0] =	vst v8;
	(pc) =	sbr.rel @p0 .LBB2_4-.Ltmp1, $4  }
0x2d: {  	[tilespmem:s0+$0xFFFFFFE0] =	vst v8  }
0x2e: {  	[tilespmem:s0+$0xFFFFFFF0] =	vst v8  }
0x2f: {  	[tilespmem:s0+$0x0] =	vst v8  }
0x30: {  	[tilespmem:s0+$0x10] =	vst v8  }
0x31: {  	[tilespmem:s0+$0x20] =	vst v8;
	s5 =	simm.s32 $0x0  }
.LBB2_6:
0x32: {  	s0 =	rddreg [dreg:$0x3]  }
0x33: {  	s0 =	sadd.s32 s0, s5  }
0x34: {  	s0 =	sshrl.u32 s0, $0x3  }
0x35: {  	s1 =	sshll.u32 s5, $0x7;
	s0 =	smul.u32 $0xC3800, s0  }
0x36: {  	s1 =	sand.u32 $0x380, s1  }
0x37: {  	s0 =	sor.u32 s1, s0  }
0x38: {  	s25 =	rddreg [dreg:$0x0];
	s0 =	sshrl.u32 s0, $0x3  }
0x39: {  	s26 =	simm.s32 $0x80;
	s2 =	simm.s32 $0x400;
	s0 =	sadd.s32 s25, s0  }
0x3a: {  	[tilespmem:s4], [sflag:$0x1] =	stream.strided.gather [hbm4b:s0+s26], $0x18700, s2, s26, $0x38;
	[tilespmem:$0x1CA00] =	vst v63  }
0x3b: {  	_ =	swait.ge [sflag:s3], $0x18700  }
0x3c: {  	[sflag:s3] =	ssyncset.done $0x0  }
0x3d: {  	s28 =	sand.u32 $0x10, s5;
	[sflag:s3] =	ssyncadd.s32 $0xFFFE7900  }
0x3e: {  	v9 =	vld [tilespmem:s28+$0x1C900];
	_ =	sdelay $0x3  }
0x3f: {  	s29 =	sand.u32 $0xF, s5  }
0x40: {  	v10 =	vmov s29;
	v9 =	vcvt.s32.f32 v9  }
0x41: {  	vm1 =	veq.s32 v10, v0  }
0x42: {  	v9 =	vnsel vm1, $0x0, v9  }
0x43: {  	(xrf2) =	vadd.scan.msk.f32 $0xffff, v9;
	_ =	sdelay $0x9  }
0x44: {  	v9, _, _ =	vpop (xrf2)  }
0x45: {  	(v2sf) =	vpush v9, $0xF;
	_ =	sdelay $0x6  }
0x46: {  	s18 =	simm.s32 $0x50;
	[dreg:$0x8] =	wrdreg s5  }
0x47: {  	v9 =	vld [tilespmem:s18+$0xFFFFFFB0];
	_ =	sdelay $0x4  }
0x48: {  	v10 =	vshra.s32 v9, $0x1F  }
0x49: {  	v10 =	vor.u32 $0x80000000, v10  }
0x4a: {  	v9 =	vxor.u32 v9, v10;
	s30 =	spop (v2sf)  }
0x4b: {  	v9 =	vshrl.u32 v9, $0x17;
	s0 =	scvt.f32.s32 s30  }
0x4c: {  	v10 =	vand.u32 $0x180, v9  }
0x4d: {  	v9 =	vand.u32 $0x7F, v9;
	v10 =	vor.u32 v3, v10;
	v11 =	vmov s0  }
0x4e: {  	v10 =	vor.u32 v9, v10;
	_ =	sdelay $0x3  }
0x4f: {  	v9 =	vld.idx.msk [tilespmem:v11+s4+$0x0], $0xffff  }
0x50: {  	[tilespmem:v10+s12+$0x0] =	vst.idx.add.f32.msk $0xffff, v4  }
0x51: {  	v10 =	vld [tilespmem:s18+$0xFFFFFFC0];
	_ =	sdelay $0x4  }
0x52: {  	v11 =	vshra.s32 v10, $0x1F  }
0x53: {  	v11 =	vor.u32 $0x80000000, v11  }
0x54: {  	v10 =	vxor.u32 v10, v11  }
0x55: {  	v10 =	vshrl.u32 v10, $0x17  }
0x56: {  	s19 =	simm.s32 $0xF0;
	v11 =	vand.u32 $0x180, v10  }
0x57: {  	v12 =	vld [tilespmem:s19+$0xFFFFFFB0];
	v10 =	vand.u32 $0x7F, v10;
	v11 =	vor.u32 v3, v11  }
0x58: {  	v10 =	vor.u32 v10, v11;
	_ =	sdelay $0x3  }
0x59: {  	v11 =	vshra.s32 v12, $0x1F  }
0x5a: {  	[tilespmem:v10+s12+$0x0] =	vst.idx.add.f32.msk $0xffff, v4;
	v10 =	vor.u32 $0x80000000, v11  }
0x5b: {  	v11 =	vld [tilespmem:s18+$0xFFFFFFD0];
	v10 =	vxor.u32 v12, v10  }
0x5c: {  	v10 =	vshrl.u32 v10, $0x17  }
0x5d: {  	v12 =	vand.u32 $0x180, v10  }
0x5e: {  	v10 =	vand.u32 $0x7F, v10;
	v12 =	vor.u32 v3, v12  }
0x5f: {  	v10 =	vor.u32 v10, v12  }
0x60: {  	v12 =	vshra.s32 v11, $0x1F  }
0x61: {  	v12 =	vor.u32 $0x80000000, v12  }
0x62: {  	v11 =	vxor.u32 v11, v12  }
0x63: {  	v11 =	vshrl.u32 v11, $0x17  }
0x64: {  	v12 =	vand.u32 $0x180, v11;
	[tilespmem:v10+s12+$0x0] =	vst.idx.add.f32.msk $0xffff, v4  }
0x65: {  	v10 =	vand.u32 $0x7F, v11;
	v11 =	vor.u32 v3, v12;
	v12 =	vld [tilespmem:s19+$0xFFFFFFC0]  }
0x66: {  	v10 =	vor.u32 v10, v11;
	_ =	sdelay $0x3  }
0x67: {  	v11 =	vshra.s32 v12, $0x1F  }
0x68: {  	[tilespmem:v10+s12+$0x0] =	vst.idx.add.f32.msk $0xffff, v4;
	v10 =	vor.u32 $0x80000000, v11  }
0x69: {  	v11 =	vld [tilespmem:s18+$0xFFFFFFE0];
	v10 =	vxor.u32 v12, v10  }
0x6a: {  	v10 =	vshrl.u32 v10, $0x17  }
0x6b: {  	v12 =	vand.u32 $0x180, v10  }
0x6c: {  	v10 =	vand.u32 $0x7F, v10;
	v12 =	vor.u32 v3, v12  }
0x6d: {  	s20 =	simm.s32 $0x190;
	v10 =	vor.u32 v10, v12  }
0x6e: {  	v13 =	vld [tilespmem:s20+$0xFFFFFFB0];
	v12 =	vshra.s32 v11, $0x1F  }
0x6f: {  	v12 =	vor.u32 $0x80000000, v12  }
0x70: {  	v11 =	vxor.u32 v11, v12  }
0x71: {  	v11 =	vshrl.u32 v11, $0x17  }
0x72: {  	v12 =	vand.u32 $0x180, v11;
	[tilespmem:v10+s12+$0x0] =	vst.idx.add.f32.msk $0xffff, v4  }
0x73: {  	v10 =	vand.u32 $0x7F, v11;
	v11 =	vor.u32 v3, v12;
	v12 =	vshra.s32 v13, $0x1F;
	v14 =	vld [tilespmem:s19+$0xFFFFFFD0]  }
0x74: {  	v10 =	vor.u32 v10, v11;
	v11 =	vor.u32 $0x80000000, v12  }
0x75: {  	v11 =	vxor.u32 v13, v11  }
0x76: {  	v11 =	vshrl.u32 v11, $0x17  }
0x77: {  	v12 =	vand.u32 $0x180, v11  }
0x78: {  	v11 =	vand.u32 $0x7F, v11;
	v12 =	vor.u32 v3, v12;
	v13 =	vshra.s32 v14, $0x1F  }
0x79: {  	[tilespmem:v10+s12+$0x0] =	vst.idx.add.f32.msk $0xffff, v4;
	v10 =	vor.u32 v11, v12;
	v11 =	vor.u32 $0x80000000, v13  }
0x7a: {  	v12 =	vld [tilespmem:s18+$0xFFFFFFF0];
	v11 =	vxor.u32 v14, v11  }
0x7b: {  	v11 =	vshrl.u32 v11, $0x17  }
0x7c: {  	v13 =	vand.u32 $0x180, v11  }
0x7d: {  	v11 =	vand.u32 $0x7F, v11;
	v13 =	vor.u32 v3, v13  }
0x7e: {  	[tilespmem:v10+s12+$0x0] =	vst.idx.add.f32.msk $0xffff, v4;
	v10 =	vor.u32 v11, v13  }
0x7f: {  	v11 =	vshra.s32 v12, $0x1F;
	v13 =	vld [tilespmem:s20+$0xFFFFFFC0]  }
0x80: {  	v11 =	vor.u32 $0x80000000, v11  }
0x81: {  	v11 =	vxor.u32 v12, v11  }
0x82: {  	v11 =	vshrl.u32 v11, $0x17  }
0x83: {  	v12 =	vand.u32 $0x180, v11;
	[tilespmem:v10+s12+$0x0] =	vst.idx.add.f32.msk $0xffff, v4  }
0x84: {  	v10 =	vand.u32 $0x7F, v11;
	v11 =	vor.u32 v3, v12;
	v12 =	vshra.s32 v13, $0x1F;
	v14 =	vld [tilespmem:s19+$0xFFFFFFE0]  }
0x85: {  	v10 =	vor.u32 v10, v11;
	v11 =	vor.u32 $0x80000000, v12  }
0x86: {  	v11 =	vxor.u32 v13, v11  }
0x87: {  	v11 =	vshrl.u32 v11, $0x17  }
0x88: {  	s21 =	simm.s32 $0x230;
	v13 =	vand.u32 $0x180, v11  }
0x89: {  	v12 =	vld [tilespmem:s21+$0xFFFFFFB0];
	v11 =	vand.u32 $0x7F, v11;
	v13 =	vor.u32 v3, v13;
	v15 =	vshra.s32 v14, $0x1F  }
0x8a: {  	[tilespmem:v10+s12+$0x0] =	vst.idx.add.f32.msk $0xffff, v4;
	v10 =	vor.u32 v11, v13;
	v11 =	vor.u32 $0x80000000, v15  }
0x8b: {  	v13 =	vld [tilespmem:s18+$0x0];
	v11 =	vxor.u32 v14, v11  }
0x8c: {  	v11 =	vshrl.u32 v11, $0x17  }
0x8d: {  	v15 =	vand.u32 $0x180, v11  }
0x8e: {  	v14 =	vshra.s32 v12, $0x1F;
	v11 =	vand.u32 $0x7F, v11;
	v15 =	vor.u32 v3, v15  }
0x8f: {  	v14 =	vor.u32 $0x80000000, v14;
	[tilespmem:v10+s12+$0x0] =	vst.idx.add.f32.msk $0xffff, v4;
	v10 =	vor.u32 v11, v15  }
0x90: {  	v12 =	vxor.u32 v12, v14;
	v11 =	vshra.s32 v13, $0x1F;
	v14 =	vld [tilespmem:s20+$0xFFFFFFD0]  }
0x91: {  	v12 =	vshrl.u32 v12, $0x17;
	v11 =	vor.u32 $0x80000000, v11  }
0x92: {  	v15 =	vand.u32 $0x180, v12;
	v11 =	vxor.u32 v13, v11  }
0x93: {  	v12 =	vand.u32 $0x7F, v12;
	v13 =	vor.u32 v3, v15;
	v11 =	vshrl.u32 v11, $0x17  }
0x94: {  	v12 =	vor.u32 v12, v13;
	v13 =	vand.u32 $0x180, v11;
	[tilespmem:v10+s12+$0x0] =	vst.idx.add.f32.msk $0xffff, v4  }
0x95: {  	v10 =	vand.u32 $0x7F, v11;
	v11 =	vor.u32 v3, v13;
	v13 =	vshra.s32 v14, $0x1F;
	v15 =	vld [tilespmem:s19+$0xFFFFFFF0]  }
0x96: {  	v10 =	vor.u32 v10, v11;
	v11 =	vor.u32 $0x80000000, v13  }
0x97: {  	v11 =	vxor.u32 v14, v11  }
0x98: {  	v11 =	vshrl.u32 v11, $0x17  }
0x99: {  	[tilespmem:v12+s12+$0x0] =	vst.idx.add.f32.msk $0xffff, v4;
	v13 =	vand.u32 $0x180, v11  }
0x9a: {  	v12 =	vld [tilespmem:s21+$0xFFFFFFC0];
	v11 =	vand.u32 $0x7F, v11;
	v13 =	vor.u32 v3, v13;
	v14 =	vshra.s32 v15, $0x1F  }
0x9b: {  	[tilespmem:v10+s12+$0x0] =	vst.idx.add.f32.msk $0xffff, v4;
	v10 =	vor.u32 v11, v13;
	v11 =	vor.u32 $0x80000000, v14  }
0x9c: {  	v13 =	vld [tilespmem:s18+$0x10];
	v11 =	vxor.u32 v15, v11  }
0x9d: {  	v11 =	vshrl.u32 v11, $0x17  }
0x9e: {  	v15 =	vand.u32 $0x180, v11  }
0x9f: {  	v14 =	vshra.s32 v12, $0x1F;
	v11 =	vand.u32 $0x7F, v11;
	v15 =	vor.u32 v3, v15  }
0xa0: {  	v14 =	vor.u32 $0x80000000, v14;
	[tilespmem:v10+s12+$0x0] =	vst.idx.add.f32.msk $0xffff, v4;
	v11 =	vor.u32 v11, v15  }
0xa1: {  	v10 =	vxor.u32 v12, v14;
	v12 =	vshra.s32 v13, $0x1F;
	v14 =	vld [tilespmem:s20+$0xFFFFFFE0]  }
0xa2: {  	s22 =	simm.s32 $0x2D0;
	v10 =	vshrl.u32 v10, $0x17;
	v12 =	vor.u32 $0x80000000, v12  }
0xa3: {  	v15 =	vand.u32 $0x180, v10;
	v12 =	vxor.u32 v13, v12;
	v13 =	vld [tilespmem:s22+$0xFFFFFFB0]  }
0xa4: {  	v10 =	vand.u32 $0x7F, v10;
	v15 =	vor.u32 v3, v15;
	v12 =	vshrl.u32 v12, $0x17  }
0xa5: {  	v10 =	vor.u32 v10, v15;
	v15 =	vand.u32 $0x180, v12;
	[tilespmem:v11+s12+$0x0] =	vst.idx.add.f32.msk $0xffff, v4  }
0xa6: {  	v11 =	vand.u32 $0x7F, v12;
	v12 =	vor.u32 v3, v15;
	v15 =	vshra.s32 v14, $0x1F;
	v16 =	vld [tilespmem:s19+$0x0]  }
0xa7: {  	v11 =	vor.u32 v11, v12;
	v12 =	vor.u32 $0x80000000, v15  }
0xa8: {  	v15 =	vshra.s32 v13, $0x1F;
	v12 =	vxor.u32 v14, v12  }
0xa9: {  	v14 =	vor.u32 $0x80000000, v15;
	v12 =	vshrl.u32 v12, $0x17  }
0xaa: {  	[tilespmem:v10+s12+$0x0] =	vst.idx.add.f32.msk $0xffff, v4;
	v10 =	vxor.u32 v13, v14;
	v13 =	vand.u32 $0x180, v12  }
0xab: {  	v14 =	vld [tilespmem:s21+$0xFFFFFFD0];
	v12 =	vand.u32 $0x7F, v12;
	v13 =	vor.u32 v3, v13;
	v15 =	vshra.s32 v16, $0x1F  }
0xac: {  	v10 =	vshrl.u32 v10, $0x17;
	[tilespmem:v11+s12+$0x0] =	vst.idx.add.f32.msk $0xffff, v4;
	v11 =	vor.u32 v12, v13;
	v12 =	vor.u32 $0x80000000, v15  }
0xad: {  	v15 =	vand.u32 $0x180, v10;
	v13 =	vld [tilespmem:s18+$0x20];
	v12 =	vxor.u32 v16, v12  }
0xae: {  	v10 =	vand.u32 $0x7F, v10;
	v15 =	vor.u32 v3, v15;
	v12 =	vshrl.u32 v12, $0x17  }
0xaf: {  	s23 =	simm.s32 $0x370;
	v10 =	vor.u32 v10, v15;
	v16 =	vand.u32 $0x180, v12  }
0xb0: {  	v17 =	vld [tilespmem:s23+$0xFFFFFFB0];
	v15 =	vshra.s32 v14, $0x1F;
	v12 =	vand.u32 $0x7F, v12;
	v16 =	vor.u32 v3, v16  }
0xb1: {  	v15 =	vor.u32 $0x80000000, v15;
	[tilespmem:v11+s12+$0x0] =	vst.idx.add.f32.msk $0xffff, v4;
	v12 =	vor.u32 v12, v16  }
0xb2: {  	v11 =	vxor.u32 v14, v15;
	v14 =	vshra.s32 v13, $0x1F;
	v15 =	vld [tilespmem:s20+$0xFFFFFFF0]  }
0xb3: {  	v11 =	vshrl.u32 v11, $0x17;
	v14 =	vor.u32 $0x80000000, v14  }
0xb4: {  	v16 =	vand.u32 $0x180, v11;
	[tilespmem:v10+s12+$0x0] =	vst.idx.add.f32.msk $0xffff, v4;
	v10 =	vand.u32 $0x7F, v11;
	v13 =	vxor.u32 v13, v14  }
0xb5: {  	v11 =	vor.u32 v3, v16;
	v16 =	vld [tilespmem:s22+$0xFFFFFFC0];
	v14 =	vshra.s32 v17, $0x1F;
	v13 =	vshrl.u32 v13, $0x17  }
0xb6: {  	v10 =	vor.u32 v10, v11;
	v11 =	vand.u32 $0x180, v13;
	[tilespmem:v12+s12+$0x0] =	vst.idx.add.f32.msk $0xffff, v4;
	v12 =	vand.u32 $0x7F, v13  }
0xb7: {  	v13 =	vor.u32 $0x80000000, v14;
	v11 =	vor.u32 v3, v11;
	v14 =	vshra.s32 v15, $0x1F  }
0xb8: {  	v18 =	vld [tilespmem:s19+$0x10];
	v11 =	vor.u32 v12, v11;
	v12 =	vxor.u32 v17, v13;
	v13 =	vor.u32 $0x80000000, v14  }
0xb9: {  	v13 =	vxor.u32 v15, v13  }
0xba: {  	v15 =	vshra.s32 v16, $0x1F;
	v13 =	vshrl.u32 v13, $0x17  }
0xbb: {  	[tilespmem:v10+s12+$0x0] =	vst.idx.add.f32.msk $0xffff, v4;
	v10 =	vor.u32 $0x80000000, v15;
	v15 =	vand.u32 $0x180, v13  }
0xbc: {  	v12 =	vshrl.u32 v12, $0x17;
	v13 =	vand.u32 $0x7F, v13;
	v17 =	vld [tilespmem:s21+$0xFFFFFFE0];
	v15 =	vor.u32 v3, v15  }
0xbd: {  	s31 =	sand.u32 $0x1FFE0, s4;
	v10 =	vxor.u32 v16, v10;
	v16 =	vshra.s32 v18, $0x1F;
	[tilespmem:v11+s12+$0x0] =	vst.idx.add.f32.msk $0xffff, v4;
	v11 =	vor.u32 v13, v15  }
0xbe: {  	v14 =	vand.u32 $0x7F, v12;
	v13 =	vshrl.u32 v10, $0x17;
	v15 =	vor.u32 $0x80000000, v16;
	v10 =	vld [tilespmem:s31+$0x80]  }
0xbf: {  	v16 =	vand.u32 $0x180, v12;
	v12 =	vand.u32 $0x180, v13;
	v15 =	vxor.u32 v18, v15  }
0xc0: {  	v13 =	vand.u32 $0x7F, v13;
	v12 =	vor.u32 v3, v12;
	v18 =	vshrl.u32 v15, $0x17  }
0xc1: {  	v15 =	vor.u32 v13, v12;
	v12 =	vshra.s32 v17, $0x1F;
	v13 =	vand.u32 $0x180, v18  }
0xc2: {  	v18 =	vand.u32 $0x7F, v18;
	v12 =	vor.u32 $0x80000000, v12;
	v13 =	vor.u32 v3, v13;
	[tilespmem:v11+s12+$0x0] =	vst.idx.add.f32.msk $0xffff, v4  }
0xc3: {  	v11 =	vxor.u32 v17, v12;
	v12 =	vor.u32 v18, v13;
	v18 =	vshra.s32 v10, $0x1F;
	v13 =	vld [tilespmem:s20+$0x0]  }
0xc4: {  	s1 =	simm.s32 $0x32;
	s2 =	simm.s32 $0x410;
	s0 =	simm.s32 $0x0;
	v17 =	vor.u32 v3, v16;
	v16 =	vshrl.u32 v11, $0x17;
	v11 =	vor.u32 $0x80000000, v18  }
.LBB2_7:
0xc5: {  	v18 =	vld [tilespmem:s2+$0xFFFFFFB0];
	v14 =	vor.u32 v14, v17;
	v17 =	vand.u32 $0x180, v16;
	v10 =	vxor.u32 v10, v11  }
0xc6: {  	v11 =	vand.u32 $0x7F, v16;
	[tilespmem:v15+s12+$0x0] =	vst.idx.add.f32.msk $0xffff, v4;
	v15 =	vor.u32 v3, v17;
	v10 =	vshrl.u32 v10, $0x17  }
0xc7: {  	v16 =	vld [tilespmem:s22+$0xFFFFFFD0];
	v11 =	vor.u32 v11, v15;
	v15 =	vand.u32 $0x180, v10  }
0xc8: {  	v17 =	vshra.s32 v13, $0x1F;
	v10 =	vand.u32 $0x7F, v10;
	[tilespmem:v12+s12+$0x0] =	vst.idx.add.f32.msk $0xffff, v4;
	v12 =	vor.u32 v3, v15  }
0xc9: {  	v15 =	vor.u32 $0x80000000, v17;
	v17 =	vld [tilespmem:s19+$0x20];
	v10 =	vor.u32 v10, v12  }
0xca: {  	v13 =	vxor.u32 v13, v15;
	v12 =	vshra.s32 v18, $0x1F  }
0xcb: {  	v13 =	vshrl.u32 v13, $0x17;
	v12 =	vor.u32 $0x80000000, v12;
	[tilespmem:v14+s12+$0x0] =	vst.idx.add.f32.msk $0xffff, v4  }
0xcc: {  	v12 =	vxor.u32 v18, v12;
	v14 =	vshra.s32 v16, $0x1F;
	[tilespmem:v11+s12+$0x0] =	vst.idx.add.f32.msk $0xffff, v4;
	v11 =	vand.u32 $0x180, v13  }
0xcd: {  	v13 =	vand.u32 $0x7F, v13;
	v14 =	vor.u32 $0x80000000, v14;
	v15 =	vld [tilespmem:s21+$0xFFFFFFF0];
	v11 =	vor.u32 v3, v11  }
0xce: {  	v14 =	vxor.u32 v16, v14;
	v11 =	vor.u32 v13, v11;
	v13 =	vshra.s32 v17, $0x1F;
	[tilespmem:v10+s12+$0x0] =	vst.idx.add.f32.msk $0xffff, v4  }
0xcf: {  	v12 =	vshrl.u32 v12, $0x17;
	v10 =	vshrl.u32 v14, $0x17;
	v13 =	vor.u32 $0x80000000, v13;
	v16 =	vld [tilespmem:s18+$0x40];
	s18 =	smov.u32 s19;
	s19 =	smov.u32 s20;
	s20 =	smov.u32 s21  }
0xd0: {  	v14 =	vand.u32 $0x7F, v12;
	s21 =	smov.u32 s22;
	s22 =	smov.u32 s23;
	v18 =	vld [tilespmem:s23+$0xFFFFFFC0];
	v19 =	vand.u32 $0x180, v10;
	v13 =	vxor.u32 v17, v13;
	s23 =	smov.u32 s2  }
0xd1: {  	v10 =	vand.u32 $0x7F, v10;
	v17 =	vor.u32 v3, v19;
	v13 =	vshrl.u32 v13, $0x17  }
0xd2: {  	v10 =	vor.u32 v10, v17;
	v17 =	vshra.s32 v15, $0x1F;
	v19 =	vand.u32 $0x180, v13  }
0xd3: {  	v17 =	vor.u32 $0x80000000, v17;
	[tilespmem:v11+s12+$0x0] =	vst.idx.add.f32.msk $0xffff, v4;
	v11 =	vand.u32 $0x7F, v13;
	v13 =	vor.u32 v3, v19  }
0xd4: {  	v15 =	vxor.u32 v15, v17;
	v17 =	vld [tilespmem:s19+$0x10];
	v11 =	vor.u32 v11, v13;
	v13 =	vshra.s32 v16, $0x1F  }
0xd5: {  	v19 =	vshra.s32 v18, $0x1F;
	v15 =	vshrl.u32 v15, $0x17;
	v13 =	vor.u32 $0x80000000, v13  }
0xd6: {  	v19 =	vor.u32 $0x80000000, v19;
	v20 =	vand.u32 $0x180, v15;
	v13 =	vxor.u32 v16, v13  }
0xd7: {  	[tilespmem:v10+s12+$0x0] =	vst.idx.add.f32.msk $0xffff, v4;
	v10 =	vand.u32 $0x7F, v15;
	v15 =	vor.u32 v3, v20;
	v13 =	vshrl.u32 v13, $0x17  }
0xd8: {  	s0 =	sadd.s32 $0xA0, s0;
	v16 =	vxor.u32 v18, v19;
	v18 =	vld [tilespmem:s21+$0xFFFFFFE0];
	v19 =	vor.u32 v10, v15;
	v10 =	vand.u32 $0x180, v13  }
0xd9: {  	s3 =	sand.u32 $0x1FFE0, s0;
	v15 =	vshra.s32 v17, $0x1F;
	[tilespmem:v11+s12+$0x0] =	vst.idx.add.f32.msk $0xffff, v4;
	v11 =	vand.u32 $0x7F, v13;
	v13 =	vor.u32 v3, v10  }
0xda: {  	s1 =	sadd.s32 $0xA, s1;
	v16 =	vshrl.u32 v16, $0x17;
	v15 =	vor.u32 $0x80000000, v15;
	v10 =	vld [tilespmem:s3+$0x80];
	v11 =	vor.u32 v11, v13  }
0xdb: {  	p0 =	slt.u32 s1, $0x1860;
	v20 =	vand.u32 $0x180, v12;
	v12 =	vand.u32 $0x180, v16;
	v13 =	vxor.u32 v17, v15  }
.Ltmp2:
0xdc: {  	v12 =	vor.u32 v3, v12;
	v15 =	vand.u32 $0x7F, v16;
	v16 =	vshrl.u32 v13, $0x17;
	(pc) =	sbr.rel @p0 .LBB2_7-.Ltmp2, $4  }
0xdd: {  	v15 =	vor.u32 v15, v12;
	v12 =	vshra.s32 v18, $0x1F;
	[tilespmem:v19+s12+$0x0] =	vst.idx.add.f32.msk $0xffff, v4;
	v17 =	vand.u32 $0x180, v16  }
0xde: {  	v16 =	vand.u32 $0x7F, v16;
	v12 =	vor.u32 $0x80000000, v12;
	v13 =	vld [tilespmem:s20+$0x0];
	v17 =	vor.u32 v3, v17  }
0xdf: {  	v18 =	vxor.u32 v18, v12;
	v12 =	vor.u32 v16, v17;
	v19 =	vshra.s32 v10, $0x1F;
	[tilespmem:v11+s12+$0x0] =	vst.idx.add.f32.msk $0xffff, v4  }
0xe0: {  	s2 =	sadd.s32 $0xA0, s2;
	v17 =	vor.u32 v3, v20;
	v16 =	vshrl.u32 v18, $0x17;
	v11 =	vor.u32 $0x80000000, v19  }
0xe1: {  	v14 =	vor.u32 v14, v17;
	_ =	sdelay $0x4  }
0xe2: {  	[tilespmem:v14+s12+$0x0] =	vst.idx.add.f32.msk $0xffff, v4  }
0xe3: {  	v14 =	vld [tilespmem:s23+$0xFFFFFFC0];
	_ =	sdelay $0x4  }
0xe4: {  	v17 =	vshra.s32 v14, $0x1F  }
0xe5: {  	v17 =	vor.u32 $0x80000000, v17  }
0xe6: {  	v14 =	vxor.u32 v14, v17  }
0xe7: {  	v14 =	vshrl.u32 v14, $0x17  }
0xe8: {  	v17 =	vand.u32 $0x180, v14  }
0xe9: {  	v14 =	vand.u32 $0x7F, v14;
	v17 =	vor.u32 v3, v17  }
0xea: {  	v14 =	vor.u32 v14, v17;
	_ =	sdelay $0x1  }
0xeb: {  	[tilespmem:v15+s12+$0x0] =	vst.idx.add.f32.msk $0xffff, v4  }
0xec: {  	v15 =	vld [tilespmem:s22+$0xFFFFFFD0];
	_ =	sdelay $0x1  }
0xed: {  	[tilespmem:v14+s12+$0x0] =	vst.idx.add.f32.msk $0xffff, v4  }
0xee: {  	v14 =	vld [tilespmem:s23+$0xFFFFFFD0];
	_ =	sdelay $0x1  }
0xef: {  	v17 =	vshra.s32 v15, $0x1F  }
0xf0: {  	v17 =	vor.u32 $0x80000000, v17  }
0xf1: {  	v15 =	vxor.u32 v15, v17  }
0xf2: {  	v15 =	vshrl.u32 v15, $0x17;
	v17 =	vshra.s32 v14, $0x1F  }
0xf3: {  	v18 =	vand.u32 $0x180, v15;
	v17 =	vor.u32 $0x80000000, v17  }
0xf4: {  	v15 =	vand.u32 $0x7F, v15;
	v18 =	vor.u32 v3, v18;
	v14 =	vxor.u32 v14, v17  }
0xf5: {  	v15 =	vor.u32 v15, v18;
	v14 =	vshrl.u32 v14, $0x17  }
0xf6: {  	v17 =	vand.u32 $0x180, v14  }
0xf7: {  	v14 =	vand.u32 $0x7F, v14;
	v17 =	vor.u32 v3, v17  }
0xf8: {  	v14 =	vor.u32 v14, v17;
	_ =	sdelay $0x1  }
0xf9: {  	[tilespmem:v15+s12+$0x0] =	vst.idx.add.f32.msk $0xffff, v4  }
0xfa: {  	v15 =	vld [tilespmem:s22+$0xFFFFFFE0];
	_ =	sdelay $0x1  }
0xfb: {  	[tilespmem:v14+s12+$0x0] =	vst.idx.add.f32.msk $0xffff, v4  }
0xfc: {  	v14 =	vld [tilespmem:s23+$0xFFFFFFE0];
	_ =	sdelay $0x1  }
0xfd: {  	v17 =	vshra.s32 v15, $0x1F  }
0xfe: {  	v18 =	vand.u32 $0x180, v16;
	v17 =	vor.u32 $0x80000000, v17  }
0xff: {  	v16 =	vand.u32 $0x7F, v16;
	v18 =	vor.u32 v3, v18;
	v15 =	vxor.u32 v15, v17  }
0x100: {  	v16 =	vor.u32 v16, v18;
	v15 =	vshrl.u32 v15, $0x17;
	v17 =	vshra.s32 v14, $0x1F  }
0x101: {  	v18 =	vand.u32 $0x180, v15;
	v17 =	vor.u32 $0x80000000, v17  }
0x102: {  	v15 =	vand.u32 $0x7F, v15;
	v18 =	vor.u32 v3, v18;
	v14 =	vxor.u32 v14, v17  }
0x103: {  	v15 =	vor.u32 v15, v18;
	v14 =	vshrl.u32 v14, $0x17  }
0x104: {  	v17 =	vand.u32 $0x180, v14  }
0x105: {  	[tilespmem:v16+s12+$0x0] =	vst.idx.add.f32.msk $0xffff, v4;
	v14 =	vand.u32 $0x7F, v14;
	v16 =	vor.u32 v3, v17  }
0x106: {  	v17 =	vld [tilespmem:s21+$0xFFFFFFF0];
	v14 =	vor.u32 v14, v16;
	_ =	sdelay $0x1  }
0x107: {  	[tilespmem:v15+s12+$0x0] =	vst.idx.add.f32.msk $0xffff, v4  }
0x108: {  	v15 =	vld [tilespmem:s22+$0xFFFFFFF0];
	_ =	sdelay $0x1  }
0x109: {  	v16 =	vshra.s32 v17, $0x1F;
	[tilespmem:v14+s12+$0x0] =	vst.idx.add.f32.msk $0xffff, v4  }
0x10a: {  	v14 =	vor.u32 $0x80000000, v16;
	v16 =	vld [tilespmem:s23+$0xFFFFFFF0]  }
0x10b: {  	v14 =	vxor.u32 v17, v14  }
0x10c: {  	v17 =	vshra.s32 v15, $0x1F;
	v14 =	vshrl.u32 v14, $0x17  }
0x10d: {  	v17 =	vor.u32 $0x80000000, v17;
	v18 =	vand.u32 $0x180, v14  }
0x10e: {  	v14 =	vand.u32 $0x7F, v14;
	v15 =	vxor.u32 v15, v17;
	v18 =	vor.u32 v3, v18  }
0x10f: {  	v15 =	vshrl.u32 v15, $0x17;
	v14 =	vor.u32 v14, v18;
	v17 =	vshra.s32 v16, $0x1F  }
0x110: {  	v18 =	vand.u32 $0x180, v15;
	v17 =	vor.u32 $0x80000000, v17  }
0x111: {  	v15 =	vand.u32 $0x7F, v15;
	v18 =	vor.u32 v3, v18;
	v16 =	vxor.u32 v16, v17  }
0x112: {  	v15 =	vor.u32 v15, v18;
	v16 =	vshrl.u32 v16, $0x17  }
0x113: {  	v17 =	vand.u32 $0x180, v16  }
0x114: {  	[tilespmem:v14+s12+$0x0] =	vst.idx.add.f32.msk $0xffff, v4;
	v14 =	vand.u32 $0x7F, v16;
	v16 =	vor.u32 v3, v17  }
0x115: {  	v17 =	vld [tilespmem:s21+$0x0];
	v14 =	vor.u32 v14, v16;
	_ =	sdelay $0x1  }
0x116: {  	[tilespmem:v15+s12+$0x0] =	vst.idx.add.f32.msk $0xffff, v4  }
0x117: {  	v15 =	vshra.s32 v13, $0x1F;
	v16 =	vld [tilespmem:s22+$0x0]  }
0x118: {  	v15 =	vor.u32 $0x80000000, v15  }
0x119: {  	v13 =	vxor.u32 v13, v15;
	v15 =	vshra.s32 v17, $0x1F;
	[tilespmem:v14+s12+$0x0] =	vst.idx.add.f32.msk $0xffff, v4  }
0x11a: {  	v13 =	vshrl.u32 v13, $0x17;
	v14 =	vor.u32 $0x80000000, v15;
	v15 =	vld [tilespmem:s23+$0x0]  }
0x11b: {  	v18 =	vand.u32 $0x180, v13;
	v13 =	vand.u32 $0x7F, v13;
	v14 =	vxor.u32 v17, v14  }
0x11c: {  	v17 =	vor.u32 v3, v18;
	v18 =	vshra.s32 v16, $0x1F;
	v14 =	vshrl.u32 v14, $0x17  }
0x11d: {  	v13 =	vor.u32 v13, v17;
	v18 =	vor.u32 $0x80000000, v18;
	v17 =	vand.u32 $0x180, v14  }
0x11e: {  	v14 =	vand.u32 $0x7F, v14;
	v16 =	vxor.u32 v16, v18;
	v17 =	vor.u32 v3, v17  }
0x11f: {  	v16 =	vshrl.u32 v16, $0x17;
	v14 =	vor.u32 v14, v17;
	v17 =	vshra.s32 v15, $0x1F  }
0x120: {  	v18 =	vand.u32 $0x180, v16;
	v17 =	vor.u32 $0x80000000, v17  }
0x121: {  	v16 =	vand.u32 $0x7F, v16;
	v18 =	vor.u32 v3, v18;
	v15 =	vxor.u32 v15, v17  }
0x122: {  	[tilespmem:v13+s12+$0x0] =	vst.idx.add.f32.msk $0xffff, v4;
	v13 =	vor.u32 v16, v18;
	v15 =	vshrl.u32 v15, $0x17  }
0x123: {  	v16 =	vld [tilespmem:s20+$0x10];
	v17 =	vand.u32 $0x180, v15  }
0x124: {  	[tilespmem:v14+s12+$0x0] =	vst.idx.add.f32.msk $0xffff, v4;
	v14 =	vand.u32 $0x7F, v15;
	v15 =	vor.u32 v3, v17  }
0x125: {  	v17 =	vld [tilespmem:s21+$0x10];
	v14 =	vor.u32 v14, v15;
	_ =	sdelay $0x1  }
0x126: {  	[tilespmem:v13+s12+$0x0] =	vst.idx.add.f32.msk $0xffff, v4  }
0x127: {  	v13 =	vshra.s32 v16, $0x1F;
	v15 =	vld [tilespmem:s22+$0x10]  }
0x128: {  	v13 =	vor.u32 $0x80000000, v13  }
0x129: {  	v13 =	vxor.u32 v16, v13;
	v16 =	vshra.s32 v17, $0x1F;
	[tilespmem:v14+s12+$0x0] =	vst.idx.add.f32.msk $0xffff, v4  }
0x12a: {  	v13 =	vshrl.u32 v13, $0x17;
	v14 =	vor.u32 $0x80000000, v16;
	v16 =	vld [tilespmem:s23+$0x10]  }
0x12b: {  	v18 =	vand.u32 $0x180, v13;
	v13 =	vand.u32 $0x7F, v13;
	v14 =	vxor.u32 v17, v14  }
0x12c: {  	v17 =	vor.u32 v3, v18;
	v18 =	vshra.s32 v15, $0x1F;
	v14 =	vshrl.u32 v14, $0x17  }
0x12d: {  	v13 =	vor.u32 v13, v17;
	v18 =	vor.u32 $0x80000000, v18;
	v17 =	vand.u32 $0x180, v14  }
0x12e: {  	v14 =	vand.u32 $0x7F, v14;
	v15 =	vxor.u32 v15, v18;
	v17 =	vor.u32 v3, v17  }
0x12f: {  	[tilespmem:v12+s12+$0x0] =	vst.idx.add.f32.msk $0xffff, v4;
	v12 =	vor.u32 v14, v17;
	v14 =	vshrl.u32 v15, $0x17;
	v15 =	vshra.s32 v16, $0x1F  }
0x130: {  	v17 =	vld [tilespmem:s19+$0x20];
	v18 =	vand.u32 $0x180, v14;
	v15 =	vor.u32 $0x80000000, v15  }
0x131: {  	v14 =	vand.u32 $0x7F, v14;
	v18 =	vor.u32 v3, v18;
	v15 =	vxor.u32 v16, v15  }
0x132: {  	[tilespmem:v13+s12+$0x0] =	vst.idx.add.f32.msk $0xffff, v4;
	v13 =	vor.u32 v14, v18;
	v14 =	vshrl.u32 v15, $0x17  }
0x133: {  	v15 =	vld [tilespmem:s20+$0x20];
	v16 =	vand.u32 $0x180, v14  }
0x134: {  	[tilespmem:v12+s12+$0x0] =	vst.idx.add.f32.msk $0xffff, v4;
	v12 =	vand.u32 $0x7F, v14;
	v14 =	vor.u32 v3, v16  }
0x135: {  	v16 =	vshra.s32 v17, $0x1F;
	v18 =	vld [tilespmem:s21+$0x20];
	v12 =	vor.u32 v12, v14  }
0x136: {  	v14 =	vor.u32 $0x80000000, v16  }
0x137: {  	v14 =	vxor.u32 v17, v14;
	[tilespmem:v13+s12+$0x0] =	vst.idx.add.f32.msk $0xffff, v4  }
0x138: {  	v13 =	vshrl.u32 v14, $0x17;
	v14 =	vshra.s32 v15, $0x1F;
	v16 =	vld [tilespmem:s22+$0x20]  }
0x139: {  	v17 =	vand.u32 $0x180, v13;
	v13 =	vand.u32 $0x7F, v13;
	v14 =	vor.u32 $0x80000000, v14  }
0x13a: {  	v17 =	vor.u32 v3, v17;
	v14 =	vxor.u32 v15, v14;
	v15 =	vshra.s32 v18, $0x1F;
	[tilespmem:v12+s12+$0x0] =	vst.idx.add.f32.msk $0xffff, v4  }
0x13b: {  	v12 =	vor.u32 v13, v17;
	v13 =	vshrl.u32 v14, $0x17;
	v14 =	vor.u32 $0x80000000, v15;
	v15 =	vld [tilespmem:s23+$0x20]  }
0x13c: {  	v17 =	vand.u32 $0x180, v13;
	v13 =	vand.u32 $0x7F, v13;
	v14 =	vxor.u32 v18, v14  }
0x13d: {  	v17 =	vor.u32 v3, v17;
	v14 =	vshrl.u32 v14, $0x17;
	v18 =	vshra.s32 v16, $0x1F  }
0x13e: {  	v13 =	vor.u32 v13, v17;
	v17 =	vand.u32 $0x180, v14;
	v18 =	vor.u32 $0x80000000, v18  }
0x13f: {  	s0 =	sadd.s32 $0xA0, s0;
	v14 =	vand.u32 $0x7F, v14;
	v17 =	vor.u32 v3, v17;
	v16 =	vxor.u32 v16, v18  }
0x140: {  	s1 =	sand.u32 $0x1FFE0, s0;
	[tilespmem:v12+s12+$0x0] =	vst.idx.add.f32.msk $0xffff, v4;
	v12 =	vor.u32 v14, v17;
	v14 =	vshrl.u32 v16, $0x17;
	v16 =	vshra.s32 v15, $0x1F  }
0x141: {  	v17 =	vld [tilespmem:s1+$0x80];
	v18 =	vand.u32 $0x180, v14;
	v16 =	vor.u32 $0x80000000, v16  }
0x142: {  	s0 =	sadd.s32 $0xA0, s0;
	v14 =	vand.u32 $0x7F, v14;
	v18 =	vor.u32 v3, v18;
	v15 =	vxor.u32 v15, v16  }
0x143: {  	s5 =	sand.u32 $0x1FFE0, s0;
	[tilespmem:v13+s12+$0x0] =	vst.idx.add.f32.msk $0xffff, v4;
	v13 =	vor.u32 v14, v18;
	v14 =	vshrl.u32 v15, $0x17  }
0x144: {  	s0 =	sadd.s32 $0xA0, s0;
	v15 =	vld [tilespmem:s5+$0x80];
	v16 =	vand.u32 $0x180, v14  }
0x145: {  	v10 =	vxor.u32 v10, v11;
	s6 =	sand.u32 $0x1FFE0, s0;
	[tilespmem:v12+s12+$0x0] =	vst.idx.add.f32.msk $0xffff, v4;
	v11 =	vand.u32 $0x7F, v14;
	v12 =	vor.u32 v3, v16  }
0x146: {  	v10 =	vshrl.u32 v10, $0x17;
	v14 =	vshra.s32 v17, $0x1F;
	v16 =	vld [tilespmem:s6+$0x80];
	v11 =	vor.u32 v11, v12  }
0x147: {  	s0 =	sadd.s32 $0xA0, s0;
	v12 =	vand.u32 $0x180, v10;
	v14 =	vor.u32 $0x80000000, v14  }
0x148: {  	s7 =	sand.u32 $0x1FFE0, s0;
	v10 =	vand.u32 $0x7F, v10;
	v12 =	vor.u32 v3, v12;
	v14 =	vxor.u32 v17, v14;
	[tilespmem:v13+s12+$0x0] =	vst.idx.add.f32.msk $0xffff, v4  }
0x149: {  	v10 =	vor.u32 v10, v12;
	v12 =	vshrl.u32 v14, $0x17;
	v13 =	vshra.s32 v15, $0x1F;
	v14 =	vld [tilespmem:s7+$0x80]  }
0x14a: {  	s0 =	sadd.s32 $0xA0, s0;
	v17 =	vand.u32 $0x180, v12;
	v12 =	vand.u32 $0x7F, v12;
	v13 =	vor.u32 $0x80000000, v13  }
0x14b: {  	s0 =	sand.u32 $0x1FFE0, s0;
	v17 =	vor.u32 v3, v17;
	v13 =	vxor.u32 v15, v13;
	v15 =	vshra.s32 v16, $0x1F;
	[tilespmem:v11+s12+$0x0] =	vst.idx.add.f32.msk $0xffff, v4  }
0x14c: {  	v11 =	vor.u32 v12, v17;
	v12 =	vshrl.u32 v13, $0x17;
	v13 =	vor.u32 $0x80000000, v15;
	v15 =	vld [tilespmem:s0+$0x80]  }
0x14d: {  	v17 =	vand.u32 $0x180, v12;
	v12 =	vand.u32 $0x7F, v12;
	v13 =	vxor.u32 v16, v13  }
0x14e: {  	[tilespmem:v10+s12+$0x0] =	vst.idx.add.f32.msk $0xffff, v4;
	v10 =	vor.u32 v3, v17;
	v13 =	vshrl.u32 v13, $0x17;
	v16 =	vshra.s32 v14, $0x1F  }
0x14f: {  	v17 =	vld [tilespmem:s18+$0x40];
	v10 =	vor.u32 v12, v10;
	v12 =	vand.u32 $0x180, v13;
	v16 =	vor.u32 $0x80000000, v16  }
0x150: {  	v13 =	vand.u32 $0x7F, v13;
	v12 =	vor.u32 v3, v12;
	v14 =	vxor.u32 v14, v16  }
0x151: {  	[tilespmem:v11+s12+$0x0] =	vst.idx.add.f32.msk $0xffff, v4;
	v11 =	vor.u32 v13, v12;
	v12 =	vshrl.u32 v14, $0x17;
	v13 =	vshra.s32 v15, $0x1F  }
0x152: {  	v14 =	vld [tilespmem:s19+$0x40];
	v16 =	vand.u32 $0x180, v12;
	v13 =	vor.u32 $0x80000000, v13  }
0x153: {  	v12 =	vand.u32 $0x7F, v12;
	v16 =	vor.u32 v3, v16;
	v13 =	vxor.u32 v15, v13  }
0x154: {  	v15 =	vshra.s32 v17, $0x1F;
	[tilespmem:v10+s12+$0x0] =	vst.idx.add.f32.msk $0xffff, v4;
	v10 =	vor.u32 v12, v16;
	v12 =	vshrl.u32 v13, $0x17  }
0x155: {  	v13 =	vor.u32 $0x80000000, v15;
	v15 =	vld [tilespmem:s20+$0x40];
	v16 =	vand.u32 $0x180, v12  }
0x156: {  	v13 =	vxor.u32 v17, v13;
	[tilespmem:v11+s12+$0x0] =	vst.idx.add.f32.msk $0xffff, v4;
	v11 =	vand.u32 $0x7F, v12;
	v12 =	vor.u32 v3, v16  }
0x157: {  	v13 =	vshrl.u32 v13, $0x17;
	v16 =	vshra.s32 v14, $0x1F;
	v17 =	vld [tilespmem:s21+$0x40];
	v11 =	vor.u32 v11, v12  }
0x158: {  	v12 =	vand.u32 $0x180, v13;
	v16 =	vor.u32 $0x80000000, v16  }
0x159: {  	v13 =	vand.u32 $0x7F, v13;
	v12 =	vor.u32 v3, v12;
	v14 =	vxor.u32 v14, v16;
	[tilespmem:v10+s12+$0x0] =	vst.idx.add.f32.msk $0xffff, v4  }
0x15a: {  	v13 =	vor.u32 v13, v12;
	v10 =	vshrl.u32 v14, $0x17;
	v12 =	vshra.s32 v15, $0x1F;
	v14 =	vld [tilespmem:s22+$0x40]  }
0x15b: {  	v16 =	vand.u32 $0x180, v10;
	v10 =	vand.u32 $0x7F, v10;
	v12 =	vor.u32 $0x80000000, v12  }
0x15c: {  	v16 =	vor.u32 v3, v16;
	v12 =	vxor.u32 v15, v12;
	v15 =	vshra.s32 v17, $0x1F;
	[tilespmem:v11+s12+$0x0] =	vst.idx.add.f32.msk $0xffff, v4  }
0x15d: {  	v11 =	vor.u32 v10, v16;
	v10 =	vshrl.u32 v12, $0x17;
	v12 =	vor.u32 $0x80000000, v15;
	v15 =	vld [tilespmem:s23+$0x40]  }
0x15e: {  	v16 =	vand.u32 $0x180, v10;
	v10 =	vand.u32 $0x7F, v10;
	v12 =	vxor.u32 v17, v12  }
0x15f: {  	v16 =	vor.u32 v3, v16;
	v12 =	vshrl.u32 v12, $0x17;
	v17 =	vshra.s32 v14, $0x1F  }
0x160: {  	v16 =	vor.u32 v10, v16;
	v10 =	vand.u32 $0x180, v12;
	v17 =	vor.u32 $0x80000000, v17  }
0x161: {  	v12 =	vand.u32 $0x7F, v12;
	v10 =	vor.u32 v3, v10;
	v14 =	vxor.u32 v14, v17  }
0x162: {  	v17 =	vor.u32 v12, v10;
	v10 =	vshrl.u32 v14, $0x17;
	v12 =	vshra.s32 v15, $0x1F  }
0x163: {  	v18 =	vshra.s32 v9, $0x1F;
	v14 =	vand.u32 $0x180, v10;
	v12 =	vor.u32 $0x80000000, v12  }
0x164: {  	v10 =	vand.u32 $0x7F, v10;
	v12 =	vxor.u32 v15, v12;
	v15 =	vor.u32 $0x80000000, v18  }
0x165: {  	v14 =	vor.u32 v3, v14;
	v18 =	vshrl.u32 v12, $0x17;
	v12 =	vxor.u32 v9, v15  }
0x166: {  	v14 =	vor.u32 v10, v14;
	v15 =	vand.u32 $0x180, v18;
	v10 =	vshrl.u32 v12, $0x17  }
0x167: {  	v18 =	vand.u32 $0x7F, v18;
	v15 =	vor.u32 v3, v15;
	v19 =	vand.u32 $0x180, v10  }
0x168: {  	[tilespmem:v13+s12+$0x0] =	vst.idx.add.f32.msk $0xffff, v4;
	v13 =	vor.u32 v18, v15;
	v15 =	vand.u32 $0x7F, v10;
	v18 =	vor.u32 v3, v19  }
0x169: {  	[tilespmem:v11+s12+$0x0] =	vst.idx.add.f32.msk $0xffff, v4;
	v11 =	vor.u32 v15, v18  }
0x16a: {  	[tilespmem:v16+s12+$0x0] =	vst.idx.add.f32.msk $0xffff, v4  }
0x16b: {  	[tilespmem:v17+s12+$0x0] =	vst.idx.add.f32.msk $0xffff, v4  }
0x16c: {  	[tilespmem:v14+s12+$0x0] =	vst.idx.add.f32.msk $0xffff, v4  }
0x16d: {  	[tilespmem:v13+s12+$0x0] =	vst.idx.add.f32.msk $0xffff, v4  }
0x16e: {  	s19 =	simm.s32 $0x198F0;
	[tilespmem:v11+s12+$0x0] =	vst.idx.add.f32.msk $0x1, v5  }
0x16f: {  	v11 =	vld [tilespmem:s19+$0x200]  }
0x170: {  	v13 =	vld [tilespmem:s19+$0xFFFFF000]  }
0x171: {  	v14 =	vld [tilespmem:s19+$0xFFFFF200]  }
0x172: {  	v15 =	vld [tilespmem:s19+$0xFFFFF400]  }
0x173: {  	v16 =	vld [tilespmem:s19+$0xFFFFF600]  }
0x174: {  	v17 =	vld [tilespmem:s19+$0xFFFFF800]  }
0x175: {  	v18 =	vld [tilespmem:s19+$0xFFFFFA00]  }
0x176: {  	s20 =	simm.s32 $0x198E0;
	v19 =	vld [tilespmem:s19+$0xFFFFFC00]  }
0x177: {  	v20 =	vld [tilespmem:s20+$0x200]  }
0x178: {  	v21 =	vld [tilespmem:s19+$0xFFFFFE00]  }
0x179: {  	v22 =	vld [tilespmem:s20+$0xFFFFF000]  }
0x17a: {  	[tilespmem:s19+$0x200] =	vst v1;
	v23 =	vld [tilespmem:s20+$0xFFFFF200];
	v13 =	vadd.f32 $0.0e+00, v13  }
0x17b: {  	[tilespmem:s19+$0xFFFFF000] =	vst v1;
	v24 =	vld [tilespmem:s20+$0xFFFFF400]  }
0x17c: {  	[tilespmem:s19+$0xFFFFF400] =	vst v1;
	v25 =	vld [tilespmem:s20+$0xFFFFF600];
	v13 =	vadd.f32 v14, v13  }
0x17d: {  	[tilespmem:s19+$0xFFFFF600] =	vst v1;
	v26 =	vld [tilespmem:s20+$0xFFFFF800]  }
0x17e: {  	[tilespmem:s19+$0xFFFFF800] =	vst v1;
	v27 =	vld [tilespmem:s20+$0xFFFFFA00];
	v13 =	vadd.f32 v15, v13  }
0x17f: {  	[tilespmem:s19+$0xFFFFFA00] =	vst v1;
	v28 =	vld [tilespmem:s20+$0xFFFFFC00]  }
0x180: {  	s25 =	simm.s32 $0x198D0;
	[tilespmem:s19+$0xFFFFFC00] =	vst v1;
	v29 =	vld [tilespmem:s20+$0xFFFFFE00];
	v13 =	vadd.f32 v16, v13  }
0x181: {  	s22 =	simm.s32 $0x198C0;
	[tilespmem:s20+$0x200] =	vst v1;
	v48 =	vld [tilespmem:s25+$0xFFFFFA00]  }
0x182: {  	s26 =	simm.s32 $0x198B0;
	[tilespmem:s19+$0xFFFFFE00] =	vst v1;
	v50 =	vld [tilespmem:s22+$0xFFFFFE00];
	v13 =	vadd.f32 v17, v13  }
0x183: {  	[tilespmem:s20+$0xFFFFF000] =	vst v1;
	v51 =	vld [tilespmem:s26+$0xFFFFFE00]  }
0x184: {  	[tilespmem:s20+$0xFFFFF400] =	vst v1;
	v55 =	vld [tilespmem:s26+$0xA00];
	v13 =	vadd.f32 v18, v13  }
0x185: {  	s29 =	simm.s32 $0x198A0;
	[tilespmem:s20+$0xFFFFF600] =	vst v1;
	v14 =	vld [tilespmem:s19+$0x0]  }
0x186: {  	s31 =	simm.s32 $0x19890;
	[tilespmem:s20+$0xFFFFF800] =	vst v1;
	v58 =	vld [tilespmem:s29+$0x0];
	v13 =	vadd.f32 v19, v13  }
0x187: {  	[tilespmem:s20+$0xFFFFFA00] =	vst v1;
	v60 =	vld [tilespmem:s31+$0xFFFFF800]  }
0x188: {  	[tilespmem:s20+$0xFFFFFC00] =	vst v1;
	v62 =	vld [tilespmem:s31+$0xFFFFFC00];
	v13 =	vadd.f32 v21, v13;
	v21 =	vadd.f32 $0.0e+00, v22  }
0x189: {  	[tilespmem:s20+$0xFFFFFE00] =	vst v1;
	v16 =	vld [tilespmem:s19+$0x400]  }
0x18a: {  	[tilespmem:s25+$0xFFFFFA00] =	vst v1;
	v63 =	vld [tilespmem:s29+$0xC00];
	v13 =	vadd.f32 v14, v13;
	v14 =	vadd.f32 v23, v21  }
0x18b: {  	[tilespmem:s22+$0xFFFFFE00] =	vst v1;
	v15 =	vld [tilespmem:s25+$0x200]  }
0x18c: {  	[tilespmem:s26+$0xFFFFFE00] =	vst v1;
	v17 =	vld [tilespmem:s19+$0x600];
	v11 =	vadd.f32 v11, v13;
	v13 =	vadd.f32 v24, v14  }
0x18d: {  	[tilespmem:s26+$0xA00] =	vst v1;
	v18 =	vld [tilespmem:s19+$0x800]  }
0x18e: {  	[tilespmem:s29+$0x0] =	vst v1;
	v19 =	vld [tilespmem:s19+$0xA00];
	v11 =	vadd.f32 v16, v11;
	v16 =	vadd.f32 v25, v13  }
0x18f: {  	[tilespmem:s31+$0xFFFFF800] =	vst v1;
	v22 =	vld [tilespmem:s19+$0xC00]  }
0x190: {  	[tilespmem:s31+$0xFFFFFC00] =	vst v1;
	v23 =	vld [tilespmem:s25+$0xFFFFF000];
	v16 =	vadd.f32 v26, v16  }
0x191: {  	[tilespmem:s29+$0xC00] =	vst v1;
	v21 =	vld [tilespmem:s19+$0xE00]  }
0x192: {  	[tilespmem:s19+$0x0] =	vst v1;
	v24 =	vld [tilespmem:s25+$0xFFFFF200];
	v11 =	vadd.f32 v17, v11;
	v16 =	vadd.f32 v27, v16  }
0x193: {  	[tilespmem:s25+$0x200] =	vst v1;
	v14 =	vld [tilespmem:s20+$0x0]  }
0x194: {  	[tilespmem:s19+$0x400] =	vst v1;
	v13 =	vld [tilespmem:s22+$0x200];
	v11 =	vadd.f32 v18, v11;
	v16 =	vadd.f32 v28, v16  }
0x195: {  	[tilespmem:s19+$0x600] =	vst v1;
	v25 =	vld [tilespmem:s25+$0xFFFFF400];
	v23 =	vadd.f32 $0.0e+00, v23  }
0x196: {  	[tilespmem:s19+$0x800] =	vst v1;
	v17 =	vld [tilespmem:s20+$0x400];
	v11 =	vadd.f32 v19, v11;
	v16 =	vadd.f32 v29, v16  }
0x197: {  	[tilespmem:s19+$0xA00] =	vst v1;
	v26 =	vld [tilespmem:s25+$0xFFFFF600];
	v23 =	vadd.f32 v24, v23  }
0x198: {  	[tilespmem:s19+$0xC00] =	vst v1;
	v24 =	vld [tilespmem:s25+$0xFFFFFC00];
	v11 =	vadd.f32 v22, v11;
	v14 =	vadd.f32 v14, v16  }
0x199: {  	[tilespmem:s25+$0xFFFFF000] =	vst v1;
	v18 =	vld [tilespmem:s20+$0x600]  }
0x19a: {  	[tilespmem:s19+$0xE00] =	vst v1;
	v27 =	vld [tilespmem:s25+$0xFFFFF800];
	v11 =	vadd.f32 v21, v11;
	v14 =	vadd.f32 v20, v14  }
0x19b: {  	[tilespmem:s20+$0x0] =	vst v1;
	v23 =	vadd.f32 v25, v23;
	v19 =	vld [tilespmem:s20+$0x800]  }
0x19c: {  	[tilespmem:s25+$0xFFFFF400] =	vst v1;
	v25 =	vld [tilespmem:s25+$0xFFFFFE00];
	(xrf2) =	vadd.scan.msk.f32 $0xffff, v11;
	v16 =	vperm.xlane v11, v6;
	v14 =	vadd.f32 v17, v14  }
0x19d: {  	[tilespmem:s22+$0x200] =	vst v1;
	v22 =	vld [tilespmem:s20+$0xA00];
	v11 =	vadd.f32 v26, v23  }
0x19e: {  	[tilespmem:s20+$0x400] =	vst v1;
	v21 =	vld [tilespmem:s20+$0xC00];
	(xrf2) =	vadd.scan.msk.f32 $0xffff, v16;
	v14 =	vadd.f32 v18, v14  }
0x19f: {  	[tilespmem:s25+$0xFFFFF600] =	vst v1;
	v23 =	vld [tilespmem:s22+$0xFFFFF000];
	v26 =	vadd.f32 v27, v11  }
0x1a0: {  	[tilespmem:s25+$0xFFFFFC00] =	vst v1;
	v20 =	vld [tilespmem:s20+$0xE00];
	v14 =	vadd.f32 v19, v14  }
0x1a1: {  	[tilespmem:s20+$0x600] =	vst v1;
	v27 =	vld [tilespmem:s22+$0xFFFFF200];
	v18 =	vadd.f32 v48, v26  }
0x1a2: {  	[tilespmem:s25+$0xFFFFF800] =	vst v1;
	v17 =	vld [tilespmem:s25+$0x0];
	v14 =	vadd.f32 v22, v14  }
0x1a3: {  	[tilespmem:s25+$0xFFFFFE00] =	vst v1;
	v26 =	vld [tilespmem:s22+$0xFFFFF400];
	v18 =	vadd.f32 v24, v18  }
0x1a4: {  	[tilespmem:s20+$0x800] =	vst v1;
	v11 =	vld [tilespmem:s26+$0x200];
	v22 =	vadd.f32 $0.0e+00, v23;
	v14 =	vadd.f32 v21, v14  }
0x1a5: {  	[tilespmem:s20+$0xA00] =	vst v1;
	v19 =	vld [tilespmem:s25+$0x400];
	v18 =	vadd.f32 v25, v18  }
0x1a6: {  	[tilespmem:s20+$0xC00] =	vst v1;
	v24 =	vld [tilespmem:s22+$0xFFFFF600];
	v49, _, _ =	vpop (xrf2);
	v21 =	vadd.f32 v27, v22  }
0x1a7: {  	[tilespmem:s22+$0xFFFFF000] =	vst v1;
	v23 =	vld [tilespmem:s25+$0x600];
	v17 =	vadd.f32 v17, v18;
	(v2sf) =	vpush v49, $0xF  }
0x1a8: {  	s18 =	simm.f32 $0.0e+00;
	[tilespmem:s20+$0xE00] =	vst v1;
	v25 =	vld [tilespmem:s22+$0xFFFFF800];
	v20 =	vadd.f32 v20, v14;
	v21 =	vadd.f32 v26, v21;
	v14, _, _ =	vpop (xrf2)  }
0x1a9: {  	[tilespmem:s25+$0x0] =	vst v1;
	v22 =	vld [tilespmem:s25+$0x800];
	v15 =	vadd.f32 v15, v17;
	v27 =	vadd.f32 s18, v14  }
0x1aa: {  	[tilespmem:s26+$0x200] =	vst v1;
	v18 =	vld [tilespmem:s22+$0xFFFFFA00];
	(xrf2) =	vadd.scan.msk.f32 $0xffff, v20  }
0x1ab: {  	[tilespmem:s22+$0xFFFFF400] =	vst v1;
	v26 =	vld [tilespmem:s25+$0xA00];
	v21 =	vadd.f32 v24, v21;
	v15 =	vadd.f32 v19, v15;
	vm1 =	vge.f32 v27, $9.990000000e+02  }
0x1ac: {  	[tilespmem:s25+$0x400] =	vst v1;
	v17 =	vld [tilespmem:s22+$0xFFFFFC00];
	v19 =	vperm.xlane v20, v6;
	v20 =	vmctz.xlane vm1  }
0x1ad: {  	[tilespmem:s22+$0xFFFFF600] =	vst v1;
	v21 =	vadd.f32 v25, v21;
	v15 =	vadd.f32 v23, v15;
	v23 =	vld [tilespmem:s26+$0xFFFFF000]  }
0x1ae: {  	[tilespmem:s25+$0x600] =	vst v1;
	v24 =	vld [tilespmem:s25+$0xC00];
	v20 =	vxor.u32 $0x80000000, v20  }
0x1af: {  	[tilespmem:s22+$0xFFFFF800] =	vst v1;
	v18 =	vadd.f32 v18, v21;
	v15 =	vadd.f32 v22, v15;
	v22 =	vld [tilespmem:s26+$0xFFFFF200];
	(xrf0) =	vmax.scan.msk.u32 $0xffff, v20  }
0x1b0: {  	[tilespmem:s25+$0x800] =	vst v1;
	v21 =	vld [tilespmem:s22+$0x0]  }
0x1b1: {  	[tilespmem:s22+$0xFFFFFA00] =	vst v1;
	v25 =	vld [tilespmem:s25+$0xE00];
	(xrf2) =	vadd.scan.msk.f32 $0xffff, v19;
	v18 =	vadd.f32 v17, v18  }
0x1b2: {  	[tilespmem:s25+$0xA00] =	vst v1;
	v17 =	vld [tilespmem:s29+$0x200];
	v15 =	vadd.f32 v26, v15;
	v23 =	vadd.f32 $0.0e+00, v23  }
0x1b3: {  	[tilespmem:s22+$0xFFFFFC00] =	vst v1;
	v20 =	vld [tilespmem:s26+$0xFFFFF400];
	v18 =	vadd.f32 v50, v18  }
0x1b4: {  	[tilespmem:s25+$0xC00] =	vst v1;
	v26 =	vld [tilespmem:s22+$0x400];
	v15 =	vadd.f32 v24, v15;
	v22 =	vadd.f32 v22, v23;
	v27, _, _ =	vpop (xrf2)  }
0x1b5: {  	[tilespmem:s26+$0xFFFFF000] =	vst v1;
	v24 =	vld [tilespmem:s26+$0xFFFFF600];
	v18 =	vadd.f32 v21, v18;
	(v2sf) =	vpush v27, $0xF;
	v27, _, _ =	vpop (xrf0)  }
0x1b6: {  	[tilespmem:s25+$0xE00] =	vst v1;
	v21 =	vld [tilespmem:s22+$0x600];
	v15 =	vadd.f32 v25, v15;
	(v2sf) =	vpush v27, $0xF  }
0x1b7: {  	[tilespmem:s22+$0x0] =	vst v1;
	v25 =	vld [tilespmem:s26+$0xFFFFF800];
	v13 =	vadd.f32 v13, v18  }
0x1b8: {  	[tilespmem:s22+$0x400] =	vst v1;
	s8 =	spop (v2sf);
	v18 =	vld [tilespmem:s22+$0x800];
	(xrf2) =	vadd.scan.msk.f32 $0xffff, v15;
	v22 =	vadd.f32 v20, v22  }
0x1b9: {  	[tilespmem:s29+$0x200] =	vst v1;
	v23 =	vld [tilespmem:s26+$0xFFFFFA00];
	s21 =	sadd.f32 s8, s18;
	v13 =	vadd.f32 v26, v13  }
0x1ba: {  	p1 =	por $0x0, $0x0;
	[tilespmem:s26+$0xFFFFF400] =	vst v1;
	v26 =	vld [tilespmem:s22+$0xA00];
	v22 =	vadd.f32 v24, v22  }
0x1bb: {  	[tilespmem:s26+$0xFFFFF600] =	vst v1;
	v20, _, _ =	vpop (xrf2);
	v27 =	vld [tilespmem:s26+$0xFFFFFC00];
	p0 =	sge.f32 s21, $9.990000000e+02;
	s21 =	smov.u32 @p1 s18;
	v13 =	vadd.f32 v21, v13  }
0x1bc: {  	[tilespmem:s26+$0xFFFFFA00] =	vst v1;
	v21 =	vld [tilespmem:s22+$0xC00];
	v24 =	vadd.f32 s21, v20;
	v22 =	vadd.f32 v25, v22  }
0x1bd: {  	[tilespmem:s22+$0x600] =	vst v1;
	v25 =	vld [tilespmem:s22+$0xE00];
	v18 =	vadd.f32 v18, v13  }
0x1be: {  	[tilespmem:s26+$0xFFFFF800] =	vst v1;
	v13 =	vperm.xlane v15, v6;
	vm1 =	vge.f32 v24, $9.990000000e+02;
	v24 =	vld [tilespmem:s29+$0xFFFFF000];
	v22 =	vadd.f32 v23, v22  }
0x1bf: {  	[tilespmem:s22+$0x800] =	vst v1;
	v23 =	vld [tilespmem:s26+$0x0];
	v15 =	vmctz.xlane vm1;
	v18 =	vadd.f32 v26, v18  }
0x1c0: {  	[tilespmem:s22+$0xA00] =	vst v1;
	(xrf2) =	vadd.scan.msk.f32 $0xffff, v13;
	v26 =	vld [tilespmem:s29+$0xFFFFF200];
	v22 =	vadd.f32 v27, v22  }
0x1c1: {  	[tilespmem:s26+$0xFFFFFC00] =	vst v1;
	v52 =	vxor.u32 $0x80000000, v15;
	v15 =	vld [tilespmem:s31+$0x200];
	v18 =	vadd.f32 v21, v18  }
0x1c2: {  	[tilespmem:s22+$0xC00] =	vst v1;
	(xrf0) =	vmax.scan.msk.u32 $0xffff, v52;
	v21 =	vld [tilespmem:s29+$0xFFFFF400];
	v27, _, _ =	vpop (xrf2);
	v22 =	vadd.f32 v51, v22  }
0x1c3: {  	[tilespmem:s22+$0xE00] =	vst v1;
	(v2sf) =	vpush v27, $0xF;
	v18 =	vadd.f32 v25, v18;
	v25 =	vld [tilespmem:s26+$0x400]  }
0x1c4: {  	[tilespmem:s29+$0xFFFFF000] =	vst v1;
	v24 =	vadd.f32 $0.0e+00, v24;
	v27 =	vld [tilespmem:s29+$0xFFFFF600];
	v22 =	vadd.f32 v23, v22;
	s9 =	spop (v2sf)  }
0x1c5: {  	[tilespmem:s26+$0x0] =	vst v1;
	v23 =	vld [tilespmem:s26+$0x600];
	s10 =	spop (v2sf)  }
0x1c6: {  	[tilespmem:s31+$0x200] =	vst v1;
	v24 =	vadd.f32 v26, v24;
	v26 =	vld [tilespmem:s29+$0xFFFFF800];
	(xrf2) =	vadd.scan.msk.f32 $0xffff, v18;
	v11 =	vadd.f32 v11, v22;
	s16 =	sxor.u32 $0x80000000, s10  }
0x1c7: {  	[tilespmem:s29+$0xFFFFF400] =	vst v1;
	v22 =	vld [tilespmem:s26+$0x800];
	v54 =	vmov s16  }
0x1c8: {  	[tilespmem:s29+$0xFFFFF600] =	vst v1;
	s23 =	sadd.f32 s9, s21;
	v21 =	vadd.f32 v21, v24;
	v53, _, _ =	vpop (xrf0);
	v25 =	vadd.f32 v25, v11;
	vm1 =	veq.s32 v54, v0  }
0x1c9: {  	p3 =	por p1, p0;
	[tilespmem:s26+$0x400] =	vst v1;
	v24 =	vld [tilespmem:s29+$0xFFFFFA00];
	(v2sf) =	vpush v53, $0xF;
	v14 =	vnsel vm1, $0x0, v14  }
0x1ca: {  	p2 =	sge.f32 s23, $9.990000000e+02;
	v21 =	vadd.f32 v27, v21;
	v27 =	vld [tilespmem:s29+$0xFFFFFC00];
	s23 =	smov.u32 @p3 s21;
	v11 =	vperm.xlane v18, v6;
	v18, _, _ =	vpop (xrf2);
	v23 =	vadd.f32 v23, v25;
	(xrf2) =	vadd.scan.msk.f32 $0xffff, v14  }
0x1cb: {  	[tilespmem:s26+$0x600] =	vst v1;
	v25 =	vld [tilespmem:s26+$0xC00];
	v56 =	vadd.f32 s23, v18  }
0x1cc: {  	[tilespmem:s29+$0xFFFFF800] =	vst v1;
	v22 =	vadd.f32 v22, v23;
	v23 =	vld [tilespmem:s26+$0xE00];
	v14 =	vadd.f32 v26, v21  }
0x1cd: {  	[tilespmem:s26+$0x800] =	vst v1;
	v21 =	vld [tilespmem:s29+$0xFFFFFE00];
	(xrf2) =	vadd.scan.msk.f32 $0xffff, v11  }
0x1ce: {  	[tilespmem:s29+$0xFFFFFA00] =	vst v1;
	vm2 =	vge.f32 v56, $9.990000000e+02;
	v14 =	vadd.f32 v24, v14;
	v24 =	vld [tilespmem:s31+$0xFFFFF000]  }
0x1cf: {  	[tilespmem:s29+$0xFFFFFC00] =	vst v1;
	v26 =	vmctz.xlane vm2;
	v22 =	vadd.f32 v55, v22  }
0x1d0: {  	v59 =	vld [tilespmem:s31+$0xFFFFF200];
	[tilespmem:s26+$0xC00] =	vst v1;
	v57, _, _ =	vpop (xrf2);
	v27 =	vadd.f32 v27, v14  }
0x1d1: {  	[tilespmem:s26+$0xE00] =	vst v1;
	v26 =	vxor.u32 $0x80000000, v26;
	(v2sf) =	vpush v57, $0xF;
	v22 =	vadd.f32 v25, v22  }
0x1d2: {  	[tilespmem:s29+$0xFFFFFE00] =	vst v1;
	(xrf0) =	vmax.scan.msk.u32 $0xffff, v26;
	v25 =	vld [tilespmem:s31+$0xFFFFF400];
	v21 =	vadd.f32 v21, v27  }
0x1d3: {  	v16 =	vnsel vm1, $0x0, v16;
	[tilespmem:s31+$0xFFFFF000] =	vst v1;
	v22 =	vadd.f32 v23, v22;
	v23 =	vadd.f32 $0.0e+00, v24;
	v24 =	vld [tilespmem:s29+$0x400]  }
0x1d4: {  	s4 =	simm.s32 $0x800001DF;
	(xrf2) =	vadd.scan.msk.f32 $0xffff, v16;
	v16 =	vld [tilespmem:s31+$0xFFFFF600];
	[tilespmem:s31+$0xFFFFF600] =	vst v1;
	s17 =	spop (v2sf);
	v21 =	vadd.f32 v58, v21;
	v27, _, _ =	vpop (xrf2)  }
0x1d5: {  	s14 =	simm.s32 $0x19880;
	s11 =	simm.s32 $0x800001CF;
	[tilespmem:s31+$0xFFFFF400] =	vst v1;
	v26 =	vld [tilespmem:s29+$0x600];
	s0 =	sadd.f32 s17, s23;
	v23 =	vadd.f32 v59, v23;
	(v2sf) =	vpush v27, $0xF  }
0x1d6: {  	p5 =	por !p1, !p1;
	s5 =	simm.s32 $0x0;
	p4 =	por p3, p2;
	[tilespmem:s29+$0x600] =	vst v1;
	v14 =	vld [tilespmem:s14+$0x200];
	(xrf2) =	vadd.scan.msk.f32 $0xffff, v22;
	v21 =	vadd.f32 v17, v21  }
0x1d7: {  	p0 =	por !p0, !p5;
	[tilespmem:s14+$0x200] =	vst v1;
	p1 =	sge.f32 s0, $9.990000000e+02;
	s0 =	smov.u32 @p4 s23;
	v17, _, _ =	vpop (xrf2);
	v23 =	vadd.f32 v25, v23;
	v25 =	vld [tilespmem:s29+$0x800]  }
0x1d8: {  	p0 =	por !p0, !p0;
	s1 =	ssub.s32 $0x800001FF, s10;
	[tilespmem:s29+$0x400] =	vst v1;
	s3 =	spop (v2sf);
	v27, _, _ =	vpop (xrf0);
	v61 =	vadd.f32 s0, v17;
	v21 =	vadd.f32 v24, v21;
	v24 =	vld [tilespmem:s31+$0xFFFFFA00]  }
0x1d9: {  	p3 =	por !p3, !p3;
	s5 =	smov.u32 @p0 s1;
	[tilespmem:s29+$0x800] =	vst v1;
	s6 =	sxor.u32 $0x80000000, s3;
	(v2sf) =	vpush v27, $0xF;
	v16 =	vadd.f32 v16, v23  }
0x1da: {  	p0 =	por p0, p0;
	p3 =	por !p2, !p3;
	p6 =	por !p4, !p4;
	[tilespmem:s31+$0xFFFFFA00] =	vst v1;
	v27 =	vmov s6;
	v23 =	vld [tilespmem:s29+$0xA00];
	vm1 =	vge.f32 v61, $9.990000000e+02;
	v26 =	vadd.f32 v26, v21  }
0x1db: {  	p5 =	por !p3, !p3;
	p4 =	por p4, p1;
	p2 =	por !p1, !p6;
	[tilespmem:s29+$0xA00] =	vst v1;
	v30 =	vmctz.xlane vm1;
	vm1 =	veq.s32 v27, v0;
	v27 =	vadd.f32 v60, v16  }
0x1dc: {  	p1 =	por p0, p0;
	p0 =	por p5, p5;
	s1 =	ssub.s32 $0x800001EF, s3;
	v21 =	vld [tilespmem:s31+$0xFFFFFE00];
	[tilespmem:s31+$0xFFFFFE00] =	vst v1;
	v16 =	vperm.xlane v22, v6;
	v20 =	vnsel vm1, $0x0, v20  }
0x1dd: {  	s15 =	simm.s32 $0x800001AF;
	s5 =	smov.u32 @p5 s1;
	s1 =	simm.s32 @!p0 $0x0;
	v25 =	vadd.f32 v25, v26;
	(xrf2) =	vadd.scan.msk.f32 $0xffff, v20;
	v20 =	vadd.f32 v24, v27;
	v27 =	vxor.u32 $0x80000000, v30  }
0x1de: {  	s2 =	simm.s32 $0x8000019F;
	s9 =	simm.s32 $0x800001BF;
	s1 =	simm.s32 @p0 $0x1;
	v22 =	vld [tilespmem:s29+$0xE00];
	[tilespmem:s29+$0xE00] =	vst v1;
	v24, _, _ =	vpop (xrf2)  }
0x1df: {  	s28 =	simm.f32 $0.0e+00;
	s10 =	simm.s32 $0x8000018F;
	v26 =	vnsel vm1, $0x0, v19;
	v19 =	vld [tilespmem:s14+$0xFFFFF000];
	[smem:$0x7FD] =	sst s1;
	(xrf2) =	vadd.scan.msk.f32 $0xffff, v16;
	v25 =	vadd.f32 v23, v25;
	(v2sf) =	vpush v24, $0xF  }
0x1e0: {  	p3 =	por !p4, !p4;
	s6 =	simm.s32 $0x8000017F;
	[tilespmem:s14+$0xFFFFF000] =	vst v1;
	(xrf0) =	vmax.scan.msk.u32 $0xffff, v27;
	s24 =	spop (v2sf);
	v23 =	vld [tilespmem:s31+$0x0];
	v24 =	vadd.f32 v62, v20;
	v27, _, _ =	vpop (xrf2)  }
0x1e1: {  	s1 =	simm.s32 $0x19870;
	[tilespmem:s31+$0x0] =	vst v1;
	s30 =	sadd.f32 s24, s0;
	v20 =	vld [tilespmem:s14+$0xFFFFF200];
	s24 =	smov.u32 s0;
	(xrf2) =	vadd.scan.msk.f32 $0xffff, v26;
	v25 =	vadd.f32 v63, v25;
	(v2sf) =	vpush v27, $0xF  }
.LBB2_9:
0x1e2: {  	s3 =	smov.u32 s0;
	s7 =	smov.u32 s6  }
0x1e3: {  	v26 =	vld [tilespmem:s1+$0x200];
	[tilespmem:s19+$0xFFFFF200] =	vst v1;
	s19 =	smov.u32 s20;
	s20 =	smov.u32 s25;
	s0 =	smov.u32 s30  }
0x1e4: {  	p5 =	sne.s32 s6, $0x8000000F;
	v27 =	vld [tilespmem:s31+$0x400];
	s0 =	smov.u32 @p4 s3;
	s25 =	spop (v2sf)  }
0x1e5: {  	[tilespmem:s1+$0x200] =	vst v1;
	v29 =	vld [tilespmem:s14+$0xFFFFF800];
	s3 =	sadd.s32 $0xFFFFFFF0, s6;
	s6 =	sadd.f32 s25, s28;
	s25 =	smov.u32 s22  }
0x1e6: {  	[tilespmem:s31+$0x400] =	vst v1;
	s22 =	smov.u32 s26;
	s26 =	smov.u32 s29;
	s29 =	smov.u32 s31;
	v21 =	vadd.f32 v21, v24;
	v24 =	vld [tilespmem:s14+$0xFFFFF400];
	v22 =	vadd.f32 v22, v25  }
0x1e7: {  	[tilespmem:s14+$0xFFFFF800] =	vst v1;
	v19 =	vadd.f32 $0.0e+00, v19;
	v63 =	vld [tilespmem:s29+$0xC00];
	v25, _, _ =	vpop (xrf2)  }
0x1e8: {  	p0 =	sge.f32 s30, $9.990000000e+02;
	[tilespmem:s14+$0xFFFFF400] =	vst v1;
	v21 =	vadd.f32 v23, v21;
	s8 =	spop (v2sf);
	(xrf2) =	vadd.scan.msk.f32 $0xffff, v22;
	(v2sf) =	vpush v25, $0xF;
	v25 =	vld [tilespmem:s14+$0xFFFFF600]  }
0x1e9: {  	[tilespmem:s29+$0xC00] =	vst v1;
	v28, _, _ =	vpop (xrf0);
	v19 =	vadd.f32 v20, v19;
	v20 =	vld [tilespmem:s31+$0x600];
	s16 =	sxor.u32 $0x80000000, s8  }
0x1ea: {  	p6 =	por !p2, !p2;
	p4 =	por p4, p0;
	p2 =	por !p0, !p3;
	[tilespmem:s31+$0x600] =	vst v1;
	v23, _, _ =	vpop (xrf2);
	v21 =	vadd.f32 v15, v21;
	v61 =	vmov s16  }
0x1eb: {  	s28 =	smov.u32 s21;
	s21 =	smov.u32 s23;
	s23 =	smov.u32 s24;
	v15 =	vmovc v14;
	v14 =	vmovc v26;
	(v2sf) =	vpush v28, $0xF;
	v19 =	vadd.f32 v24, v19;
	v24 =	vld [tilespmem:s31+$0x800];
	vm1 =	veq.s32 v61, v0  }
0x1ec: {  	s24 =	smov.u32 s0;
	p3 =	por !p4, !p4;
	s4 =	ssub.s32 s4, s8;
	[tilespmem:s14+$0xFFFFF600] =	vst v1;
	v26 =	vadd.f32 s0, v23;
	v21 =	vadd.f32 v27, v21;
	v28 =	vnsel vm1, $0x0, v18;
	v18 =	vmovc v17;
	v17 =	vmovc v23;
	v23 =	vld [tilespmem:s14+$0xFFFFFA00]  }
0x1ed: {  	v22 =	vperm.xlane v22, v6;
	s5 =	smov.u32 @p6 s4;
	s4 =	smov.u32 s11;
	[tilespmem:s31+$0x800] =	vst v1;
	s16 =	sld [smem:$0x7FD];
	v19 =	vadd.f32 v25, v19;
	v25 =	vld [tilespmem:s31+$0xA00]  }
0x1ee: {  	s11 =	smov.u32 s9;
	s9 =	smov.u32 s15;
	v27 =	vnsel vm1, $0x0, v13;
	v13, _, _ =	vpop (xrf2);
	[tilespmem:s14+$0xFFFFFA00] =	vst v1;
	vm1 =	vge.f32 v26, $9.990000000e+02;
	s8 =	spop (v2sf);
	v20 =	vadd.f32 v20, v21  }
0x1ef: {  	s15 =	smov.u32 s2;
	s2 =	smov.u32 s10;
	v26 =	vld [tilespmem:s14+$0xFFFFFC00];
	[tilespmem:s14+$0xFFFFFC00] =	vst v1;
	(xrf2) =	vadd.scan.msk.f32 $0xffff, v28;
	(v2sf) =	vpush v13, $0xF;
	v13 =	vmovc v11;
	v11 =	vmov v16;
	s6 =	ssub.f32 s6, s8  }
.Ltmp3:
0x1f0: {  	v62 =	vmctz.xlane vm1;
	v16 =	vmovc v22;
	p0 =	seq.s32 s16, $0x1;
	v22 =	vld [tilespmem:s29+$0xE00];
	[tilespmem:s31+$0xA00] =	vst v1;
	s31 =	smov.u32 s14;
	v30 =	vadd.f32 v24, v20;
	v19 =	vadd.f32 v29, v19;
	(pc) =	sbr.rel @p5 .LBB2_9-.Ltmp3, $4  }
0x1f1: {  	[tilespmem:s29+$0xE00] =	vst v1;
	(xrf2) =	vadd.scan.msk.f32 $0xffff, v16;
	v21 =	vld [tilespmem:s31+$0xFFFFFE00];
	s18 =	smov.u32 @p1 s6;
	p1 =	por p0, p0;
	p0 =	por p6, p6  }
0x1f2: {  	s14 =	smov.u32 s1;
	v24 =	vxor.u32 $0x80000000, v62;
	[tilespmem:s31+$0xFFFFFE00] =	vst v1;
	s17 =	spop (v2sf);
	s6 =	simm.s32 @!p0 $0x0;
	v23 =	vadd.f32 v23, v19;
	v19 =	vld [tilespmem:s1+$0xFFFFF000];
	v20, _, _ =	vpop (xrf2);
	v25 =	vadd.f32 v25, v30  }
0x1f3: {  	s10 =	smov.u32 s7;
	(xrf0) =	vmax.scan.msk.u32 $0xffff, v24;
	s30 =	sadd.f32 s17, s0;
	s6 =	simm.s32 @p0 $0x1;
	[tilespmem:s1+$0xFFFFF000] =	vst v1;
	(v2sf) =	vpush v20, $0xF;
	v20 =	vld [tilespmem:s14+$0xFFFFF200]  }
0x1f4: {  	(xrf2) =	vadd.scan.msk.f32 $0xffff, v27;
	s1 =	sadd.s32 $0xFFFFFFF0, s1;
	[smem:$0x7FD] =	sst s6;
	s6 =	smov.u32 s3;
	v24 =	vadd.f32 v26, v23;
	v23 =	vld [tilespmem:s31+$0x0];
	[tilespmem:s31+$0x0] =	vst v1;
	v25 =	vadd.f32 v63, v25  }
0x1f5: {  	_ =	sdelay $0x3  }
0x1f6: {  	v26, _, _ =	vpop (xrf2)  }
0x1f7: {  	p0 =	sge.f32 s30, $9.990000000e+02;
	(v2sf) =	vpush v26, $0xF  }
0x1f8: {  	s1 =	spop (v2sf);
	v27, _, _ =	vpop (xrf0)  }
0x1f9: {  	v21 =	vadd.f32 v21, v24;
	s3 =	simm.s32 @!p0 $0x0;
	[dreg:$0x9] =	wrdreg s1;
	(v2sf) =	vpush v27, $0xF  }
0x1fa: {  	s3 =	simm.s32 @p0 $0x1;
	v24 =	vld [tilespmem:s31+$0x400];
	s8 =	spop (v2sf)  }
0x1fb: {  	v22 =	vadd.f32 v22, v25;
	[smem:$0x7F9] =	sst s3;
	v21 =	vadd.f32 v23, v21;
	s17 =	sxor.u32 $0x80000000, s8  }
0x1fc: {  	v19 =	vadd.f32 $0.0e+00, v19;
	v25 =	vld [tilespmem:s31+$0x600];
	v23 =	vmov s17  }
0x1fd: {  	(xrf2) =	vadd.scan.msk.f32 $0xffff, v22;
	[tilespmem:s31+$0x400] =	vst v1;
	v21 =	vadd.f32 v15, v21;
	vm1 =	veq.s32 v23, v0;
	v23 =	vld [tilespmem:s14+$0xFFFFF400]  }
0x1fe: {  	s30 =	smov.u32 @p4 s0;
	v19 =	vadd.f32 v20, v19;
	[tilespmem:s31+$0x600] =	vst v1;
	v26, _, _ =	vpop (xrf2);
	v15 =	vperm.xlane v22, v6;
	v22 =	vld [tilespmem:s31+$0x800];
	v18 =	vnsel vm1, $0x0, v18  }
0x1ff: {  	v20 =	vld [tilespmem:s31+$0xA00];
	[tilespmem:s31+$0xA00] =	vst v1;
	v27 =	vadd.f32 s30, v26;
	v21 =	vadd.f32 v24, v21;
	(xrf2) =	vadd.scan.msk.f32 $0xffff, v18  }
0x200: {  	[tilespmem:s31+$0x800] =	vst v1;
	v18 =	vld [tilespmem:s14+$0xFFFFF600];
	(xrf2) =	vadd.scan.msk.f32 $0xffff, v15  }
0x201: {  	[tilespmem:s14+$0xFFFFF400] =	vst v1;
	vm2 =	vge.f32 v27, $9.990000000e+02;
	v27 =	vld [tilespmem:s14+$0xFFFFF800];
	v21 =	vadd.f32 v25, v21  }
0x202: {  	[tilespmem:s14+$0xFFFFF800] =	vst v1;
	v24 =	vmctz.xlane vm2;
	v19 =	vadd.f32 v23, v19;
	v23 =	vld [tilespmem:s31+$0xC00]  }
0x203: {  	s6 =	spop (v2sf);
	[tilespmem:s14+$0xFFFFF600] =	vst v1;
	v21 =	vadd.f32 v22, v21  }
0x204: {  	v25 =	vld [tilespmem:s14+$0xFFFFFA00];
	v24 =	vxor.u32 $0x80000000, v24;
	[dreg:$0xa] =	wrdreg s6;
	s7 =	spop (v2sf)  }
0x205: {  	(xrf0) =	vmax.scan.msk.u32 $0xffff, v24;
	[tilespmem:s31+$0xC00] =	vst v1;
	s3 =	sadd.f32 s7, s30;
	v18 =	vadd.f32 v18, v19;
	v19 =	vld [tilespmem:s31+$0xE00];
	v20 =	vadd.f32 v20, v21  }
0x206: {  	[tilespmem:s14+$0xFFFFFA00] =	vst v1;
	v22 =	vld [tilespmem:s14+$0xFFFFFC00];
	s16 =	spop (v2sf)  }
0x207: {  	p0 =	por p4, p0;
	p4 =	sge.f32 s3, $9.990000000e+02;
	v21, _, _ =	vpop (xrf2);
	v18 =	vadd.f32 v27, v18;
	v20 =	vadd.f32 v23, v20;
	[dreg:$0xb] =	wrdreg s16  }
0x208: {  	v27, _, _ =	vpop (xrf2);
	(v2sf) =	vpush v21, $0xF;
	s1 =	spop (v2sf);
	v24 =	vld [tilespmem:s14+$0xFFFFFE00]  }
0x209: {  	v13 =	vnsel vm1, $0x0, v13;
	s0 =	simm.s32 @!p4 $0x0;
	v18 =	vadd.f32 v25, v18;
	(v2sf) =	vpush v27, $0xF;
	v21, _, _ =	vpop (xrf2);
	[tilespmem:s14+$0xFFFFFC00] =	vst v1;
	s17 =	sxor.u32 $0x80000000, s1  }
0x20a: {  	s0 =	simm.s32 @p4 $0x1;
	v19 =	vadd.f32 v19, v20;
	(v2sf) =	vpush v21, $0xF;
	v21, _, _ =	vpop (xrf2);
	[tilespmem:s14+$0xFFFFFE00] =	vst v1;
	v25 =	vld [tilespmem:s14+$0x0];
	v23 =	vmov s17  }
0x20b: {  	s3 =	smov.u32 @p0 s30;
	(xrf2) =	vadd.scan.msk.f32 $0xffff, v13;
	v13 =	vadd.f32 v22, v18;
	v20, _, _ =	vpop (xrf0);
	[smem:$0x7FA] =	sst s0;
	s0 =	simm.s32 @!p0 $0x0;
	vm1 =	veq.s32 v23, v0  }
0x20c: {  	(xrf2) =	vadd.scan.msk.f32 $0xffff, v19;
	v18 =	vadd.f32 s3, v21;
	(v2sf) =	vpush v20, $0xF;
	s0 =	simm.s32 @p0 $0x1;
	v17 =	vnsel vm1, $0x0, v17  }
0x20d: {  	[smem:$0x7F8] =	sst s0;
	(xrf2) =	vadd.scan.msk.f32 $0xffff, v17;
	v13 =	vadd.f32 v24, v13  }
0x20e: {  	vm2 =	vge.f32 v18, $9.990000000e+02;
	v17 =	vld [tilespmem:s14+$0x400]  }
0x20f: {  	v18 =	vmctz.xlane vm2;
	v13 =	vadd.f32 v25, v13  }
0x210: {  	v20 =	vld [tilespmem:s14+$0x600]  }
0x211: {  	v13 =	vadd.f32 v14, v13;
	v14 =	vxor.u32 $0x80000000, v18  }
0x212: {  	v18 =	vld [tilespmem:s14+$0x800];
	(xrf0) =	vmax.scan.msk.u32 $0xffff, v14  }
0x213: {  	v13 =	vadd.f32 v17, v13  }
0x214: {  	[tilespmem:s14+$0x0] =	vst v1;
	v14 =	vld [tilespmem:s14+$0xA00]  }
0x215: {  	[tilespmem:s14+$0x400] =	vst v1;
	v17, _, _ =	vpop (xrf2);
	v13 =	vadd.f32 v20, v13  }
0x216: {  	[tilespmem:s14+$0x600] =	vst v1;
	(v2sf) =	vpush v17, $0xF;
	v17 =	vld [tilespmem:s14+$0xC00];
	v20, _, _ =	vpop (xrf2)  }
0x217: {  	[tilespmem:s14+$0x800] =	vst v1;
	(v2sf) =	vpush v20, $0xF;
	v13 =	vadd.f32 v18, v13;
	v18, _, _ =	vpop (xrf2)  }
0x218: {  	[tilespmem:s14+$0xA00] =	vst v1;
	s6 =	spop (v2sf);
	v20 =	vld [tilespmem:s14+$0xE00];
	v22, _, _ =	vpop (xrf0);
	(v2sf) =	vpush v18, $0xF  }
0x219: {  	[tilespmem:s14+$0xC00] =	vst v1;
	s7 =	spop (v2sf);
	v13 =	vadd.f32 v14, v13;
	(v2sf) =	vpush v22, $0xF  }
0x21a: {  	[dreg:$0xc] =	wrdreg s6;
	s6 =	spop (v2sf)  }
0x21b: {  	s16 =	spop (v2sf);
	v14 =	vperm.xlane v19, v6;
	v13 =	vadd.f32 v17, v13  }
0x21c: {  	s17 =	sxor.u32 $0x80000000, s16  }
0x21d: {  	v11 =	vnsel vm1, $0x0, v11;
	v17 =	vmov s17;
	(xrf2) =	vadd.scan.msk.f32 $0xffff, v14;
	v13 =	vadd.f32 v20, v13  }
0x21e: {  	(xrf2) =	vadd.scan.msk.f32 $0xffff, v11;
	vm1 =	veq.s32 v17, v0  }
0x21f: {  	v11 =	vnsel vm1, $0x0, v26;
	(xrf2) =	vadd.scan.msk.f32 $0xffff, v13;
	v13 =	vperm.xlane v13, v6  }
0x220: {  	(xrf2) =	vadd.scan.msk.f32 $0xffff, v11  }
0x221: {  	(xrf2) =	vadd.scan.msk.f32 $0xffff, v13;
	_ =	sdelay $0x1  }
0x222: {  	[dreg:$0xd] =	wrdreg s6  }
0x223: {  	s6 =	sadd.f32 s7, s3  }
0x224: {  	s7 =	spop (v2sf)  }
0x225: {  	p6 =	sge.f32 s6, $9.990000000e+02;
	s17 =	spop (v2sf)  }
0x226: {  	p4 =	por p0, p4;
	[dreg:$0xf] =	wrdreg s7;
	v18, _, _ =	vpop (xrf2);
	s7 =	spop (v2sf)  }
0x227: {  	s6 =	smov.u32 @p4 s3;
	v11, _, _ =	vpop (xrf2);
	[dreg:$0xe] =	wrdreg s7;
	s0 =	spop (v2sf)  }
0x228: {  	v17 =	vadd.f32 s6, v18;
	s7 =	sadd.f32 s17, s6;
	v20, _, _ =	vpop (xrf2);
	s17 =	sxor.u32 $0x80000000, s0  }
0x229: {  	p5 =	por p4, p6;
	v22 =	vmov s17;
	v23, _, _ =	vpop (xrf2)  }
0x22a: {  	v16 =	vnsel vm1, $0x0, v16;
	vm2 =	vge.f32 v17, $9.990000000e+02;
	p0 =	sge.f32 s7, $9.990000000e+02;
	s7 =	smov.u32 @p5 s6;
	v19, _, _ =	vpop (xrf2);
	vm1 =	veq.s32 v22, v0  }
0x22b: {  	v17 =	vmctz.xlane vm2;
	(xrf2) =	vadd.scan.msk.f32 $0xffff, v16;
	v16 =	vadd.f32 s7, v19;
	v21 =	vnsel vm1, $0x0, v21  }
0x22c: {  	(xrf2) =	vadd.scan.msk.f32 $0xffff, v21  }
0x22d: {  	v17 =	vxor.u32 $0x80000000, v17;
	vm2 =	vge.f32 v16, $9.990000000e+02  }
0x22e: {  	(xrf0) =	vmax.scan.msk.u32 $0xffff, v17;
	v16 =	vmctz.xlane vm2  }
0x22f: {  	s17 =	simm.s32 @!p0 $0x0  }
0x230: {  	s17 =	simm.s32 @p0 $0x1;
	v16 =	vxor.u32 $0x80000000, v16  }
0x231: {  	(v2sf) =	vpush v11, $0xF;
	[smem:$0x7FB] =	sst s17;
	(xrf0) =	vmax.scan.msk.u32 $0xffff, v16  }
0x232: {  	(v2sf) =	vpush v20, $0xF;
	[tilespmem:s19+$0xFFFFF200] =	vst v1  }
0x233: {  	[tilespmem:s20+$0xFFFFF200] =	vst v1  }
0x234: {  	(v2sf) =	vpush v23, $0xF;
	[tilespmem:s25+$0xFFFFF200] =	vst v1;
	v11, _, _ =	vpop (xrf0)  }
0x235: {  	p0 =	por !p2, !p2;
	[tilespmem:s22+$0xFFFFF200] =	vst v1;
	(v2sf) =	vpush v11, $0xF;
	v11, _, _ =	vpop (xrf2)  }
0x236: {  	s4 =	ssub.s32 s4, s8;
	s8 =	simm.s32 @!p0 $0x0;
	[tilespmem:s26+$0xFFFFF200] =	vst v1;
	(v2sf) =	vpush v11, $0xF;
	v11, _, _ =	vpop (xrf2)  }
0x237: {  	[tilespmem:s29+$0xFFFFF200] =	vst v1;
	s8 =	simm.s32 @p0 $0x1;
	v16, _, _ =	vpop (xrf0);
	(v2sf) =	vpush v11, $0xF  }
0x238: {  	[smem:$0x7FC] =	sst s8;
	(v2sf) =	vpush v16, $0xF  }
0x239: {  	s22 =	sld [smem:$0x7F8];
	[tilespmem:s31+$0xE00] =	vst v1  }
0x23a: {  	p4 =	por !p4, !p4;
	s25 =	sld [smem:$0x7F9]  }
0x23b: {  	p6 =	por !p6, !p4;
	s26 =	sld [smem:$0x7FA];
	[tilespmem:s14+$0xE00] =	vst v1  }
0x23c: {  	s1 =	ssub.s32 s11, s1;
	p6 =	por !p6, !p6;
	[tilespmem:s31+$0xFFFFF200] =	vst v1  }
0x23d: {  	s5 =	smov.u32 @p0 s4;
	s8 =	ssub.s32 s9, s16;
	[tilespmem:s14+$0xFFFFF200] =	vst v1;
	p2 =	seq.s32 s22, $0x1  }
0x23e: {  	s31 =	sld [smem:$0x7FB];
	p0 =	por !p2, !p2;
	p2 =	seq.s32 s25, $0x1  }
0x23f: {  	s22 =	simm.s32 $0x50;
	p3 =	por !p2, !p3;
	p2 =	seq.s32 s26, $0x1  }
0x240: {  	v17 =	vld [tilespmem:s22+$0xFFFFFFB0];
	p0 =	por !p2, !p0;
	p4 =	por !p3, !p3;
	s4 =	spop (v2sf)  }
0x241: {  	p2 =	seq.s32 s31, $0x1;
	s5 =	smov.u32 @p4 s1;
	s29 =	spop (v2sf)  }
0x242: {  	p3 =	por !p0, !p0;
	p0 =	por !p5, !p5;
	s1 =	sadd.f32 s29, s7  }
0x243: {  	p5 =	por p5, p2;
	p2 =	por !p2, !p0;
	s11 =	spop (v2sf)  }
0x244: {  	s5 =	smov.u32 @p3 s8;
	p0 =	sge.f32 s1, $9.990000000e+02;
	s8 =	spop (v2sf)  }
0x245: {  	s0 =	ssub.s32 s15, s0;
	p5 =	por !p5, !p5;
	v11 =	vshra.s32 v17, $0x1F;
	s9 =	spop (v2sf)  }
0x246: {  	s5 =	smov.u32 @p6 s0;
	v11 =	vor.u32 $0x80000000, v11;
	p5 =	por !p0, !p5;
	s25 =	spop (v2sf)  }
0x247: {  	v16 =	vxor.u32 v17, v11;
	p0 =	por !p2, !p2;
	s0 =	ssub.s32 s2, s8;
	s26 =	spop (v2sf)  }
0x248: {  	v20 =	vshrl.u32 v16, $0xF;
	p5 =	por !p5, !p5;
	s5 =	smov.u32 @p0 s0;
	s0 =	ssub.s32 s10, s26  }
0x249: {  	v16 =	vshrl.u32 v16, $0x17;
	v21 =	vand.u32 $0xFF, v20;
	s5 =	smov.u32 @p5 s0  }
0x24a: {  	v20 =	vand.u32 $0x7F, v20;
	v22 =	vor.u32 v2, v21;
	v11 =	vmov s5  }
0x24b: {  	v21 =	vor.u32 v7, v21;
	v22 =	vand.u32 $0xF80, v22;
	vm2 =	veq.s32 v16, v11  }
0x24c: {  	v21 =	vand.u32 $0x1F80, v21;
	v22 =	vor.u32 v20, v22  }
0x24d: {  	v20 =	vor.u32 v20, v21;
	_ =	sdelay $0x3  }
0x24e: {  	[tilespmem:v22+s13+$0x0] =	vst.idx.add.f32.msk vm2, v4  }
0x24f: {  	[tilespmem:v20+s13+$0x0] =	vst.idx.add.f32.msk vm2, v17  }
0x250: {  	v23 =	vld [tilespmem:s22+$0xFFFFFFC0];
	_ =	sdelay $0x4  }
0x251: {  	v20 =	vshra.s32 v23, $0x1F  }
0x252: {  	v20 =	vor.u32 $0x80000000, v20  }
0x253: {  	v20 =	vxor.u32 v23, v20  }
0x254: {  	v21 =	vshrl.u32 v20, $0xF  }
0x255: {  	v26 =	vshrl.u32 v20, $0x17;
	v20 =	vand.u32 $0xFF, v21  }
0x256: {  	vm2 =	veq.s32 v26, v11;
	v22 =	vor.u32 v2, v20  }
0x257: {  	v21 =	vand.u32 $0x7F, v21;
	v20 =	vor.u32 v7, v20;
	v22 =	vand.u32 $0xF80, v22  }
0x258: {  	v20 =	vand.u32 $0x1F80, v20;
	v22 =	vor.u32 v21, v22  }
0x259: {  	v20 =	vor.u32 v21, v20;
	_ =	sdelay $0x3  }
0x25a: {  	[tilespmem:v22+s13+$0x0] =	vst.idx.add.f32.msk vm2, v4  }
0x25b: {  	[tilespmem:v20+s13+$0x0] =	vst.idx.add.f32.msk vm2, v23  }
0x25c: {  	v24 =	vld [tilespmem:s22+$0xFFFFFFD0];
	_ =	sdelay $0x4  }
0x25d: {  	v20 =	vshra.s32 v24, $0x1F  }
0x25e: {  	v20 =	vor.u32 $0x80000000, v20  }
0x25f: {  	v20 =	vxor.u32 v24, v20  }
0x260: {  	v21 =	vshrl.u32 v20, $0xF  }
0x261: {  	v25 =	vshrl.u32 v20, $0x17;
	v20 =	vand.u32 $0xFF, v21  }
0x262: {  	s19 =	simm.s32 $0xF0;
	vm2 =	veq.s32 v25, v11;
	v22 =	vor.u32 v2, v20  }
0x263: {  	v27 =	vand.u32 $0x7F, v21;
	v21 =	vld [tilespmem:s19+$0xFFFFFFB0];
	v20 =	vor.u32 v7, v20;
	v22 =	vand.u32 $0xF80, v22  }
0x264: {  	v20 =	vand.u32 $0x1F80, v20;
	v22 =	vor.u32 v27, v22  }
0x265: {  	v20 =	vor.u32 v27, v20;
	_ =	sdelay $0x2  }
0x266: {  	v27 =	vshra.s32 v21, $0x1F  }
0x267: {  	[tilespmem:v22+s13+$0x0] =	vst.idx.add.f32.msk vm2, v4;
	v22 =	vor.u32 $0x80000000, v27  }
0x268: {  	[tilespmem:v20+s13+$0x0] =	vst.idx.add.f32.msk vm2, v24;
	v20 =	vxor.u32 v21, v22  }
0x269: {  	v27 =	vld [tilespmem:s22+$0xFFFFFFE0];
	v28 =	vshrl.u32 v20, $0xF  }
0x26a: {  	v22 =	vshrl.u32 v20, $0x17;
	v20 =	vand.u32 $0xFF, v28  }
0x26b: {  	vm2 =	veq.s32 v22, v11;
	v29 =	vor.u32 v2, v20  }
0x26c: {  	v28 =	vand.u32 $0x7F, v28;
	v20 =	vor.u32 v7, v20;
	v29 =	vand.u32 $0xF80, v29  }
0x26d: {  	v20 =	vand.u32 $0x1F80, v20;
	v29 =	vor.u32 v28, v29  }
0x26e: {  	v20 =	vor.u32 v28, v20;
	v30 =	vshra.s32 v27, $0x1F  }
0x26f: {  	v28 =	vor.u32 $0x80000000, v30  }
0x270: {  	v28 =	vxor.u32 v27, v28  }
0x271: {  	v30 =	vshrl.u32 v28, $0xF  }
0x272: {  	[tilespmem:v29+s13+$0x0] =	vst.idx.add.f32.msk vm2, v4;
	v29 =	vand.u32 $0xFF, v30  }
0x273: {  	v31 =	vshrl.u32 v28, $0x17;
	[tilespmem:v20+s13+$0x0] =	vst.idx.add.f32.msk vm2, v21;
	v20 =	vand.u32 $0x7F, v30;
	v30 =	vor.u32 v2, v29  }
0x274: {  	v29 =	vor.u32 v7, v29;
	vm2 =	veq.s32 v31, v11;
	v28 =	vld [tilespmem:s19+$0xFFFFFFC0];
	v30 =	vand.u32 $0xF80, v30  }
0x275: {  	v29 =	vand.u32 $0x1F80, v29;
	v30 =	vor.u32 v20, v30  }
0x276: {  	s29 =	sxor.u32 $0x80000000, s8;
	v20 =	vor.u32 v20, v29  }
0x277: {  	v29 =	vmov s29  }
0x278: {  	v15 =	vnsel vm1, $0x0, v15;
	vm1 =	veq.s32 v29, v0  }
0x279: {  	(xrf2) =	vadd.scan.msk.f32 $0xffff, v15;
	v15 =	vnsel vm1, $0x0, v18;
	v18 =	vshra.s32 v28, $0x1F  }
0x27a: {  	s31 =	sxor.u32 $0x80000000, s26;
	v14 =	vnsel vm1, $0x0, v14;
	(xrf2) =	vadd.scan.msk.f32 $0xffff, v15;
	v15 =	vor.u32 $0x80000000, v18;
	[tilespmem:v30+s13+$0x0] =	vst.idx.add.f32.msk vm2, v4  }
0x27b: {  	(xrf2) =	vadd.scan.msk.f32 $0xffff, v14;
	v14 =	vmov s31;
	v18 =	vxor.u32 v28, v15;
	[tilespmem:v20+s13+$0x0] =	vst.idx.add.f32.msk vm2, v27  }
0x27c: {  	vm1 =	veq.s32 v14, v0;
	v14 =	vshrl.u32 v18, $0xF;
	v15 =	vld [tilespmem:s22+$0xFFFFFFF0]  }
0x27d: {  	v19 =	vnsel vm1, $0x0, v19;
	v29 =	vshrl.u32 v18, $0x17;
	v18 =	vand.u32 $0xFF, v14  }
0x27e: {  	v13 =	vnsel vm1, $0x0, v13;
	(xrf2) =	vadd.scan.msk.f32 $0xffff, v19;
	vm1 =	veq.s32 v29, v11;
	v19 =	vor.u32 v2, v18  }
0x27f: {  	(xrf2) =	vadd.scan.msk.f32 $0xffff, v13;
	v14 =	vand.u32 $0x7F, v14;
	v13 =	vor.u32 v7, v18;
	v18 =	vand.u32 $0xF80, v19  }
0x280: {  	v13 =	vand.u32 $0x1F80, v13;
	v18 =	vor.u32 v14, v18  }
0x281: {  	v14 =	vor.u32 v14, v13;
	v13 =	vshra.s32 v15, $0x1F  }
0x282: {  	v19 =	vor.u32 $0x80000000, v13  }
0x283: {  	s20 =	simm.s32 $0x190;
	v20, _, _ =	vpop (xrf2);
	v19 =	vxor.u32 v15, v19  }
0x284: {  	(v2sf) =	vpush v20, $0xF;
	v13 =	vld [tilespmem:s20+$0xFFFFFFB0];
	v20 =	vshrl.u32 v19, $0xF  }
0x285: {  	v30, _, _ =	vpop (xrf2);
	v32 =	vshrl.u32 v19, $0x17;
	[tilespmem:v18+s13+$0x0] =	vst.idx.add.f32.msk vm1, v4;
	v19 =	vand.u32 $0xFF, v20  }
0x286: {  	(v2sf) =	vpush v30, $0xF;
	v30, _, _ =	vpop (xrf2);
	[tilespmem:v14+s13+$0x0] =	vst.idx.add.f32.msk vm1, v28;
	v14 =	vor.u32 v2, v19  }
0x287: {  	(v2sf) =	vpush v30, $0xF;
	v14 =	vand.u32 $0xF80, v14  }
0x288: {  	v20 =	vand.u32 $0x7F, v20;
	vm1 =	veq.s32 v32, v11;
	v19 =	vor.u32 v7, v19;
	v18 =	vld [tilespmem:s19+$0xFFFFFFD0]  }
0x289: {  	v30, _, _ =	vpop (xrf2);
	v33 =	vshra.s32 v13, $0x1F;
	v19 =	vand.u32 $0x1F80, v19;
	v34 =	vor.u32 v20, v14  }
0x28a: {  	(v2sf) =	vpush v30, $0xF;
	v30 =	vor.u32 $0x80000000, v33;
	v19 =	vor.u32 v20, v19;
	v14, _, _ =	vpop (xrf2)  }
0x28b: {  	(v2sf) =	vpush v14, $0xF;
	v14 =	vxor.u32 v13, v30  }
0x28c: {  	vm2 =	vgt.s32 v26, v11;
	v26 =	vshrl.u32 v14, $0xF  }
0x28d: {  	v30 =	vshra.s32 v18, $0x1F;
	v14 =	vshrl.u32 v14, $0x17;
	v57 =	vand.u32 $0xFF, v26  }
0x28e: {  	v30 =	vor.u32 $0x80000000, v30;
	vm4 =	veq.s32 v14, v11;
	[tilespmem:v34+s13+$0x0] =	vst.idx.add.f32.msk vm1, v4;
	v35 =	vor.u32 v2, v57  }
0x28f: {  	v26 =	vand.u32 $0x7F, v26;
	v33 =	vor.u32 v7, v57;
	[tilespmem:v19+s13+$0x0] =	vst.idx.add.f32.msk vm1, v15;
	v58 =	vand.u32 $0xF80, v35  }
0x290: {  	v19 =	vxor.u32 v18, v30;
	v30 =	vand.u32 $0x1F80, v33;
	v60 =	vld [tilespmem:s22+$0x0];
	v59 =	vor.u32 v26, v58  }
0x291: {  	v38 =	vmul.f32 v17, v17;
	v63 =	vnsel vm2, $0x0, v23;
	v26 =	vor.u32 v26, v30  }
0x292: {  	vm3 =	vmmov vm2;
	vm2 =	vgt.s32 v31, v11;
	v36 =	vshrl.u32 v19, $0xF  }
0x293: {  	v30 =	vmul.f32 v23, v23;
	v23 =	vshrl.u32 v19, $0x17;
	v19 =	vand.u32 $0xFF, v36  }
0x294: {  	v36 =	vand.u32 $0x7F, v36;
	v37 =	vor.u32 v2, v19;
	v19 =	vor.u32 v7, v19  }
0x295: {  	vm5 =	veq.s32 v23, v11;
	v19 =	vand.u32 $0x1F80, v19;
	v45 =	vshra.s32 v60, $0x1F;
	[tilespmem:v59+s13+$0x0] =	vst.idx.add.f32.msk vm4, v4  }
0x296: {  	v37 =	vand.u32 $0xF80, v37;
	v39 =	vor.u32 v36, v19;
	v19 =	vor.u32 $0x80000000, v45;
	[tilespmem:v26+s13+$0x0] =	vst.idx.add.f32.msk vm4, v13  }
0x297: {  	v20 =	vimm.f32 $0.0e+00;
	v37 =	vor.u32 v36, v37;
	v26 =	vxor.u32 v60, v19;
	v36 =	vld [tilespmem:s20+$0xFFFFFFC0]  }
0x298: {  	vm1 =	vgt.s32 v29, v11;
	vm4 =	vgt.s32 v16, v11;
	v29 =	vshrl.u32 v26, $0xF  }
0x299: {  	v16 =	vnsel vm1, $0x0, v28;
	v31 =	vshrl.u32 v26, $0x17;
	v26 =	vand.u32 $0xFF, v29  }
0x29a: {  	v46 =	vnsel vm4, $0x0, v17;
	vm6 =	veq.s32 v31, v11;
	v17 =	vor.u32 v2, v26  }
0x29b: {  	v29 =	vand.u32 $0x7F, v29;
	v47 =	vor.u32 v7, v26;
	v17 =	vand.u32 $0xF80, v17  }
0x29c: {  	[tilespmem:v37+s13+$0x0] =	vst.idx.add.f32.msk vm5, v4;
	v37 =	vand.u32 $0x1F80, v47;
	v17 =	vor.u32 v29, v17;
	v48 =	vshra.s32 v36, $0x1F  }
0x29d: {  	v19 =	vnsel vm2, $0x0, v27;
	v29 =	vor.u32 v29, v37;
	v49 =	vor.u32 $0x80000000, v48  }
0x29e: {  	v37 =	vmul.f32 v28, v28;
	v28 =	vnsel vm3, $0x0, v30;
	v30 =	vxor.u32 v36, v49  }
0x29f: {  	v40 =	vnsel vm4, $0x0, v38;
	v38 =	vmul.f32 v27, v27;
	v27 =	vshrl.u32 v30, $0xF  }
0x2a0: {  	v50 =	vadd.f32 v28, v20;
	v30 =	vshrl.u32 v30, $0x17;
	v28 =	vand.u32 $0xFF, v27  }
0x2a1: {  	vm3 =	veq.s32 v30, v11;
	[tilespmem:v17+s13+$0x0] =	vst.idx.add.f32.msk vm6, v4;
	v43 =	vor.u32 v2, v28  }
0x2a2: {  	v27 =	vand.u32 $0x7F, v27;
	v17 =	vor.u32 v7, v28;
	[tilespmem:v29+s13+$0x0] =	vst.idx.add.f32.msk vm6, v60;
	v28 =	vand.u32 $0xF80, v43  }
0x2a3: {  	vm6 =	vgt.s32 v25, v11;
	v61 =	vld [tilespmem:s22+$0x10];
	v25 =	vor.u32 v27, v28  }
0x2a4: {  	v17 =	vand.u32 $0x1F80, v17  }
0x2a5: {  	v41 =	vmul.f32 v24, v24;
	v27 =	vor.u32 v27, v17  }
0x2a6: {  	vm8 =	vgt.s32 v22, v11;
	v35 =	vadd.f32 v63, v20;
	v63 =	vmul.f32 v21, v21  }
0x2a7: {  	v62 =	vmul.f32 v60, v60;
	vm4 =	vmmov vm1;
	[tilespmem:v39+s13+$0x0] =	vst.idx.add.f32.msk vm5, v18;
	vm5 =	vmmov vm2  }
0x2a8: {  	vm2 =	vgt.s32 v31, v11;
	v24 =	vnsel vm6, $0x0, v24;
	[tilespmem:v25+s13+$0x0] =	vst.idx.add.f32.msk vm3, v4;
	v25 =	vshra.s32 v61, $0x1F  }
0x2a9: {  	v26 =	vld [tilespmem:s19+$0xFFFFFFE0];
	v28 =	vadd.f32 v24, v20;
	v24 =	vadd.f32 v40, v20;
	v25 =	vor.u32 $0x80000000, v25  }
0x2aa: {  	vm1 =	vgt.s32 v32, v11;
	v32 =	vnsel vm2, $0x0, v62;
	[tilespmem:v27+s13+$0x0] =	vst.idx.add.f32.msk vm3, v36;
	v25 =	vxor.u32 v61, v25  }
0x2ab: {  	s25 =	sadd.f32 s25, s3;
	v32 =	vadd.f32 v32, v24;
	v27 =	vld [tilespmem:s20+$0xFFFFFFD0];
	v24 =	vshrl.u32 v25, $0x17;
	v25 =	vshrl.u32 v25, $0xF  }
0x2ac: {  	v33 =	vadd.f32 v46, v20;
	v31 =	vnsel vm2, $0x0, v60;
	s1 =	rddreg [dreg:$0x9];
	v52 =	vand.u32 $0xFF, v25  }
0x2ad: {  	v47 =	vnsel vm5, $0x0, v38;
	s2 =	rddreg [dreg:$0xa];
	vm3 =	vgt.s32 v24, v11;
	v53 =	vor.u32 v2, v52  }
0x2ae: {  	s5 =	rddreg [dreg:$0xb];
	v25 =	vand.u32 $0x7F, v25;
	vm2 =	veq.s32 v24, v11;
	v24 =	vand.u32 $0xF80, v53  }
0x2af: {  	v38 =	vimm.f32 $0.0e+00;
	s8 =	rddreg [dreg:$0xd];
	v34 =	vor.u32 v7, v52;
	v24 =	vor.u32 v25, v24  }
0x2b0: {  	v42 =	vshra.s32 v26, $0x1F;
	s10 =	rddreg [dreg:$0xc];
	v34 =	vand.u32 $0x1F80, v34;
	v54 =	vshra.s32 v27, $0x1F  }
0x2b1: {  	v42 =	vor.u32 $0x80000000, v42;
	s0 =	sadd.f32 s1, s28;
	v25 =	vor.u32 v25, v34;
	v55 =	vor.u32 $0x80000000, v54  }
0x2b2: {  	v31 =	vadd.f32 v31, v33;
	v42 =	vxor.u32 v26, v42;
	s1 =	sadd.f32 s5, s21;
	v44 =	vxor.u32 v27, v55  }
0x2b3: {  	v45 =	vshrl.u32 v42, $0xF;
	v42 =	vshrl.u32 v42, $0x17;
	s0 =	ssub.f32 s0, s2;
	v57 =	vshrl.u32 v44, $0xF  }
0x2b4: {  	v17 =	vnsel vm6, $0x0, v41;
	s2 =	sadd.f32 s8, s23;
	v34 =	vshrl.u32 v44, $0x17;
	v44 =	vand.u32 $0xFF, v57;
	[tilespmem:v24+s13+$0x0] =	vst.idx.add.f32.msk vm2, v4  }
0x2b5: {  	v58 =	vand.u32 $0x7F, v45;
	vm6 =	veq.s32 v34, v11;
	v46 =	vor.u32 v2, v44;
	s15 =	sld [smem:$0x7FD]  }
0x2b6: {  	v41 =	vand.u32 $0x7F, v57;
	v44 =	vor.u32 v7, v44;
	s16 =	rddreg [dreg:$0xf];
	v24 =	vand.u32 $0xF80, v46;
	[tilespmem:v25+s13+$0x0] =	vst.idx.add.f32.msk vm2, v61  }
0x2b7: {  	p4 =	por p4, p4;
	p3 =	por p3, p3;
	v59 =	vand.u32 $0xFF, v45;
	v25 =	vand.u32 $0x1F80, v44;
	s17 =	sld [smem:$0x7FC];
	v24 =	vor.u32 v41, v24;
	v45 =	vld [tilespmem:s22+$0x20]  }
0x2b8: {  	p0 =	por p0, p0;
	vm7 =	veq.s32 v42, v11;
	v29 =	vadd.f32 v17, v20;
	s1 =	ssub.f32 s1, s10;
	s23 =	spop (v2sf);
	v25 =	vor.u32 v41, v25  }
0x2b9: {  	v17 =	vnsel vm1, $0x0, v15;
	v43 =	vor.u32 v7, v59;
	v51 =	vmul.f32 v61, v61;
	s18 =	smov.u32 @p1 s0;
	s0 =	ssub.f32 s2, s16;
	p2 =	seq.s32 s15, $0x1  }
0x2ba: {  	v60 =	vor.u32 v2, v59;
	v43 =	vand.u32 $0x1F80, v43;
	v56 =	vnsel vm3, $0x0, v61;
	s21 =	rddreg [dreg:$0xe];
	p1 =	por p2, p2;
	p2 =	seq.s32 s17, $0x1  }
0x2bb: {  	v33 =	vnsel vm3, $0x0, v51;
	vm3 =	vgt.s32 v42, v11;
	v35 =	vadd.f32 v56, v35;
	s18 =	smov.u32 @p1 s1;
	p1 =	por p2, p2;
	s1 =	sadd.f32 s21, s24  }
0x2bc: {  	v48 =	vadd.f32 v33, v50;
	s26 =	spop (v2sf);
	v33 =	vnsel vm3, $0x0, v26;
	s24 =	sadd.f32 s11, s30;
	p1 =	por p1, p1;
	[tilespmem:v24+s13+$0x0] =	vst.idx.add.f32.msk vm6, v4;
	v22 =	vshra.s32 v45, $0x1F  }
0x2bd: {  	v50 =	vnsel vm4, $0x0, v37;
	s28 =	spop (v2sf);
	v41 =	vand.u32 $0xF80, v60;
	s18 =	smov.u32 @p1 s0;
	s0 =	ssub.f32 s1, s4;
	[tilespmem:v25+s13+$0x0] =	vst.idx.add.f32.msk vm6, v27;
	v25 =	vor.u32 $0x80000000, v22  }
0x2be: {  	s29 =	spop (v2sf);
	v46 =	vor.u32 v58, v43;
	v61 =	vor.u32 v58, v41;
	p1 =	por p4, p4;
	s1 =	ssub.f32 s24, s9;
	v25 =	vxor.u32 v45, v25  }
0x2bf: {  	vm2 =	vgt.s32 v30, v11;
	v43 =	vnsel vm8, $0x0, v63;
	s30 =	sadd.f32 s29, s7;
	v24 =	vld [tilespmem:s20+$0xFFFFFFE0];
	s18 =	smov.u32 @p1 s0;
	p1 =	por p3, p3;
	v62 =	vshrl.u32 v25, $0xF  }
0x2c0: {  	p0 =	por p0, p0;
	v30 =	vnsel vm2, $0x0, v36;
	v52 =	vshrl.u32 v25, $0x17;
	s18 =	smov.u32 @p1 s1;
	s1 =	sadd.f32 s26, s6;
	v25 =	vand.u32 $0xFF, v62  }
0x2c1: {  	s31 =	spop (v2sf);
	v41 =	vnsel vm8, $0x0, v21;
	p4 =	por p6, p6;
	s0 =	ssub.f32 s25, s23;
	v63 =	vor.u32 v2, v25;
	v25 =	vor.u32 v7, v25  }
0x2c2: {  	s2 =	simm.s32 $0x230;
	v21 =	vmul.f32 v36, v36;
	v49 =	vmul.f32 v45, v45;
	p1 =	por p4, p4;
	s1 =	ssub.f32 s1, s28;
	v25 =	vand.u32 $0x1F80, v25  }
0x2c3: {  	v39 =	vmovc v18;
	v22 =	vmul.f32 v26, v26;
	p6 =	por p5, p5;
	[tilespmem:v61+s13+$0x0] =	vst.idx.add.f32.msk vm7, v4;
	v36 =	vand.u32 $0x7F, v62;
	s18 =	smov.u32 @p1 s0;
	s0 =	ssub.f32 s30, s31;
	v37 =	vand.u32 $0xF80, v63  }
0x2c4: {  	s21 =	simm.s32 $0x0;
	[tilespmem:v46+s13+$0x0] =	vst.idx.add.f32.msk vm7, v26;
	vm6 =	veq.s32 v52, v11;
	v44 =	vshra.s32 v24, $0x1F;
	v53 =	vor.u32 v36, v37;
	s18 =	smov.u32 @p0 s1;
	p0 =	por p6, p6  }
0x2c5: {  	v26 =	vmovc v13;
	v42 =	vld [tilespmem:s19+$0xFFFFFFF0];
	v51 =	vor.u32 v36, v25;
	v37 =	vimm.f32 $0.0e+00;
	v36 =	vimm.f32 $0.0e+00;
	s1 =	simm.s32 $0x14;
	s18 =	smov.u32 @p0 s0;
	s0 =	simm.s32 $0x0;
	v25 =	vmovc v24  }
.LBB2_11:
0x2c6: {  	v46 =	vmov v13  }
0x2c7: {  	v13 =	vmovc v18;
	v18 =	vmovc v27;
	v40 =	vadd.f32 v50, v48;
	vm8 =	vgt.s32 v52, v11;
	vm7 =	vmmov vm1  }
0x2c8: {  	s1 =	sadd.s32 $0xA, s1;
	s21 =	sadd.s32 $0xA0, s21;
	vm5 =	vmmov vm2;
	vm4 =	vmmov vm3;
	v27 =	vmul.f32 v13, v39  }
0x2c9: {  	vm1 =	vgt.s32 v23, v11;
	v23 =	vmovc v34;
	p0 =	slt.u32 s1, $0x1860;
	v48 =	vnsel vm8, $0x0, v45;
	v49 =	vnsel vm8, $0x0, v49  }
0x2ca: {  	v34 =	vshra.s32 v42, $0x1F;
	v28 =	vadd.f32 v48, v28;
	v29 =	vadd.f32 v49, v29;
	v13 =	vld [tilespmem:s2+$0xFFFFFFB0]  }
0x2cb: {  	v48 =	vnsel vm1, $0x0, v39;
	v49 =	vmul.f32 v15, v15;
	v39 =	vmovc v18;
	v15 =	vmovc v42;
	v34 =	vor.u32 $0x80000000, v34  }
0x2cc: {  	v27 =	vnsel vm1, $0x0, v27;
	v28 =	vadd.f32 v48, v28;
	v34 =	vxor.u32 v15, v34;
	[tilespmem:v53+s13+$0x0] =	vst.idx.add.f32.msk vm6, v4  }
0x2cd: {  	s3 =	sand.u32 $0x1FFE0, s0;
	s0 =	smov.u32 s21;
	v29 =	vadd.f32 v27, v29;
	v27 =	vshrl.u32 v34, $0x17;
	v34 =	vshrl.u32 v34, $0xF;
	[tilespmem:v51+s13+$0x0] =	vst.idx.add.f32.msk vm6, v45  }
0x2ce: {  	vm2 =	veq.s32 v27, v11;
	v42 =	vand.u32 $0xFF, v34;
	v34 =	vand.u32 $0x7F, v34;
	v45 =	vld [tilespmem:s3+$0x80]  }
0x2cf: {  	v50 =	vor.u32 v2, v42;
	v42 =	vor.u32 v7, v42;
	v48 =	vshra.s32 v13, $0x1F  }
0x2d0: {  	v50 =	vand.u32 $0xF80, v50;
	v42 =	vand.u32 $0x1F80, v42;
	v48 =	vor.u32 $0x80000000, v48  }
0x2d1: {  	v50 =	vor.u32 v34, v50;
	v34 =	vor.u32 v34, v42;
	v48 =	vxor.u32 v13, v48  }
0x2d2: {  	v20 =	vadd.f32 v47, v20;
	v42 =	vshrl.u32 v48, $0x17;
	v48 =	vshrl.u32 v48, $0xF  }
0x2d3: {  	vm1 =	veq.s32 v42, v11;
	v47 =	vand.u32 $0xFF, v48;
	v51 =	vshra.s32 v45, $0x1F  }
0x2d4: {  	v52 =	vor.u32 v2, v47;
	v47 =	vor.u32 v7, v47;
	v51 =	vor.u32 $0x80000000, v51  }
0x2d5: {  	v52 =	vand.u32 $0xF80, v52;
	v47 =	vand.u32 $0x1F80, v47;
	v51 =	vxor.u32 v45, v51  }
0x2d6: {  	v48 =	vand.u32 $0x7F, v48;
	[tilespmem:v50+s13+$0x0] =	vst.idx.add.f32.msk vm2, v4;
	v50 =	vmul.f32 v45, v45;
	v53 =	vshrl.u32 v51, $0xF  }
0x2d7: {  	v52 =	vor.u32 v48, v52;
	v47 =	vor.u32 v48, v47;
	[tilespmem:v34+s13+$0x0] =	vst.idx.add.f32.msk vm2, v15;
	v34 =	vshrl.u32 v51, $0x17  }
0x2d8: {  	v38 =	vadd.f32 v19, v38;
	v19 =	vmovc v33;
	v51 =	vand.u32 $0xFF, v53;
	v53 =	vand.u32 $0x7F, v53;
	v48 =	vld [tilespmem:s19+$0x0]  }
0x2d9: {  	vm2 =	veq.s32 v34, v11;
	v33 =	vor.u32 v2, v51;
	v51 =	vor.u32 v7, v51  }
0x2da: {  	vm3 =	vgt.s32 v34, v11;
	v33 =	vand.u32 $0xF80, v33;
	v34 =	vand.u32 $0x1F80, v51  }
0x2db: {  	v51 =	vnsel vm3, $0x0, v45;
	v50 =	vnsel vm3, $0x0, v50;
	v33 =	vor.u32 v53, v33  }
0x2dc: {  	v38 =	vadd.f32 v51, v38;
	v34 =	vor.u32 v53, v34;
	[tilespmem:v52+s13+$0x0] =	vst.idx.add.f32.msk vm1, v4  }
0x2dd: {  	v20 =	vadd.f32 v50, v20;
	[tilespmem:v47+s13+$0x0] =	vst.idx.add.f32.msk vm1, v13;
	vm1 =	vgt.s32 v27, v11;
	v27 =	vshra.s32 v48, $0x1F  }
0x2de: {  	v32 =	vadd.f32 v43, v32;
	v47 =	vld [tilespmem:s2+$0xFFFFFFC0];
	v43 =	vnsel vm1, $0x0, v15;
	v27 =	vor.u32 $0x80000000, v27  }
0x2df: {  	v35 =	vadd.f32 v16, v35;
	v16 =	vmovc v30;
	v49 =	vnsel vm7, $0x0, v49;
	v27 =	vxor.u32 v48, v27  }
0x2e0: {  	v30 =	vadd.f32 v41, v31;
	v31 =	vshrl.u32 v27, $0x17;
	v27 =	vshrl.u32 v27, $0xF;
	[tilespmem:v33+s13+$0x0] =	vst.idx.add.f32.msk vm2, v4  }
0x2e1: {  	v33 =	vmul.f32 v48, v48;
	vm6 =	vgt.s32 v31, v11;
	v41 =	vand.u32 $0xFF, v27;
	[tilespmem:v34+s13+$0x0] =	vst.idx.add.f32.msk vm2, v45  }
0x2e2: {  	vm3 =	veq.s32 v31, v11;
	v31 =	vor.u32 v2, v41;
	v34 =	vor.u32 v7, v41;
	v41 =	vld [tilespmem:s22+$0x40];
	s22 =	smov.u32 s19;
	s19 =	smov.u32 s20;
	s20 =	smov.u32 s2  }
0x2e3: {  	v27 =	vand.u32 $0x7F, v27;
	v31 =	vand.u32 $0xF80, v31;
	v34 =	vand.u32 $0x1F80, v34  }
0x2e4: {  	v45 =	vshra.s32 v47, $0x1F;
	v31 =	vor.u32 v27, v31;
	v27 =	vor.u32 v27, v34  }
0x2e5: {  	v33 =	vnsel vm6, $0x0, v33;
	v34 =	vor.u32 $0x80000000, v45;
	v45 =	vnsel vm6, $0x0, v48  }
0x2e6: {  	v37 =	vadd.f32 v17, v37;
	v36 =	vadd.f32 v49, v36;
	v17 =	vmovc v43;
	v34 =	vxor.u32 v47, v34  }
0x2e7: {  	v43 =	vshrl.u32 v34, $0x17;
	v34 =	vshrl.u32 v34, $0xF;
	v49 =	vshra.s32 v41, $0x1F  }
0x2e8: {  	vm2 =	veq.s32 v43, v11;
	v50 =	vand.u32 $0xFF, v34;
	v51 =	vmul.f32 v41, v41  }
0x2e9: {  	v52 =	vor.u32 v2, v50;
	v50 =	vor.u32 v7, v50;
	[tilespmem:v31+s13+$0x0] =	vst.idx.add.f32.msk vm3, v4;
	v31 =	vor.u32 $0x80000000, v49  }
0x2ea: {  	v34 =	vand.u32 $0x7F, v34;
	v49 =	vand.u32 $0xF80, v52;
	[tilespmem:v27+s13+$0x0] =	vst.idx.add.f32.msk vm3, v48;
	v27 =	vxor.u32 v41, v31  }
0x2eb: {  	v31 =	vor.u32 v34, v49;
	v48 =	vand.u32 $0x1F80, v50;
	v49 =	vld [tilespmem:s22+$0x10];
	v50 =	vshrl.u32 v27, $0xF  }
0x2ec: {  	v34 =	vor.u32 v34, v48;
	v27 =	vshrl.u32 v27, $0x17;
	v48 =	vand.u32 $0xFF, v50  }
0x2ed: {  	v50 =	vand.u32 $0x7F, v50;
	v52 =	vor.u32 v2, v48;
	v48 =	vor.u32 v7, v48  }
0x2ee: {  	vm3 =	veq.s32 v27, v11;
	v52 =	vand.u32 $0xF80, v52;
	v48 =	vand.u32 $0x1F80, v48  }
0x2ef: {  	vm6 =	vgt.s32 v27, v11;
	v52 =	vor.u32 v50, v52;
	v48 =	vor.u32 v50, v48  }
0x2f0: {  	v50 =	vnsel vm6, $0x0, v51;
	[tilespmem:v31+s13+$0x0] =	vst.idx.add.f32.msk vm2, v4;
	v27 =	vshra.s32 v49, $0x1F;
	v31 =	vnsel vm6, $0x0, v41  }
0x2f1: {  	v36 =	vadd.f32 v50, v36;
	[tilespmem:v34+s13+$0x0] =	vst.idx.add.f32.msk vm2, v47;
	v34 =	vor.u32 $0x80000000, v27;
	v37 =	vadd.f32 v31, v37  }
0x2f2: {  	v46 =	vmul.f32 v46, v26;
	v31 =	vadd.f32 v45, v30;
	v27 =	vld [tilespmem:s2+$0xFFFFFFD0];
	v30 =	vxor.u32 v49, v34  }
0x2f3: {  	v32 =	vadd.f32 v33, v32;
	v33 =	vshrl.u32 v30, $0x17;
	v30 =	vshrl.u32 v30, $0xF  }
0x2f4: {  	v34 =	vmul.f32 v49, v49;
	vm2 =	vgt.s32 v33, v11;
	v45 =	vand.u32 $0xFF, v30;
	[tilespmem:v52+s13+$0x0] =	vst.idx.add.f32.msk vm3, v4  }
0x2f5: {  	v30 =	vand.u32 $0x7F, v30;
	v50 =	vor.u32 v2, v45;
	v45 =	vor.u32 v7, v45;
	[tilespmem:v48+s13+$0x0] =	vst.idx.add.f32.msk vm3, v41  }
0x2f6: {  	vm3 =	veq.s32 v33, v11;
	v33 =	vand.u32 $0xF80, v50;
	v41 =	vand.u32 $0x1F80, v45  }
0x2f7: {  	v45 =	vshra.s32 v27, $0x1F;
	v33 =	vor.u32 v30, v33;
	v30 =	vor.u32 v30, v41  }
0x2f8: {  	v48 =	vnsel vm2, $0x0, v34;
	v41 =	vor.u32 $0x80000000, v45;
	v45 =	vnsel vm2, $0x0, v49  }
0x2f9: {  	v44 =	vor.u32 $0x80000000, v44;
	v41 =	vxor.u32 v27, v41;
	v35 =	vadd.f32 v45, v35  }
0x2fa: {  	v44 =	vxor.u32 v24, v44;
	v34 =	vshrl.u32 v41, $0x17;
	v41 =	vshrl.u32 v41, $0xF  }
0x2fb: {  	v50 =	vshrl.u32 v44, $0xF;
	vm6 =	veq.s32 v34, v11;
	v45 =	vand.u32 $0xFF, v41  }
0x2fc: {  	v44 =	vshrl.u32 v44, $0x17;
	v51 =	vor.u32 v2, v45;
	v45 =	vor.u32 v7, v45;
	[tilespmem:v33+s13+$0x0] =	vst.idx.add.f32.msk vm3, v4  }
0x2fd: {  	v41 =	vand.u32 $0x7F, v41;
	v33 =	vand.u32 $0xF80, v51;
	v51 =	vand.u32 $0x7F, v50;
	[tilespmem:v30+s13+$0x0] =	vst.idx.add.f32.msk vm3, v49  }
0x2fe: {  	v30 =	vand.u32 $0x1F80, v45;
	v49 =	vand.u32 $0xFF, v50;
	v33 =	vor.u32 v41, v33;
	v45 =	vld [tilespmem:s22+$0x20]  }
0x2ff: {  	v41 =	vor.u32 v41, v30;
	v30 =	vor.u32 v2, v49;
	v49 =	vor.u32 v7, v49  }
0x300: {  	vm7 =	veq.s32 v44, v11;
	v30 =	vand.u32 $0xF80, v30;
	v49 =	vand.u32 $0x1F80, v49  }
0x301: {  	v48 =	vadd.f32 v48, v40;
	v52 =	vor.u32 v51, v30;
	v49 =	vor.u32 v51, v49  }
0x302: {  	vm8 =	vgt.s32 v14, v11;
	v14 =	vmovc v42;
	vm2 =	vgt.s32 v43, v11;
	vm3 =	vgt.s32 v44, v11  }
0x303: {  	v30 =	vnsel vm2, $0x0, v47;
	[tilespmem:v33+s13+$0x0] =	vst.idx.add.f32.msk vm6, v4;
	v33 =	vnsel vm3, $0x0, v24;
	v40 =	vshra.s32 v45, $0x1F  }
0x304: {  	v43 =	vnsel vm8, $0x0, v46;
	[tilespmem:v41+s13+$0x0] =	vst.idx.add.f32.msk vm6, v27;
	v41 =	vnsel vm8, $0x0, v26;
	v40 =	vor.u32 $0x80000000, v40;
	v26 =	vmovc v13  }
0x305: {  	v42 =	vmul.f32 v47, v47;
	v44 =	vmul.f32 v25, v24;
	v25 =	vld [tilespmem:s2+$0xFFFFFFE0];
	v40 =	vxor.u32 v45, v40  }
.Ltmp4:
0x306: {  	v50 =	vnsel vm5, $0x0, v21;
	v47 =	vnsel vm4, $0x0, v22;
	[tilespmem:v52+s13+$0x0] =	vst.idx.add.f32.msk vm7, v4;
	v46 =	vshrl.u32 v40, $0xF;
	(pc) =	sbr.rel @p0 .LBB2_11-.Ltmp4, $4  }
0x307: {  	v21 =	vmovc v42;
	v52 =	vshrl.u32 v40, $0x17;
	[tilespmem:v49+s13+$0x0] =	vst.idx.add.f32.msk vm7, v24;
	v49 =	vmul.f32 v45, v45;
	v51 =	vand.u32 $0xFF, v46  }
0x308: {  	v22 =	vmovc v44;
	vm6 =	veq.s32 v52, v11;
	v42 =	vld [tilespmem:s19+$0xFFFFFFF0];
	v55 =	vor.u32 v2, v51;
	v40 =	vor.u32 v7, v51  }
0x309: {  	v46 =	vand.u32 $0x7F, v46;
	v54 =	vand.u32 $0xF80, v55;
	v40 =	vand.u32 $0x1F80, v40  }
0x30a: {  	s2 =	sadd.s32 $0xA0, s2;
	v44 =	vshra.s32 v25, $0x1F;
	v53 =	vor.u32 v46, v54;
	v51 =	vor.u32 v46, v40;
	v24 =	vmovc v25  }
0x30b: {  	v40 =	vor.u32 $0x80000000, v44  }
0x30c: {  	v40 =	vxor.u32 v24, v40  }
0x30d: {  	v46 =	vshrl.u32 v40, $0xF  }
0x30e: {  	v54 =	vand.u32 $0xFF, v46  }
0x30f: {  	v44 =	vshrl.u32 v40, $0x17;
	v58 =	vand.u32 $0x7F, v46;
	v59 =	vor.u32 v2, v54  }
0x310: {  	vm4 =	veq.s32 v44, v11;
	v54 =	vor.u32 v7, v54;
	v46 =	vand.u32 $0xF80, v59  }
0x311: {  	v55 =	vshra.s32 v42, $0x1F;
	v54 =	vand.u32 $0x1F80, v54;
	v46 =	vor.u32 v58, v46  }
0x312: {  	v55 =	vor.u32 $0x80000000, v55;
	v40 =	vor.u32 v58, v54  }
0x313: {  	v60 =	vxor.u32 v42, v55  }
0x314: {  	v55 =	vshrl.u32 v60, $0xF  }
0x315: {  	v56 =	vand.u32 $0xFF, v55  }
0x316: {  	v54 =	vshrl.u32 v60, $0x17;
	v55 =	vand.u32 $0x7F, v55;
	v61 =	vor.u32 v2, v56;
	[tilespmem:v46+s13+$0x0] =	vst.idx.add.f32.msk vm4, v4  }
0x317: {  	vm5 =	veq.s32 v54, v11;
	v56 =	vor.u32 v7, v56;
	v46 =	vand.u32 $0xF80, v61;
	[tilespmem:v40+s13+$0x0] =	vst.idx.add.f32.msk vm4, v24  }
0x318: {  	v56 =	vand.u32 $0x1F80, v56;
	v46 =	vor.u32 v55, v46;
	v40 =	vld [tilespmem:s20+$0xFFFFFFF0]  }
0x319: {  	v55 =	vor.u32 v55, v56;
	_ =	sdelay $0x3  }
0x31a: {  	[tilespmem:v46+s13+$0x0] =	vst.idx.add.f32.msk vm5, v4;
	v62 =	vshra.s32 v40, $0x1F  }
0x31b: {  	[tilespmem:v55+s13+$0x0] =	vst.idx.add.f32.msk vm5, v42;
	v46 =	vor.u32 $0x80000000, v62  }
0x31c: {  	vm12 =	vgt.s32 v52, v11;
	v55 =	vld [tilespmem:s19+$0x0];
	v63 =	vxor.u32 v40, v46  }
0x31d: {  	vm13 =	vgt.s32 v23, v11;
	v46 =	vadd.f32 v50, v48;
	v59 =	vshrl.u32 v63, $0xF  }
0x31e: {  	v48 =	vmul.f32 v18, v39;
	v18 =	vshrl.u32 v63, $0x17;
	v60 =	vand.u32 $0xFF, v59  }
0x31f: {  	v20 =	vadd.f32 v47, v20;
	vm7 =	veq.s32 v18, v11;
	v23 =	vor.u32 v2, v60  }
0x320: {  	v50 =	vand.u32 $0x7F, v59;
	v52 =	vor.u32 v7, v60;
	v23 =	vand.u32 $0xF80, v23  }
0x321: {  	[tilespmem:v53+s13+$0x0] =	vst.idx.add.f32.msk vm6, v4;
	v61 =	vshra.s32 v55, $0x1F;
	v52 =	vand.u32 $0x1F80, v52;
	v23 =	vor.u32 v50, v23  }
0x322: {  	s0 =	sand.u32 $0x1FFE0, s0;
	[tilespmem:v51+s13+$0x0] =	vst.idx.add.f32.msk vm6, v45;
	v62 =	vnsel vm12, $0x0, v45;
	v63 =	vor.u32 $0x80000000, v61;
	v50 =	vor.u32 v50, v52  }
0x323: {  	v49 =	vnsel vm12, $0x0, v49;
	v28 =	vadd.f32 v62, v28;
	v52 =	vld [tilespmem:s0+$0x80];
	v53 =	vxor.u32 v55, v63  }
0x324: {  	v29 =	vadd.f32 v49, v29;
	v56 =	vnsel vm13, $0x0, v39;
	v57 =	vshrl.u32 v53, $0xF  }
0x325: {  	v39 =	vadd.f32 v56, v28;
	v28 =	vshrl.u32 v53, $0x17;
	v58 =	vand.u32 $0xFF, v57  }
0x326: {  	vm14 =	veq.s32 v28, v11;
	v59 =	vor.u32 v2, v58;
	[tilespmem:v23+s13+$0x0] =	vst.idx.add.f32.msk vm7, v4  }
0x327: {  	v49 =	vand.u32 $0x7F, v57;
	v23 =	vor.u32 v7, v58;
	v60 =	vand.u32 $0xF80, v59;
	[tilespmem:v50+s13+$0x0] =	vst.idx.add.f32.msk vm7, v40  }
0x328: {  	v61 =	vshra.s32 v52, $0x1F;
	v62 =	vand.u32 $0x1F80, v23;
	v63 =	vor.u32 v49, v60;
	v23 =	vld [tilespmem:s20+$0x0]  }
0x329: {  	v56 =	vnsel vm13, $0x0, v48;
	v57 =	vor.u32 $0x80000000, v61;
	v49 =	vor.u32 v49, v62  }
0x32a: {  	v19 =	vadd.f32 v19, v38;
	v45 =	vadd.f32 v56, v29;
	v29 =	vxor.u32 v52, v57  }
0x32b: {  	vm1 =	vmmov vm1;
	v47 =	vmul.f32 v52, v52;
	v48 =	vshrl.u32 v29, $0xF  }
0x32c: {  	v29 =	vshrl.u32 v29, $0x17;
	v58 =	vand.u32 $0xFF, v48;
	v48 =	vand.u32 $0x7F, v48  }
0x32d: {  	vm15 =	veq.s32 v29, v11;
	vm9 =	vgt.s32 v29, v11;
	[tilespmem:v63+s13+$0x0] =	vst.idx.add.f32.msk vm14, v4;
	v60 =	vshra.s32 v23, $0x1F  }
0x32e: {  	v59 =	vor.u32 v2, v58;
	v38 =	vor.u32 v7, v58;
	[tilespmem:v49+s13+$0x0] =	vst.idx.add.f32.msk vm14, v55;
	v29 =	vor.u32 $0x80000000, v60  }
0x32f: {  	v62 =	vnsel vm9, $0x0, v52;
	v61 =	vand.u32 $0xF80, v59;
	v50 =	vld [tilespmem:s19+$0x10];
	v29 =	vxor.u32 v23, v29  }
0x330: {  	v38 =	vand.u32 $0x1F80, v38;
	v49 =	vor.u32 v48, v61;
	v63 =	vshrl.u32 v29, $0xF  }
0x331: {  	v48 =	vor.u32 v48, v38;
	v29 =	vshrl.u32 v29, $0x17;
	v60 =	vand.u32 $0xFF, v63  }
0x332: {  	v38 =	vadd.f32 v62, v19;
	vm10 =	veq.s32 v29, v11;
	v19 =	vor.u32 v2, v60  }
0x333: {  	v53 =	vand.u32 $0x7F, v63;
	v61 =	vor.u32 v7, v60;
	v19 =	vand.u32 $0xF80, v19  }
0x334: {  	v62 =	vshra.s32 v50, $0x1F;
	v51 =	vand.u32 $0x1F80, v61;
	v57 =	vor.u32 v53, v19  }
0x335: {  	v15 =	vmul.f32 v15, v15;
	[tilespmem:v49+s13+$0x0] =	vst.idx.add.f32.msk vm15, v4;
	v63 =	vor.u32 v53, v51;
	v19 =	vor.u32 $0x80000000, v62  }
0x336: {  	v32 =	vadd.f32 v43, v32;
	v47 =	vnsel vm9, $0x0, v47;
	[tilespmem:v48+s13+$0x0] =	vst.idx.add.f32.msk vm15, v52;
	v53 =	vxor.u32 v50, v19  }
0x337: {  	v43 =	vadd.f32 v16, v35;
	v47 =	vadd.f32 v47, v20;
	v19 =	vld [tilespmem:s22+$0x40];
	v20 =	vshrl.u32 v53, $0xF  }
0x338: {  	v31 =	vadd.f32 v41, v31;
	v17 =	vadd.f32 v17, v37;
	v16 =	vand.u32 $0xFF, v20  }
0x339: {  	v48 =	vshrl.u32 v53, $0x17;
	v20 =	vand.u32 $0x7F, v20;
	v56 =	vor.u32 v2, v16;
	[tilespmem:v57+s13+$0x0] =	vst.idx.add.f32.msk vm10, v4  }
0x33a: {  	vm11 =	veq.s32 v48, v11;
	v16 =	vor.u32 v7, v16;
	v35 =	vand.u32 $0xF80, v56;
	[tilespmem:v63+s13+$0x0] =	vst.idx.add.f32.msk vm10, v23  }
0x33b: {  	v57 =	vnsel vm1, $0x0, v15;
	v16 =	vand.u32 $0x1F80, v16;
	v35 =	vor.u32 v20, v35;
	v15 =	vld [tilespmem:s20+$0x10]  }
0x33c: {  	vm3 =	vmmov vm3;
	v58 =	vshra.s32 v19, $0x1F;
	v16 =	vor.u32 v20, v16  }
0x33d: {  	v13 =	vmul.f32 v13, v26;
	vm12 =	vgt.s32 v28, v11;
	v20 =	vor.u32 $0x80000000, v58  }
0x33e: {  	vm4 =	vgt.s32 v54, v11;
	v41 =	vnsel vm12, $0x0, v55;
	v20 =	vxor.u32 v19, v20  }
0x33f: {  	v36 =	vadd.f32 v57, v36;
	v37 =	vmul.f32 v19, v19;
	v28 =	vshrl.u32 v20, $0xF  }
0x340: {  	v49 =	vshrl.u32 v20, $0x17;
	v20 =	vand.u32 $0xFF, v28;
	[tilespmem:v35+s13+$0x0] =	vst.idx.add.f32.msk vm11, v4;
	v59 =	vshra.s32 v15, $0x1F  }
0x341: {  	v61 =	vand.u32 $0x7F, v28;
	vm1 =	veq.s32 v49, v11;
	[tilespmem:v16+s13+$0x0] =	vst.idx.add.f32.msk vm11, v50;
	v16 =	vor.u32 $0x80000000, v59  }
0x342: {  	vm14 =	vgt.s32 v49, v11;
	v60 =	vor.u32 v2, v20;
	v52 =	vld [tilespmem:s19+$0x20];
	v16 =	vxor.u32 v15, v16  }
0x343: {  	v20 =	vor.u32 v7, v20;
	v37 =	vnsel vm14, $0x0, v37;
	v62 =	vshrl.u32 v16, $0xF  }
0x344: {  	v49 =	vnsel vm14, $0x0, v19;
	v28 =	vand.u32 $0xF80, v60;
	v63 =	vand.u32 $0xFF, v62  }
0x345: {  	v16 =	vshrl.u32 v16, $0x17;
	v35 =	vand.u32 $0x7F, v62;
	v57 =	vor.u32 v2, v63  }
0x346: {  	vm13 =	veq.s32 v16, v11;
	v53 =	vor.u32 v7, v63;
	v54 =	vand.u32 $0xF80, v57  }
0x347: {  	v53 =	vand.u32 $0x1F80, v53;
	v58 =	vshra.s32 v52, $0x1F;
	v54 =	vor.u32 v35, v54  }
0x348: {  	v20 =	vand.u32 $0x1F80, v20;
	v53 =	vor.u32 v35, v53;
	v35 =	vor.u32 $0x80000000, v58  }
0x349: {  	v17 =	vadd.f32 v49, v17;
	v28 =	vor.u32 v61, v28;
	v59 =	vxor.u32 v52, v35  }
0x34a: {  	v20 =	vor.u32 v61, v20;
	v35 =	vadd.f32 v37, v36;
	v60 =	vshrl.u32 v59, $0xF  }
0x34b: {  	v37 =	vadd.f32 v41, v31;
	v41 =	vshrl.u32 v59, $0x17;
	v31 =	vand.u32 $0xFF, v60  }
0x34c: {  	v12 =	vshrl.u32 v12, $0xF;
	vm15 =	veq.s32 v41, v11;
	v61 =	vor.u32 v2, v31;
	[tilespmem:v54+s13+$0x0] =	vst.idx.add.f32.msk vm13, v4  }
0x34d: {  	v36 =	vand.u32 $0x7F, v60;
	v31 =	vor.u32 v7, v31;
	v49 =	vand.u32 $0xF80, v61;
	[tilespmem:v53+s13+$0x0] =	vst.idx.add.f32.msk vm13, v15  }
0x34e: {  	v22 =	vnsel vm3, $0x0, v22;
	v63 =	vand.u32 $0x1F80, v31;
	v49 =	vor.u32 v36, v49;
	v31 =	vld [tilespmem:s20+$0x20]  }
0x34f: {  	v22 =	vadd.f32 v22, v47;
	v33 =	vadd.f32 v33, v38;
	v36 =	vor.u32 v36, v63  }
0x350: {  	v51 =	vmul.f32 v55, v55;
	vm9 =	vgt.s32 v48, v11;
	vm10 =	vmmov vm2  }
0x351: {  	vm2 =	vgt.s32 v44, v11;
	v21 =	vnsel vm10, $0x0, v21;
	vm11 =	vgt.s32 v14, v11  }
0x352: {  	v26 =	vnsel vm11, $0x0, v26;
	v13 =	vnsel vm11, $0x0, v13;
	v62 =	vmul.f32 v50, v50  }
0x353: {  	s28 =	sadd.s32 $0xA0, s21;
	v57 =	vnsel vm12, $0x0, v51;
	v51 =	vnsel vm4, $0x0, v42;
	[tilespmem:v49+s13+$0x0] =	vst.idx.add.f32.msk vm15, v4;
	v14 =	vshra.s32 v31, $0x1F  }
0x354: {  	s1 =	sand.u32 $0x1FFE0, s28;
	vm4 =	vmmov vm4;
	v48 =	vadd.f32 v57, v32;
	[tilespmem:v36+s13+$0x0] =	vst.idx.add.f32.msk vm15, v52;
	v14 =	vor.u32 $0x80000000, v14  }
0x355: {  	v32 =	vnsel vm2, $0x0, v24;
	v24 =	vmul.f32 v25, v24;
	v25 =	vld [tilespmem:s1+$0x80];
	v14 =	vxor.u32 v31, v14  }
0x356: {  	v58 =	vnsel vm9, $0x0, v50;
	v59 =	vnsel vm9, $0x0, v62;
	v60 =	vshrl.u32 v14, $0xF  }
0x357: {  	v46 =	vadd.f32 v59, v46;
	v44 =	vshrl.u32 v14, $0x17;
	v14 =	vand.u32 $0xFF, v60  }
0x358: {  	vm3 =	vgt.s32 v41, v11;
	vm12 =	veq.s32 v44, v11;
	v61 =	vor.u32 v2, v14  }
0x359: {  	v36 =	vand.u32 $0x7F, v60;
	v14 =	vor.u32 v7, v14;
	v41 =	vand.u32 $0xF80, v61  }
0x35a: {  	v62 =	vshra.s32 v25, $0x1F;
	v14 =	vand.u32 $0x1F80, v14;
	v41 =	vor.u32 v36, v41  }
0x35b: {  	v21 =	vadd.f32 v21, v46;
	v46 =	vor.u32 $0x80000000, v62;
	v14 =	vor.u32 v36, v14  }
0x35c: {  	vm2 =	vmmov vm2;
	v17 =	vadd.f32 v51, v17;
	v54 =	vxor.u32 v25, v46  }
0x35d: {  	v43 =	vadd.f32 v58, v43;
	v13 =	vadd.f32 v13, v48;
	v56 =	vshrl.u32 v54, $0xF  }
0x35e: {  	v48 =	vmul.f32 v23, v23;
	vm13 =	vgt.s32 v34, v11;
	v57 =	vand.u32 $0xFF, v56  }
0x35f: {  	s0 =	sadd.s32 $0xA0, s28;
	v34 =	vshrl.u32 v54, $0x17;
	v50 =	vand.u32 $0x7F, v56;
	v58 =	vor.u32 v2, v57;
	[tilespmem:v41+s13+$0x0] =	vst.idx.add.f32.msk vm12, v4  }
0x360: {  	s0 =	sand.u32 $0x1FFE0, s0;
	vm14 =	veq.s32 v34, v11;
	v41 =	vand.u32 $0xF80, v58;
	[tilespmem:v14+s13+$0x0] =	vst.idx.add.f32.msk vm12, v31;
	v14 =	vor.u32 v7, v57  }
0x361: {  	vm9 =	vgt.s32 v29, v11;
	v41 =	vor.u32 v50, v41;
	v14 =	vand.u32 $0x1F80, v14;
	v46 =	vld [tilespmem:s0+$0x80]  }
0x362: {  	v55 =	vnsel vm3, $0x0, v52;
	v63 =	vmul.f32 v52, v52;
	v14 =	vor.u32 v50, v14  }
0x363: {  	v59 =	vmul.f32 v42, v42;
	v26 =	vadd.f32 v26, v37;
	v39 =	vadd.f32 v55, v39  }
0x364: {  	v53 =	vmul.f32 v27, v27;
	v27 =	vnsel vm13, $0x0, v27;
	v49 =	vnsel vm3, $0x0, v63  }
0x365: {  	v23 =	vnsel vm9, $0x0, v23;
	v27 =	vadd.f32 v27, v39;
	v45 =	vadd.f32 v49, v45  }
0x366: {  	v60 =	vmul.f32 v25, v25;
	v36 =	vnsel vm13, $0x0, v53;
	[tilespmem:v41+s13+$0x0] =	vst.idx.add.f32.msk vm14, v4;
	v41 =	vshra.s32 v46, $0x1F  }
0x367: {  	vm13 =	vgt.s32 v44, v11;
	vm3 =	vgt.s32 v34, v11;
	[tilespmem:v14+s13+$0x0] =	vst.idx.add.f32.msk vm14, v25;
	v14 =	vor.u32 $0x80000000, v41  }
0x368: {  	v61 =	vadd.f32 v36, v45;
	v62 =	vnsel vm3, $0x0, v25;
	v14 =	vxor.u32 v46, v14  }
0x369: {  	v63 =	vnsel vm3, $0x0, v60;
	vm3 =	vgt.s32 v18, v11;
	v47 =	vshrl.u32 v14, $0xF  }
0x36a: {  	v18 =	vadd.f32 v30, v43;
	v30 =	vnsel vm4, $0x0, v59;
	v45 =	vld [tilespmem:s19+$0x40];
	v49 =	vand.u32 $0xFF, v47  }
0x36b: {  	v50 =	vshrl.u32 v14, $0x17;
	v14 =	vand.u32 $0x7F, v47;
	v52 =	vor.u32 v2, v49  }
0x36c: {  	vm15 =	veq.s32 v50, v11;
	v39 =	vor.u32 v7, v49;
	v38 =	vand.u32 $0xF80, v52  }
0x36d: {  	v33 =	vadd.f32 v62, v33;
	v39 =	vand.u32 $0x1F80, v39;
	v38 =	vor.u32 v14, v38  }
0x36e: {  	v22 =	vadd.f32 v63, v22;
	v30 =	vadd.f32 v30, v35;
	v14 =	vor.u32 v14, v39  }
0x36f: {  	[tilespmem:v28+s13+$0x0] =	vst.idx.add.f32.msk vm1, v4;
	v62 =	vand.u32 $0xFF, v12;
	v12 =	vand.u32 $0x7F, v12;
	v53 =	vshra.s32 v45, $0x1F  }
0x370: {  	[tilespmem:v20+s13+$0x0] =	vst.idx.add.f32.msk vm1, v19;
	vm12 =	vgt.s32 v16, v11;
	v25 =	vnsel vm3, $0x0, v40;
	v29 =	vor.u32 $0x80000000, v53  }
0x371: {  	vm14 =	veq.s32 v10, v11;
	vm1 =	vgt.s32 v50, v11;
	v29 =	vxor.u32 v45, v29  }
0x372: {  	v55 =	vmul.f32 v45, v45;
	v54 =	vshrl.u32 v29, $0xF;
	v29 =	vshrl.u32 v29, $0x17;
	[tilespmem:v38+s13+$0x0] =	vst.idx.add.f32.msk vm15, v4  }
0x373: {  	v56 =	vand.u32 $0xFF, v54;
	v35 =	vand.u32 $0x7F, v54;
	vm10 =	veq.s32 v29, v11;
	[tilespmem:v14+s13+$0x0] =	vst.idx.add.f32.msk vm15, v46  }
0x374: {  	vm11 =	vgt.s32 v29, v11;
	v57 =	vor.u32 v2, v56;
	v42 =	vor.u32 v7, v56;
	v59 =	vld [tilespmem:s20+$0x40]  }
0x375: {  	v58 =	vand.u32 $0xF80, v57;
	v29 =	vand.u32 $0x1F80, v42;
	v14 =	vnsel vm11, $0x0, v45  }
0x376: {  	vm15 =	vmmov $0x1;
	v60 =	vadd.f32 v14, v17;
	v17 =	vmul.f32 v15, v15  }
0x377: {  	v38 =	vor.u32 v35, v58;
	v14 =	vadd.f32 v23, v26;
	v15 =	vnsel vm12, $0x0, v15  }
0x378: {  	v23 =	vor.u32 v35, v29;
	v29 =	vadd.f32 v32, v33;
	v16 =	vnsel vm12, $0x0, v17  }
0x379: {  	v17 =	vadd.f32 v15, v18;
	v15 =	vadd.f32 v16, v21;
	v18 =	vshra.s32 v59, $0x1F  }
0x37a: {  	v21 =	vnsel vm2, $0x0, v24;
	v16 =	vmul.f32 v31, v31;
	v18 =	vor.u32 $0x80000000, v18  }
0x37b: {  	vm2 =	vmmov vm3;
	v24 =	vnsel vm13, $0x0, v31;
	v26 =	vxor.u32 v59, v18  }
0x37c: {  	v16 =	vnsel vm13, $0x0, v16;
	v18 =	vadd.f32 v24, v27;
	v24 =	vshrl.u32 v26, $0xF  }
0x37d: {  	v16 =	vadd.f32 v16, v61;
	v26 =	vshrl.u32 v26, $0x17;
	v31 =	vand.u32 $0xFF, v24  }
0x37e: {  	v24 =	vand.u32 $0x7F, v24;
	v61 =	vor.u32 v2, v31;
	v31 =	vor.u32 v7, v31  }
0x37f: {  	vm3 =	veq.s32 v26, v11;
	v32 =	vand.u32 $0xF80, v61;
	v31 =	vand.u32 $0x1F80, v31  }
0x380: {  	v32 =	vor.u32 v24, v32;
	v24 =	vor.u32 v24, v31;
	v31 =	vor.u32 v2, v62  }
0x381: {  	vm5 =	vmand vm14, vm15;
	v28 =	vand.u32 $0xF80, v31;
	v31 =	vor.u32 v7, v62  }
0x382: {  	v39 =	vnsel vm11, $0x0, v55;
	v20 =	vor.u32 v12, v28;
	v19 =	vand.u32 $0x1F80, v31  }
0x383: {  	v30 =	vadd.f32 v39, v30;
	[tilespmem:v38+s13+$0x0] =	vst.idx.add.f32.msk vm10, v4;
	v63 =	vor.u32 v12, v19  }
0x384: {  	[tilespmem:v23+s13+$0x0] =	vst.idx.add.f32.msk vm10, v45;
	v23 =	vadd.f32 v25, v60;
	v28 =	vmul.f32 v40, v40  }
0x385: {  	v25 =	vmul.f32 v59, v59;
	v27 =	vmul.f32 v46, v46;
	v31 =	vnsel vm1, $0x0, v46;
	[tilespmem:v32+s13+$0x0] =	vst.idx.add.f32.msk vm3, v4  }
0x386: {  	v12 =	vadd.f32 v21, v22;
	v22 =	vnsel vm2, $0x0, v28;
	[tilespmem:v24+s13+$0x0] =	vst.idx.add.f32.msk vm3, v59;
	v24 =	vsub.f32 $0.0e+00, v9  }
0x387: {  	v21 =	vnsel vm1, $0x0, v27;
	vm1 =	vgt.s32 v26, v11;
	v22 =	vadd.f32 v22, v30;
	[tilespmem:v20+s13+$0x0] =	vst.idx.add.f32.msk vm5, v5  }
0x388: {  	s30 =	simm.s32 $0x1A800;
	v25 =	vnsel vm1, $0x0, v25;
	v21 =	vadd.f32 v21, v12;
	v12 =	vnsel vm1, $0x0, v59;
	[tilespmem:v63+s13+$0x0] =	vst.idx.add.f32.msk vm5, v24  }
0x389: {  	v20 =	vadd.f32 v12, v23;
	v12 =	vadd.f32 v25, v22;
	v22 =	vld [tilespmem:s30+$0xFFFFFF00];
	_ =	sdelay $0x1  }
0x38a: {  	s29 =	simm.s32 $0x0;
	v23 =	vld [tilespmem:s30+$0x0];
	[tilespmem:s30+$0x0] =	vst v1  }
0x38b: {  	s0 =	sand.u32 $0xF0, s29;
	[tilespmem:s30+$0xFFFFFF00] =	vst v1  }
0x38c: {  	v24 =	vld [tilespmem:s0+$0x1A900]  }
0x38d: {  	v22 =	vadd.f32 $0.0e+00, v22  }
0x38e: {  	v25 =	vld [tilespmem:s0+$0x1AA00]  }
0x38f: {  	v22 =	vadd.f32 v23, v22  }
0x390: {  	v23 =	vld [tilespmem:s0+$0x1AB00]  }
0x391: {  	v22 =	vadd.f32 v24, v22  }
0x392: {  	v24 =	vld [tilespmem:s0+$0x1AC00]  }
0x393: {  	v22 =	vadd.f32 v25, v22  }
0x394: {  	v25 =	vld [tilespmem:s0+$0x1AD00]  }
0x395: {  	v22 =	vadd.f32 v23, v22  }
0x396: {  	v26 =	vld [tilespmem:s0+$0x1AE00]  }
0x397: {  	v22 =	vadd.f32 v24, v22  }
0x398: {  	v23 =	vld [tilespmem:s0+$0x1AF00]  }
0x399: {  	v22 =	vadd.f32 v25, v22  }
0x39a: {  	v24 =	vld [tilespmem:s0+$0x1B000]  }
0x39b: {  	v22 =	vadd.f32 v26, v22  }
0x39c: {  	v25 =	vld [tilespmem:s0+$0x1B100]  }
0x39d: {  	[tilespmem:s0+$0x1AE00] =	vst v1;
	v22 =	vadd.f32 v23, v22  }
0x39e: {  	[tilespmem:s0+$0x1AA00] =	vst v1;
	v26 =	vld [tilespmem:s0+$0x1B200]  }
0x39f: {  	[tilespmem:s0+$0x1A900] =	vst v1;
	v22 =	vadd.f32 v24, v22  }
0x3a0: {  	[tilespmem:s0+$0x1AB00] =	vst v1;
	v23 =	vld [tilespmem:s0+$0x1B300]  }
0x3a1: {  	[tilespmem:s0+$0x1AC00] =	vst v1;
	v22 =	vadd.f32 v25, v22  }
0x3a2: {  	[tilespmem:s0+$0x1AD00] =	vst v1;
	v24 =	vld [tilespmem:s0+$0x1B400]  }
0x3a3: {  	[tilespmem:s0+$0x1AF00] =	vst v1;
	v22 =	vadd.f32 v26, v22  }
0x3a4: {  	[tilespmem:s0+$0x1B000] =	vst v1;
	v25 =	vld [tilespmem:s0+$0x1B500]  }
0x3a5: {  	[tilespmem:s0+$0x1B100] =	vst v1;
	v22 =	vadd.f32 v23, v22  }
0x3a6: {  	[tilespmem:s0+$0x1B200] =	vst v1;
	v23 =	vld [tilespmem:s0+$0x1B600]  }
0x3a7: {  	[tilespmem:s0+$0x1B300] =	vst v1;
	v22 =	vadd.f32 v24, v22  }
0x3a8: {  	s31 =	simm.s32 $0x1A810;
	[tilespmem:s0+$0x1B400] =	vst v1  }
0x3a9: {  	[tilespmem:s0+$0x1B500] =	vst v1;
	v24 =	vld [tilespmem:s31+$0x0];
	v22 =	vadd.f32 v25, v22  }
0x3aa: {  	s3 =	simm.s32 $0x10;
	[tilespmem:s31+$0x0] =	vst v1;
	v25 =	vld [tilespmem:s31+$0xFFFFFF00]  }
0x3ab: {  	s1 =	sand.u32 $0xF0, s3;
	[tilespmem:s31+$0xFFFFFF00] =	vst v1;
	v22 =	vadd.f32 v23, v22  }
0x3ac: {  	s2 =	simm.s32 $0x1C800;
	[tilespmem:s0+$0x1B600] =	vst v1;
	v28 =	vld [tilespmem:s1+$0x1AA00]  }
0x3ad: {  	v23 =	vld [tilespmem:s1+$0x1A900];
	[tilespmem:s2+$0xFFFFFF00] =	vst v22  }
0x3ae: {  	v22 =	vld [tilespmem:s0+$0x1B700]  }
0x3af: {  	v19 =	vadd.f32 v31, v29;
	v29 =	vld [tilespmem:s1+$0x1AB00];
	v25 =	vadd.f32 $0.0e+00, v25  }
0x3b0: {  	v26 =	vld [tilespmem:s0+$0x1B800]  }
0x3b1: {  	v30 =	vld [tilespmem:s1+$0x1AC00];
	v24 =	vadd.f32 v24, v25  }
0x3b2: {  	[tilespmem:s1+$0x1AC00] =	vst v1;
	v27 =	vld [tilespmem:s0+$0x1B900]  }
0x3b3: {  	[tilespmem:s1+$0x1AB00] =	vst v1;
	v31 =	vld [tilespmem:s0+$0x1BB00];
	v23 =	vadd.f32 v23, v24;
	v22 =	vadd.f32 $0.0e+00, v22  }
0x3b4: {  	[tilespmem:s1+$0x1AA00] =	vst v1;
	v25 =	vld [tilespmem:s0+$0x1BA00]  }
0x3b5: {  	[tilespmem:s1+$0x1A900] =	vst v1;
	v32 =	vld [tilespmem:s0+$0x1C100];
	v23 =	vadd.f32 v28, v23;
	v22 =	vadd.f32 v26, v22  }
0x3b6: {  	[tilespmem:s0+$0x1B900] =	vst v1;
	v24 =	vld [tilespmem:s1+$0x1AD00]  }
0x3b7: {  	[tilespmem:s0+$0x1B800] =	vst v1;
	v28 =	vld [tilespmem:s0+$0x1BC00];
	v23 =	vadd.f32 v29, v23;
	v22 =	vadd.f32 v27, v22  }
0x3b8: {  	[tilespmem:s0+$0x1B700] =	vst v1;
	v26 =	vld [tilespmem:s1+$0x1AE00]  }
0x3b9: {  	[tilespmem:s0+$0x1BB00] =	vst v1;
	v29 =	vld [tilespmem:s0+$0x1BD00];
	v23 =	vadd.f32 v30, v23;
	v22 =	vadd.f32 v25, v22  }
0x3ba: {  	[tilespmem:s0+$0x1C100] =	vst v1;
	v27 =	vld [tilespmem:s1+$0x1AF00]  }
0x3bb: {  	[tilespmem:s0+$0x1BA00] =	vst v1;
	v30 =	vld [tilespmem:s0+$0x1BE00];
	v23 =	vadd.f32 v24, v23;
	v22 =	vadd.f32 v31, v22  }
0x3bc: {  	[tilespmem:s1+$0x1AD00] =	vst v1;
	v25 =	vld [tilespmem:s1+$0x1B000]  }
0x3bd: {  	[tilespmem:s0+$0x1BC00] =	vst v1;
	v24 =	vld [tilespmem:s1+$0x1B100];
	v23 =	vadd.f32 v26, v23;
	v22 =	vadd.f32 v28, v22  }
0x3be: {  	[tilespmem:s1+$0x1AE00] =	vst v1;
	v31 =	vld [tilespmem:s0+$0x1BF00]  }
0x3bf: {  	[tilespmem:s0+$0x1BD00] =	vst v1;
	v26 =	vld [tilespmem:s1+$0x1B200];
	v23 =	vadd.f32 v27, v23;
	v22 =	vadd.f32 v29, v22  }
0x3c0: {  	[tilespmem:s1+$0x1AF00] =	vst v1;
	v28 =	vld [tilespmem:s0+$0x1C000]  }
0x3c1: {  	[tilespmem:s0+$0x1BE00] =	vst v1;
	v23 =	vadd.f32 v25, v23;
	v22 =	vadd.f32 v30, v22  }
0x3c2: {  	[tilespmem:s1+$0x1B000] =	vst v1;
	v29 =	vld [tilespmem:s1+$0x1B300]  }
0x3c3: {  	[tilespmem:s1+$0x1B100] =	vst v1;
	v25 =	vld [tilespmem:s1+$0x1B400];
	v23 =	vadd.f32 v24, v23;
	v22 =	vadd.f32 v31, v22  }
0x3c4: {  	[tilespmem:s0+$0x1BF00] =	vst v1;
	v30 =	vld [tilespmem:s0+$0x1C200]  }
0x3c5: {  	[tilespmem:s1+$0x1B200] =	vst v1;
	v24 =	vld [tilespmem:s1+$0x1B500];
	v23 =	vadd.f32 v26, v23;
	v22 =	vadd.f32 v28, v22  }
0x3c6: {  	[tilespmem:s0+$0x1C000] =	vst v1;
	v31 =	vld [tilespmem:s0+$0x1C300]  }
0x3c7: {  	v27 =	vld [tilespmem:s1+$0x1B600];
	[tilespmem:s1+$0x1B300] =	vst v1;
	v23 =	vadd.f32 v29, v23;
	v28 =	vadd.f32 v32, v22  }
0x3c8: {  	s4 =	simm.s32 $0x1A820;
	[tilespmem:s1+$0x1B400] =	vst v1;
	v22 =	vld [tilespmem:s0+$0x1C400]  }
0x3c9: {  	[tilespmem:s0+$0x1C200] =	vst v1;
	v26 =	vld [tilespmem:s4+$0x0];
	v25 =	vadd.f32 v25, v23;
	v30 =	vadd.f32 v30, v28  }
0x3ca: {  	[tilespmem:s1+$0x1B500] =	vst v1;
	v23 =	vld [tilespmem:s0+$0x1C500]  }
0x3cb: {  	v37 =	vnsel vm9, $0x0, v48;
	[tilespmem:s0+$0x1C300] =	vst v1;
	v28 =	vld [tilespmem:s4+$0xFFFFFF00];
	v29 =	vadd.f32 v24, v25;
	v25 =	vadd.f32 v31, v30  }
0x3cc: {  	s5 =	simm.s32 $0x20;
	s6 =	simm.s32 $0x30;
	v13 =	vadd.f32 v37, v13;
	s3 =	simm.s32 $0x1C800;
	[tilespmem:s4+$0x0] =	vst v1;
	v24 =	vld [tilespmem:s0+$0x1C600]  }
.LBB2_13:
0x3cd: {  	p0 =	seq.s32 s6, $0xF0;
	[tilespmem:s4+$0xFFFFFF00] =	vst v1;
	v27 =	vadd.f32 v27, v29;
	v22 =	vadd.f32 v22, v25  }
0x3ce: {  	s7 =	sand.u32 $0xF0, s5;
	s2 =	sadd.s32 $0x10, s2;
	s5 =	smov.u32 s6;
	[tilespmem:s1+$0x1B600] =	vst v1  }
0x3cf: {  	v25 =	vld [tilespmem:s7+$0x1A900];
	[tilespmem:s2+$0xFFFFFF00] =	vst v27;
	v22 =	vadd.f32 v23, v22  }
0x3d0: {  	v23 =	vld [tilespmem:s1+$0x1B700];
	[tilespmem:s0+$0x1C400] =	vst v1  }
0x3d1: {  	v27 =	vadd.f32 $0.0e+00, v28;
	v28 =	vld [tilespmem:s7+$0x1AA00];
	[tilespmem:s0+$0x1C500] =	vst v1;
	v22 =	vadd.f32 v24, v22  }
0x3d2: {  	v24 =	vld [tilespmem:s1+$0x1B800];
	[tilespmem:s0+$0x1C600] =	vst v1;
	s0 =	smov.u32 s1;
	s1 =	smov.u32 s7  }
0x3d3: {  	v26 =	vadd.f32 v26, v27;
	v27 =	vld [tilespmem:s1+$0x1AB00];
	[tilespmem:s3+$0x0] =	vst v22;
	s3 =	smov.u32 s2  }
0x3d4: {  	v22 =	vld [tilespmem:s0+$0x1B900];
	[tilespmem:s0+$0x1B900] =	vst v1  }
0x3d5: {  	v25 =	vadd.f32 v25, v26;
	v26 =	vld [tilespmem:s1+$0x1AC00];
	v23 =	vadd.f32 $0.0e+00, v23;
	[tilespmem:s0+$0x1B800] =	vst v1  }
0x3d6: {  	v29 =	vld [tilespmem:s0+$0x1BA00];
	[tilespmem:s0+$0x1BA00] =	vst v1  }
0x3d7: {  	v25 =	vadd.f32 v28, v25;
	v28 =	vld [tilespmem:s1+$0x1AD00];
	[tilespmem:s0+$0x1B700] =	vst v1;
	v23 =	vadd.f32 v24, v23  }
0x3d8: {  	v24 =	vld [tilespmem:s0+$0x1BB00];
	[tilespmem:s0+$0x1BB00] =	vst v1  }
0x3d9: {  	v25 =	vadd.f32 v27, v25;
	v27 =	vld [tilespmem:s1+$0x1AE00];
	[tilespmem:s1+$0x1AE00] =	vst v1;
	v22 =	vadd.f32 v22, v23  }
0x3da: {  	v23 =	vld [tilespmem:s0+$0x1BC00];
	[tilespmem:s0+$0x1BC00] =	vst v1  }
0x3db: {  	v25 =	vadd.f32 v26, v25;
	v26 =	vld [tilespmem:s1+$0x1AF00];
	[tilespmem:s1+$0x1AF00] =	vst v1;
	v22 =	vadd.f32 v29, v22  }
0x3dc: {  	v29 =	vld [tilespmem:s0+$0x1BD00];
	[tilespmem:s0+$0x1BD00] =	vst v1  }
0x3dd: {  	v25 =	vadd.f32 v28, v25;
	v28 =	vld [tilespmem:s1+$0x1B000];
	[tilespmem:s1+$0x1B000] =	vst v1;
	v22 =	vadd.f32 v24, v22  }
0x3de: {  	v24 =	vld [tilespmem:s0+$0x1BE00];
	[tilespmem:s0+$0x1BE00] =	vst v1  }
0x3df: {  	v25 =	vadd.f32 v27, v25;
	v27 =	vld [tilespmem:s1+$0x1B100];
	[tilespmem:s1+$0x1B100] =	vst v1;
	v22 =	vadd.f32 v23, v22  }
0x3e0: {  	v23 =	vld [tilespmem:s0+$0x1BF00];
	[tilespmem:s0+$0x1BF00] =	vst v1  }
0x3e1: {  	v25 =	vadd.f32 v26, v25;
	v26 =	vld [tilespmem:s1+$0x1B200];
	[tilespmem:s1+$0x1B200] =	vst v1;
	v22 =	vadd.f32 v29, v22  }
0x3e2: {  	v29 =	vld [tilespmem:s0+$0x1C000];
	[tilespmem:s0+$0x1C000] =	vst v1  }
0x3e3: {  	v25 =	vadd.f32 v28, v25;
	v28 =	vld [tilespmem:s1+$0x1B300];
	[tilespmem:s1+$0x1B300] =	vst v1;
	v22 =	vadd.f32 v24, v22  }
0x3e4: {  	v24 =	vld [tilespmem:s0+$0x1C100];
	[tilespmem:s0+$0x1C100] =	vst v1  }
0x3e5: {  	v25 =	vadd.f32 v27, v25;
	v30 =	vld [tilespmem:s1+$0x1B400];
	[tilespmem:s1+$0x1B400] =	vst v1;
	v22 =	vadd.f32 v23, v22  }
0x3e6: {  	v23 =	vld [tilespmem:s0+$0x1C200];
	[tilespmem:s0+$0x1C200] =	vst v1  }
0x3e7: {  	v25 =	vadd.f32 v26, v25;
	v31 =	vld [tilespmem:s1+$0x1B500];
	[tilespmem:s1+$0x1B500] =	vst v1;
	v22 =	vadd.f32 v29, v22  }
0x3e8: {  	v32 =	vld [tilespmem:s0+$0x1C300];
	[tilespmem:s0+$0x1C300] =	vst v1  }
0x3e9: {  	v25 =	vadd.f32 v28, v25;
	[tilespmem:s1+$0x1AD00] =	vst v1;
	v27 =	vld [tilespmem:s1+$0x1B600];
	v24 =	vadd.f32 v24, v22  }
.Ltmp5:
0x3ea: {  	s4 =	sadd.s32 $0x10, s4;
	[tilespmem:s1+$0x1AC00] =	vst v1;
	v22 =	vld [tilespmem:s0+$0x1C400];
	(pc) =	sbr.rel @!p0 .LBB2_13-.Ltmp5, $4  }
0x3eb: {  	v25 =	vadd.f32 v30, v25;
	v26 =	vld [tilespmem:s4+$0x0];
	[tilespmem:s1+$0x1AB00] =	vst v1;
	v24 =	vadd.f32 v23, v24  }
0x3ec: {  	[tilespmem:s1+$0x1AA00] =	vst v1;
	v23 =	vld [tilespmem:s0+$0x1C500]  }
0x3ed: {  	v29 =	vadd.f32 v31, v25;
	v28 =	vld [tilespmem:s4+$0xFFFFFF00];
	[tilespmem:s1+$0x1A900] =	vst v1;
	v25 =	vadd.f32 v32, v24  }
0x3ee: {  	s6 =	sadd.s32 $0x10, s6;
	[tilespmem:s4+$0x0] =	vst v1;
	v24 =	vld [tilespmem:s0+$0x1C600]  }
0x3ef: {  	_ = 	snop  }
0x3f0: {  	[tilespmem:s4+$0xFFFFFF00] =	vst v1;
	s19 =	sand.u32 $0xF0, s5  }
0x3f1: {  	v27 =	vadd.f32 v27, v29;
	v29 =	vld [tilespmem:s19+$0x1A900]  }
0x3f2: {  	v28 =	vadd.f32 $0.0e+00, v28  }
0x3f3: {  	v30 =	vld [tilespmem:s19+$0x1AA00]  }
0x3f4: {  	v26 =	vadd.f32 v26, v28  }
0x3f5: {  	v28 =	vld [tilespmem:s19+$0x1AB00]  }
0x3f6: {  	v26 =	vadd.f32 v29, v26  }
0x3f7: {  	v29 =	vld [tilespmem:s19+$0x1AC00]  }
0x3f8: {  	v26 =	vadd.f32 v30, v26  }
0x3f9: {  	v30 =	vld [tilespmem:s19+$0x1AD00]  }
0x3fa: {  	v26 =	vadd.f32 v28, v26  }
0x3fb: {  	v28 =	vld [tilespmem:s19+$0x1AE00]  }
0x3fc: {  	v26 =	vadd.f32 v29, v26  }
0x3fd: {  	v29 =	vld [tilespmem:s19+$0x1AF00]  }
0x3fe: {  	v26 =	vadd.f32 v30, v26  }
0x3ff: {  	v30 =	vld [tilespmem:s19+$0x1B000]  }
0x400: {  	[tilespmem:s1+$0x1B600] =	vst v1;
	s2 =	sadd.s32 $0x10, s2;
	v26 =	vadd.f32 v28, v26  }
0x401: {  	[tilespmem:s2+$0xFFFFFF00] =	vst v27;
	v28 =	vld [tilespmem:s19+$0x1B100]  }
0x402: {  	v27 =	vld [tilespmem:s1+$0x1B700];
	v26 =	vadd.f32 v29, v26  }
0x403: {  	v29 =	vld [tilespmem:s19+$0x1B200]  }
0x404: {  	[tilespmem:s19+$0x1AA00] =	vst v1;
	v31 =	vld [tilespmem:s1+$0x1B800];
	v26 =	vadd.f32 v30, v26  }
0x405: {  	[tilespmem:s19+$0x1A900] =	vst v1;
	v30 =	vld [tilespmem:s19+$0x1B300]  }
0x406: {  	v32 =	vld [tilespmem:s1+$0x1B900];
	[tilespmem:s19+$0x1AB00] =	vst v1;
	v26 =	vadd.f32 v28, v26  }
0x407: {  	[tilespmem:s19+$0x1AC00] =	vst v1;
	v27 =	vadd.f32 $0.0e+00, v27;
	v28 =	vld [tilespmem:s19+$0x1B400]  }
0x408: {  	v33 =	vld [tilespmem:s1+$0x1BA00];
	[tilespmem:s19+$0x1AD00] =	vst v1;
	v26 =	vadd.f32 v29, v26  }
0x409: {  	v27 =	vadd.f32 v31, v27;
	[tilespmem:s19+$0x1AE00] =	vst v1;
	v29 =	vld [tilespmem:s19+$0x1B500]  }
0x40a: {  	v34 =	vld [tilespmem:s1+$0x1BB00];
	[tilespmem:s19+$0x1AF00] =	vst v1;
	v26 =	vadd.f32 v30, v26  }
0x40b: {  	v27 =	vadd.f32 v32, v27;
	[tilespmem:s19+$0x1B000] =	vst v1;
	v30 =	vld [tilespmem:s19+$0x1B600]  }
0x40c: {  	v35 =	vld [tilespmem:s1+$0x1BC00];
	[tilespmem:s19+$0x1B100] =	vst v1;
	v26 =	vadd.f32 v28, v26  }
0x40d: {  	v27 =	vadd.f32 v33, v27;
	[tilespmem:s19+$0x1B200] =	vst v1  }
0x40e: {  	v36 =	vld [tilespmem:s1+$0x1BD00];
	[tilespmem:s19+$0x1B300] =	vst v1;
	v26 =	vadd.f32 v29, v26  }
0x40f: {  	v27 =	vadd.f32 v34, v27;
	[tilespmem:s19+$0x1B400] =	vst v1  }
0x410: {  	v37 =	vld [tilespmem:s1+$0x1BE00];
	[tilespmem:s19+$0x1B500] =	vst v1;
	v26 =	vadd.f32 v30, v26  }
0x411: {  	s20 =	sadd.s32 $0x10, s2;
	v27 =	vadd.f32 v35, v27;
	[tilespmem:s19+$0x1B600] =	vst v1  }
0x412: {  	v28 =	vld [tilespmem:s1+$0x1BF00];
	[tilespmem:s20+$0xFFFFFF00] =	vst v26  }
0x413: {  	[tilespmem:s0+$0x1C400] =	vst v1;
	v26 =	vadd.f32 v36, v27;
	v27 =	vld [tilespmem:s19+$0x1B700]  }
0x414: {  	[tilespmem:s0+$0x1C500] =	vst v1;
	v29 =	vld [tilespmem:s1+$0x1C000]  }
0x415: {  	[tilespmem:s0+$0x1C600] =	vst v1;
	v30 =	vld [tilespmem:s19+$0x1B800];
	v26 =	vadd.f32 v37, v26  }
0x416: {  	[tilespmem:s1+$0x1B900] =	vst v1;
	v31 =	vld [tilespmem:s1+$0x1C100]  }
0x417: {  	[tilespmem:s1+$0x1B800] =	vst v1;
	v26 =	vadd.f32 v28, v26;
	v28 =	vld [tilespmem:s19+$0x1B900]  }
0x418: {  	[tilespmem:s1+$0x1BA00] =	vst v1;
	v62 =	vld [tilespmem:s1+$0x1C200];
	v27 =	vadd.f32 $0.0e+00, v27  }
0x419: {  	v22 =	vadd.f32 v22, v25;
	[tilespmem:s1+$0x1B700] =	vst v1;
	v26 =	vadd.f32 v29, v26;
	v29 =	vld [tilespmem:s19+$0x1BA00]  }
0x41a: {  	[tilespmem:s1+$0x1BB00] =	vst v1;
	v27 =	vadd.f32 v30, v27;
	v30 =	vld [tilespmem:s1+$0x1C300]  }
0x41b: {  	v22 =	vadd.f32 v23, v22;
	[tilespmem:s1+$0x1BC00] =	vst v1;
	v26 =	vadd.f32 v31, v26;
	v31 =	vld [tilespmem:s19+$0x1BB00]  }
0x41c: {  	[tilespmem:s1+$0x1BD00] =	vst v1;
	v27 =	vadd.f32 v28, v27;
	v28 =	vld [tilespmem:s1+$0x1C400]  }
0x41d: {  	[tilespmem:s1+$0x1BE00] =	vst v1;
	v22 =	vadd.f32 v24, v22;
	v25 =	vadd.f32 v62, v26;
	v26 =	vld [tilespmem:s19+$0x1BC00]  }
0x41e: {  	[tilespmem:s1+$0x1C200] =	vst v1;
	v27 =	vadd.f32 v29, v27;
	v29 =	vld [tilespmem:s1+$0x1C500]  }
0x41f: {  	[tilespmem:s3+$0x0] =	vst v22;
	v23 =	vadd.f32 v30, v25;
	v25 =	vld [tilespmem:s19+$0x1BD00]  }
0x420: {  	[tilespmem:s1+$0x1C100] =	vst v1;
	v30 =	vld [tilespmem:s1+$0x1C600];
	v27 =	vadd.f32 v31, v27  }
0x421: {  	[tilespmem:s1+$0x1BF00] =	vst v1;
	v24 =	vld [tilespmem:s19+$0x1BE00];
	v23 =	vadd.f32 v28, v23  }
0x422: {  	[tilespmem:s1+$0x1C000] =	vst v1;
	v26 =	vadd.f32 v26, v27  }
0x423: {  	[tilespmem:s1+$0x1C300] =	vst v1;
	v22 =	vadd.f32 v29, v23;
	v23 =	vld [tilespmem:s19+$0x1BF00]  }
0x424: {  	[tilespmem:s1+$0x1C400] =	vst v1;
	v25 =	vadd.f32 v25, v26  }
0x425: {  	[tilespmem:s1+$0x1C500] =	vst v1;
	v26 =	vld [tilespmem:s19+$0x1C000];
	v22 =	vadd.f32 v30, v22  }
0x426: {  	[tilespmem:s1+$0x1C600] =	vst v1;
	v24 =	vadd.f32 v24, v25  }
0x427: {  	[tilespmem:s2+$0x0] =	vst v22;
	v22 =	vld [tilespmem:s19+$0x1C100]  }
0x428: {  	[tilespmem:s19+$0x1B800] =	vst v1;
	v23 =	vadd.f32 v23, v24  }
0x429: {  	[tilespmem:s19+$0x1B700] =	vst v1;
	v24 =	vld [tilespmem:s19+$0x1C200]  }
0x42a: {  	[tilespmem:s19+$0x1BE00] =	vst v1;
	v23 =	vadd.f32 v26, v23  }
0x42b: {  	[tilespmem:s19+$0x1B900] =	vst v1;
	v25 =	vld [tilespmem:s19+$0x1C300]  }
0x42c: {  	[tilespmem:s19+$0x1BA00] =	vst v1;
	v22 =	vadd.f32 v22, v23  }
0x42d: {  	[tilespmem:s19+$0x1BB00] =	vst v1;
	v23 =	vld [tilespmem:s19+$0x1C400]  }
0x42e: {  	[tilespmem:s19+$0x1BC00] =	vst v1;
	v22 =	vadd.f32 v24, v22  }
0x42f: {  	[tilespmem:s19+$0x1BD00] =	vst v1;
	v24 =	vld [tilespmem:s19+$0x1C500]  }
0x430: {  	[tilespmem:s19+$0x1BF00] =	vst v1;
	v22 =	vadd.f32 v25, v22  }
0x431: {  	[tilespmem:s19+$0x1C000] =	vst v1;
	v25 =	vld [tilespmem:s19+$0x1C600]  }
0x432: {  	[tilespmem:s19+$0x1C300] =	vst v1;
	v22 =	vadd.f32 v23, v22  }
0x433: {  	[tilespmem:s19+$0x1C100] =	vst v1  }
0x434: {  	[tilespmem:s19+$0x1C200] =	vst v1;
	v22 =	vadd.f32 v24, v22  }
0x435: {  	[tilespmem:s19+$0x1C400] =	vst v1  }
0x436: {  	[tilespmem:s19+$0x1C500] =	vst v1;
	v22 =	vadd.f32 v25, v22  }
0x437: {  	[tilespmem:s19+$0x1C600] =	vst v1  }
0x438: {  	s21 =	simm.s32 $0x0;
	[tilespmem:s20+$0x0] =	vst v22  }
0x439: {  	v23 =	vld [tilespmem:s21+$0x1C7F0];
	_ =	sdelay $0x4  }
0x43a: {  	v26 =	vperm.xlane v23, v6  }
0x43b: {  	(xrf2) =	vadd.scan.msk.f32 $0xffff, v23  }
0x43c: {  	(xrf2) =	vadd.scan.msk.f32 $0xffff, v26;
	_ =	sdelay $0x8  }
0x43d: {  	v24, _, _ =	vpop (xrf2)  }
0x43e: {  	s18 =	ssub.f32 $9.990000000e+02, s18;
	s0 =	simm.f32 $0.0e+00;
	v27, _, _ =	vpop (xrf2)  }
0x43f: {  	v25 =	vadd.f32 s0, v27  }
0x440: {  	v22 =	vmov s18;
	v23 =	vmax.f32 v23, $1.000000000e+00  }
0x441: {  	(erf) = vrcp.f32 v23;
	vm1 =	vge.f32 v25, v22  }
0x442: {  	v23 =	vmctz.xlane vm1;
	_ =	sdelay $0x1  }
0x443: {  	v23 =	vxor.u32 $0x80000000, v23  }
0x444: {  	(xrf0) =	vmax.scan.msk.u32 $0xffff, v23;
	_ =	sdelay $0x1  }
0x445: {  	v23 =	vld [tilespmem:s21+$0x1C8F0];
	_ =	sdelay $0x2  }
0x446: {  	v25 =	vpop (erf)  }
0x447: {  	(v2sf) =	vpush v24, $0xF;
	v24, _, _ =	vpop (xrf0)  }
0x448: {  	v25 =	vmul.f32 v25, v23;
	(v2sf) =	vpush v24, $0xF  }
0x449: {  	s22 =	simm.s32 $0xFFFFFFF0  }
0x44a: {  	v29 =	vmul.f32 v25, v23;
	v24 =	vld [tilespmem:s22+$0x1C7F0];
	_ =	sdelay $0x1  }
0x44b: {  	v30 =	vperm.xlane v29, v6  }
0x44c: {  	(xrf2) =	vadd.scan.msk.f32 $0xffff, v23;
	v23 =	vperm.xlane v23, v6  }
0x44d: {  	(xrf2) =	vadd.scan.msk.f32 $0xffff, v30  }
0x44e: {  	v31 =	vperm.xlane v24, v6;
	(xrf2) =	vadd.scan.msk.f32 $0xffff, v23  }
0x44f: {  	(xrf2) =	vadd.scan.msk.f32 $0xffff, v24  }
0x450: {  	(xrf2) =	vadd.scan.msk.f32 $0xffff, v31;
	_ =	sdelay $0x2  }
0x451: {  	v24 =	vmax.f32 v24, $1.000000000e+00  }
0x452: {  	(erf) = vrcp.f32 v24  }
0x453: {  	s23 =	spop (v2sf)  }
0x454: {  	v24 =	vld [tilespmem:s22+$0x1C8F0];
	v63, _, _ =	vpop (xrf2);
	s24 =	spop (v2sf)  }
0x455: {  	s2 =	sadd.f32 s23, s0;
	v45, _, _ =	vpop (xrf2);
	s25 =	sxor.u32 $0x80000000, s24  }
0x456: {  	v25 =	vperm.xlane v25, v6;
	v46, _, _ =	vpop (xrf2);
	v28 =	vmov s25  }
0x457: {  	p0 =	por $0x0, $0x0;
	s1 =	smov.u32 s2;
	v47, _, _ =	vpop (xrf2);
	vm1 =	veq.s32 v28, v0  }
0x458: {  	s1 =	smov.u32 @p0 s0;
	v48, _, _ =	vpop (xrf2);
	v25 =	vnsel vm1, $0x0, v25  }
0x459: {  	(xrf2) =	vadd.scan.msk.f32 $0xffff, v24;
	v28 =	vadd.f32 s1, v48  }
0x45a: {  	(xrf2) =	vadd.scan.msk.f32 $0xffff, v25  }
0x45b: {  	vm2 =	vge.f32 v28, v22;
	v25 =	vpop (erf)  }
0x45c: {  	v49 =	vmul.f32 v25, v24;
	v25 =	vmctz.xlane vm2;
	_ =	sdelay $0x1  }
0x45d: {  	v25 =	vxor.u32 $0x80000000, v25  }
0x45e: {  	(xrf0) =	vmax.scan.msk.u32 $0xffff, v25  }
0x45f: {  	v28 =	vmul.f32 v49, v24;
	_ =	sdelay $0x1  }
0x460: {  	v38 =	vperm.xlane v28, v6  }
0x461: {  	v25, _, _ =	vpop (xrf2)  }
0x462: {  	s26 =	simm.s32 $0xFFFFFFE0;
	(v2sf) =	vpush v47, $0xF;
	v33 =	vnsel vm1, $0x0, v45;
	(xrf2) =	vadd.scan.msk.f32 $0xffff, v38;
	v50, _, _ =	vpop (xrf2)  }
0x463: {  	v39 =	vld [tilespmem:s26+$0x1C7F0];
	v51 =	vperm.xlane v24, v6;
	v34 =	vnsel vm1, $0x0, v46;
	(xrf2) =	vadd.scan.msk.f32 $0xffff, v33;
	(v2sf) =	vpush v50, $0xF;
	v24, _, _ =	vpop (xrf0)  }
0x464: {  	v30 =	vnsel vm1, $0x0, v30;
	(xrf2) =	vadd.scan.msk.f32 $0xffff, v34;
	(v2sf) =	vpush v24, $0xF  }
0x465: {  	v23 =	vnsel vm1, $0x0, v23;
	(xrf2) =	vadd.scan.msk.f32 $0xffff, v30  }
0x466: {  	(xrf2) =	vadd.scan.msk.f32 $0xffff, v23  }
0x467: {  	(xrf2) =	vadd.scan.msk.f32 $0xffff, v51  }
0x468: {  	(xrf2) =	vadd.scan.msk.f32 $0xffff, v39;
	_ =	sdelay $0x2  }
0x469: {  	v24 =	vperm.xlane v39, v6  }
0x46a: {  	v23 =	vmax.f32 v39, $1.000000000e+00;
	v52, _, _ =	vpop (xrf2)  }
0x46b: {  	v54 =	vld [tilespmem:s26+$0x1C8F0];
	(erf) = vrcp.f32 v23;
	v23 =	vnsel vm1, $0x0, v27;
	(xrf2) =	vadd.scan.msk.f32 $0xffff, v24;
	v27, _, _ =	vpop (xrf2)  }
0x46c: {  	(xrf2) =	vadd.scan.msk.f32 $0xffff, v23;
	v53, _, _ =	vpop (xrf2)  }
0x46d: {  	v40, _, _ =	vpop (xrf2)  }
0x46e: {  	v41, _, _ =	vpop (xrf2)  }
0x46f: {  	s28 =	spop (v2sf);
	v42, _, _ =	vpop (xrf2)  }
0x470: {  	(v2sf) =	vpush v27, $0xF;
	v23, _, _ =	vpop (xrf2);
	(xrf2) =	vadd.scan.msk.f32 $0xffff, v54;
	s4 =	spop (v2sf)  }
0x471: {  	(v2sf) =	vpush v23, $0xF;
	v23 =	vnsel vm1, $0x0, v26;
	(xrf2) =	vadd.scan.msk.f32 $0xffff, v29;
	s29 =	spop (v2sf)  }
0x472: {  	p2 =	sge.f32 s2, s18;
	s3 =	sadd.f32 s28, s1;
	(xrf2) =	vadd.scan.msk.f32 $0xffff, v23;
	s30 =	sxor.u32 $0x80000000, s29  }
0x473: {  	v23 =	vperm.xlane v49, v6;
	v29 =	vmov s30  }
0x474: {  	p1 =	por p0, p2;
	s2 =	smov.u32 s3;
	v26 =	vpop (erf);
	vm1 =	veq.s32 v29, v0  }
0x475: {  	s2 =	smov.u32 @p1 s1;
	v30 =	vmul.f32 v26, v54;
	v27, _, _ =	vpop (xrf2);
	v23 =	vnsel vm1, $0x0, v23  }
0x476: {  	v55, _, _ =	vpop (xrf2);
	(xrf2) =	vadd.scan.msk.f32 $0xffff, v23;
	v23 =	vadd.f32 s2, v27  }
0x477: {  	v26 =	vmul.f32 v30, v54;
	(v2sf) =	vpush v55, $0xF;
	_ =	sdelay $0x1  }
0x478: {  	v29 =	vperm.xlane v26, v6  }
0x479: {  	s6 =	simm.s32 $0xFFFFFFD0;
	vm2 =	vge.f32 v23, v22;
	v23, _, _ =	vpop (xrf2)  }
0x47a: {  	v37 =	vld [tilespmem:s6+$0x1C7F0];
	v33 =	vnsel vm1, $0x0, v52;
	(xrf2) =	vadd.scan.msk.f32 $0xffff, v29;
	v56 =	vmctz.xlane vm2;
	v43, _, _ =	vpop (xrf2)  }
0x47b: {  	v59 =	vnsel vm1, $0x0, v42;
	(xrf2) =	vadd.scan.msk.f32 $0xffff, v33;
	v58, _, _ =	vpop (xrf2)  }
0x47c: {  	v57 =	vxor.u32 $0x80000000, v56;
	(xrf2) =	vadd.scan.msk.f32 $0xffff, v59;
	(v2sf) =	vpush v58, $0xF  }
0x47d: {  	(xrf0) =	vmax.scan.msk.u32 $0xffff, v57;
	(v2sf) =	vpush v41, $0xF  }
0x47e: {  	(v2sf) =	vpush v53, $0xF  }
0x47f: {  	v62 =	vmax.f32 v37, $1.000000000e+00;
	v60 =	vnsel vm1, $0x0, v38;
	s7 =	spop (v2sf);
	(v2sf) =	vpush v40, $0xF  }
0x480: {  	(erf) = vrcp.f32 v62;
	(xrf2) =	vadd.scan.msk.f32 $0xffff, v60  }
0x481: {  	s9 =	simm.s32 $0xFFFFFF00;
	s31 =	spop (v2sf);
	v61, _, _ =	vpop (xrf2);
	(v2sf) =	vpush v63, $0xF  }
0x482: {  	p5 =	por p0, p0;
	p4 =	sge.f32 s3, s18;
	v34 =	vnsel vm1, $0x0, v51;
	s3 =	sadd.f32 s31, s2;
	(v2sf) =	vpush v61, $0xF  }
0x483: {  	s8 =	simm.f32 $0.0e+00;
	v32 =	vperm.xlane v54, v6;
	p3 =	por p2, p2;
	p2 =	por p5, p5;
	(xrf2) =	vadd.scan.msk.f32 $0xffff, v34;
	v63, _, _ =	vpop (xrf0);
	(v2sf) =	vpush v43, $0xF  }
0x484: {  	p0 =	por p1, p4;
	p1 =	por p1, p1;
	s5 =	smov.u32 s3;
	v35, _, _ =	vpop (xrf2);
	(v2sf) =	vpush v63, $0xF  }
0x485: {  	v36 =	vnsel vm1, $0x0, v48;
	v33 =	vnsel vm1, $0x0, v31;
	v31 =	vperm.xlane v37, v6;
	v34 =	vld [tilespmem:s6+$0x1C8F0];
	s6 =	simm.f32 $0.0e+00;
	(xrf2) =	vadd.scan.msk.f32 $0xffff, v32;
	s5 =	smov.u32 @p0 s2;
	s17 =	spop (v2sf);
	v38, _, _ =	vpop (xrf2)  }
.LBB2_15:
0x486: {  	s11 =	smov.u32 s6;
	s14 =	smov.u32 s0;
	s10 =	smov.u32 s5  }
0x487: {  	p5 =	sne.s32 s9, $0xFFFFFC40;
	s5 =	smov.u32 s9;
	s9 =	sadd.s32 $0xFFFFFFC0, s9;
	v39, _, _ =	vpop (xrf2)  }
0x488: {  	s0 =	sadd.f32 s17, s8;
	s8 =	smov.u32 s1;
	s1 =	smov.u32 s2  }
0x489: {  	s2 =	smov.u32 s10;
	v40 =	vpop (erf);
	(xrf2) =	vadd.scan.msk.f32 $0xffff, v37;
	v37 =	vperm.xlane v30, v6  }
0x48a: {  	v30 =	vmul.f32 v40, v34;
	v40, _, _ =	vpop (xrf2)  }
0x48b: {  	(v2sf) =	vpush v38, $0xF;
	s6 =	spop (v2sf)  }
0x48c: {  	(xrf2) =	vadd.scan.msk.f32 $0xffff, v31;
	s0 =	ssub.f32 s6, s0;
	s6 =	spop (v2sf)  }
0x48d: {  	v38 =	vmul.f32 v30, v34;
	v41, _, _ =	vpop (xrf2);
	s15 =	spop (v2sf)  }
0x48e: {  	s0 =	sadd.f32 s0, s18;
	s16 =	spop (v2sf)  }
0x48f: {  	v42 =	vperm.xlane v38, v6;
	(xrf2) =	vadd.scan.msk.f32 $0xffff, v36;
	s7 =	ssub.f32 s7, s16  }
0x490: {  	v43, _, _ =	vpop (xrf2);
	s0 =	smul.f32 s0, s4;
	s16 =	spop (v2sf)  }
0x491: {  	s6 =	ssub.f32 s15, s6;
	s17 =	spop (v2sf)  }
0x492: {  	(xrf2) =	vadd.scan.msk.f32 $0xffff, v34;
	s15 =	smul.f32 s0, s4;
	s19 =	spop (v2sf);
	s4 =	smov.u32 s17  }
0x493: {  	s0 =	sadd.f32 s0, s6;
	v36, _, _ =	vpop (xrf2);
	s17 =	spop (v2sf)  }
0x494: {  	(v2sf) =	vpush v36, $0xF;
	s6 =	sxor.u32 $0x80000000, s17;
	s7 =	sadd.f32 s15, s7  }
0x495: {  	s16 =	smov.u32 @p3 s0;
	v36 =	vmov s6;
	(xrf2) =	vadd.scan.msk.f32 $0xffff, v28;
	v28 =	vmov v26;
	v26 =	vmov v38  }
0x496: {  	s0 =	sadd.f32 s16, s14;
	v38, _, _ =	vpop (xrf2);
	vm1 =	veq.s32 v36, v0;
	s19 =	smov.u32 @p3 s7;
	p3 =	por p4, p4  }
0x497: {  	v36 =	vnsel vm1, $0x0, v27;
	v44 =	vnsel vm1, $0x0, v24;
	v37 =	vnsel vm1, $0x0, v37;
	s6 =	sadd.f32 s19, s11;
	v27 =	vmovc v38;
	v24 =	vmovc v31  }
0x498: {  	v38 =	vnsel vm1, $0x0, v43;
	v31 =	vnsel vm1, $0x0, v35;
	v43 =	vnsel vm1, $0x0, v32;
	s0 =	smov.u32 @p2 s14;
	(xrf2) =	vadd.scan.msk.f32 $0xffff, v33;
	v33 =	vmovc v44  }
0x499: {  	v35 =	vnsel vm1, $0x0, v29;
	v29 =	vmov v42;
	v32, _, _ =	vpop (xrf2);
	s6 =	smov.u32 @p2 s11;
	p2 =	por p1, p1;
	p1 =	por p0, p0  }
0x49a: {  	s7 =	spop (v2sf)  }
0x49b: {  	(xrf2) =	vadd.scan.msk.f32 $0xffff, v37  }
0x49c: {  	v37 =	vadd.f32 s10, v27;
	v42, _, _ =	vpop (xrf2);
	(v2sf) =	vpush v32, $0xF;
	_ =	sdelay $0x1  }
0x49d: {  	s11 =	sshra.s32 s5, $0x2;
	vm1 =	vge.f32 v37, v22;
	(xrf2) =	vadd.scan.msk.f32 $0xffff, v29  }
0x49e: {  	v32 =	vperm.xlane v34, v6;
	v34 =	vmctz.xlane vm1;
	v37 =	vld [tilespmem:s11+$0x1C7F0];
	v44, _, _ =	vpop (xrf2);
	_ =	sdelay $0x1  }
0x49f: {  	v34 =	vxor.u32 $0x80000000, v34;
	(xrf2) =	vadd.scan.msk.f32 $0xffff, v31  }
0x4a0: {  	v31, _, _ =	vpop (xrf2)  }
0x4a1: {  	s5 =	spop (v2sf)  }
0x4a2: {  	p4 =	sge.f32 s3, s18;
	(xrf0) =	vmax.scan.msk.u32 $0xffff, v34;
	(v2sf) =	vpush v31, $0xF;
	s3 =	sadd.f32 s5, s10  }
0x4a3: {  	v34 =	vmax.f32 v37, $1.000000000e+00;
	v31 =	vperm.xlane v37, v6;
	(xrf2) =	vadd.scan.msk.f32 $0xffff, v38;
	(v2sf) =	vpush v41, $0xF  }
0x4a4: {  	p0 =	por p0, p4;
	v38, _, _ =	vpop (xrf2);
	(v2sf) =	vpush v39, $0xF;
	s5 =	smov.u32 s3  }
0x4a5: {  	(v2sf) =	vpush v40, $0xF;
	s5 =	smov.u32 @p0 s10  }
0x4a6: {  	(erf) = vrcp.f32 v34;
	(xrf2) =	vadd.scan.msk.f32 $0xffff, v35  }
0x4a7: {  	v35, _, _ =	vpop (xrf2);
	(v2sf) =	vpush v25, $0xF;
	v25 =	vmov v23;
	v23 =	vmov v42  }
.Ltmp6:
0x4a8: {  	v39, _, _ =	vpop (xrf0);
	(v2sf) =	vpush v38, $0xF;
	(pc) =	sbr.rel @p5 .LBB2_15-.Ltmp6, $3  }
0x4a9: {  	v34 =	vld [tilespmem:s11+$0x1C8F0];
	(xrf2) =	vadd.scan.msk.f32 $0xffff, v43;
	(v2sf) =	vpush v44, $0xF  }
0x4aa: {  	(v2sf) =	vpush v39, $0xF;
	v38, _, _ =	vpop (xrf2);
	s17 =	spop (v2sf);
	_ =	sdelay $0x1  }
0x4ab: {  	(xrf2) =	vadd.scan.msk.f32 $0xffff, v32  }
0x4ac: {  	_ =	sdelay $0x4  }
0x4ad: {  	(xrf2) =	vadd.scan.msk.f32 $0xffff, v37;
	s24 =	spop (v2sf)  }
0x4ae: {  	(xrf2) =	vadd.scan.msk.f32 $0xffff, v31;
	s20 =	spop (v2sf)  }
0x4af: {  	s21 =	spop (v2sf)  }
0x4b0: {  	s22 =	spop (v2sf)  }
0x4b1: {  	(xrf2) =	vadd.scan.msk.f32 $0xffff, v36;
	s10 =	spop (v2sf)  }
0x4b2: {  	(xrf2) =	vadd.scan.msk.f32 $0xffff, v34;
	s9 =	spop (v2sf)  }
0x4b3: {  	v49, _, _ =	vpop (xrf2);
	(xrf2) =	vadd.scan.msk.f32 $0xffff, v28;
	s11 =	spop (v2sf)  }
0x4b4: {  	v50, _, _ =	vpop (xrf2);
	(xrf2) =	vadd.scan.msk.f32 $0xffff, v33;
	s14 =	spop (v2sf)  }
0x4b5: {  	v51, _, _ =	vpop (xrf2);
	s14 =	sxor.u32 $0x80000000, s14  }
0x4b6: {  	v30 =	vperm.xlane v30, v6;
	v52, _, _ =	vpop (xrf2);
	v39 =	vmov s14  }
0x4b7: {  	v40, _, _ =	vpop (xrf2);
	vm1 =	veq.s32 v39, v0  }
0x4b8: {  	v53, _, _ =	vpop (xrf2);
	v30 =	vnsel vm1, $0x0, v30  }
0x4b9: {  	v54 =	vadd.f32 s5, v53;
	(xrf2) =	vadd.scan.msk.f32 $0xffff, v30;
	_ =	sdelay $0x1  }
0x4ba: {  	v41, _, _ =	vpop (xrf2);
	vm2 =	vge.f32 v54, v22  }
0x4bb: {  	(v2sf) =	vpush v38, $0xF;
	v22, _, _ =	vpop (xrf2);
	v30 =	vmctz.xlane vm2  }
0x4bc: {  	(v2sf) =	vpush v40, $0xF;
	v55, _, _ =	vpop (xrf2)  }
0x4bd: {  	(v2sf) =	vpush v41, $0xF;
	v56, _, _ =	vpop (xrf2);
	v30 =	vxor.u32 $0x80000000, v30  }
0x4be: {  	(v2sf) =	vpush v56, $0xF;
	(xrf0) =	vmax.scan.msk.u32 $0xffff, v30  }
0x4bf: {  	(v2sf) =	vpush v51, $0xF  }
0x4c0: {  	(v2sf) =	vpush v49, $0xF  }
0x4c1: {  	(v2sf) =	vpush v50, $0xF  }
0x4c2: {  	(v2sf) =	vpush v25, $0xF;
	v57, _, _ =	vpop (xrf2)  }
0x4c3: {  	v58 =	vpop (erf);
	(v2sf) =	vpush v57, $0xF  }
0x4c4: {  	v25 =	vmul.f32 v58, v34;
	v59, _, _ =	vpop (xrf0);
	(v2sf) =	vpush v55, $0xF  }
0x4c5: {  	(v2sf) =	vpush v59, $0xF  }
0x4c6: {  	v60 =	vmul.f32 v25, v34;
	_ =	sdelay $0x1  }
0x4c7: {  	v61 =	vperm.xlane v60, v6;
	_ =	sdelay $0x1  }
0x4c8: {  	v62 =	vnsel vm1, $0x0, v35;
	s16 =	spop (v2sf);
	(xrf2) =	vadd.scan.msk.f32 $0xffff, v61  }
0x4c9: {  	v63 =	vnsel vm1, $0x0, v52;
	s15 =	spop (v2sf);
	(xrf2) =	vadd.scan.msk.f32 $0xffff, v62  }
0x4ca: {  	v29 =	vnsel vm1, $0x0, v29;
	s28 =	spop (v2sf);
	(xrf2) =	vadd.scan.msk.f32 $0xffff, v63  }
0x4cb: {  	v36 =	vperm.xlane v34, v6;
	v32 =	vnsel vm1, $0x0, v32;
	(xrf2) =	vadd.scan.msk.f32 $0xffff, v29;
	s29 =	spop (v2sf)  }
0x4cc: {  	(xrf2) =	vadd.scan.msk.f32 $0xffff, v32;
	s25 =	spop (v2sf)  }
0x4cd: {  	(xrf2) =	vadd.scan.msk.f32 $0xffff, v36;
	s26 =	spop (v2sf)  }
0x4ce: {  	s30 =	spop (v2sf)  }
0x4cf: {  	v27 =	vnsel vm1, $0x0, v27;
	s23 =	spop (v2sf)  }
0x4d0: {  	(xrf2) =	vadd.scan.msk.f32 $0xffff, v27;
	s14 =	spop (v2sf)  }
0x4d1: {  	v24 =	vnsel vm1, $0x0, v24;
	(xrf2) =	vadd.scan.msk.f32 $0xffff, v26;
	s19 =	spop (v2sf)  }
0x4d2: {  	(xrf2) =	vadd.scan.msk.f32 $0xffff, v24;
	v37, _, _ =	vpop (xrf2);
	s31 =	spop (v2sf)  }
0x4d3: {  	v38, _, _ =	vpop (xrf2);
	s31 =	sxor.u32 $0x80000000, s31  }
0x4d4: {  	v25 =	vperm.xlane v25, v6;
	v41, _, _ =	vpop (xrf2);
	v40 =	vmov s31  }
0x4d5: {  	v42, _, _ =	vpop (xrf2);
	vm1 =	veq.s32 v40, v0  }
0x4d6: {  	v43, _, _ =	vpop (xrf2);
	v25 =	vnsel vm1, $0x0, v25  }
0x4d7: {  	s8 =	sadd.f32 s17, s8;
	v44, _, _ =	vpop (xrf2);
	v24 =	vnsel vm1, $0x0, v37;
	(xrf2) =	vadd.scan.msk.f32 $0xffff, v25  }
0x4d8: {  	v45 =	vnsel vm1, $0x0, v44;
	(xrf2) =	vadd.scan.msk.f32 $0xffff, v24  }
0x4d9: {  	s8 =	ssub.f32 s24, s8;
	v47 =	vnsel vm1, $0x0, v61;
	(xrf2) =	vadd.scan.msk.f32 $0xffff, v45  }
0x4da: {  	(v2sf) =	vpush v38, $0xF;
	v46, _, _ =	vpop (xrf2);
	v49 =	vnsel vm1, $0x0, v36;
	(xrf2) =	vadd.scan.msk.f32 $0xffff, v47  }
0x4db: {  	s8 =	sadd.f32 s8, s18;
	v48, _, _ =	vpop (xrf2);
	(v2sf) =	vpush v46, $0xF;
	v51 =	vnsel vm1, $0x0, v53;
	(xrf2) =	vadd.scan.msk.f32 $0xffff, v49  }
0x4dc: {  	v50, _, _ =	vpop (xrf2);
	(xrf2) =	vadd.scan.msk.f32 $0xffff, v51  }
0x4dd: {  	s8 =	smul.f32 s8, s4;
	(v2sf) =	vpush v50, $0xF;
	v52 =	vnsel vm1, $0x0, v31;
	(xrf2) =	vadd.scan.msk.f32 $0xffff, v60  }
0x4de: {  	s20 =	ssub.f32 s21, s20;
	(v2sf) =	vpush v43, $0xF;
	(xrf2) =	vadd.scan.msk.f32 $0xffff, v52  }
0x4df: {  	v14 =	vadd.f32 v17, v14;
	s7 =	ssub.f32 s7, s22;
	s4 =	smul.f32 s8, s4  }
0x4e0: {  	v13 =	vadd.f32 v15, v13;
	s8 =	sadd.f32 s8, s20  }
0x4e1: {  	v14 =	vadd.f32 v18, v14;
	s4 =	sadd.f32 s4, s7;
	(v2sf) =	vpush v41, $0xF;
	v53, _, _ =	vpop (xrf2)  }
0x4e2: {  	v13 =	vadd.f32 v16, v13;
	s10 =	smov.u32 @p3 s8;
	s1 =	sadd.f32 s28, s1;
	(v2sf) =	vpush v42, $0xF;
	v54, _, _ =	vpop (xrf2)  }
0x4e3: {  	v14 =	vadd.f32 v19, v14;
	s11 =	smov.u32 @p3 s4;
	s4 =	sadd.f32 s10, s0;
	(v2sf) =	vpush v23, $0xF;
	v55, _, _ =	vpop (xrf2)  }
0x4e4: {  	v13 =	vadd.f32 v21, v13;
	s1 =	ssub.f32 s29, s1;
	(v2sf) =	vpush v53, $0xF;
	v56, _, _ =	vpop (xrf2)  }
0x4e5: {  	v14 =	vadd.f32 v20, v14;
	s10 =	sadd.f32 s11, s6;
	v61 =	vmul.f32 $6.250000000e-02, v9;
	(v2sf) =	vpush v48, $0xF;
	v57, _, _ =	vpop (xrf2)  }
0x4e6: {  	v59 =	vmul.f32 v9, v9;
	s1 =	sadd.f32 s1, s18;
	vm1 =	vgt.s32 v10, v11;
	(v2sf) =	vpush v54, $0xF;
	v58, _, _ =	vpop (xrf2)  }
0x4e7: {  	s28 =	sadd.f32 s15, s5;
	v63 =	vnsel vm1, $0x0, v61;
	(v2sf) =	vpush v58, $0xF;
	v60, _, _ =	vpop (xrf2)  }
0x4e8: {  	s22 =	ssub.f32 s26, s25;
	s1 =	smul.f32 s1, s9;
	v10 =	vmul.f32 $6.250000000e-02, v59;
	v11 =	vadd.f32 v12, v13;
	v12 =	vsub.f32 v14, v63;
	v62, _, _ =	vpop (xrf2)  }
0x4e9: {  	s21 =	ssub.f32 s16, s30;
	s24 =	spop (v2sf);
	(v2sf) =	vpush v62, $0xF  }
0x4ea: {  	s9 =	smul.f32 s1, s9;
	v10 =	vnsel vm1, $0x0, v10;
	s25 =	spop (v2sf);
	(xrf2) =	vadd.scan.msk.f32 $0xffff, v12;
	(v2sf) =	vpush v57, $0xF  }
0x4eb: {  	s4 =	smov.u32 @p2 s0;
	s0 =	sadd.f32 s1, s22;
	v10 =	vsub.f32 v11, v10  }
0x4ec: {  	p3 =	por p4, p4;
	s7 =	sadd.f32 s9, s21;
	s26 =	spop (v2sf);
	(v2sf) =	vpush v55, $0xF  }
0x4ed: {  	s23 =	smov.u32 @p3 s0;
	s0 =	sadd.f32 s25, s2;
	(xrf2) =	vadd.scan.msk.f32 $0xffff, v10;
	s29 =	spop (v2sf);
	(v2sf) =	vpush v56, $0xF  }
0x4ee: {  	s10 =	smov.u32 @p2 s6;
	s6 =	sadd.f32 s23, s4  }
0x4ef: {  	p6 =	sge.f32 s3, s18;
	s19 =	smov.u32 @p3 s7;
	s0 =	ssub.f32 s26, s0  }
0x4f0: {  	s7 =	sadd.f32 s19, s10;
	s30 =	spop (v2sf)  }
0x4f1: {  	p1 =	por p1, p1;
	s31 =	spop (v2sf);
	s0 =	sadd.f32 s0, s18;
	(v2sf) =	vpush v22, $0xF  }
0x4f2: {  	(xrf0) =	vmax.scan.msk.f32 $0xffff, v9;
	s6 =	smov.u32 @p1 s4;
	s2 =	ssub.f32 s30, s29;
	s4 =	spop (v2sf)  }
0x4f3: {  	s0 =	smul.f32 s0, s14;
	(v2sf) =	vpush v60, $0xF;
	s11 =	spop (v2sf)  }
0x4f4: {  	s7 =	smov.u32 @p1 s10;
	s1 =	ssub.f32 s24, s31;
	v9, _, _ =	vpop (xrf2);
	s10 =	spop (v2sf)  }
0x4f5: {  	s15 =	smul.f32 s0, s14;
	(v2sf) =	vpush v9, $0xF;
	s16 =	spop (v2sf)  }
0x4f6: {  	s0 =	sadd.f32 s0, s2;
	s17 =	spop (v2sf)  }
0x4f7: {  	v9, _, _ =	vpop (xrf2);
	s19 =	sadd.f32 s17, s5  }
0x4f8: {  	p1 =	por p6, p6;
	s1 =	sadd.f32 s15, s1;
	s20 =	spop (v2sf);
	(v2sf) =	vpush v9, $0xF;
	v9, _, _ =	vpop (xrf0)  }
0x4f9: {  	s4 =	smov.u32 @p1 s0;
	s0 =	ssub.f32 s20, s19;
	s21 =	spop (v2sf);
	(v2sf) =	vpush v9, $0xF  }
0x4fa: {  	s3 =	sadd.f32 s4, s6  }
0x4fb: {  	s10 =	smov.u32 @p1 s1;
	s22 =	spop (v2sf);
	s0 =	sadd.f32 s0, s18  }
0x4fc: {  	s1 =	sadd.f32 s10, s7;
	s23 =	spop (v2sf)  }
0x4fd: {  	p4 =	por p0, p0;
	s4 =	ssub.f32 s22, s21;
	s0 =	smul.f32 s0, s11  }
0x4fe: {  	p5 =	sge.f32 s28, s18;
	p1 =	por p4, p4;
	s2 =	ssub.f32 s16, s23  }
0x4ff: {  	s3 =	smov.u32 @p1 s6;
	s24 =	smul.f32 s0, s11;
	s0 =	sadd.f32 s0, s4  }
0x500: {  	s1 =	smov.u32 @p1 s7;
	p1 =	por p5, p5;
	s4 =	spop (v2sf)  }
0x501: {  	p6 =	por p0, p6;
	s2 =	sadd.f32 s24, s2;
	s4 =	smov.u32 @p1 s0  }
0x502: {  	p0 =	por p6, p6;
	s5 =	spop (v2sf);
	s0 =	sadd.f32 s4, s3  }
0x503: {  	p0 =	por p0, p0;
	s5 =	smov.u32 @p1 s2  }
0x504: {  	s25 =	spop (v2sf);
	s2 =	sadd.f32 s5, s1;
	s0 =	smov.u32 @p0 s3  }
0x505: {  	s0 =	sadd.f32 s0, s25;
	_ =	sdelay $0x1  }
0x506: {  	s2 =	smov.u32 @p0 s1;
	s26 =	spop (v2sf);
	s0 =	sadd.f32 s0, s0  }
0x507: {  	s28 =	sadd.f32 s2, s26;
	s29 =	spop (v2sf)  }
0x508: {  	s1 =	sadd.f32 $-1.000000000e+00, s29  }
0x509: {  	s0 =	sadd.f32 s0, s28  }
0x50a: {  	s30 =	smul.f32 $5.000000000e+00, s1  }
0x50b: {  	s0 =	sadd.f32 $9.990000000e+02, s0  }
0x50c: {  	s31 =	rddreg [dreg:$0x8];
	s1 =	smul.f32 s30, s1  }
0x50d: {  	s5 =	sadd.s32 $0x1, s31;
	s0 =	smul.f32 $1.001000990e-03, s0  }
0x50e: {  	p0 =	sne.s32 s5, $0x20  }
.Ltmp7:
0x50f: {  	s0 =	sadd.f32 s0, s1;
	(pc) =	sbr.rel @p0 .LBB2_6-.Ltmp7, $4  }
0x510: {  	_ = 	snop  }
0x511: {  	v9 =	vmov s0  }
0x512: {  	v9 =	vnsel vm0, $0x0, v9  }
0x513: {  	s4 =	simm.s32 $0x0;
	s3 =	simm.s32 $0x1;
	v8 =	vadd.f32 v9, v8  }
0x514: {  	_ = 	snop  }
0x515: {  	s6 =	simm.s32 $0x0;
	s0 =	rddreg [dreg:$0x5];
	s1 =	simm.s32 $0x1C980;
	[tilespmem:$0x1C980] =	vst v8  }
0x516: {  	[hbm4b:s0+s6] =	stream.linear.scatter [tilespmem:s1], [sflag:$0x1], $0x80, $0x38;
	[tilespmem:$0x1CA00] =	vst v63  }
0x517: {  	_ =	swait.ge [sflag:s3], $0x80  }
0x518: {  	s30 =	rddreg [dreg:$0x7]  }
0x519: {  	s31 =	rddreg [dreg:$0x6];
	s1 =	sadd.s32 $0x1, s30  }
0x51a: {  	p0 =	sne.s32 s1, s31  }
.Ltmp8:
0x51b: {  	_ = 	snop;
	(pc) =	sbr.rel @p0 .LBB2_1-.Ltmp8, $3  }
0x51c: {  	_ =	sdelay $0x1  }
0x51d: {  	[sflag:s3] =	ssyncset.done $0x0  }
0x51e: {  	[sflag:s3] =	ssyncadd.s32 $0xFFFFFF80  }
0x51f: {  	_ =	sfence.sel $0x180000  }
0x520: {  	[bflag:$0x0] =	sbarrier.arrive $0xFFFF  }
0x521: {  	_ =	strace $0x90000047  }
0x522: {  	s0 =	stileid.u32;
	[bflag:$0x2] =	sbarrier.arrive $0xFFFF  }
0x523: {  	p0 =	sne.s32 s0, $0x0;
	s0 =	rddreg [dreg:$0x2]  }
0x524: {  	s0 =	sadd.s32 @!p0 $0x100000, s0  }
0x525: {  	[sflag:s0] =	ssyncadd.tile.s32 @!p0 $0x1;
	_ =	shalt  }
.Lfunc_end2:
_tile_overlayer_lowered:
.L_overlay_start_2:
0x526: {  	(tag) =	ssettag $0x2  }
0x527: {  	s0 =	rddreg [dreg:$0x0];
	s2 =	stileid.u32  }
0x528: {  	s1 =	rddreg [dreg:$0x1];
	p0 =	sne.s32 s2, $0x0  }
0x529: {  	s3 =	rddreg [dreg:$0x2];
	[bflag:$0x3] =	sbarrier.arrive $0xFFFF;
	s2 =	simm.s32 @!p0 $0x1C01  }
0x52a: {  	[timem:s3], [sflag:s2] =	dma.local @!p0 [hbm:s0], s1  }
0x52b: {  	s0 =	simm.s32 @!p0 $0x1  }
0x52c: {  	_ =	swait.ge @!p0 [sflag:s0], s1  }
0x52d: {  	s1 =	ssub.s32 @!p0 $0x0, s1;
	[sflag:s0] =	ssyncset.done @!p0 $0x0  }
0x52e: {  	[sflag:s0] =	ssyncadd.s32 @!p0 s1  }
0x52f: {  	[bflag:$0x3] =	sbarrier.arrive $0xFFFF  }
0x530: {  	_ =	shalt  }

</sc_bundles>
